<compile_context>
chip_gen: v7x
topology: tpu7x:2x2x1
jax: 0.10.2.dev20260603
libtpu: 0.0.44.dev20260713+nightly
codegen_flags: <defaults>
</compile_context>

<pallas_src>
import functools

import jax
import jax.numpy as jnp
from jax import lax
from jax.experimental import pallas as pl
from jax.experimental.pallas import tpu as pltpu
from jax.experimental.pallas import tpu_sc as plsc

N_USERS = 1000000
N_ITEMS = 100000
BATCH = 16384
RANK = 32
LANES = 16
NUM_CORES = 2
NUM_SUBCORES = 16
NUM_WORKERS = NUM_CORES * NUM_SUBCORES
BPW = BATCH // NUM_WORKERS
IDX_CHUNK = 128
NCHUNK = BPW // IDX_CHUNK
STRATA = 8

U_LOG2S = 17
V_LOG2S = 14
CW4 = 8192


def _relayout_body(*refs):
    x = [r[...] for r in refs[:STRATA]]
    out_ref = refs[STRATA]
    eye = jnp.eye(128, dtype=jnp.float32)
    dims = (((0,), (0,)), ((), ()))
    ya = lax.dot_general(jnp.concatenate(x[0::2], axis=0), eye, dims,
                         preferred_element_type=jnp.float32)
    yb = lax.dot_general(jnp.concatenate(x[1::2], axis=0), eye, dims,
                         preferred_element_type=jnp.float32)
    za = lax.bitcast_convert_type(
        ya.astype(jnp.bfloat16), jnp.uint16).astype(jnp.uint32)
    zb = lax.bitcast_convert_type(
        yb.astype(jnp.bfloat16), jnp.uint16).astype(jnp.uint32)
    out_ref[...] = lax.bitcast_convert_type(
        za | (zb << 16), jnp.float32)


def _pack_rows(xt, log2s):
    stride_blocks = (1 << log2s) // CW4
    n_rows = 1 << log2s
    grid = n_rows // CW4
    max_block = (xt.shape[1] - 1) // CW4

    def in_spec(s):
        return pl.BlockSpec(
            (RANK, CW4),
            lambda c, s=s: (0, jnp.minimum(s * stride_blocks + c, max_block)))

    return pl.pallas_call(
        _relayout_body,
        out_shape=jax.ShapeDtypeStruct((n_rows, 128), jnp.float32),
        grid=(grid,),
        in_specs=[in_spec(s) for s in range(STRATA)],
        out_specs=pl.BlockSpec((CW4, 128), lambda c: (c, 0)),
    )(*([xt] * STRATA))


def _mf_body(u_hbm, i_hbm, up_hbm, vp_hbm, mu_hbm, out_hbm,
             u_idx, v_idx, m_idx, u_rows, v_rows, out_v, mu_v, sem):
    wid = lax.axis_index("s") * NUM_CORES + lax.axis_index("c")
    base = wid * BPW

    pltpu.sync_copy(u_hbm.at[pl.ds(base, BPW)], u_idx)
    pltpu.sync_copy(i_hbm.at[pl.ds(base, BPW)], v_idx)
    pltpu.sync_copy(mu_hbm, mu_v)

    for j in range(NCHUNK):
        for t in range(IDX_CHUNK // LANES):
            sl = pl.ds(t * LANES, LANES)
            fsl = pl.ds(j * IDX_CHUNK + t * LANES, LANES)
            m_idx[j, sl] = jax.lax.bitwise_and(u_idx[fsl], (1 << U_LOG2S) - 1)
            m_idx[NCHUNK + j, sl] = jax.lax.bitwise_and(
                v_idx[fsl], (1 << V_LOG2S) - 1)

    mu_vec = mu_v[...]
    lane_iota = lax.iota(jnp.int32, LANES)
    one = jnp.ones((LANES,), jnp.int32)

    def pick(rows_ref, row, colbase, parity, k):
        word = plsc.load_gather(rows_ref, [row, colbase + k])
        lo, hi = plsc.unpack(plsc.bitcast(word, jnp.bfloat16),
                             format=plsc.PackFormat.INTERLEAVED)
        return jnp.where(parity == 0, lo, hi)

    for h in range(2):
        copies = []
        for jj in range(NCHUNK // 2):
            j = h * (NCHUNK // 2) + jj
            copies.append(pltpu.async_copy(
                up_hbm.at[m_idx.at[j]],
                u_rows.at[pl.ds(jj * IDX_CHUNK, IDX_CHUNK)], sem))
            copies.append(pltpu.async_copy(
                vp_hbm.at[m_idx.at[NCHUNK + j]],
                v_rows.at[pl.ds(jj * IDX_CHUNK, IDX_CHUNK)], sem))
        for c in copies:
            c.wait()

        def g_body(g, carry):
            row = g * LANES + lane_iota
            fsl = pl.ds(h * (BPW // 2) + g * LANES, LANES)
            uvec = u_idx[fsl]
            vvec = v_idx[fsl]
            ubase = jax.lax.shift_left(
                jax.lax.shift_right_logical(uvec, U_LOG2S + 1), 5)
            vbase = jax.lax.shift_left(
                jax.lax.shift_right_logical(vvec, V_LOG2S + 1), 5)
            upar = jax.lax.bitwise_and(
                jax.lax.shift_right_logical(uvec, U_LOG2S), one)
            vpar = jax.lax.bitwise_and(
                jax.lax.shift_right_logical(vvec, V_LOG2S), one)
            acc = mu_vec
            for k in range(RANK):
                uv = pick(u_rows, row, ubase, upar, k)
                vv = pick(v_rows, row, vbase, vpar, k)
                acc = acc + uv * vv
            out_v[pl.ds((h * (BPW // 2)) + g * LANES, LANES)] = acc
            return carry

        lax.fori_loop(0, (BPW // 2) // LANES, g_body, 0, unroll=2)

    pltpu.sync_copy(out_v, out_hbm.at[pl.ds(base, BPW)])


@jax.jit
def kernel(u, i, U, V, mu):
    up = _pack_rows(U.T, U_LOG2S)
    vp = _pack_rows(V.T, V_LOG2S)
    mu_vec = jnp.full((LANES,), mu, jnp.float32)
    mesh = plsc.VectorSubcoreMesh(
        core_axis_name="c", subcore_axis_name="s",
        num_cores=NUM_CORES, num_subcores=NUM_SUBCORES)
    run = pl.kernel(
        _mf_body,
        out_type=jax.ShapeDtypeStruct((BATCH,), jnp.float32),
        mesh=mesh,
        scratch_types=[
            pltpu.VMEM((BPW,), jnp.int32),
            pltpu.VMEM((BPW,), jnp.int32),
            pltpu.VMEM((2 * NCHUNK, IDX_CHUNK), jnp.int32),
            pltpu.VMEM((BPW // 2, 128), jnp.float32),
            pltpu.VMEM((BPW // 2, 128), jnp.float32),
            pltpu.VMEM((BPW,), jnp.float32),
            pltpu.VMEM((LANES,), jnp.float32),
            pltpu.SemaphoreType.DMA,
        ],
        compiler_params=pltpu.CompilerParams(
            needs_layout_passes=False, use_tc_tiling_on_sc=True),
    )
    return run(u.astype(jnp.int32), i.astype(jnp.int32), up, vp, mu_vec)

# --- scband reference (transcript-rebuilt; emitter-appended) ---
"""Pipeline reference for scband-no-bias-mf-60430189854795 (READ-ONLY COPY).

The authoritative reference and input builder live on the scoring server;
editing this copy changes nothing except your own understanding.
"""

import jax, jax.numpy as jnp
import numpy as np

N_USERS = 1000000
N_ITEMS = 100000
RANK = 32
BATCH = 16384

def setup_inputs(seed: int = 0) -> dict:
    key = jax.random.key(seed)
    k1, k2, k3, k4 = jax.random.split(key, 4)
    u = jax.random.randint(k1, (BATCH,), 0, N_USERS, dtype=jnp.int64 if jax.config.jax_enable_x64 else jnp.int32)
    i = jax.random.randint(k2, (BATCH,), 0, N_ITEMS, dtype=jnp.int64 if jax.config.jax_enable_x64 else jnp.int32)
    U = jax.random.normal(k3, (N_USERS, RANK), dtype=jnp.float32) * 0.01
    V = jax.random.normal(k4, (N_ITEMS, RANK), dtype=jnp.float32) * 0.01
    mu = jnp.asarray(0.0, dtype=jnp.float32)
    return {"u": u, "i": i, "U": U, "V": V, "mu": mu}

def reference(u, i, U, V, mu):
    # NoBiasMF.forward: mu + (U(u) * V(i)).sum(dim=-1)
    u_emb = jnp.take(U, u, axis=0)
    v_emb = jnp.take(V, i, axis=0)
    return mu + (u_emb * v_emb).sum(axis=-1)

if __name__ == "__main__":
    import jax
    _d = setup_inputs()
    print(jax.jit(kernel)(*tuple(_d.values())))

</pallas_src>

<mosaic_0001>
#map = affine_map<(d0, d1) -> (0)>
#map1 = affine_map<(d0, d1) -> (0, 0)>
module attributes {stable_mosaic.version = 14 : i64} {
  func.func @_mf_body(%arg0: i32, %arg1: i32, %arg2: memref<16384xi32, #tpu.memory_space<hbm>>, %arg3: memref<16384xi32, #tpu.memory_space<hbm>>, %arg4: memref<131072x128xf32, #tpu.memory_space<hbm>>, %arg5: memref<16384x128xf32, #tpu.memory_space<hbm>>, %arg6: memref<16xf32, #tpu.memory_space<hbm>>, %arg7: memref<16384xf32, #tpu.memory_space<hbm>>, %arg8: memref<512xi32, #tpu.memory_space<vmem>>, %arg9: memref<512xi32, #tpu.memory_space<vmem>>, %arg10: memref<8x128xi32, #tpu.memory_space<vmem>>, %arg11: memref<256x128xf32, #tpu.memory_space<vmem>>, %arg12: memref<256x128xf32, #tpu.memory_space<vmem>>, %arg13: memref<512xf32, #tpu.memory_space<vmem>>, %arg14: memref<16xf32, #tpu.memory_space<vmem>>, %arg15: memref<!tpu.dma_semaphore, #tpu.memory_space<semaphore_mem>>) attributes {dimension_semantics = [#tpu.dimension_semantics<core_parallel>, #tpu.dimension_semantics<subcore_parallel>], iteration_bounds = array<i64: 2, 16>, scalar_prefetch = 0 : i64, scratch_operands = 8 : i64, tpu.core_type = #tpu.core_type<sc_vector_subcore>, window_params = [{transform_indices = #map}, {transform_indices = #map}, {transform_indices = #map1}, {transform_indices = #map1}, {transform_indices = #map}, {transform_indices = #map}]} {
    %mul3A = arith.constant 2 : i32
    %mul3A_0 = arith.muli %arg1, %mul3A : i32
    %add3A = arith.addi %mul3A_0, %arg0 : i32
    %mul3A_1 = arith.constant 512 : i32
    %mul3A_2 = arith.muli %add3A, %mul3A_1 : i32
    "tpu.region"() ({
      %run_scoped3A = tpu.sem_alloc : memref<!tpu.dma_semaphore, #tpu.memory_space<semaphore_mem>>
      %dma_start3A_748 = tpu.memref_slice %arg2[%mul3A_2] : memref<16384xi32, #tpu.memory_space<hbm>> -> memref<512xi32, #tpu.memory_space<hbm>>
      %dma_start3A_749 = tpu.memref_slice %arg2[%mul3A_2] : memref<16384xi32, #tpu.memory_space<hbm>> -> memref<512xi32, #tpu.memory_space<hbm>>
      tpu.enqueue_dma source(%dma_start3A_749 : memref<512xi32, #tpu.memory_space<hbm>>) target(%arg8 : memref<512xi32, #tpu.memory_space<vmem>>) target_semaphore(%run_scoped3A : memref<!tpu.dma_semaphore, #tpu.memory_space<semaphore_mem>>)
      %dma_wait3A_750 = tpu.memref_slice %arg2[%mul3A_2] : memref<16384xi32, #tpu.memory_space<hbm>> -> memref<512xi32, #tpu.memory_space<hbm>>
      %dma_wait3A_751 = tpu.memref_slice %arg2[%mul3A_2] : memref<16384xi32, #tpu.memory_space<hbm>> -> memref<512xi32, #tpu.memory_space<hbm>>
      tpu.wait_dma2 semaphore(%run_scoped3A : memref<!tpu.dma_semaphore, #tpu.memory_space<semaphore_mem>>) src(%dma_wait3A_751 : memref<512xi32, #tpu.memory_space<hbm>>) dst(%arg8 : memref<512xi32, #tpu.memory_space<vmem>>)
      tpu.yield
    }) : () -> ()
    "tpu.region"() ({
      %run_scoped3A = tpu.sem_alloc : memref<!tpu.dma_semaphore, #tpu.memory_space<semaphore_mem>>
      %dma_start3A_748 = tpu.memref_slice %arg3[%mul3A_2] : memref<16384xi32, #tpu.memory_space<hbm>> -> memref<512xi32, #tpu.memory_space<hbm>>
      %dma_start3A_749 = tpu.memref_slice %arg3[%mul3A_2] : memref<16384xi32, #tpu.memory_space<hbm>> -> memref<512xi32, #tpu.memory_space<hbm>>
      tpu.enqueue_dma source(%dma_start3A_749 : memref<512xi32, #tpu.memory_space<hbm>>) target(%arg9 : memref<512xi32, #tpu.memory_space<vmem>>) target_semaphore(%run_scoped3A : memref<!tpu.dma_semaphore, #tpu.memory_space<semaphore_mem>>)
      %dma_wait3A_750 = tpu.memref_slice %arg3[%mul3A_2] : memref<16384xi32, #tpu.memory_space<hbm>> -> memref<512xi32, #tpu.memory_space<hbm>>
      %dma_wait3A_751 = tpu.memref_slice %arg3[%mul3A_2] : memref<16384xi32, #tpu.memory_space<hbm>> -> memref<512xi32, #tpu.memory_space<hbm>>
      tpu.wait_dma2 semaphore(%run_scoped3A : memref<!tpu.dma_semaphore, #tpu.memory_space<semaphore_mem>>) src(%dma_wait3A_751 : memref<512xi32, #tpu.memory_space<hbm>>) dst(%arg9 : memref<512xi32, #tpu.memory_space<vmem>>)
      tpu.yield
    }) : () -> ()
    "tpu.region"() ({
      %run_scoped3A = tpu.sem_alloc : memref<!tpu.dma_semaphore, #tpu.memory_space<semaphore_mem>>
      tpu.enqueue_dma source(%arg6 : memref<16xf32, #tpu.memory_space<hbm>>) target(%arg14 : memref<16xf32, #tpu.memory_space<vmem>>) target_semaphore(%run_scoped3A : memref<!tpu.dma_semaphore, #tpu.memory_space<semaphore_mem>>)
      tpu.wait_dma2 semaphore(%run_scoped3A : memref<!tpu.dma_semaphore, #tpu.memory_space<semaphore_mem>>) src(%arg6 : memref<16xf32, #tpu.memory_space<hbm>>) dst(%arg14 : memref<16xf32, #tpu.memory_space<vmem>>)
      tpu.yield
    }) : () -> ()
    %get3A = arith.constant 0 : index
    %get3A_3 = tpu.vector_load %arg8[%get3A] {strides = array<i32>} : memref<512xi32, #tpu.memory_space<vmem>>, vector<16xi32>,
    %and3A = arith.constant 131071 : i32
    %and3A_4 = vector.broadcast %and3A : i32 to vector<16xi32>
    %and3A_5 = arith.andi %get3A_3, %and3A_4 : vector<16xi32>
    %swap3A = arith.constant 0 : i32
    %swap3A_6 = arith.index_cast %swap3A : i32 to index
    %swap3A_7 = arith.constant 0 : index
    %swap3A_8 = tpu.vector_load %arg10[%swap3A_6, %swap3A_7] {strides = array<i32>} : memref<8x128xi32, #tpu.memory_space<vmem>>, vector<16xi32>,
    tpu.vector_store %arg10[%swap3A_6, %swap3A_7], %and3A_5 {strides = array<i32>} : memref<8x128xi32, #tpu.memory_space<vmem>>, vector<16xi32>,
    %get3A_9 = arith.constant 0 : index
    %get3A_10 = tpu.vector_load %arg9[%get3A_9] {strides = array<i32>} : memref<512xi32, #tpu.memory_space<vmem>>, vector<16xi32>,
    %and3A_11 = arith.constant 16383 : i32
    %and3A_12 = vector.broadcast %and3A_11 : i32 to vector<16xi32>
    %and3A_13 = arith.andi %get3A_10, %and3A_12 : vector<16xi32>
    %swap3A_14 = arith.constant 4 : i32
    %swap3A_15 = arith.index_cast %swap3A_14 : i32 to index
    %swap3A_16 = arith.constant 0 : index
    %swap3A_17 = tpu.vector_load %arg10[%swap3A_15, %swap3A_16] {strides = array<i32>} : memref<8x128xi32, #tpu.memory_space<vmem>>, vector<16xi32>,
    tpu.vector_store %arg10[%swap3A_15, %swap3A_16], %and3A_13 {strides = array<i32>} : memref<8x128xi32, #tpu.memory_space<vmem>>, vector<16xi32>,
    %get3A_18 = arith.constant 16 : index
    %get3A_19 = tpu.vector_load %arg8[%get3A_18] {strides = array<i32>} : memref<512xi32, #tpu.memory_space<vmem>>, vector<16xi32>,
    %and3A_20 = arith.constant 131071 : i32
    %and3A_21 = vector.broadcast %and3A_20 : i32 to vector<16xi32>
    %and3A_22 = arith.andi %get3A_19, %and3A_21 : vector<16xi32>
    %swap3A_23 = arith.constant 0 : i32
    %swap3A_24 = arith.index_cast %swap3A_23 : i32 to index
    %swap3A_25 = arith.constant 16 : index
    %swap3A_26 = tpu.vector_load %arg10[%swap3A_24, %swap3A_25] {strides = array<i32>} : memref<8x128xi32, #tpu.memory_space<vmem>>, vector<16xi32>,
    tpu.vector_store %arg10[%swap3A_24, %swap3A_25], %and3A_22 {strides = array<i32>} : memref<8x128xi32, #tpu.memory_space<vmem>>, vector<16xi32>,
    %get3A_27 = arith.constant 16 : index
    %get3A_28 = tpu.vector_load %arg9[%get3A_27] {strides = array<i32>} : memref<512xi32, #tpu.memory_space<vmem>>, vector<16xi32>,
    %and3A_29 = arith.constant 16383 : i32
    %and3A_30 = vector.broadcast %and3A_29 : i32 to vector<16xi32>
    %and3A_31 = arith.andi %get3A_28, %and3A_30 : vector<16xi32>
    %swap3A_32 = arith.constant 4 : i32
    %swap3A_33 = arith.index_cast %swap3A_32 : i32 to index
    %swap3A_34 = arith.constant 16 : index
    %swap3A_35 = tpu.vector_load %arg10[%swap3A_33, %swap3A_34] {strides = array<i32>} : memref<8x128xi32, #tpu.memory_space<vmem>>, vector<16xi32>,
    tpu.vector_store %arg10[%swap3A_33, %swap3A_34], %and3A_31 {strides = array<i32>} : memref<8x128xi32, #tpu.memory_space<vmem>>, vector<16xi32>,
    %get3A_36 = arith.constant 32 : index
    %get3A_37 = tpu.vector_load %arg8[%get3A_36] {strides = array<i32>} : memref<512xi32, #tpu.memory_space<vmem>>, vector<16xi32>,
    %and3A_38 = arith.constant 131071 : i32
    %and3A_39 = vector.broadcast %and3A_38 : i32 to vector<16xi32>
    %and3A_40 = arith.andi %get3A_37, %and3A_39 : vector<16xi32>
    %swap3A_41 = arith.constant 0 : i32
    %swap3A_42 = arith.index_cast %swap3A_41 : i32 to index
    %swap3A_43 = arith.constant 32 : index
    %swap3A_44 = tpu.vector_load %arg10[%swap3A_42, %swap3A_43] {strides = array<i32>} : memref<8x128xi32, #tpu.memory_space<vmem>>, vector<16xi32>,
    tpu.vector_store %arg10[%swap3A_42, %swap3A_43], %and3A_40 {strides = array<i32>} : memref<8x128xi32, #tpu.memory_space<vmem>>, vector<16xi32>,
    %get3A_45 = arith.constant 32 : index
    %get3A_46 = tpu.vector_load %arg9[%get3A_45] {strides = array<i32>} : memref<512xi32, #tpu.memory_space<vmem>>, vector<16xi32>,
    %and3A_47 = arith.constant 16383 : i32
    %and3A_48 = vector.broadcast %and3A_47 : i32 to vector<16xi32>
    %and3A_49 = arith.andi %get3A_46, %and3A_48 : vector<16xi32>
    %swap3A_50 = arith.constant 4 : i32
    %swap3A_51 = arith.index_cast %swap3A_50 : i32 to index
    %swap3A_52 = arith.constant 32 : index
    %swap3A_53 = tpu.vector_load %arg10[%swap3A_51, %swap3A_52] {strides = array<i32>} : memref<8x128xi32, #tpu.memory_space<vmem>>, vector<16xi32>,
    tpu.vector_store %arg10[%swap3A_51, %swap3A_52], %and3A_49 {strides = array<i32>} : memref<8x128xi32, #tpu.memory_space<vmem>>, vector<16xi32>,
    %get3A_54 = arith.constant 48 : index
    %get3A_55 = tpu.vector_load %arg8[%get3A_54] {strides = array<i32>} : memref<512xi32, #tpu.memory_space<vmem>>, vector<16xi32>,
    %and3A_56 = arith.constant 131071 : i32
    %and3A_57 = vector.broadcast %and3A_56 : i32 to vector<16xi32>
    %and3A_58 = arith.andi %get3A_55, %and3A_57 : vector<16xi32>
    %swap3A_59 = arith.constant 0 : i32
    %swap3A_60 = arith.index_cast %swap3A_59 : i32 to index
    %swap3A_61 = arith.constant 48 : index
    %swap3A_62 = tpu.vector_load %arg10[%swap3A_60, %swap3A_61] {strides = array<i32>} : memref<8x128xi32, #tpu.memory_space<vmem>>, vector<16xi32>,
    tpu.vector_store %arg10[%swap3A_60, %swap3A_61], %and3A_58 {strides = array<i32>} : memref<8x128xi32, #tpu.memory_space<vmem>>, vector<16xi32>,
    %get3A_63 = arith.constant 48 : index
    %get3A_64 = tpu.vector_load %arg9[%get3A_63] {strides = array<i32>} : memref<512xi32, #tpu.memory_space<vmem>>, vector<16xi32>,
    %and3A_65 = arith.constant 16383 : i32
    %and3A_66 = vector.broadcast %and3A_65 : i32 to vector<16xi32>
    %and3A_67 = arith.andi %get3A_64, %and3A_66 : vector<16xi32>
    %swap3A_68 = arith.constant 4 : i32
    %swap3A_69 = arith.index_cast %swap3A_68 : i32 to index
    %swap3A_70 = arith.constant 48 : index
    %swap3A_71 = tpu.vector_load %arg10[%swap3A_69, %swap3A_70] {strides = array<i32>} : memref<8x128xi32, #tpu.memory_space<vmem>>, vector<16xi32>,
    tpu.vector_store %arg10[%swap3A_69, %swap3A_70], %and3A_67 {strides = array<i32>} : memref<8x128xi32, #tpu.memory_space<vmem>>, vector<16xi32>,
    %get3A_72 = arith.constant 64 : index
    %get3A_73 = tpu.vector_load %arg8[%get3A_72] {strides = array<i32>} : memref<512xi32, #tpu.memory_space<vmem>>, vector<16xi32>,
    %and3A_74 = arith.constant 131071 : i32
    %and3A_75 = vector.broadcast %and3A_74 : i32 to vector<16xi32>
    %and3A_76 = arith.andi %get3A_73, %and3A_75 : vector<16xi32>
    %swap3A_77 = arith.constant 0 : i32
    %swap3A_78 = arith.index_cast %swap3A_77 : i32 to index
    %swap3A_79 = arith.constant 64 : index
    %swap3A_80 = tpu.vector_load %arg10[%swap3A_78, %swap3A_79] {strides = array<i32>} : memref<8x128xi32, #tpu.memory_space<vmem>>, vector<16xi32>,
    tpu.vector_store %arg10[%swap3A_78, %swap3A_79], %and3A_76 {strides = array<i32>} : memref<8x128xi32, #tpu.memory_space<vmem>>, vector<16xi32>,
    %get3A_81 = arith.constant 64 : index
    %get3A_82 = tpu.vector_load %arg9[%get3A_81] {strides = array<i32>} : memref<512xi32, #tpu.memory_space<vmem>>, vector<16xi32>,
    %and3A_83 = arith.constant 16383 : i32
    %and3A_84 = vector.broadcast %and3A_83 : i32 to vector<16xi32>
    %and3A_85 = arith.andi %get3A_82, %and3A_84 : vector<16xi32>
    %swap3A_86 = arith.constant 4 : i32
    %swap3A_87 = arith.index_cast %swap3A_86 : i32 to index
    %swap3A_88 = arith.constant 64 : index
    %swap3A_89 = tpu.vector_load %arg10[%swap3A_87, %swap3A_88] {strides = array<i32>} : memref<8x128xi32, #tpu.memory_space<vmem>>, vector<16xi32>,
    tpu.vector_store %arg10[%swap3A_87, %swap3A_88], %and3A_85 {strides = array<i32>} : memref<8x128xi32, #tpu.memory_space<vmem>>, vector<16xi32>,
    %get3A_90 = arith.constant 80 : index
    %get3A_91 = tpu.vector_load %arg8[%get3A_90] {strides = array<i32>} : memref<512xi32, #tpu.memory_space<vmem>>, vector<16xi32>,
    %and3A_92 = arith.constant 131071 : i32
    %and3A_93 = vector.broadcast %and3A_92 : i32 to vector<16xi32>
    %and3A_94 = arith.andi %get3A_91, %and3A_93 : vector<16xi32>
    %swap3A_95 = arith.constant 0 : i32
    %swap3A_96 = arith.index_cast %swap3A_95 : i32 to index
    %swap3A_97 = arith.constant 80 : index
    %swap3A_98 = tpu.vector_load %arg10[%swap3A_96, %swap3A_97] {strides = array<i32>} : memref<8x128xi32, #tpu.memory_space<vmem>>, vector<16xi32>,
    tpu.vector_store %arg10[%swap3A_96, %swap3A_97], %and3A_94 {strides = array<i32>} : memref<8x128xi32, #tpu.memory_space<vmem>>, vector<16xi32>,
    %get3A_99 = arith.constant 80 : index
    %get3A_100 = tpu.vector_load %arg9[%get3A_99] {strides = array<i32>} : memref<512xi32, #tpu.memory_space<vmem>>, vector<16xi32>,
    %and3A_101 = arith.constant 16383 : i32
    %and3A_102 = vector.broadcast %and3A_101 : i32 to vector<16xi32>
    %and3A_103 = arith.andi %get3A_100, %and3A_102 : vector<16xi32>
    %swap3A_104 = arith.constant 4 : i32
    %swap3A_105 = arith.index_cast %swap3A_104 : i32 to index
    %swap3A_106 = arith.constant 80 : index
    %swap3A_107 = tpu.vector_load %arg10[%swap3A_105, %swap3A_106] {strides = array<i32>} : memref<8x128xi32, #tpu.memory_space<vmem>>, vector<16xi32>,
    tpu.vector_store %arg10[%swap3A_105, %swap3A_106], %and3A_103 {strides = array<i32>} : memref<8x128xi32, #tpu.memory_space<vmem>>, vector<16xi32>,
    %get3A_108 = arith.constant 96 : index
    %get3A_109 = tpu.vector_load %arg8[%get3A_108] {strides = array<i32>} : memref<512xi32, #tpu.memory_space<vmem>>, vector<16xi32>,
    %and3A_110 = arith.constant 131071 : i32
    %and3A_111 = vector.broadcast %and3A_110 : i32 to vector<16xi32>
    %and3A_112 = arith.andi %get3A_109, %and3A_111 : vector<16xi32>
    %swap3A_113 = arith.constant 0 : i32
    %swap3A_114 = arith.index_cast %swap3A_113 : i32 to index
    %swap3A_115 = arith.constant 96 : index
    %swap3A_116 = tpu.vector_load %arg10[%swap3A_114, %swap3A_115] {strides = array<i32>} : memref<8x128xi32, #tpu.memory_space<vmem>>, vector<16xi32>,
    tpu.vector_store %arg10[%swap3A_114, %swap3A_115], %and3A_112 {strides = array<i32>} : memref<8x128xi32, #tpu.memory_space<vmem>>, vector<16xi32>,
    %get3A_117 = arith.constant 96 : index
    %get3A_118 = tpu.vector_load %arg9[%get3A_117] {strides = array<i32>} : memref<512xi32, #tpu.memory_space<vmem>>, vector<16xi32>,
    %and3A_119 = arith.constant 16383 : i32
    %and3A_120 = vector.broadcast %and3A_119 : i32 to vector<16xi32>
    %and3A_121 = arith.andi %get3A_118, %and3A_120 : vector<16xi32>
    %swap3A_122 = arith.constant 4 : i32
    %swap3A_123 = arith.index_cast %swap3A_122 : i32 to index
    %swap3A_124 = arith.constant 96 : index
    %swap3A_125 = tpu.vector_load %arg10[%swap3A_123, %swap3A_124] {strides = array<i32>} : memref<8x128xi32, #tpu.memory_space<vmem>>, vector<16xi32>,
    tpu.vector_store %arg10[%swap3A_123, %swap3A_124], %and3A_121 {strides = array<i32>} : memref<8x128xi32, #tpu.memory_space<vmem>>, vector<16xi32>,
    %get3A_126 = arith.constant 112 : index
    %get3A_127 = tpu.vector_load %arg8[%get3A_126] {strides = array<i32>} : memref<512xi32, #tpu.memory_space<vmem>>, vector<16xi32>,
    %and3A_128 = arith.constant 131071 : i32
    %and3A_129 = vector.broadcast %and3A_128 : i32 to vector<16xi32>
    %and3A_130 = arith.andi %get3A_127, %and3A_129 : vector<16xi32>
    %swap3A_131 = arith.constant 0 : i32
    %swap3A_132 = arith.index_cast %swap3A_131 : i32 to index
    %swap3A_133 = arith.constant 112 : index
    %swap3A_134 = tpu.vector_load %arg10[%swap3A_132, %swap3A_133] {strides = array<i32>} : memref<8x128xi32, #tpu.memory_space<vmem>>, vector<16xi32>,
    tpu.vector_store %arg10[%swap3A_132, %swap3A_133], %and3A_130 {strides = array<i32>} : memref<8x128xi32, #tpu.memory_space<vmem>>, vector<16xi32>,
    %get3A_135 = arith.constant 112 : index
    %get3A_136 = tpu.vector_load %arg9[%get3A_135] {strides = array<i32>} : memref<512xi32, #tpu.memory_space<vmem>>, vector<16xi32>,
    %and3A_137 = arith.constant 16383 : i32
    %and3A_138 = vector.broadcast %and3A_137 : i32 to vector<16xi32>
    %and3A_139 = arith.andi %get3A_136, %and3A_138 : vector<16xi32>
    %swap3A_140 = arith.constant 4 : i32
    %swap3A_141 = arith.index_cast %swap3A_140 : i32 to index
    %swap3A_142 = arith.constant 112 : index
    %swap3A_143 = tpu.vector_load %arg10[%swap3A_141, %swap3A_142] {strides = array<i32>} : memref<8x128xi32, #tpu.memory_space<vmem>>, vector<16xi32>,
    tpu.vector_store %arg10[%swap3A_141, %swap3A_142], %and3A_139 {strides = array<i32>} : memref<8x128xi32, #tpu.memory_space<vmem>>, vector<16xi32>,
    %get3A_144 = arith.constant 128 : index
    %get3A_145 = tpu.vector_load %arg8[%get3A_144] {strides = array<i32>} : memref<512xi32, #tpu.memory_space<vmem>>, vector<16xi32>,
    %and3A_146 = arith.constant 131071 : i32
    %and3A_147 = vector.broadcast %and3A_146 : i32 to vector<16xi32>
    %and3A_148 = arith.andi %get3A_145, %and3A_147 : vector<16xi32>
    %swap3A_149 = arith.constant 1 : i32
    %swap3A_150 = arith.index_cast %swap3A_149 : i32 to index
    %swap3A_151 = arith.constant 0 : index
    %swap3A_152 = tpu.vector_load %arg10[%swap3A_150, %swap3A_151] {strides = array<i32>} : memref<8x128xi32, #tpu.memory_space<vmem>>, vector<16xi32>,
    tpu.vector_store %arg10[%swap3A_150, %swap3A_151], %and3A_148 {strides = array<i32>} : memref<8x128xi32, #tpu.memory_space<vmem>>, vector<16xi32>,
    %get3A_153 = arith.constant 128 : index
    %get3A_154 = tpu.vector_load %arg9[%get3A_153] {strides = array<i32>} : memref<512xi32, #tpu.memory_space<vmem>>, vector<16xi32>,
    %and3A_155 = arith.constant 16383 : i32
    %and3A_156 = vector.broadcast %and3A_155 : i32 to vector<16xi32>
    %and3A_157 = arith.andi %get3A_154, %and3A_156 : vector<16xi32>
    %swap3A_158 = arith.constant 5 : i32
    %swap3A_159 = arith.index_cast %swap3A_158 : i32 to index
    %swap3A_160 = arith.constant 0 : index
    %swap3A_161 = tpu.vector_load %arg10[%swap3A_159, %swap3A_160] {strides = array<i32>} : memref<8x128xi32, #tpu.memory_space<vmem>>, vector<16xi32>,
    tpu.vector_store %arg10[%swap3A_159, %swap3A_160], %and3A_157 {strides = array<i32>} : memref<8x128xi32, #tpu.memory_space<vmem>>, vector<16xi32>,
    %get3A_162 = arith.constant 144 : index
    %get3A_163 = tpu.vector_load %arg8[%get3A_162] {strides = array<i32>} : memref<512xi32, #tpu.memory_space<vmem>>, vector<16xi32>,
    %and3A_164 = arith.constant 131071 : i32
    %and3A_165 = vector.broadcast %and3A_164 : i32 to vector<16xi32>
    %and3A_166 = arith.andi %get3A_163, %and3A_165 : vector<16xi32>
    %swap3A_167 = arith.constant 1 : i32
    %swap3A_168 = arith.index_cast %swap3A_167 : i32 to index
    %swap3A_169 = arith.constant 16 : index
    %swap3A_170 = tpu.vector_load %arg10[%swap3A_168, %swap3A_169] {strides = array<i32>} : memref<8x128xi32, #tpu.memory_space<vmem>>, vector<16xi32>,
    tpu.vector_store %arg10[%swap3A_168, %swap3A_169], %and3A_166 {strides = array<i32>} : memref<8x128xi32, #tpu.memory_space<vmem>>, vector<16xi32>,
    %get3A_171 = arith.constant 144 : index
    %get3A_172 = tpu.vector_load %arg9[%get3A_171] {strides = array<i32>} : memref<512xi32, #tpu.memory_space<vmem>>, vector<16xi32>,
    %and3A_173 = arith.constant 16383 : i32
    %and3A_174 = vector.broadcast %and3A_173 : i32 to vector<16xi32>
    %and3A_175 = arith.andi %get3A_172, %and3A_174 : vector<16xi32>
    %swap3A_176 = arith.constant 5 : i32
    %swap3A_177 = arith.index_cast %swap3A_176 : i32 to index
    %swap3A_178 = arith.constant 16 : index
    %swap3A_179 = tpu.vector_load %arg10[%swap3A_177, %swap3A_178] {strides = array<i32>} : memref<8x128xi32, #tpu.memory_space<vmem>>, vector<16xi32>,
    tpu.vector_store %arg10[%swap3A_177, %swap3A_178], %and3A_175 {strides = array<i32>} : memref<8x128xi32, #tpu.memory_space<vmem>>, vector<16xi32>,
    %get3A_180 = arith.constant 160 : index
    %get3A_181 = tpu.vector_load %arg8[%get3A_180] {strides = array<i32>} : memref<512xi32, #tpu.memory_space<vmem>>, vector<16xi32>,
    %and3A_182 = arith.constant 131071 : i32
    %and3A_183 = vector.broadcast %and3A_182 : i32 to vector<16xi32>
    %and3A_184 = arith.andi %get3A_181, %and3A_183 : vector<16xi32>
    %swap3A_185 = arith.constant 1 : i32
    %swap3A_186 = arith.index_cast %swap3A_185 : i32 to index
    %swap3A_187 = arith.constant 32 : index
    %swap3A_188 = tpu.vector_load %arg10[%swap3A_186, %swap3A_187] {strides = array<i32>} : memref<8x128xi32, #tpu.memory_space<vmem>>, vector<16xi32>,
    tpu.vector_store %arg10[%swap3A_186, %swap3A_187], %and3A_184 {strides = array<i32>} : memref<8x128xi32, #tpu.memory_space<vmem>>, vector<16xi32>,
    %get3A_189 = arith.constant 160 : index
    %get3A_190 = tpu.vector_load %arg9[%get3A_189] {strides = array<i32>} : memref<512xi32, #tpu.memory_space<vmem>>, vector<16xi32>,
    %and3A_191 = arith.constant 16383 : i32
    %and3A_192 = vector.broadcast %and3A_191 : i32 to vector<16xi32>
    %and3A_193 = arith.andi %get3A_190, %and3A_192 : vector<16xi32>
    %swap3A_194 = arith.constant 5 : i32
    %swap3A_195 = arith.index_cast %swap3A_194 : i32 to index
    %swap3A_196 = arith.constant 32 : index
    %swap3A_197 = tpu.vector_load %arg10[%swap3A_195, %swap3A_196] {strides = array<i32>} : memref<8x128xi32, #tpu.memory_space<vmem>>, vector<16xi32>,
    tpu.vector_store %arg10[%swap3A_195, %swap3A_196], %and3A_193 {strides = array<i32>} : memref<8x128xi32, #tpu.memory_space<vmem>>, vector<16xi32>,
    %get3A_198 = arith.constant 176 : index
    %get3A_199 = tpu.vector_load %arg8[%get3A_198] {strides = array<i32>} : memref<512xi32, #tpu.memory_space<vmem>>, vector<16xi32>,
    %and3A_200 = arith.constant 131071 : i32
    %and3A_201 = vector.broadcast %and3A_200 : i32 to vector<16xi32>
    %and3A_202 = arith.andi %get3A_199, %and3A_201 : vector<16xi32>
    %swap3A_203 = arith.constant 1 : i32
    %swap3A_204 = arith.index_cast %swap3A_203 : i32 to index
    %swap3A_205 = arith.constant 48 : index
    %swap3A_206 = tpu.vector_load %arg10[%swap3A_204, %swap3A_205] {strides = array<i32>} : memref<8x128xi32, #tpu.memory_space<vmem>>, vector<16xi32>,
    tpu.vector_store %arg10[%swap3A_204, %swap3A_205], %and3A_202 {strides = array<i32>} : memref<8x128xi32, #tpu.memory_space<vmem>>, vector<16xi32>,
    %get3A_207 = arith.constant 176 : index
    %get3A_208 = tpu.vector_load %arg9[%get3A_207] {strides = array<i32>} : memref<512xi32, #tpu.memory_space<vmem>>, vector<16xi32>,
    %and3A_209 = arith.constant 16383 : i32
    %and3A_210 = vector.broadcast %and3A_209 : i32 to vector<16xi32>
    %and3A_211 = arith.andi %get3A_208, %and3A_210 : vector<16xi32>
    %swap3A_212 = arith.constant 5 : i32
    %swap3A_213 = arith.index_cast %swap3A_212 : i32 to index
    %swap3A_214 = arith.constant 48 : index
    %swap3A_215 = tpu.vector_load %arg10[%swap3A_213, %swap3A_214] {strides = array<i32>} : memref<8x128xi32, #tpu.memory_space<vmem>>, vector<16xi32>,
    tpu.vector_store %arg10[%swap3A_213, %swap3A_214], %and3A_211 {strides = array<i32>} : memref<8x128xi32, #tpu.memory_space<vmem>>, vector<16xi32>,
    %get3A_216 = arith.constant 192 : index
    %get3A_217 = tpu.vector_load %arg8[%get3A_216] {strides = array<i32>} : memref<512xi32, #tpu.memory_space<vmem>>, vector<16xi32>,
    %and3A_218 = arith.constant 131071 : i32
    %and3A_219 = vector.broadcast %and3A_218 : i32 to vector<16xi32>
    %and3A_220 = arith.andi %get3A_217, %and3A_219 : vector<16xi32>
    %swap3A_221 = arith.constant 1 : i32
    %swap3A_222 = arith.index_cast %swap3A_221 : i32 to index
    %swap3A_223 = arith.constant 64 : index
    %swap3A_224 = tpu.vector_load %arg10[%swap3A_222, %swap3A_223] {strides = array<i32>} : memref<8x128xi32, #tpu.memory_space<vmem>>, vector<16xi32>,
    tpu.vector_store %arg10[%swap3A_222, %swap3A_223], %and3A_220 {strides = array<i32>} : memref<8x128xi32, #tpu.memory_space<vmem>>, vector<16xi32>,
    %get3A_225 = arith.constant 192 : index
    %get3A_226 = tpu.vector_load %arg9[%get3A_225] {strides = array<i32>} : memref<512xi32, #tpu.memory_space<vmem>>, vector<16xi32>,
    %and3A_227 = arith.constant 16383 : i32
    %and3A_228 = vector.broadcast %and3A_227 : i32 to vector<16xi32>
    %and3A_229 = arith.andi %get3A_226, %and3A_228 : vector<16xi32>
    %swap3A_230 = arith.constant 5 : i32
    %swap3A_231 = arith.index_cast %swap3A_230 : i32 to index
    %swap3A_232 = arith.constant 64 : index
    %swap3A_233 = tpu.vector_load %arg10[%swap3A_231, %swap3A_232] {strides = array<i32>} : memref<8x128xi32, #tpu.memory_space<vmem>>, vector<16xi32>,
    tpu.vector_store %arg10[%swap3A_231, %swap3A_232], %and3A_229 {strides = array<i32>} : memref<8x128xi32, #tpu.memory_space<vmem>>, vector<16xi32>,
    %get3A_234 = arith.constant 208 : index
    %get3A_235 = tpu.vector_load %arg8[%get3A_234] {strides = array<i32>} : memref<512xi32, #tpu.memory_space<vmem>>, vector<16xi32>,
    %and3A_236 = arith.constant 131071 : i32
    %and3A_237 = vector.broadcast %and3A_236 : i32 to vector<16xi32>
    %and3A_238 = arith.andi %get3A_235, %and3A_237 : vector<16xi32>
    %swap3A_239 = arith.constant 1 : i32
    %swap3A_240 = arith.index_cast %swap3A_239 : i32 to index
    %swap3A_241 = arith.constant 80 : index
    %swap3A_242 = tpu.vector_load %arg10[%swap3A_240, %swap3A_241] {strides = array<i32>} : memref<8x128xi32, #tpu.memory_space<vmem>>, vector<16xi32>,
    tpu.vector_store %arg10[%swap3A_240, %swap3A_241], %and3A_238 {strides = array<i32>} : memref<8x128xi32, #tpu.memory_space<vmem>>, vector<16xi32>,
    %get3A_243 = arith.constant 208 : index
    %get3A_244 = tpu.vector_load %arg9[%get3A_243] {strides = array<i32>} : memref<512xi32, #tpu.memory_space<vmem>>, vector<16xi32>,
    %and3A_245 = arith.constant 16383 : i32
    %and3A_246 = vector.broadcast %and3A_245 : i32 to vector<16xi32>
    %and3A_247 = arith.andi %get3A_244, %and3A_246 : vector<16xi32>
    %swap3A_248 = arith.constant 5 : i32
    %swap3A_249 = arith.index_cast %swap3A_248 : i32 to index
    %swap3A_250 = arith.constant 80 : index
    %swap3A_251 = tpu.vector_load %arg10[%swap3A_249, %swap3A_250] {strides = array<i32>} : memref<8x128xi32, #tpu.memory_space<vmem>>, vector<16xi32>,
    tpu.vector_store %arg10[%swap3A_249, %swap3A_250], %and3A_247 {strides = array<i32>} : memref<8x128xi32, #tpu.memory_space<vmem>>, vector<16xi32>,
    %get3A_252 = arith.constant 224 : index
    %get3A_253 = tpu.vector_load %arg8[%get3A_252] {strides = array<i32>} : memref<512xi32, #tpu.memory_space<vmem>>, vector<16xi32>,
    %and3A_254 = arith.constant 131071 : i32
    %and3A_255 = vector.broadcast %and3A_254 : i32 to vector<16xi32>
    %and3A_256 = arith.andi %get3A_253, %and3A_255 : vector<16xi32>
    %swap3A_257 = arith.constant 1 : i32
    %swap3A_258 = arith.index_cast %swap3A_257 : i32 to index
    %swap3A_259 = arith.constant 96 : index
    %swap3A_260 = tpu.vector_load %arg10[%swap3A_258, %swap3A_259] {strides = array<i32>} : memref<8x128xi32, #tpu.memory_space<vmem>>, vector<16xi32>,
    tpu.vector_store %arg10[%swap3A_258, %swap3A_259], %and3A_256 {strides = array<i32>} : memref<8x128xi32, #tpu.memory_space<vmem>>, vector<16xi32>,
    %get3A_261 = arith.constant 224 : index
    %get3A_262 = tpu.vector_load %arg9[%get3A_261] {strides = array<i32>} : memref<512xi32, #tpu.memory_space<vmem>>, vector<16xi32>,
    %and3A_263 = arith.constant 16383 : i32
    %and3A_264 = vector.broadcast %and3A_263 : i32 to vector<16xi32>
    %and3A_265 = arith.andi %get3A_262, %and3A_264 : vector<16xi32>
    %swap3A_266 = arith.constant 5 : i32
    %swap3A_267 = arith.index_cast %swap3A_266 : i32 to index
    %swap3A_268 = arith.constant 96 : index
    %swap3A_269 = tpu.vector_load %arg10[%swap3A_267, %swap3A_268] {strides = array<i32>} : memref<8x128xi32, #tpu.memory_space<vmem>>, vector<16xi32>,
    tpu.vector_store %arg10[%swap3A_267, %swap3A_268], %and3A_265 {strides = array<i32>} : memref<8x128xi32, #tpu.memory_space<vmem>>, vector<16xi32>,
    %get3A_270 = arith.constant 240 : index
    %get3A_271 = tpu.vector_load %arg8[%get3A_270] {strides = array<i32>} : memref<512xi32, #tpu.memory_space<vmem>>, vector<16xi32>,
    %and3A_272 = arith.constant 131071 : i32
    %and3A_273 = vector.broadcast %and3A_272 : i32 to vector<16xi32>
    %and3A_274 = arith.andi %get3A_271, %and3A_273 : vector<16xi32>
    %swap3A_275 = arith.constant 1 : i32
    %swap3A_276 = arith.index_cast %swap3A_275 : i32 to index
    %swap3A_277 = arith.constant 112 : index
    %swap3A_278 = tpu.vector_load %arg10[%swap3A_276, %swap3A_277] {strides = array<i32>} : memref<8x128xi32, #tpu.memory_space<vmem>>, vector<16xi32>,
    tpu.vector_store %arg10[%swap3A_276, %swap3A_277], %and3A_274 {strides = array<i32>} : memref<8x128xi32, #tpu.memory_space<vmem>>, vector<16xi32>,
    %get3A_279 = arith.constant 240 : index
    %get3A_280 = tpu.vector_load %arg9[%get3A_279] {strides = array<i32>} : memref<512xi32, #tpu.memory_space<vmem>>, vector<16xi32>,
    %and3A_281 = arith.constant 16383 : i32
    %and3A_282 = vector.broadcast %and3A_281 : i32 to vector<16xi32>
    %and3A_283 = arith.andi %get3A_280, %and3A_282 : vector<16xi32>
    %swap3A_284 = arith.constant 5 : i32
    %swap3A_285 = arith.index_cast %swap3A_284 : i32 to index
    %swap3A_286 = arith.constant 112 : index
    %swap3A_287 = tpu.vector_load %arg10[%swap3A_285, %swap3A_286] {strides = array<i32>} : memref<8x128xi32, #tpu.memory_space<vmem>>, vector<16xi32>,
    tpu.vector_store %arg10[%swap3A_285, %swap3A_286], %and3A_283 {strides = array<i32>} : memref<8x128xi32, #tpu.memory_space<vmem>>, vector<16xi32>,
    %get3A_288 = arith.constant 256 : index
    %get3A_289 = tpu.vector_load %arg8[%get3A_288] {strides = array<i32>} : memref<512xi32, #tpu.memory_space<vmem>>, vector<16xi32>,
    %and3A_290 = arith.constant 131071 : i32
    %and3A_291 = vector.broadcast %and3A_290 : i32 to vector<16xi32>
    %and3A_292 = arith.andi %get3A_289, %and3A_291 : vector<16xi32>
    %swap3A_293 = arith.constant 2 : i32
    %swap3A_294 = arith.index_cast %swap3A_293 : i32 to index
    %swap3A_295 = arith.constant 0 : index
    %swap3A_296 = tpu.vector_load %arg10[%swap3A_294, %swap3A_295] {strides = array<i32>} : memref<8x128xi32, #tpu.memory_space<vmem>>, vector<16xi32>,
    tpu.vector_store %arg10[%swap3A_294, %swap3A_295], %and3A_292 {strides = array<i32>} : memref<8x128xi32, #tpu.memory_space<vmem>>, vector<16xi32>,
    %get3A_297 = arith.constant 256 : index
    %get3A_298 = tpu.vector_load %arg9[%get3A_297] {strides = array<i32>} : memref<512xi32, #tpu.memory_space<vmem>>, vector<16xi32>,
    %and3A_299 = arith.constant 16383 : i32
    %and3A_300 = vector.broadcast %and3A_299 : i32 to vector<16xi32>
    %and3A_301 = arith.andi %get3A_298, %and3A_300 : vector<16xi32>
    %swap3A_302 = arith.constant 6 : i32
    %swap3A_303 = arith.index_cast %swap3A_302 : i32 to index
    %swap3A_304 = arith.constant 0 : index
    %swap3A_305 = tpu.vector_load %arg10[%swap3A_303, %swap3A_304] {strides = array<i32>} : memref<8x128xi32, #tpu.memory_space<vmem>>, vector<16xi32>,
    tpu.vector_store %arg10[%swap3A_303, %swap3A_304], %and3A_301 {strides = array<i32>} : memref<8x128xi32, #tpu.memory_space<vmem>>, vector<16xi32>,
    %get3A_306 = arith.constant 272 : index
    %get3A_307 = tpu.vector_load %arg8[%get3A_306] {strides = array<i32>} : memref<512xi32, #tpu.memory_space<vmem>>, vector<16xi32>,
    %and3A_308 = arith.constant 131071 : i32
    %and3A_309 = vector.broadcast %and3A_308 : i32 to vector<16xi32>
    %and3A_310 = arith.andi %get3A_307, %and3A_309 : vector<16xi32>
    %swap3A_311 = arith.constant 2 : i32
    %swap3A_312 = arith.index_cast %swap3A_311 : i32 to index
    %swap3A_313 = arith.constant 16 : index
    %swap3A_314 = tpu.vector_load %arg10[%swap3A_312, %swap3A_313] {strides = array<i32>} : memref<8x128xi32, #tpu.memory_space<vmem>>, vector<16xi32>,
    tpu.vector_store %arg10[%swap3A_312, %swap3A_313], %and3A_310 {strides = array<i32>} : memref<8x128xi32, #tpu.memory_space<vmem>>, vector<16xi32>,
    %get3A_315 = arith.constant 272 : index
    %get3A_316 = tpu.vector_load %arg9[%get3A_315] {strides = array<i32>} : memref<512xi32, #tpu.memory_space<vmem>>, vector<16xi32>,
    %and3A_317 = arith.constant 16383 : i32
    %and3A_318 = vector.broadcast %and3A_317 : i32 to vector<16xi32>
    %and3A_319 = arith.andi %get3A_316, %and3A_318 : vector<16xi32>
    %swap3A_320 = arith.constant 6 : i32
    %swap3A_321 = arith.index_cast %swap3A_320 : i32 to index
    %swap3A_322 = arith.constant 16 : index
    %swap3A_323 = tpu.vector_load %arg10[%swap3A_321, %swap3A_322] {strides = array<i32>} : memref<8x128xi32, #tpu.memory_space<vmem>>, vector<16xi32>,
    tpu.vector_store %arg10[%swap3A_321, %swap3A_322], %and3A_319 {strides = array<i32>} : memref<8x128xi32, #tpu.memory_space<vmem>>, vector<16xi32>,
    %get3A_324 = arith.constant 288 : index
    %get3A_325 = tpu.vector_load %arg8[%get3A_324] {strides = array<i32>} : memref<512xi32, #tpu.memory_space<vmem>>, vector<16xi32>,
    %and3A_326 = arith.constant 131071 : i32
    %and3A_327 = vector.broadcast %and3A_326 : i32 to vector<16xi32>
    %and3A_328 = arith.andi %get3A_325, %and3A_327 : vector<16xi32>
    %swap3A_329 = arith.constant 2 : i32
    %swap3A_330 = arith.index_cast %swap3A_329 : i32 to index
    %swap3A_331 = arith.constant 32 : index
    %swap3A_332 = tpu.vector_load %arg10[%swap3A_330, %swap3A_331] {strides = array<i32>} : memref<8x128xi32, #tpu.memory_space<vmem>>, vector<16xi32>,
    tpu.vector_store %arg10[%swap3A_330, %swap3A_331], %and3A_328 {strides = array<i32>} : memref<8x128xi32, #tpu.memory_space<vmem>>, vector<16xi32>,
    %get3A_333 = arith.constant 288 : index
    %get3A_334 = tpu.vector_load %arg9[%get3A_333] {strides = array<i32>} : memref<512xi32, #tpu.memory_space<vmem>>, vector<16xi32>,
    %and3A_335 = arith.constant 16383 : i32
    %and3A_336 = vector.broadcast %and3A_335 : i32 to vector<16xi32>
    %and3A_337 = arith.andi %get3A_334, %and3A_336 : vector<16xi32>
    %swap3A_338 = arith.constant 6 : i32
    %swap3A_339 = arith.index_cast %swap3A_338 : i32 to index
    %swap3A_340 = arith.constant 32 : index
    %swap3A_341 = tpu.vector_load %arg10[%swap3A_339, %swap3A_340] {strides = array<i32>} : memref<8x128xi32, #tpu.memory_space<vmem>>, vector<16xi32>,
    tpu.vector_store %arg10[%swap3A_339, %swap3A_340], %and3A_337 {strides = array<i32>} : memref<8x128xi32, #tpu.memory_space<vmem>>, vector<16xi32>,
    %get3A_342 = arith.constant 304 : index
    %get3A_343 = tpu.vector_load %arg8[%get3A_342] {strides = array<i32>} : memref<512xi32, #tpu.memory_space<vmem>>, vector<16xi32>,
    %and3A_344 = arith.constant 131071 : i32
    %and3A_345 = vector.broadcast %and3A_344 : i32 to vector<16xi32>
    %and3A_346 = arith.andi %get3A_343, %and3A_345 : vector<16xi32>
    %swap3A_347 = arith.constant 2 : i32
    %swap3A_348 = arith.index_cast %swap3A_347 : i32 to index
    %swap3A_349 = arith.constant 48 : index
    %swap3A_350 = tpu.vector_load %arg10[%swap3A_348, %swap3A_349] {strides = array<i32>} : memref<8x128xi32, #tpu.memory_space<vmem>>, vector<16xi32>,
    tpu.vector_store %arg10[%swap3A_348, %swap3A_349], %and3A_346 {strides = array<i32>} : memref<8x128xi32, #tpu.memory_space<vmem>>, vector<16xi32>,
    %get3A_351 = arith.constant 304 : index
    %get3A_352 = tpu.vector_load %arg9[%get3A_351] {strides = array<i32>} : memref<512xi32, #tpu.memory_space<vmem>>, vector<16xi32>,
    %and3A_353 = arith.constant 16383 : i32
    %and3A_354 = vector.broadcast %and3A_353 : i32 to vector<16xi32>
    %and3A_355 = arith.andi %get3A_352, %and3A_354 : vector<16xi32>
    %swap3A_356 = arith.constant 6 : i32
    %swap3A_357 = arith.index_cast %swap3A_356 : i32 to index
    %swap3A_358 = arith.constant 48 : index
    %swap3A_359 = tpu.vector_load %arg10[%swap3A_357, %swap3A_358] {strides = array<i32>} : memref<8x128xi32, #tpu.memory_space<vmem>>, vector<16xi32>,
    tpu.vector_store %arg10[%swap3A_357, %swap3A_358], %and3A_355 {strides = array<i32>} : memref<8x128xi32, #tpu.memory_space<vmem>>, vector<16xi32>,
    %get3A_360 = arith.constant 320 : index
    %get3A_361 = tpu.vector_load %arg8[%get3A_360] {strides = array<i32>} : memref<512xi32, #tpu.memory_space<vmem>>, vector<16xi32>,
    %and3A_362 = arith.constant 131071 : i32
    %and3A_363 = vector.broadcast %and3A_362 : i32 to vector<16xi32>
    %and3A_364 = arith.andi %get3A_361, %and3A_363 : vector<16xi32>
    %swap3A_365 = arith.constant 2 : i32
    %swap3A_366 = arith.index_cast %swap3A_365 : i32 to index
    %swap3A_367 = arith.constant 64 : index
    %swap3A_368 = tpu.vector_load %arg10[%swap3A_366, %swap3A_367] {strides = array<i32>} : memref<8x128xi32, #tpu.memory_space<vmem>>, vector<16xi32>,
    tpu.vector_store %arg10[%swap3A_366, %swap3A_367], %and3A_364 {strides = array<i32>} : memref<8x128xi32, #tpu.memory_space<vmem>>, vector<16xi32>,
    %get3A_369 = arith.constant 320 : index
    %get3A_370 = tpu.vector_load %arg9[%get3A_369] {strides = array<i32>} : memref<512xi32, #tpu.memory_space<vmem>>, vector<16xi32>,
    %and3A_371 = arith.constant 16383 : i32
    %and3A_372 = vector.broadcast %and3A_371 : i32 to vector<16xi32>
    %and3A_373 = arith.andi %get3A_370, %and3A_372 : vector<16xi32>
    %swap3A_374 = arith.constant 6 : i32
    %swap3A_375 = arith.index_cast %swap3A_374 : i32 to index
    %swap3A_376 = arith.constant 64 : index
    %swap3A_377 = tpu.vector_load %arg10[%swap3A_375, %swap3A_376] {strides = array<i32>} : memref<8x128xi32, #tpu.memory_space<vmem>>, vector<16xi32>,
    tpu.vector_store %arg10[%swap3A_375, %swap3A_376], %and3A_373 {strides = array<i32>} : memref<8x128xi32, #tpu.memory_space<vmem>>, vector<16xi32>,
    %get3A_378 = arith.constant 336 : index
    %get3A_379 = tpu.vector_load %arg8[%get3A_378] {strides = array<i32>} : memref<512xi32, #tpu.memory_space<vmem>>, vector<16xi32>,
    %and3A_380 = arith.constant 131071 : i32
    %and3A_381 = vector.broadcast %and3A_380 : i32 to vector<16xi32>
    %and3A_382 = arith.andi %get3A_379, %and3A_381 : vector<16xi32>
    %swap3A_383 = arith.constant 2 : i32
    %swap3A_384 = arith.index_cast %swap3A_383 : i32 to index
    %swap3A_385 = arith.constant 80 : index
    %swap3A_386 = tpu.vector_load %arg10[%swap3A_384, %swap3A_385] {strides = array<i32>} : memref<8x128xi32, #tpu.memory_space<vmem>>, vector<16xi32>,
    tpu.vector_store %arg10[%swap3A_384, %swap3A_385], %and3A_382 {strides = array<i32>} : memref<8x128xi32, #tpu.memory_space<vmem>>, vector<16xi32>,
    %get3A_387 = arith.constant 336 : index
    %get3A_388 = tpu.vector_load %arg9[%get3A_387] {strides = array<i32>} : memref<512xi32, #tpu.memory_space<vmem>>, vector<16xi32>,
    %and3A_389 = arith.constant 16383 : i32
    %and3A_390 = vector.broadcast %and3A_389 : i32 to vector<16xi32>
    %and3A_391 = arith.andi %get3A_388, %and3A_390 : vector<16xi32>
    %swap3A_392 = arith.constant 6 : i32
    %swap3A_393 = arith.index_cast %swap3A_392 : i32 to index
    %swap3A_394 = arith.constant 80 : index
    %swap3A_395 = tpu.vector_load %arg10[%swap3A_393, %swap3A_394] {strides = array<i32>} : memref<8x128xi32, #tpu.memory_space<vmem>>, vector<16xi32>,
    tpu.vector_store %arg10[%swap3A_393, %swap3A_394], %and3A_391 {strides = array<i32>} : memref<8x128xi32, #tpu.memory_space<vmem>>, vector<16xi32>,
    %get3A_396 = arith.constant 352 : index
    %get3A_397 = tpu.vector_load %arg8[%get3A_396] {strides = array<i32>} : memref<512xi32, #tpu.memory_space<vmem>>, vector<16xi32>,
    %and3A_398 = arith.constant 131071 : i32
    %and3A_399 = vector.broadcast %and3A_398 : i32 to vector<16xi32>
    %and3A_400 = arith.andi %get3A_397, %and3A_399 : vector<16xi32>
    %swap3A_401 = arith.constant 2 : i32
    %swap3A_402 = arith.index_cast %swap3A_401 : i32 to index
    %swap3A_403 = arith.constant 96 : index
    %swap3A_404 = tpu.vector_load %arg10[%swap3A_402, %swap3A_403] {strides = array<i32>} : memref<8x128xi32, #tpu.memory_space<vmem>>, vector<16xi32>,
    tpu.vector_store %arg10[%swap3A_402, %swap3A_403], %and3A_400 {strides = array<i32>} : memref<8x128xi32, #tpu.memory_space<vmem>>, vector<16xi32>,
    %get3A_405 = arith.constant 352 : index
    %get3A_406 = tpu.vector_load %arg9[%get3A_405] {strides = array<i32>} : memref<512xi32, #tpu.memory_space<vmem>>, vector<16xi32>,
    %and3A_407 = arith.constant 16383 : i32
    %and3A_408 = vector.broadcast %and3A_407 : i32 to vector<16xi32>
    %and3A_409 = arith.andi %get3A_406, %and3A_408 : vector<16xi32>
    %swap3A_410 = arith.constant 6 : i32
    %swap3A_411 = arith.index_cast %swap3A_410 : i32 to index
    %swap3A_412 = arith.constant 96 : index
    %swap3A_413 = tpu.vector_load %arg10[%swap3A_411, %swap3A_412] {strides = array<i32>} : memref<8x128xi32, #tpu.memory_space<vmem>>, vector<16xi32>,
    tpu.vector_store %arg10[%swap3A_411, %swap3A_412], %and3A_409 {strides = array<i32>} : memref<8x128xi32, #tpu.memory_space<vmem>>, vector<16xi32>,
    %get3A_414 = arith.constant 368 : index
    %get3A_415 = tpu.vector_load %arg8[%get3A_414] {strides = array<i32>} : memref<512xi32, #tpu.memory_space<vmem>>, vector<16xi32>,
    %and3A_416 = arith.constant 131071 : i32
    %and3A_417 = vector.broadcast %and3A_416 : i32 to vector<16xi32>
    %and3A_418 = arith.andi %get3A_415, %and3A_417 : vector<16xi32>
    %swap3A_419 = arith.constant 2 : i32
    %swap3A_420 = arith.index_cast %swap3A_419 : i32 to index
    %swap3A_421 = arith.constant 112 : index
    %swap3A_422 = tpu.vector_load %arg10[%swap3A_420, %swap3A_421] {strides = array<i32>} : memref<8x128xi32, #tpu.memory_space<vmem>>, vector<16xi32>,
    tpu.vector_store %arg10[%swap3A_420, %swap3A_421], %and3A_418 {strides = array<i32>} : memref<8x128xi32, #tpu.memory_space<vmem>>, vector<16xi32>,
    %get3A_423 = arith.constant 368 : index
    %get3A_424 = tpu.vector_load %arg9[%get3A_423] {strides = array<i32>} : memref<512xi32, #tpu.memory_space<vmem>>, vector<16xi32>,
    %and3A_425 = arith.constant 16383 : i32
    %and3A_426 = vector.broadcast %and3A_425 : i32 to vector<16xi32>
    %and3A_427 = arith.andi %get3A_424, %and3A_426 : vector<16xi32>
    %swap3A_428 = arith.constant 6 : i32
    %swap3A_429 = arith.index_cast %swap3A_428 : i32 to index
    %swap3A_430 = arith.constant 112 : index
    %swap3A_431 = tpu.vector_load %arg10[%swap3A_429, %swap3A_430] {strides = array<i32>} : memref<8x128xi32, #tpu.memory_space<vmem>>, vector<16xi32>,
    tpu.vector_store %arg10[%swap3A_429, %swap3A_430], %and3A_427 {strides = array<i32>} : memref<8x128xi32, #tpu.memory_space<vmem>>, vector<16xi32>,
    %get3A_432 = arith.constant 384 : index
    %get3A_433 = tpu.vector_load %arg8[%get3A_432] {strides = array<i32>} : memref<512xi32, #tpu.memory_space<vmem>>, vector<16xi32>,
    %and3A_434 = arith.constant 131071 : i32
    %and3A_435 = vector.broadcast %and3A_434 : i32 to vector<16xi32>
    %and3A_436 = arith.andi %get3A_433, %and3A_435 : vector<16xi32>
    %swap3A_437 = arith.constant 3 : i32
    %swap3A_438 = arith.index_cast %swap3A_437 : i32 to index
    %swap3A_439 = arith.constant 0 : index
    %swap3A_440 = tpu.vector_load %arg10[%swap3A_438, %swap3A_439] {strides = array<i32>} : memref<8x128xi32, #tpu.memory_space<vmem>>, vector<16xi32>,
    tpu.vector_store %arg10[%swap3A_438, %swap3A_439], %and3A_436 {strides = array<i32>} : memref<8x128xi32, #tpu.memory_space<vmem>>, vector<16xi32>,
    %get3A_441 = arith.constant 384 : index
    %get3A_442 = tpu.vector_load %arg9[%get3A_441] {strides = array<i32>} : memref<512xi32, #tpu.memory_space<vmem>>, vector<16xi32>,
    %and3A_443 = arith.constant 16383 : i32
    %and3A_444 = vector.broadcast %and3A_443 : i32 to vector<16xi32>
    %and3A_445 = arith.andi %get3A_442, %and3A_444 : vector<16xi32>
    %swap3A_446 = arith.constant 7 : i32
    %swap3A_447 = arith.index_cast %swap3A_446 : i32 to index
    %swap3A_448 = arith.constant 0 : index
    %swap3A_449 = tpu.vector_load %arg10[%swap3A_447, %swap3A_448] {strides = array<i32>} : memref<8x128xi32, #tpu.memory_space<vmem>>, vector<16xi32>,
    tpu.vector_store %arg10[%swap3A_447, %swap3A_448], %and3A_445 {strides = array<i32>} : memref<8x128xi32, #tpu.memory_space<vmem>>, vector<16xi32>,
    %get3A_450 = arith.constant 400 : index
    %get3A_451 = tpu.vector_load %arg8[%get3A_450] {strides = array<i32>} : memref<512xi32, #tpu.memory_space<vmem>>, vector<16xi32>,
    %and3A_452 = arith.constant 131071 : i32
    %and3A_453 = vector.broadcast %and3A_452 : i32 to vector<16xi32>
    %and3A_454 = arith.andi %get3A_451, %and3A_453 : vector<16xi32>
    %swap3A_455 = arith.constant 3 : i32
    %swap3A_456 = arith.index_cast %swap3A_455 : i32 to index
    %swap3A_457 = arith.constant 16 : index
    %swap3A_458 = tpu.vector_load %arg10[%swap3A_456, %swap3A_457] {strides = array<i32>} : memref<8x128xi32, #tpu.memory_space<vmem>>, vector<16xi32>,
    tpu.vector_store %arg10[%swap3A_456, %swap3A_457], %and3A_454 {strides = array<i32>} : memref<8x128xi32, #tpu.memory_space<vmem>>, vector<16xi32>,
    %get3A_459 = arith.constant 400 : index
    %get3A_460 = tpu.vector_load %arg9[%get3A_459] {strides = array<i32>} : memref<512xi32, #tpu.memory_space<vmem>>, vector<16xi32>,
    %and3A_461 = arith.constant 16383 : i32
    %and3A_462 = vector.broadcast %and3A_461 : i32 to vector<16xi32>
    %and3A_463 = arith.andi %get3A_460, %and3A_462 : vector<16xi32>
    %swap3A_464 = arith.constant 7 : i32
    %swap3A_465 = arith.index_cast %swap3A_464 : i32 to index
    %swap3A_466 = arith.constant 16 : index
    %swap3A_467 = tpu.vector_load %arg10[%swap3A_465, %swap3A_466] {strides = array<i32>} : memref<8x128xi32, #tpu.memory_space<vmem>>, vector<16xi32>,
    tpu.vector_store %arg10[%swap3A_465, %swap3A_466], %and3A_463 {strides = array<i32>} : memref<8x128xi32, #tpu.memory_space<vmem>>, vector<16xi32>,
    %get3A_468 = arith.constant 416 : index
    %get3A_469 = tpu.vector_load %arg8[%get3A_468] {strides = array<i32>} : memref<512xi32, #tpu.memory_space<vmem>>, vector<16xi32>,
    %and3A_470 = arith.constant 131071 : i32
    %and3A_471 = vector.broadcast %and3A_470 : i32 to vector<16xi32>
    %and3A_472 = arith.andi %get3A_469, %and3A_471 : vector<16xi32>
    %swap3A_473 = arith.constant 3 : i32
    %swap3A_474 = arith.index_cast %swap3A_473 : i32 to index
    %swap3A_475 = arith.constant 32 : index
    %swap3A_476 = tpu.vector_load %arg10[%swap3A_474, %swap3A_475] {strides = array<i32>} : memref<8x128xi32, #tpu.memory_space<vmem>>, vector<16xi32>,
    tpu.vector_store %arg10[%swap3A_474, %swap3A_475], %and3A_472 {strides = array<i32>} : memref<8x128xi32, #tpu.memory_space<vmem>>, vector<16xi32>,
    %get3A_477 = arith.constant 416 : index
    %get3A_478 = tpu.vector_load %arg9[%get3A_477] {strides = array<i32>} : memref<512xi32, #tpu.memory_space<vmem>>, vector<16xi32>,
    %and3A_479 = arith.constant 16383 : i32
    %and3A_480 = vector.broadcast %and3A_479 : i32 to vector<16xi32>
    %and3A_481 = arith.andi %get3A_478, %and3A_480 : vector<16xi32>
    %swap3A_482 = arith.constant 7 : i32
    %swap3A_483 = arith.index_cast %swap3A_482 : i32 to index
    %swap3A_484 = arith.constant 32 : index
    %swap3A_485 = tpu.vector_load %arg10[%swap3A_483, %swap3A_484] {strides = array<i32>} : memref<8x128xi32, #tpu.memory_space<vmem>>, vector<16xi32>,
    tpu.vector_store %arg10[%swap3A_483, %swap3A_484], %and3A_481 {strides = array<i32>} : memref<8x128xi32, #tpu.memory_space<vmem>>, vector<16xi32>,
    %get3A_486 = arith.constant 432 : index
    %get3A_487 = tpu.vector_load %arg8[%get3A_486] {strides = array<i32>} : memref<512xi32, #tpu.memory_space<vmem>>, vector<16xi32>,
    %and3A_488 = arith.constant 131071 : i32
    %and3A_489 = vector.broadcast %and3A_488 : i32 to vector<16xi32>
    %and3A_490 = arith.andi %get3A_487, %and3A_489 : vector<16xi32>
    %swap3A_491 = arith.constant 3 : i32
    %swap3A_492 = arith.index_cast %swap3A_491 : i32 to index
    %swap3A_493 = arith.constant 48 : index
    %swap3A_494 = tpu.vector_load %arg10[%swap3A_492, %swap3A_493] {strides = array<i32>} : memref<8x128xi32, #tpu.memory_space<vmem>>, vector<16xi32>,
    tpu.vector_store %arg10[%swap3A_492, %swap3A_493], %and3A_490 {strides = array<i32>} : memref<8x128xi32, #tpu.memory_space<vmem>>, vector<16xi32>,
    %get3A_495 = arith.constant 432 : index
    %get3A_496 = tpu.vector_load %arg9[%get3A_495] {strides = array<i32>} : memref<512xi32, #tpu.memory_space<vmem>>, vector<16xi32>,
    %and3A_497 = arith.constant 16383 : i32
    %and3A_498 = vector.broadcast %and3A_497 : i32 to vector<16xi32>
    %and3A_499 = arith.andi %get3A_496, %and3A_498 : vector<16xi32>
    %swap3A_500 = arith.constant 7 : i32
    %swap3A_501 = arith.index_cast %swap3A_500 : i32 to index
    %swap3A_502 = arith.constant 48 : index
    %swap3A_503 = tpu.vector_load %arg10[%swap3A_501, %swap3A_502] {strides = array<i32>} : memref<8x128xi32, #tpu.memory_space<vmem>>, vector<16xi32>,
    tpu.vector_store %arg10[%swap3A_501, %swap3A_502], %and3A_499 {strides = array<i32>} : memref<8x128xi32, #tpu.memory_space<vmem>>, vector<16xi32>,
    %get3A_504 = arith.constant 448 : index
    %get3A_505 = tpu.vector_load %arg8[%get3A_504] {strides = array<i32>} : memref<512xi32, #tpu.memory_space<vmem>>, vector<16xi32>,
    %and3A_506 = arith.constant 131071 : i32
    %and3A_507 = vector.broadcast %and3A_506 : i32 to vector<16xi32>
    %and3A_508 = arith.andi %get3A_505, %and3A_507 : vector<16xi32>
    %swap3A_509 = arith.constant 3 : i32
    %swap3A_510 = arith.index_cast %swap3A_509 : i32 to index
    %swap3A_511 = arith.constant 64 : index
    %swap3A_512 = tpu.vector_load %arg10[%swap3A_510, %swap3A_511] {strides = array<i32>} : memref<8x128xi32, #tpu.memory_space<vmem>>, vector<16xi32>,
    tpu.vector_store %arg10[%swap3A_510, %swap3A_511], %and3A_508 {strides = array<i32>} : memref<8x128xi32, #tpu.memory_space<vmem>>, vector<16xi32>,
    %get3A_513 = arith.constant 448 : index
    %get3A_514 = tpu.vector_load %arg9[%get3A_513] {strides = array<i32>} : memref<512xi32, #tpu.memory_space<vmem>>, vector<16xi32>,
    %and3A_515 = arith.constant 16383 : i32
    %and3A_516 = vector.broadcast %and3A_515 : i32 to vector<16xi32>
    %and3A_517 = arith.andi %get3A_514, %and3A_516 : vector<16xi32>
    %swap3A_518 = arith.constant 7 : i32
    %swap3A_519 = arith.index_cast %swap3A_518 : i32 to index
    %swap3A_520 = arith.constant 64 : index
    %swap3A_521 = tpu.vector_load %arg10[%swap3A_519, %swap3A_520] {strides = array<i32>} : memref<8x128xi32, #tpu.memory_space<vmem>>, vector<16xi32>,
    tpu.vector_store %arg10[%swap3A_519, %swap3A_520], %and3A_517 {strides = array<i32>} : memref<8x128xi32, #tpu.memory_space<vmem>>, vector<16xi32>,
    %get3A_522 = arith.constant 464 : index
    %get3A_523 = tpu.vector_load %arg8[%get3A_522] {strides = array<i32>} : memref<512xi32, #tpu.memory_space<vmem>>, vector<16xi32>,
    %and3A_524 = arith.constant 131071 : i32
    %and3A_525 = vector.broadcast %and3A_524 : i32 to vector<16xi32>
    %and3A_526 = arith.andi %get3A_523, %and3A_525 : vector<16xi32>
    %swap3A_527 = arith.constant 3 : i32
    %swap3A_528 = arith.index_cast %swap3A_527 : i32 to index
    %swap3A_529 = arith.constant 80 : index
    %swap3A_530 = tpu.vector_load %arg10[%swap3A_528, %swap3A_529] {strides = array<i32>} : memref<8x128xi32, #tpu.memory_space<vmem>>, vector<16xi32>,
    tpu.vector_store %arg10[%swap3A_528, %swap3A_529], %and3A_526 {strides = array<i32>} : memref<8x128xi32, #tpu.memory_space<vmem>>, vector<16xi32>,
    %get3A_531 = arith.constant 464 : index
    %get3A_532 = tpu.vector_load %arg9[%get3A_531] {strides = array<i32>} : memref<512xi32, #tpu.memory_space<vmem>>, vector<16xi32>,
    %and3A_533 = arith.constant 16383 : i32
    %and3A_534 = vector.broadcast %and3A_533 : i32 to vector<16xi32>
    %and3A_535 = arith.andi %get3A_532, %and3A_534 : vector<16xi32>
    %swap3A_536 = arith.constant 7 : i32
    %swap3A_537 = arith.index_cast %swap3A_536 : i32 to index
    %swap3A_538 = arith.constant 80 : index
    %swap3A_539 = tpu.vector_load %arg10[%swap3A_537, %swap3A_538] {strides = array<i32>} : memref<8x128xi32, #tpu.memory_space<vmem>>, vector<16xi32>,
    tpu.vector_store %arg10[%swap3A_537, %swap3A_538], %and3A_535 {strides = array<i32>} : memref<8x128xi32, #tpu.memory_space<vmem>>, vector<16xi32>,
    %get3A_540 = arith.constant 480 : index
    %get3A_541 = tpu.vector_load %arg8[%get3A_540] {strides = array<i32>} : memref<512xi32, #tpu.memory_space<vmem>>, vector<16xi32>,
    %and3A_542 = arith.constant 131071 : i32
    %and3A_543 = vector.broadcast %and3A_542 : i32 to vector<16xi32>
    %and3A_544 = arith.andi %get3A_541, %and3A_543 : vector<16xi32>
    %swap3A_545 = arith.constant 3 : i32
    %swap3A_546 = arith.index_cast %swap3A_545 : i32 to index
    %swap3A_547 = arith.constant 96 : index
    %swap3A_548 = tpu.vector_load %arg10[%swap3A_546, %swap3A_547] {strides = array<i32>} : memref<8x128xi32, #tpu.memory_space<vmem>>, vector<16xi32>,
    tpu.vector_store %arg10[%swap3A_546, %swap3A_547], %and3A_544 {strides = array<i32>} : memref<8x128xi32, #tpu.memory_space<vmem>>, vector<16xi32>,
    %get3A_549 = arith.constant 480 : index
    %get3A_550 = tpu.vector_load %arg9[%get3A_549] {strides = array<i32>} : memref<512xi32, #tpu.memory_space<vmem>>, vector<16xi32>,
    %and3A_551 = arith.constant 16383 : i32
    %and3A_552 = vector.broadcast %and3A_551 : i32 to vector<16xi32>
    %and3A_553 = arith.andi %get3A_550, %and3A_552 : vector<16xi32>
    %swap3A_554 = arith.constant 7 : i32
    %swap3A_555 = arith.index_cast %swap3A_554 : i32 to index
    %swap3A_556 = arith.constant 96 : index
    %swap3A_557 = tpu.vector_load %arg10[%swap3A_555, %swap3A_556] {strides = array<i32>} : memref<8x128xi32, #tpu.memory_space<vmem>>, vector<16xi32>,
    tpu.vector_store %arg10[%swap3A_555, %swap3A_556], %and3A_553 {strides = array<i32>} : memref<8x128xi32, #tpu.memory_space<vmem>>, vector<16xi32>,
    %get3A_558 = arith.constant 496 : index
    %get3A_559 = tpu.vector_load %arg8[%get3A_558] {strides = array<i32>} : memref<512xi32, #tpu.memory_space<vmem>>, vector<16xi32>,
    %and3A_560 = arith.constant 131071 : i32
    %and3A_561 = vector.broadcast %and3A_560 : i32 to vector<16xi32>
    %and3A_562 = arith.andi %get3A_559, %and3A_561 : vector<16xi32>
    %swap3A_563 = arith.constant 3 : i32
    %swap3A_564 = arith.index_cast %swap3A_563 : i32 to index
    %swap3A_565 = arith.constant 112 : index
    %swap3A_566 = tpu.vector_load %arg10[%swap3A_564, %swap3A_565] {strides = array<i32>} : memref<8x128xi32, #tpu.memory_space<vmem>>, vector<16xi32>,
    tpu.vector_store %arg10[%swap3A_564, %swap3A_565], %and3A_562 {strides = array<i32>} : memref<8x128xi32, #tpu.memory_space<vmem>>, vector<16xi32>,
    %get3A_567 = arith.constant 496 : index
    %get3A_568 = tpu.vector_load %arg9[%get3A_567] {strides = array<i32>} : memref<512xi32, #tpu.memory_space<vmem>>, vector<16xi32>,
    %and3A_569 = arith.constant 16383 : i32
    %and3A_570 = vector.broadcast %and3A_569 : i32 to vector<16xi32>
    %and3A_571 = arith.andi %get3A_568, %and3A_570 : vector<16xi32>
    %swap3A_572 = arith.constant 7 : i32
    %swap3A_573 = arith.index_cast %swap3A_572 : i32 to index
    %swap3A_574 = arith.constant 112 : index
    %swap3A_575 = tpu.vector_load %arg10[%swap3A_573, %swap3A_574] {strides = array<i32>} : memref<8x128xi32, #tpu.memory_space<vmem>>, vector<16xi32>,
    tpu.vector_store %arg10[%swap3A_573, %swap3A_574], %and3A_571 {strides = array<i32>} : memref<8x128xi32, #tpu.memory_space<vmem>>, vector<16xi32>,
    %get3A_576 = arith.constant 0 : index
    %get3A_577 = tpu.vector_load %arg14[%get3A_576] {strides = array<i32>} : memref<16xf32, #tpu.memory_space<vmem>>, vector<16xf32>,
    %iota3A = tpu.iota {dimensions = array<i32: 0>} : vector<16xi32>
    %broadcast_in_dim3A = arith.constant 1 : i32
    %broadcast_in_dim3A_578 = vector.broadcast %broadcast_in_dim3A : i32 to vector<16xi32>
    %dma_start3A = arith.constant 0 : i32
    %dma_start3A_579 = arith.constant 0 : i32
    %dma_start3A_580 = arith.constant 0 : i32
    %dma_start3A_581 = tpu.memref_slice %arg11[%dma_start3A_579, %dma_start3A_580] : memref<256x128xf32, #tpu.memory_space<vmem>> -> memref<128x128xf32, #tpu.memory_space<vmem>>
    %dma_start3A_582 = arith.constant 0 : i32
    %dma_start3A_583 = tpu.memref_slice %arg10[%dma_start3A, %dma_start3A_582] : memref<8x128xi32, #tpu.memory_space<vmem>> -> memref<1x128xi32, #tpu.memory_space<vmem>>
    %dma_start3A_584 = tpu.memref_squeeze %dma_start3A_583 : memref<1x128xi32, #tpu.memory_space<vmem>> -> memref<128xi32, #tpu.memory_space<vmem>>
    %dma_start3A_585 = arith.constant 0 : i32
    %dma_start3A_586 = arith.constant 0 : i32
    %dma_start3A_587 = tpu.memref_slice %arg4[%dma_start3A_585, %dma_start3A_586] : memref<131072x128xf32, #tpu.memory_space<hbm>> -> memref<131072x128xf32, #tpu.memory_space<hbm>>
    tpu.enqueue_indirect_dma source(%dma_start3A_587 : memref<131072x128xf32, #tpu.memory_space<hbm>>) target(%dma_start3A_581 : memref<128x128xf32, #tpu.memory_space<vmem>>) offsets(%dma_start3A_584 : memref<128xi32, #tpu.memory_space<vmem>>) semaphore(%arg15 : memref<!tpu.dma_semaphore, #tpu.memory_space<semaphore_mem>>)
    %dma_start3A_588 = arith.constant 4 : i32
    %dma_start3A_589 = arith.constant 0 : i32
    %dma_start3A_590 = arith.constant 0 : i32
    %dma_start3A_591 = tpu.memref_slice %arg12[%dma_start3A_589, %dma_start3A_590] : memref<256x128xf32, #tpu.memory_space<vmem>> -> memref<128x128xf32, #tpu.memory_space<vmem>>
    %dma_start3A_592 = arith.constant 0 : i32
    %dma_start3A_593 = tpu.memref_slice %arg10[%dma_start3A_588, %dma_start3A_592] : memref<8x128xi32, #tpu.memory_space<vmem>> -> memref<1x128xi32, #tpu.memory_space<vmem>>
    %dma_start3A_594 = tpu.memref_squeeze %dma_start3A_593 : memref<1x128xi32, #tpu.memory_space<vmem>> -> memref<128xi32, #tpu.memory_space<vmem>>
    %dma_start3A_595 = arith.constant 0 : i32
    %dma_start3A_596 = arith.constant 0 : i32
    %dma_start3A_597 = tpu.memref_slice %arg5[%dma_start3A_595, %dma_start3A_596] : memref<16384x128xf32, #tpu.memory_space<hbm>> -> memref<16384x128xf32, #tpu.memory_space<hbm>>
    tpu.enqueue_indirect_dma source(%dma_start3A_597 : memref<16384x128xf32, #tpu.memory_space<hbm>>) target(%dma_start3A_591 : memref<128x128xf32, #tpu.memory_space<vmem>>) offsets(%dma_start3A_594 : memref<128xi32, #tpu.memory_space<vmem>>) semaphore(%arg15 : memref<!tpu.dma_semaphore, #tpu.memory_space<semaphore_mem>>)
    %dma_start3A_598 = arith.constant 1 : i32
    %dma_start3A_599 = arith.constant 128 : i32
    %dma_start3A_600 = arith.constant 0 : i32
    %dma_start3A_601 = tpu.memref_slice %arg11[%dma_start3A_599, %dma_start3A_600] : memref<256x128xf32, #tpu.memory_space<vmem>> -> memref<128x128xf32, #tpu.memory_space<vmem>>
    %dma_start3A_602 = arith.constant 0 : i32
    %dma_start3A_603 = tpu.memref_slice %arg10[%dma_start3A_598, %dma_start3A_602] : memref<8x128xi32, #tpu.memory_space<vmem>> -> memref<1x128xi32, #tpu.memory_space<vmem>>
    %dma_start3A_604 = tpu.memref_squeeze %dma_start3A_603 : memref<1x128xi32, #tpu.memory_space<vmem>> -> memref<128xi32, #tpu.memory_space<vmem>>
    %dma_start3A_605 = arith.constant 0 : i32
    %dma_start3A_606 = arith.constant 0 : i32
    %dma_start3A_607 = tpu.memref_slice %arg4[%dma_start3A_605, %dma_start3A_606] : memref<131072x128xf32, #tpu.memory_space<hbm>> -> memref<131072x128xf32, #tpu.memory_space<hbm>>
    tpu.enqueue_indirect_dma source(%dma_start3A_607 : memref<131072x128xf32, #tpu.memory_space<hbm>>) target(%dma_start3A_601 : memref<128x128xf32, #tpu.memory_space<vmem>>) offsets(%dma_start3A_604 : memref<128xi32, #tpu.memory_space<vmem>>) semaphore(%arg15 : memref<!tpu.dma_semaphore, #tpu.memory_space<semaphore_mem>>)
    %dma_start3A_608 = arith.constant 5 : i32
    %dma_start3A_609 = arith.constant 128 : i32
    %dma_start3A_610 = arith.constant 0 : i32
    %dma_start3A_611 = tpu.memref_slice %arg12[%dma_start3A_609, %dma_start3A_610] : memref<256x128xf32, #tpu.memory_space<vmem>> -> memref<128x128xf32, #tpu.memory_space<vmem>>
    %dma_start3A_612 = arith.constant 0 : i32
    %dma_start3A_613 = tpu.memref_slice %arg10[%dma_start3A_608, %dma_start3A_612] : memref<8x128xi32, #tpu.memory_space<vmem>> -> memref<1x128xi32, #tpu.memory_space<vmem>>
    %dma_start3A_614 = tpu.memref_squeeze %dma_start3A_613 : memref<1x128xi32, #tpu.memory_space<vmem>> -> memref<128xi32, #tpu.memory_space<vmem>>
    %dma_start3A_615 = arith.constant 0 : i32
    %dma_start3A_616 = arith.constant 0 : i32
    %dma_start3A_617 = tpu.memref_slice %arg5[%dma_start3A_615, %dma_start3A_616] : memref<16384x128xf32, #tpu.memory_space<hbm>> -> memref<16384x128xf32, #tpu.memory_space<hbm>>
    tpu.enqueue_indirect_dma source(%dma_start3A_617 : memref<16384x128xf32, #tpu.memory_space<hbm>>) target(%dma_start3A_611 : memref<128x128xf32, #tpu.memory_space<vmem>>) offsets(%dma_start3A_614 : memref<128xi32, #tpu.memory_space<vmem>>) semaphore(%arg15 : memref<!tpu.dma_semaphore, #tpu.memory_space<semaphore_mem>>)
    %dma_wait3A = arith.constant 0 : i32
    %dma_wait3A_618 = arith.constant 0 : i32
    %dma_wait3A_619 = arith.constant 0 : i32
    %dma_wait3A_620 = tpu.memref_slice %arg11[%dma_wait3A_618, %dma_wait3A_619] : memref<256x128xf32, #tpu.memory_space<vmem>> -> memref<128x128xf32, #tpu.memory_space<vmem>>
    %dma_wait3A_621 = arith.constant 0 : i32
    %dma_wait3A_622 = tpu.memref_slice %arg10[%dma_wait3A, %dma_wait3A_621] : memref<8x128xi32, #tpu.memory_space<vmem>> -> memref<1x128xi32, #tpu.memory_space<vmem>>
    %dma_wait3A_623 = tpu.memref_squeeze %dma_wait3A_622 : memref<1x128xi32, #tpu.memory_space<vmem>> -> memref<128xi32, #tpu.memory_space<vmem>>
    %dma_wait3A_624 = arith.constant 0 : i32
    %dma_wait3A_625 = arith.constant 0 : i32
    %dma_wait3A_626 = tpu.memref_slice %arg4[%dma_wait3A_624, %dma_wait3A_625] : memref<131072x128xf32, #tpu.memory_space<hbm>> -> memref<131072x128xf32, #tpu.memory_space<hbm>>
    tpu.wait_indirect_dma semaphore(%arg15 : memref<!tpu.dma_semaphore, #tpu.memory_space<semaphore_mem>>) src(%dma_wait3A_626 : memref<131072x128xf32, #tpu.memory_space<hbm>>) dst(%dma_wait3A_620 : memref<128x128xf32, #tpu.memory_space<vmem>>)
    %dma_wait3A_627 = arith.constant 4 : i32
    %dma_wait3A_628 = arith.constant 0 : i32
    %dma_wait3A_629 = arith.constant 0 : i32
    %dma_wait3A_630 = tpu.memref_slice %arg12[%dma_wait3A_628, %dma_wait3A_629] : memref<256x128xf32, #tpu.memory_space<vmem>> -> memref<128x128xf32, #tpu.memory_space<vmem>>
    %dma_wait3A_631 = arith.constant 0 : i32
    %dma_wait3A_632 = tpu.memref_slice %arg10[%dma_wait3A_627, %dma_wait3A_631] : memref<8x128xi32, #tpu.memory_space<vmem>> -> memref<1x128xi32, #tpu.memory_space<vmem>>
    %dma_wait3A_633 = tpu.memref_squeeze %dma_wait3A_632 : memref<1x128xi32, #tpu.memory_space<vmem>> -> memref<128xi32, #tpu.memory_space<vmem>>
    %dma_wait3A_634 = arith.constant 0 : i32
    %dma_wait3A_635 = arith.constant 0 : i32
    %dma_wait3A_636 = tpu.memref_slice %arg5[%dma_wait3A_634, %dma_wait3A_635] : memref<16384x128xf32, #tpu.memory_space<hbm>> -> memref<16384x128xf32, #tpu.memory_space<hbm>>
    tpu.wait_indirect_dma semaphore(%arg15 : memref<!tpu.dma_semaphore, #tpu.memory_space<semaphore_mem>>) src(%dma_wait3A_636 : memref<16384x128xf32, #tpu.memory_space<hbm>>) dst(%dma_wait3A_630 : memref<128x128xf32, #tpu.memory_space<vmem>>)
    %dma_wait3A_637 = arith.constant 1 : i32
    %dma_wait3A_638 = arith.constant 128 : i32
    %dma_wait3A_639 = arith.constant 0 : i32
    %dma_wait3A_640 = tpu.memref_slice %arg11[%dma_wait3A_638, %dma_wait3A_639] : memref<256x128xf32, #tpu.memory_space<vmem>> -> memref<128x128xf32, #tpu.memory_space<vmem>>
    %dma_wait3A_641 = arith.constant 0 : i32
    %dma_wait3A_642 = tpu.memref_slice %arg10[%dma_wait3A_637, %dma_wait3A_641] : memref<8x128xi32, #tpu.memory_space<vmem>> -> memref<1x128xi32, #tpu.memory_space<vmem>>
    %dma_wait3A_643 = tpu.memref_squeeze %dma_wait3A_642 : memref<1x128xi32, #tpu.memory_space<vmem>> -> memref<128xi32, #tpu.memory_space<vmem>>
    %dma_wait3A_644 = arith.constant 0 : i32
    %dma_wait3A_645 = arith.constant 0 : i32
    %dma_wait3A_646 = tpu.memref_slice %arg4[%dma_wait3A_644, %dma_wait3A_645] : memref<131072x128xf32, #tpu.memory_space<hbm>> -> memref<131072x128xf32, #tpu.memory_space<hbm>>
    tpu.wait_indirect_dma semaphore(%arg15 : memref<!tpu.dma_semaphore, #tpu.memory_space<semaphore_mem>>) src(%dma_wait3A_646 : memref<131072x128xf32, #tpu.memory_space<hbm>>) dst(%dma_wait3A_640 : memref<128x128xf32, #tpu.memory_space<vmem>>)
    %dma_wait3A_647 = arith.constant 5 : i32
    %dma_wait3A_648 = arith.constant 128 : i32
    %dma_wait3A_649 = arith.constant 0 : i32
    %dma_wait3A_650 = tpu.memref_slice %arg12[%dma_wait3A_648, %dma_wait3A_649] : memref<256x128xf32, #tpu.memory_space<vmem>> -> memref<128x128xf32, #tpu.memory_space<vmem>>
    %dma_wait3A_651 = arith.constant 0 : i32
    %dma_wait3A_652 = tpu.memref_slice %arg10[%dma_wait3A_647, %dma_wait3A_651] : memref<8x128xi32, #tpu.memory_space<vmem>> -> memref<1x128xi32, #tpu.memory_space<vmem>>
    %dma_wait3A_653 = tpu.memref_squeeze %dma_wait3A_652 : memref<1x128xi32, #tpu.memory_space<vmem>> -> memref<128xi32, #tpu.memory_space<vmem>>
    %dma_wait3A_654 = arith.constant 0 : i32
    %dma_wait3A_655 = arith.constant 0 : i32
    %dma_wait3A_656 = tpu.memref_slice %arg5[%dma_wait3A_654, %dma_wait3A_655] : memref<16384x128xf32, #tpu.memory_space<hbm>> -> memref<16384x128xf32, #tpu.memory_space<hbm>>
    tpu.wait_indirect_dma semaphore(%arg15 : memref<!tpu.dma_semaphore, #tpu.memory_space<semaphore_mem>>) src(%dma_wait3A_656 : memref<16384x128xf32, #tpu.memory_space<hbm>>) dst(%dma_wait3A_650 : memref<128x128xf32, #tpu.memory_space<vmem>>)
    %scan3A = arith.constant 0 : i32
    %scan3A_657 = arith.constant 0 : i32
    %scan3A_658 = arith.constant 16 : i32
    %scan3A_659 = arith.addi %scan3A_657, %scan3A_658 : i32
    %scan3A_660 = arith.constant 2 : i32
    scf.for %scan3A_748 = %scan3A_657 to %scan3A_659 step %scan3A_660  : i32 {
      %mul3A_749 = arith.constant 16 : i32
      %mul3A_750 = arith.muli %scan3A_748, %mul3A_749 : i32
      %add3A_751 = vector.broadcast %mul3A_750 : i32 to vector<16xi32>
      %add3A_752 = arith.addi %add3A_751, %iota3A : vector<16xi32>
      %mul3A_753 = arith.constant 16 : i32
      %mul3A_754 = arith.muli %scan3A_748, %mul3A_753 : i32
      %add3A_755 = arith.constant 0 : i32
      %add3A_756 = arith.addi %add3A_755, %mul3A_754 : i32
      %get3A_757 = arith.index_cast %add3A_756 : i32 to index
      %get3A_758 = tpu.vector_load %arg8[%get3A_757] {strides = array<i32>} : memref<512xi32, #tpu.memory_space<vmem>>, vector<16xi32>,
      %get3A_759 = arith.index_cast %add3A_756 : i32 to index
      %get3A_760 = tpu.vector_load %arg9[%get3A_759] {strides = array<i32>} : memref<512xi32, #tpu.memory_space<vmem>>, vector<16xi32>,
      %shift_right_logical3A = arith.constant 18 : i32
      %shift_right_logical3A_761 = vector.broadcast %shift_right_logical3A : i32 to vector<16xi32>
      %shift_right_logical3A_762 = arith.shrui %get3A_758, %shift_right_logical3A_761 : vector<16xi32>
      %shift_left3A = arith.constant 5 : i32
      %shift_left3A_763 = vector.broadcast %shift_left3A : i32 to vector<16xi32>
      %shift_left3A_764 = arith.shli %shift_right_logical3A_762, %shift_left3A_763 : vector<16xi32>
      %shift_right_logical3A_765 = arith.constant 15 : i32
      %shift_right_logical3A_766 = vector.broadcast %shift_right_logical3A_765 : i32 to vector<16xi32>
      %shift_right_logical3A_767 = arith.shrui %get3A_760, %shift_right_logical3A_766 : vector<16xi32>
      %shift_left3A_768 = arith.constant 5 : i32
      %shift_left3A_769 = vector.broadcast %shift_left3A_768 : i32 to vector<16xi32>
      %shift_left3A_770 = arith.shli %shift_right_logical3A_767, %shift_left3A_769 : vector<16xi32>
      %shift_right_logical3A_771 = arith.constant 17 : i32
      %shift_right_logical3A_772 = vector.broadcast %shift_right_logical3A_771 : i32 to vector<16xi32>
      %shift_right_logical3A_773 = arith.shrui %get3A_758, %shift_right_logical3A_772 : vector<16xi32>
      %and3A_774 = arith.andi %shift_right_logical3A_773, %broadcast_in_dim3A_578 : vector<16xi32>
      %shift_right_logical3A_775 = arith.constant 14 : i32
      %shift_right_logical3A_776 = vector.broadcast %shift_right_logical3A_775 : i32 to vector<16xi32>
      %shift_right_logical3A_777 = arith.shrui %get3A_760, %shift_right_logical3A_776 : vector<16xi32>
      %and3A_778 = arith.andi %shift_right_logical3A_777, %broadcast_in_dim3A_578 : vector<16xi32>
      %add3A_779 = arith.constant 0 : i32
      %add3A_780 = vector.broadcast %add3A_779 : i32 to vector<16xi32>
      %add3A_781 = arith.addi %shift_left3A_764, %add3A_780 : vector<16xi32>
      %gather3A = tpu.vector_load_idx %arg11[%add3A_752, %add3A_781] : memref<256x128xf32, #tpu.memory_space<vmem>>[vector<16xi32>, vector<16xi32>], vector<16xf32>,
      %bitcast3A = vector.bitcast %gather3A : vector<16xf32> to vector<32xbf16>
      %unpack3A = tpu.unpack_subelements %bitcast3A, 0 {pack_format = #tpu.pack_format<interleaved>} : vector<32xbf16> -> vector<16xf32>
      %unpack3A_782 = tpu.unpack_subelements %bitcast3A, 1 {pack_format = #tpu.pack_format<interleaved>} : vector<32xbf16> -> vector<16xf32>
      %eq3A = arith.constant 0 : i32
      %eq3A_783 = vector.broadcast %eq3A : i32 to vector<16xi32>
      %eq3A_784 = arith.cmpi eq, %and3A_774, %eq3A_783 : vector<16xi32>
      %select_n3A = arith.select %eq3A_784, %unpack3A, %unpack3A_782 : vector<16xi1>, vector<16xf32>
      %add3A_785 = arith.constant 0 : i32
      %add3A_786 = vector.broadcast %add3A_785 : i32 to vector<16xi32>
      %add3A_787 = arith.addi %shift_left3A_770, %add3A_786 : vector<16xi32>
      %gather3A_788 = tpu.vector_load_idx %arg12[%add3A_752, %add3A_787] : memref<256x128xf32, #tpu.memory_space<vmem>>[vector<16xi32>, vector<16xi32>], vector<16xf32>,
      %bitcast3A_789 = vector.bitcast %gather3A_788 : vector<16xf32> to vector<32xbf16>
      %unpack3A_790 = tpu.unpack_subelements %bitcast3A_789, 0 {pack_format = #tpu.pack_format<interleaved>} : vector<32xbf16> -> vector<16xf32>
      %unpack3A_791 = tpu.unpack_subelements %bitcast3A_789, 1 {pack_format = #tpu.pack_format<interleaved>} : vector<32xbf16> -> vector<16xf32>
      %eq3A_792 = arith.constant 0 : i32
      %eq3A_793 = vector.broadcast %eq3A_792 : i32 to vector<16xi32>
      %eq3A_794 = arith.cmpi eq, %and3A_778, %eq3A_793 : vector<16xi32>
      %select_n3A_795 = arith.select %eq3A_794, %unpack3A_790, %unpack3A_791 : vector<16xi1>, vector<16xf32>
      %mul3A_796 = arith.mulf %select_n3A, %select_n3A_795 : vector<16xf32>
      %add3A_797 = arith.addf %get3A_577, %mul3A_796 : vector<16xf32>
      %add3A_798 = arith.constant 1 : i32
      %add3A_799 = vector.broadcast %add3A_798 : i32 to vector<16xi32>
      %add3A_800 = arith.addi %shift_left3A_764, %add3A_799 : vector<16xi32>
      %gather3A_801 = tpu.vector_load_idx %arg11[%add3A_752, %add3A_800] : memref<256x128xf32, #tpu.memory_space<vmem>>[vector<16xi32>, vector<16xi32>], vector<16xf32>,
      %bitcast3A_802 = vector.bitcast %gather3A_801 : vector<16xf32> to vector<32xbf16>
      %unpack3A_803 = tpu.unpack_subelements %bitcast3A_802, 0 {pack_format = #tpu.pack_format<interleaved>} : vector<32xbf16> -> vector<16xf32>
      %unpack3A_804 = tpu.unpack_subelements %bitcast3A_802, 1 {pack_format = #tpu.pack_format<interleaved>} : vector<32xbf16> -> vector<16xf32>
      %eq3A_805 = arith.constant 0 : i32
      %eq3A_806 = vector.broadcast %eq3A_805 : i32 to vector<16xi32>
      %eq3A_807 = arith.cmpi eq, %and3A_774, %eq3A_806 : vector<16xi32>
      %select_n3A_808 = arith.select %eq3A_807, %unpack3A_803, %unpack3A_804 : vector<16xi1>, vector<16xf32>
      %add3A_809 = arith.constant 1 : i32
      %add3A_810 = vector.broadcast %add3A_809 : i32 to vector<16xi32>
      %add3A_811 = arith.addi %shift_left3A_770, %add3A_810 : vector<16xi32>
      %gather3A_812 = tpu.vector_load_idx %arg12[%add3A_752, %add3A_811] : memref<256x128xf32, #tpu.memory_space<vmem>>[vector<16xi32>, vector<16xi32>], vector<16xf32>,
      %bitcast3A_813 = vector.bitcast %gather3A_812 : vector<16xf32> to vector<32xbf16>
      %unpack3A_814 = tpu.unpack_subelements %bitcast3A_813, 0 {pack_format = #tpu.pack_format<interleaved>} : vector<32xbf16> -> vector<16xf32>
      %unpack3A_815 = tpu.unpack_subelements %bitcast3A_813, 1 {pack_format = #tpu.pack_format<interleaved>} : vector<32xbf16> -> vector<16xf32>
      %eq3A_816 = arith.constant 0 : i32
      %eq3A_817 = vector.broadcast %eq3A_816 : i32 to vector<16xi32>
      %eq3A_818 = arith.cmpi eq, %and3A_778, %eq3A_817 : vector<16xi32>
      %select_n3A_819 = arith.select %eq3A_818, %unpack3A_814, %unpack3A_815 : vector<16xi1>, vector<16xf32>
      %mul3A_820 = arith.mulf %select_n3A_808, %select_n3A_819 : vector<16xf32>
      %add3A_821 = arith.addf %add3A_797, %mul3A_820 : vector<16xf32>
      %add3A_822 = arith.constant 2 : i32
      %add3A_823 = vector.broadcast %add3A_822 : i32 to vector<16xi32>
      %add3A_824 = arith.addi %shift_left3A_764, %add3A_823 : vector<16xi32>
      %gather3A_825 = tpu.vector_load_idx %arg11[%add3A_752, %add3A_824] : memref<256x128xf32, #tpu.memory_space<vmem>>[vector<16xi32>, vector<16xi32>], vector<16xf32>,
      %bitcast3A_826 = vector.bitcast %gather3A_825 : vector<16xf32> to vector<32xbf16>
      %unpack3A_827 = tpu.unpack_subelements %bitcast3A_826, 0 {pack_format = #tpu.pack_format<interleaved>} : vector<32xbf16> -> vector<16xf32>
      %unpack3A_828 = tpu.unpack_subelements %bitcast3A_826, 1 {pack_format = #tpu.pack_format<interleaved>} : vector<32xbf16> -> vector<16xf32>
      %eq3A_829 = arith.constant 0 : i32
      %eq3A_830 = vector.broadcast %eq3A_829 : i32 to vector<16xi32>
      %eq3A_831 = arith.cmpi eq, %and3A_774, %eq3A_830 : vector<16xi32>
      %select_n3A_832 = arith.select %eq3A_831, %unpack3A_827, %unpack3A_828 : vector<16xi1>, vector<16xf32>
      %add3A_833 = arith.constant 2 : i32
      %add3A_834 = vector.broadcast %add3A_833 : i32 to vector<16xi32>
      %add3A_835 = arith.addi %shift_left3A_770, %add3A_834 : vector<16xi32>
      %gather3A_836 = tpu.vector_load_idx %arg12[%add3A_752, %add3A_835] : memref<256x128xf32, #tpu.memory_space<vmem>>[vector<16xi32>, vector<16xi32>], vector<16xf32>,
      %bitcast3A_837 = vector.bitcast %gather3A_836 : vector<16xf32> to vector<32xbf16>
      %unpack3A_838 = tpu.unpack_subelements %bitcast3A_837, 0 {pack_format = #tpu.pack_format<interleaved>} : vector<32xbf16> -> vector<16xf32>
      %unpack3A_839 = tpu.unpack_subelements %bitcast3A_837, 1 {pack_format = #tpu.pack_format<interleaved>} : vector<32xbf16> -> vector<16xf32>
      %eq3A_840 = arith.constant 0 : i32
      %eq3A_841 = vector.broadcast %eq3A_840 : i32 to vector<16xi32>
      %eq3A_842 = arith.cmpi eq, %and3A_778, %eq3A_841 : vector<16xi32>
      %select_n3A_843 = arith.select %eq3A_842, %unpack3A_838, %unpack3A_839 : vector<16xi1>, vector<16xf32>
      %mul3A_844 = arith.mulf %select_n3A_832, %select_n3A_843 : vector<16xf32>
      %add3A_845 = arith.addf %add3A_821, %mul3A_844 : vector<16xf32>
      %add3A_846 = arith.constant 3 : i32
      %add3A_847 = vector.broadcast %add3A_846 : i32 to vector<16xi32>
      %add3A_848 = arith.addi %shift_left3A_764, %add3A_847 : vector<16xi32>
      %gather3A_849 = tpu.vector_load_idx %arg11[%add3A_752, %add3A_848] : memref<256x128xf32, #tpu.memory_space<vmem>>[vector<16xi32>, vector<16xi32>], vector<16xf32>,
      %bitcast3A_850 = vector.bitcast %gather3A_849 : vector<16xf32> to vector<32xbf16>
      %unpack3A_851 = tpu.unpack_subelements %bitcast3A_850, 0 {pack_format = #tpu.pack_format<interleaved>} : vector<32xbf16> -> vector<16xf32>
      %unpack3A_852 = tpu.unpack_subelements %bitcast3A_850, 1 {pack_format = #tpu.pack_format<interleaved>} : vector<32xbf16> -> vector<16xf32>
      %eq3A_853 = arith.constant 0 : i32
      %eq3A_854 = vector.broadcast %eq3A_853 : i32 to vector<16xi32>
      %eq3A_855 = arith.cmpi eq, %and3A_774, %eq3A_854 : vector<16xi32>
      %select_n3A_856 = arith.select %eq3A_855, %unpack3A_851, %unpack3A_852 : vector<16xi1>, vector<16xf32>
      %add3A_857 = arith.constant 3 : i32
      %add3A_858 = vector.broadcast %add3A_857 : i32 to vector<16xi32>
      %add3A_859 = arith.addi %shift_left3A_770, %add3A_858 : vector<16xi32>
      %gather3A_860 = tpu.vector_load_idx %arg12[%add3A_752, %add3A_859] : memref<256x128xf32, #tpu.memory_space<vmem>>[vector<16xi32>, vector<16xi32>], vector<16xf32>,
      %bitcast3A_861 = vector.bitcast %gather3A_860 : vector<16xf32> to vector<32xbf16>
      %unpack3A_862 = tpu.unpack_subelements %bitcast3A_861, 0 {pack_format = #tpu.pack_format<interleaved>} : vector<32xbf16> -> vector<16xf32>
      %unpack3A_863 = tpu.unpack_subelements %bitcast3A_861, 1 {pack_format = #tpu.pack_format<interleaved>} : vector<32xbf16> -> vector<16xf32>
      %eq3A_864 = arith.constant 0 : i32
      %eq3A_865 = vector.broadcast %eq3A_864 : i32 to vector<16xi32>
      %eq3A_866 = arith.cmpi eq, %and3A_778, %eq3A_865 : vector<16xi32>
      %select_n3A_867 = arith.select %eq3A_866, %unpack3A_862, %unpack3A_863 : vector<16xi1>, vector<16xf32>
      %mul3A_868 = arith.mulf %select_n3A_856, %select_n3A_867 : vector<16xf32>
      %add3A_869 = arith.addf %add3A_845, %mul3A_868 : vector<16xf32>
      %add3A_870 = arith.constant 4 : i32
      %add3A_871 = vector.broadcast %add3A_870 : i32 to vector<16xi32>
      %add3A_872 = arith.addi %shift_left3A_764, %add3A_871 : vector<16xi32>
      %gather3A_873 = tpu.vector_load_idx %arg11[%add3A_752, %add3A_872] : memref<256x128xf32, #tpu.memory_space<vmem>>[vector<16xi32>, vector<16xi32>], vector<16xf32>,
      %bitcast3A_874 = vector.bitcast %gather3A_873 : vector<16xf32> to vector<32xbf16>
      %unpack3A_875 = tpu.unpack_subelements %bitcast3A_874, 0 {pack_format = #tpu.pack_format<interleaved>} : vector<32xbf16> -> vector<16xf32>
      %unpack3A_876 = tpu.unpack_subelements %bitcast3A_874, 1 {pack_format = #tpu.pack_format<interleaved>} : vector<32xbf16> -> vector<16xf32>
      %eq3A_877 = arith.constant 0 : i32
      %eq3A_878 = vector.broadcast %eq3A_877 : i32 to vector<16xi32>
      %eq3A_879 = arith.cmpi eq, %and3A_774, %eq3A_878 : vector<16xi32>
      %select_n3A_880 = arith.select %eq3A_879, %unpack3A_875, %unpack3A_876 : vector<16xi1>, vector<16xf32>
      %add3A_881 = arith.constant 4 : i32
      %add3A_882 = vector.broadcast %add3A_881 : i32 to vector<16xi32>
      %add3A_883 = arith.addi %shift_left3A_770, %add3A_882 : vector<16xi32>
      %gather3A_884 = tpu.vector_load_idx %arg12[%add3A_752, %add3A_883] : memref<256x128xf32, #tpu.memory_space<vmem>>[vector<16xi32>, vector<16xi32>], vector<16xf32>,
      %bitcast3A_885 = vector.bitcast %gather3A_884 : vector<16xf32> to vector<32xbf16>
      %unpack3A_886 = tpu.unpack_subelements %bitcast3A_885, 0 {pack_format = #tpu.pack_format<interleaved>} : vector<32xbf16> -> vector<16xf32>
      %unpack3A_887 = tpu.unpack_subelements %bitcast3A_885, 1 {pack_format = #tpu.pack_format<interleaved>} : vector<32xbf16> -> vector<16xf32>
      %eq3A_888 = arith.constant 0 : i32
      %eq3A_889 = vector.broadcast %eq3A_888 : i32 to vector<16xi32>
      %eq3A_890 = arith.cmpi eq, %and3A_778, %eq3A_889 : vector<16xi32>
      %select_n3A_891 = arith.select %eq3A_890, %unpack3A_886, %unpack3A_887 : vector<16xi1>, vector<16xf32>
      %mul3A_892 = arith.mulf %select_n3A_880, %select_n3A_891 : vector<16xf32>
      %add3A_893 = arith.addf %add3A_869, %mul3A_892 : vector<16xf32>
      %add3A_894 = arith.constant 5 : i32
      %add3A_895 = vector.broadcast %add3A_894 : i32 to vector<16xi32>
      %add3A_896 = arith.addi %shift_left3A_764, %add3A_895 : vector<16xi32>
      %gather3A_897 = tpu.vector_load_idx %arg11[%add3A_752, %add3A_896] : memref<256x128xf32, #tpu.memory_space<vmem>>[vector<16xi32>, vector<16xi32>], vector<16xf32>,
      %bitcast3A_898 = vector.bitcast %gather3A_897 : vector<16xf32> to vector<32xbf16>
      %unpack3A_899 = tpu.unpack_subelements %bitcast3A_898, 0 {pack_format = #tpu.pack_format<interleaved>} : vector<32xbf16> -> vector<16xf32>
      %unpack3A_900 = tpu.unpack_subelements %bitcast3A_898, 1 {pack_format = #tpu.pack_format<interleaved>} : vector<32xbf16> -> vector<16xf32>
      %eq3A_901 = arith.constant 0 : i32
      %eq3A_902 = vector.broadcast %eq3A_901 : i32 to vector<16xi32>
      %eq3A_903 = arith.cmpi eq, %and3A_774, %eq3A_902 : vector<16xi32>
      %select_n3A_904 = arith.select %eq3A_903, %unpack3A_899, %unpack3A_900 : vector<16xi1>, vector<16xf32>
      %add3A_905 = arith.constant 5 : i32
      %add3A_906 = vector.broadcast %add3A_905 : i32 to vector<16xi32>
      %add3A_907 = arith.addi %shift_left3A_770, %add3A_906 : vector<16xi32>
      %gather3A_908 = tpu.vector_load_idx %arg12[%add3A_752, %add3A_907] : memref<256x128xf32, #tpu.memory_space<vmem>>[vector<16xi32>, vector<16xi32>], vector<16xf32>,
      %bitcast3A_909 = vector.bitcast %gather3A_908 : vector<16xf32> to vector<32xbf16>
      %unpack3A_910 = tpu.unpack_subelements %bitcast3A_909, 0 {pack_format = #tpu.pack_format<interleaved>} : vector<32xbf16> -> vector<16xf32>
      %unpack3A_911 = tpu.unpack_subelements %bitcast3A_909, 1 {pack_format = #tpu.pack_format<interleaved>} : vector<32xbf16> -> vector<16xf32>
      %eq3A_912 = arith.constant 0 : i32
      %eq3A_913 = vector.broadcast %eq3A_912 : i32 to vector<16xi32>
      %eq3A_914 = arith.cmpi eq, %and3A_778, %eq3A_913 : vector<16xi32>
      %select_n3A_915 = arith.select %eq3A_914, %unpack3A_910, %unpack3A_911 : vector<16xi1>, vector<16xf32>
      %mul3A_916 = arith.mulf %select_n3A_904, %select_n3A_915 : vector<16xf32>
      %add3A_917 = arith.addf %add3A_893, %mul3A_916 : vector<16xf32>
      %add3A_918 = arith.constant 6 : i32
      %add3A_919 = vector.broadcast %add3A_918 : i32 to vector<16xi32>
      %add3A_920 = arith.addi %shift_left3A_764, %add3A_919 : vector<16xi32>
      %gather3A_921 = tpu.vector_load_idx %arg11[%add3A_752, %add3A_920] : memref<256x128xf32, #tpu.memory_space<vmem>>[vector<16xi32>, vector<16xi32>], vector<16xf32>,
      %bitcast3A_922 = vector.bitcast %gather3A_921 : vector<16xf32> to vector<32xbf16>
      %unpack3A_923 = tpu.unpack_subelements %bitcast3A_922, 0 {pack_format = #tpu.pack_format<interleaved>} : vector<32xbf16> -> vector<16xf32>
      %unpack3A_924 = tpu.unpack_subelements %bitcast3A_922, 1 {pack_format = #tpu.pack_format<interleaved>} : vector<32xbf16> -> vector<16xf32>
      %eq3A_925 = arith.constant 0 : i32
      %eq3A_926 = vector.broadcast %eq3A_925 : i32 to vector<16xi32>
      %eq3A_927 = arith.cmpi eq, %and3A_774, %eq3A_926 : vector<16xi32>
      %select_n3A_928 = arith.select %eq3A_927, %unpack3A_923, %unpack3A_924 : vector<16xi1>, vector<16xf32>
      %add3A_929 = arith.constant 6 : i32
      %add3A_930 = vector.broadcast %add3A_929 : i32 to vector<16xi32>
      %add3A_931 = arith.addi %shift_left3A_770, %add3A_930 : vector<16xi32>
      %gather3A_932 = tpu.vector_load_idx %arg12[%add3A_752, %add3A_931] : memref<256x128xf32, #tpu.memory_space<vmem>>[vector<16xi32>, vector<16xi32>], vector<16xf32>,
      %bitcast3A_933 = vector.bitcast %gather3A_932 : vector<16xf32> to vector<32xbf16>
      %unpack3A_934 = tpu.unpack_subelements %bitcast3A_933, 0 {pack_format = #tpu.pack_format<interleaved>} : vector<32xbf16> -> vector<16xf32>
      %unpack3A_935 = tpu.unpack_subelements %bitcast3A_933, 1 {pack_format = #tpu.pack_format<interleaved>} : vector<32xbf16> -> vector<16xf32>
      %eq3A_936 = arith.constant 0 : i32
      %eq3A_937 = vector.broadcast %eq3A_936 : i32 to vector<16xi32>
      %eq3A_938 = arith.cmpi eq, %and3A_778, %eq3A_937 : vector<16xi32>
      %select_n3A_939 = arith.select %eq3A_938, %unpack3A_934, %unpack3A_935 : vector<16xi1>, vector<16xf32>
      %mul3A_940 = arith.mulf %select_n3A_928, %select_n3A_939 : vector<16xf32>
      %add3A_941 = arith.addf %add3A_917, %mul3A_940 : vector<16xf32>
      %add3A_942 = arith.constant 7 : i32
      %add3A_943 = vector.broadcast %add3A_942 : i32 to vector<16xi32>
      %add3A_944 = arith.addi %shift_left3A_764, %add3A_943 : vector<16xi32>
      %gather3A_945 = tpu.vector_load_idx %arg11[%add3A_752, %add3A_944] : memref<256x128xf32, #tpu.memory_space<vmem>>[vector<16xi32>, vector<16xi32>], vector<16xf32>,
      %bitcast3A_946 = vector.bitcast %gather3A_945 : vector<16xf32> to vector<32xbf16>
      %unpack3A_947 = tpu.unpack_subelements %bitcast3A_946, 0 {pack_format = #tpu.pack_format<interleaved>} : vector<32xbf16> -> vector<16xf32>
      %unpack3A_948 = tpu.unpack_subelements %bitcast3A_946, 1 {pack_format = #tpu.pack_format<interleaved>} : vector<32xbf16> -> vector<16xf32>
      %eq3A_949 = arith.constant 0 : i32
      %eq3A_950 = vector.broadcast %eq3A_949 : i32 to vector<16xi32>
      %eq3A_951 = arith.cmpi eq, %and3A_774, %eq3A_950 : vector<16xi32>
      %select_n3A_952 = arith.select %eq3A_951, %unpack3A_947, %unpack3A_948 : vector<16xi1>, vector<16xf32>
      %add3A_953 = arith.constant 7 : i32
      %add3A_954 = vector.broadcast %add3A_953 : i32 to vector<16xi32>
      %add3A_955 = arith.addi %shift_left3A_770, %add3A_954 : vector<16xi32>
      %gather3A_956 = tpu.vector_load_idx %arg12[%add3A_752, %add3A_955] : memref<256x128xf32, #tpu.memory_space<vmem>>[vector<16xi32>, vector<16xi32>], vector<16xf32>,
      %bitcast3A_957 = vector.bitcast %gather3A_956 : vector<16xf32> to vector<32xbf16>
      %unpack3A_958 = tpu.unpack_subelements %bitcast3A_957, 0 {pack_format = #tpu.pack_format<interleaved>} : vector<32xbf16> -> vector<16xf32>
      %unpack3A_959 = tpu.unpack_subelements %bitcast3A_957, 1 {pack_format = #tpu.pack_format<interleaved>} : vector<32xbf16> -> vector<16xf32>
      %eq3A_960 = arith.constant 0 : i32
      %eq3A_961 = vector.broadcast %eq3A_960 : i32 to vector<16xi32>
      %eq3A_962 = arith.cmpi eq, %and3A_778, %eq3A_961 : vector<16xi32>
      %select_n3A_963 = arith.select %eq3A_962, %unpack3A_958, %unpack3A_959 : vector<16xi1>, vector<16xf32>
      %mul3A_964 = arith.mulf %select_n3A_952, %select_n3A_963 : vector<16xf32>
      %add3A_965 = arith.addf %add3A_941, %mul3A_964 : vector<16xf32>
      %add3A_966 = arith.constant 8 : i32
      %add3A_967 = vector.broadcast %add3A_966 : i32 to vector<16xi32>
      %add3A_968 = arith.addi %shift_left3A_764, %add3A_967 : vector<16xi32>
      %gather3A_969 = tpu.vector_load_idx %arg11[%add3A_752, %add3A_968] : memref<256x128xf32, #tpu.memory_space<vmem>>[vector<16xi32>, vector<16xi32>], vector<16xf32>,
      %bitcast3A_970 = vector.bitcast %gather3A_969 : vector<16xf32> to vector<32xbf16>
      %unpack3A_971 = tpu.unpack_subelements %bitcast3A_970, 0 {pack_format = #tpu.pack_format<interleaved>} : vector<32xbf16> -> vector<16xf32>
      %unpack3A_972 = tpu.unpack_subelements %bitcast3A_970, 1 {pack_format = #tpu.pack_format<interleaved>} : vector<32xbf16> -> vector<16xf32>
      %eq3A_973 = arith.constant 0 : i32
      %eq3A_974 = vector.broadcast %eq3A_973 : i32 to vector<16xi32>
      %eq3A_975 = arith.cmpi eq, %and3A_774, %eq3A_974 : vector<16xi32>
      %select_n3A_976 = arith.select %eq3A_975, %unpack3A_971, %unpack3A_972 : vector<16xi1>, vector<16xf32>
      %add3A_977 = arith.constant 8 : i32
      %add3A_978 = vector.broadcast %add3A_977 : i32 to vector<16xi32>
      %add3A_979 = arith.addi %shift_left3A_770, %add3A_978 : vector<16xi32>
      %gather3A_980 = tpu.vector_load_idx %arg12[%add3A_752, %add3A_979] : memref<256x128xf32, #tpu.memory_space<vmem>>[vector<16xi32>, vector<16xi32>], vector<16xf32>,
      %bitcast3A_981 = vector.bitcast %gather3A_980 : vector<16xf32> to vector<32xbf16>
      %unpack3A_982 = tpu.unpack_subelements %bitcast3A_981, 0 {pack_format = #tpu.pack_format<interleaved>} : vector<32xbf16> -> vector<16xf32>
      %unpack3A_983 = tpu.unpack_subelements %bitcast3A_981, 1 {pack_format = #tpu.pack_format<interleaved>} : vector<32xbf16> -> vector<16xf32>
      %eq3A_984 = arith.constant 0 : i32
      %eq3A_985 = vector.broadcast %eq3A_984 : i32 to vector<16xi32>
      %eq3A_986 = arith.cmpi eq, %and3A_778, %eq3A_985 : vector<16xi32>
      %select_n3A_987 = arith.select %eq3A_986, %unpack3A_982, %unpack3A_983 : vector<16xi1>, vector<16xf32>
      %mul3A_988 = arith.mulf %select_n3A_976, %select_n3A_987 : vector<16xf32>
      %add3A_989 = arith.addf %add3A_965, %mul3A_988 : vector<16xf32>
      %add3A_990 = arith.constant 9 : i32
      %add3A_991 = vector.broadcast %add3A_990 : i32 to vector<16xi32>
      %add3A_992 = arith.addi %shift_left3A_764, %add3A_991 : vector<16xi32>
      %gather3A_993 = tpu.vector_load_idx %arg11[%add3A_752, %add3A_992] : memref<256x128xf32, #tpu.memory_space<vmem>>[vector<16xi32>, vector<16xi32>], vector<16xf32>,
      %bitcast3A_994 = vector.bitcast %gather3A_993 : vector<16xf32> to vector<32xbf16>
      %unpack3A_995 = tpu.unpack_subelements %bitcast3A_994, 0 {pack_format = #tpu.pack_format<interleaved>} : vector<32xbf16> -> vector<16xf32>
      %unpack3A_996 = tpu.unpack_subelements %bitcast3A_994, 1 {pack_format = #tpu.pack_format<interleaved>} : vector<32xbf16> -> vector<16xf32>
      %eq3A_997 = arith.constant 0 : i32
      %eq3A_998 = vector.broadcast %eq3A_997 : i32 to vector<16xi32>
      %eq3A_999 = arith.cmpi eq, %and3A_774, %eq3A_998 : vector<16xi32>
      %select_n3A_1000 = arith.select %eq3A_999, %unpack3A_995, %unpack3A_996 : vector<16xi1>, vector<16xf32>
      %add3A_1001 = arith.constant 9 : i32
      %add3A_1002 = vector.broadcast %add3A_1001 : i32 to vector<16xi32>
      %add3A_1003 = arith.addi %shift_left3A_770, %add3A_1002 : vector<16xi32>
      %gather3A_1004 = tpu.vector_load_idx %arg12[%add3A_752, %add3A_1003] : memref<256x128xf32, #tpu.memory_space<vmem>>[vector<16xi32>, vector<16xi32>], vector<16xf32>,
      %bitcast3A_1005 = vector.bitcast %gather3A_1004 : vector<16xf32> to vector<32xbf16>
      %unpack3A_1006 = tpu.unpack_subelements %bitcast3A_1005, 0 {pack_format = #tpu.pack_format<interleaved>} : vector<32xbf16> -> vector<16xf32>
      %unpack3A_1007 = tpu.unpack_subelements %bitcast3A_1005, 1 {pack_format = #tpu.pack_format<interleaved>} : vector<32xbf16> -> vector<16xf32>
      %eq3A_1008 = arith.constant 0 : i32
      %eq3A_1009 = vector.broadcast %eq3A_1008 : i32 to vector<16xi32>
      %eq3A_1010 = arith.cmpi eq, %and3A_778, %eq3A_1009 : vector<16xi32>
      %select_n3A_1011 = arith.select %eq3A_1010, %unpack3A_1006, %unpack3A_1007 : vector<16xi1>, vector<16xf32>
      %mul3A_1012 = arith.mulf %select_n3A_1000, %select_n3A_1011 : vector<16xf32>
      %add3A_1013 = arith.addf %add3A_989, %mul3A_1012 : vector<16xf32>
      %add3A_1014 = arith.constant 10 : i32
      %add3A_1015 = vector.broadcast %add3A_1014 : i32 to vector<16xi32>
      %add3A_1016 = arith.addi %shift_left3A_764, %add3A_1015 : vector<16xi32>
      %gather3A_1017 = tpu.vector_load_idx %arg11[%add3A_752, %add3A_1016] : memref<256x128xf32, #tpu.memory_space<vmem>>[vector<16xi32>, vector<16xi32>], vector<16xf32>,
      %bitcast3A_1018 = vector.bitcast %gather3A_1017 : vector<16xf32> to vector<32xbf16>
      %unpack3A_1019 = tpu.unpack_subelements %bitcast3A_1018, 0 {pack_format = #tpu.pack_format<interleaved>} : vector<32xbf16> -> vector<16xf32>
      %unpack3A_1020 = tpu.unpack_subelements %bitcast3A_1018, 1 {pack_format = #tpu.pack_format<interleaved>} : vector<32xbf16> -> vector<16xf32>
      %eq3A_1021 = arith.constant 0 : i32
      %eq3A_1022 = vector.broadcast %eq3A_1021 : i32 to vector<16xi32>
      %eq3A_1023 = arith.cmpi eq, %and3A_774, %eq3A_1022 : vector<16xi32>
      %select_n3A_1024 = arith.select %eq3A_1023, %unpack3A_1019, %unpack3A_1020 : vector<16xi1>, vector<16xf32>
      %add3A_1025 = arith.constant 10 : i32
      %add3A_1026 = vector.broadcast %add3A_1025 : i32 to vector<16xi32>
      %add3A_1027 = arith.addi %shift_left3A_770, %add3A_1026 : vector<16xi32>
      %gather3A_1028 = tpu.vector_load_idx %arg12[%add3A_752, %add3A_1027] : memref<256x128xf32, #tpu.memory_space<vmem>>[vector<16xi32>, vector<16xi32>], vector<16xf32>,
      %bitcast3A_1029 = vector.bitcast %gather3A_1028 : vector<16xf32> to vector<32xbf16>
      %unpack3A_1030 = tpu.unpack_subelements %bitcast3A_1029, 0 {pack_format = #tpu.pack_format<interleaved>} : vector<32xbf16> -> vector<16xf32>
      %unpack3A_1031 = tpu.unpack_subelements %bitcast3A_1029, 1 {pack_format = #tpu.pack_format<interleaved>} : vector<32xbf16> -> vector<16xf32>
      %eq3A_1032 = arith.constant 0 : i32
      %eq3A_1033 = vector.broadcast %eq3A_1032 : i32 to vector<16xi32>
      %eq3A_1034 = arith.cmpi eq, %and3A_778, %eq3A_1033 : vector<16xi32>
      %select_n3A_1035 = arith.select %eq3A_1034, %unpack3A_1030, %unpack3A_1031 : vector<16xi1>, vector<16xf32>
      %mul3A_1036 = arith.mulf %select_n3A_1024, %select_n3A_1035 : vector<16xf32>
      %add3A_1037 = arith.addf %add3A_1013, %mul3A_1036 : vector<16xf32>
      %add3A_1038 = arith.constant 11 : i32
      %add3A_1039 = vector.broadcast %add3A_1038 : i32 to vector<16xi32>
      %add3A_1040 = arith.addi %shift_left3A_764, %add3A_1039 : vector<16xi32>
      %gather3A_1041 = tpu.vector_load_idx %arg11[%add3A_752, %add3A_1040] : memref<256x128xf32, #tpu.memory_space<vmem>>[vector<16xi32>, vector<16xi32>], vector<16xf32>,
      %bitcast3A_1042 = vector.bitcast %gather3A_1041 : vector<16xf32> to vector<32xbf16>
      %unpack3A_1043 = tpu.unpack_subelements %bitcast3A_1042, 0 {pack_format = #tpu.pack_format<interleaved>} : vector<32xbf16> -> vector<16xf32>
      %unpack3A_1044 = tpu.unpack_subelements %bitcast3A_1042, 1 {pack_format = #tpu.pack_format<interleaved>} : vector<32xbf16> -> vector<16xf32>
      %eq3A_1045 = arith.constant 0 : i32
      %eq3A_1046 = vector.broadcast %eq3A_1045 : i32 to vector<16xi32>
      %eq3A_1047 = arith.cmpi eq, %and3A_774, %eq3A_1046 : vector<16xi32>
      %select_n3A_1048 = arith.select %eq3A_1047, %unpack3A_1043, %unpack3A_1044 : vector<16xi1>, vector<16xf32>
      %add3A_1049 = arith.constant 11 : i32
      %add3A_1050 = vector.broadcast %add3A_1049 : i32 to vector<16xi32>
      %add3A_1051 = arith.addi %shift_left3A_770, %add3A_1050 : vector<16xi32>
      %gather3A_1052 = tpu.vector_load_idx %arg12[%add3A_752, %add3A_1051] : memref<256x128xf32, #tpu.memory_space<vmem>>[vector<16xi32>, vector<16xi32>], vector<16xf32>,
      %bitcast3A_1053 = vector.bitcast %gather3A_1052 : vector<16xf32> to vector<32xbf16>
      %unpack3A_1054 = tpu.unpack_subelements %bitcast3A_1053, 0 {pack_format = #tpu.pack_format<interleaved>} : vector<32xbf16> -> vector<16xf32>
      %unpack3A_1055 = tpu.unpack_subelements %bitcast3A_1053, 1 {pack_format = #tpu.pack_format<interleaved>} : vector<32xbf16> -> vector<16xf32>
      %eq3A_1056 = arith.constant 0 : i32
      %eq3A_1057 = vector.broadcast %eq3A_1056 : i32 to vector<16xi32>
      %eq3A_1058 = arith.cmpi eq, %and3A_778, %eq3A_1057 : vector<16xi32>
      %select_n3A_1059 = arith.select %eq3A_1058, %unpack3A_1054, %unpack3A_1055 : vector<16xi1>, vector<16xf32>
      %mul3A_1060 = arith.mulf %select_n3A_1048, %select_n3A_1059 : vector<16xf32>
      %add3A_1061 = arith.addf %add3A_1037, %mul3A_1060 : vector<16xf32>
      %add3A_1062 = arith.constant 12 : i32
      %add3A_1063 = vector.broadcast %add3A_1062 : i32 to vector<16xi32>
      %add3A_1064 = arith.addi %shift_left3A_764, %add3A_1063 : vector<16xi32>
      %gather3A_1065 = tpu.vector_load_idx %arg11[%add3A_752, %add3A_1064] : memref<256x128xf32, #tpu.memory_space<vmem>>[vector<16xi32>, vector<16xi32>], vector<16xf32>,
      %bitcast3A_1066 = vector.bitcast %gather3A_1065 : vector<16xf32> to vector<32xbf16>
      %unpack3A_1067 = tpu.unpack_subelements %bitcast3A_1066, 0 {pack_format = #tpu.pack_format<interleaved>} : vector<32xbf16> -> vector<16xf32>
      %unpack3A_1068 = tpu.unpack_subelements %bitcast3A_1066, 1 {pack_format = #tpu.pack_format<interleaved>} : vector<32xbf16> -> vector<16xf32>
      %eq3A_1069 = arith.constant 0 : i32
      %eq3A_1070 = vector.broadcast %eq3A_1069 : i32 to vector<16xi32>
      %eq3A_1071 = arith.cmpi eq, %and3A_774, %eq3A_1070 : vector<16xi32>
      %select_n3A_1072 = arith.select %eq3A_1071, %unpack3A_1067, %unpack3A_1068 : vector<16xi1>, vector<16xf32>
      %add3A_1073 = arith.constant 12 : i32
      %add3A_1074 = vector.broadcast %add3A_1073 : i32 to vector<16xi32>
      %add3A_1075 = arith.addi %shift_left3A_770, %add3A_1074 : vector<16xi32>
      %gather3A_1076 = tpu.vector_load_idx %arg12[%add3A_752, %add3A_1075] : memref<256x128xf32, #tpu.memory_space<vmem>>[vector<16xi32>, vector<16xi32>], vector<16xf32>,
      %bitcast3A_1077 = vector.bitcast %gather3A_1076 : vector<16xf32> to vector<32xbf16>
      %unpack3A_1078 = tpu.unpack_subelements %bitcast3A_1077, 0 {pack_format = #tpu.pack_format<interleaved>} : vector<32xbf16> -> vector<16xf32>
      %unpack3A_1079 = tpu.unpack_subelements %bitcast3A_1077, 1 {pack_format = #tpu.pack_format<interleaved>} : vector<32xbf16> -> vector<16xf32>
      %eq3A_1080 = arith.constant 0 : i32
      %eq3A_1081 = vector.broadcast %eq3A_1080 : i32 to vector<16xi32>
      %eq3A_1082 = arith.cmpi eq, %and3A_778, %eq3A_1081 : vector<16xi32>
      %select_n3A_1083 = arith.select %eq3A_1082, %unpack3A_1078, %unpack3A_1079 : vector<16xi1>, vector<16xf32>
      %mul3A_1084 = arith.mulf %select_n3A_1072, %select_n3A_1083 : vector<16xf32>
      %add3A_1085 = arith.addf %add3A_1061, %mul3A_1084 : vector<16xf32>
      %add3A_1086 = arith.constant 13 : i32
      %add3A_1087 = vector.broadcast %add3A_1086 : i32 to vector<16xi32>
      %add3A_1088 = arith.addi %shift_left3A_764, %add3A_1087 : vector<16xi32>
      %gather3A_1089 = tpu.vector_load_idx %arg11[%add3A_752, %add3A_1088] : memref<256x128xf32, #tpu.memory_space<vmem>>[vector<16xi32>, vector<16xi32>], vector<16xf32>,
      %bitcast3A_1090 = vector.bitcast %gather3A_1089 : vector<16xf32> to vector<32xbf16>
      %unpack3A_1091 = tpu.unpack_subelements %bitcast3A_1090, 0 {pack_format = #tpu.pack_format<interleaved>} : vector<32xbf16> -> vector<16xf32>
      %unpack3A_1092 = tpu.unpack_subelements %bitcast3A_1090, 1 {pack_format = #tpu.pack_format<interleaved>} : vector<32xbf16> -> vector<16xf32>
      %eq3A_1093 = arith.constant 0 : i32
      %eq3A_1094 = vector.broadcast %eq3A_1093 : i32 to vector<16xi32>
      %eq3A_1095 = arith.cmpi eq, %and3A_774, %eq3A_1094 : vector<16xi32>
      %select_n3A_1096 = arith.select %eq3A_1095, %unpack3A_1091, %unpack3A_1092 : vector<16xi1>, vector<16xf32>
      %add3A_1097 = arith.constant 13 : i32
      %add3A_1098 = vector.broadcast %add3A_1097 : i32 to vector<16xi32>
      %add3A_1099 = arith.addi %shift_left3A_770, %add3A_1098 : vector<16xi32>
      %gather3A_1100 = tpu.vector_load_idx %arg12[%add3A_752, %add3A_1099] : memref<256x128xf32, #tpu.memory_space<vmem>>[vector<16xi32>, vector<16xi32>], vector<16xf32>,
      %bitcast3A_1101 = vector.bitcast %gather3A_1100 : vector<16xf32> to vector<32xbf16>
      %unpack3A_1102 = tpu.unpack_subelements %bitcast3A_1101, 0 {pack_format = #tpu.pack_format<interleaved>} : vector<32xbf16> -> vector<16xf32>
      %unpack3A_1103 = tpu.unpack_subelements %bitcast3A_1101, 1 {pack_format = #tpu.pack_format<interleaved>} : vector<32xbf16> -> vector<16xf32>
      %eq3A_1104 = arith.constant 0 : i32
      %eq3A_1105 = vector.broadcast %eq3A_1104 : i32 to vector<16xi32>
      %eq3A_1106 = arith.cmpi eq, %and3A_778, %eq3A_1105 : vector<16xi32>
      %select_n3A_1107 = arith.select %eq3A_1106, %unpack3A_1102, %unpack3A_1103 : vector<16xi1>, vector<16xf32>
      %mul3A_1108 = arith.mulf %select_n3A_1096, %select_n3A_1107 : vector<16xf32>
      %add3A_1109 = arith.addf %add3A_1085, %mul3A_1108 : vector<16xf32>
      %add3A_1110 = arith.constant 14 : i32
      %add3A_1111 = vector.broadcast %add3A_1110 : i32 to vector<16xi32>
      %add3A_1112 = arith.addi %shift_left3A_764, %add3A_1111 : vector<16xi32>
      %gather3A_1113 = tpu.vector_load_idx %arg11[%add3A_752, %add3A_1112] : memref<256x128xf32, #tpu.memory_space<vmem>>[vector<16xi32>, vector<16xi32>], vector<16xf32>,
      %bitcast3A_1114 = vector.bitcast %gather3A_1113 : vector<16xf32> to vector<32xbf16>
      %unpack3A_1115 = tpu.unpack_subelements %bitcast3A_1114, 0 {pack_format = #tpu.pack_format<interleaved>} : vector<32xbf16> -> vector<16xf32>
      %unpack3A_1116 = tpu.unpack_subelements %bitcast3A_1114, 1 {pack_format = #tpu.pack_format<interleaved>} : vector<32xbf16> -> vector<16xf32>
      %eq3A_1117 = arith.constant 0 : i32
      %eq3A_1118 = vector.broadcast %eq3A_1117 : i32 to vector<16xi32>
      %eq3A_1119 = arith.cmpi eq, %and3A_774, %eq3A_1118 : vector<16xi32>
      %select_n3A_1120 = arith.select %eq3A_1119, %unpack3A_1115, %unpack3A_1116 : vector<16xi1>, vector<16xf32>
      %add3A_1121 = arith.constant 14 : i32
      %add3A_1122 = vector.broadcast %add3A_1121 : i32 to vector<16xi32>
      %add3A_1123 = arith.addi %shift_left3A_770, %add3A_1122 : vector<16xi32>
      %gather3A_1124 = tpu.vector_load_idx %arg12[%add3A_752, %add3A_1123] : memref<256x128xf32, #tpu.memory_space<vmem>>[vector<16xi32>, vector<16xi32>], vector<16xf32>,
      %bitcast3A_1125 = vector.bitcast %gather3A_1124 : vector<16xf32> to vector<32xbf16>
      %unpack3A_1126 = tpu.unpack_subelements %bitcast3A_1125, 0 {pack_format = #tpu.pack_format<interleaved>} : vector<32xbf16> -> vector<16xf32>
      %unpack3A_1127 = tpu.unpack_subelements %bitcast3A_1125, 1 {pack_format = #tpu.pack_format<interleaved>} : vector<32xbf16> -> vector<16xf32>
      %eq3A_1128 = arith.constant 0 : i32
      %eq3A_1129 = vector.broadcast %eq3A_1128 : i32 to vector<16xi32>
      %eq3A_1130 = arith.cmpi eq, %and3A_778, %eq3A_1129 : vector<16xi32>
      %select_n3A_1131 = arith.select %eq3A_1130, %unpack3A_1126, %unpack3A_1127 : vector<16xi1>, vector<16xf32>
      %mul3A_1132 = arith.mulf %select_n3A_1120, %select_n3A_1131 : vector<16xf32>
      %add3A_1133 = arith.addf %add3A_1109, %mul3A_1132 : vector<16xf32>
      %add3A_1134 = arith.constant 15 : i32
      %add3A_1135 = vector.broadcast %add3A_1134 : i32 to vector<16xi32>
      %add3A_1136 = arith.addi %shift_left3A_764, %add3A_1135 : vector<16xi32>
      %gather3A_1137 = tpu.vector_load_idx %arg11[%add3A_752, %add3A_1136] : memref<256x128xf32, #tpu.memory_space<vmem>>[vector<16xi32>, vector<16xi32>], vector<16xf32>,
      %bitcast3A_1138 = vector.bitcast %gather3A_1137 : vector<16xf32> to vector<32xbf16>
      %unpack3A_1139 = tpu.unpack_subelements %bitcast3A_1138, 0 {pack_format = #tpu.pack_format<interleaved>} : vector<32xbf16> -> vector<16xf32>
      %unpack3A_1140 = tpu.unpack_subelements %bitcast3A_1138, 1 {pack_format = #tpu.pack_format<interleaved>} : vector<32xbf16> -> vector<16xf32>
      %eq3A_1141 = arith.constant 0 : i32
      %eq3A_1142 = vector.broadcast %eq3A_1141 : i32 to vector<16xi32>
      %eq3A_1143 = arith.cmpi eq, %and3A_774, %eq3A_1142 : vector<16xi32>
      %select_n3A_1144 = arith.select %eq3A_1143, %unpack3A_1139, %unpack3A_1140 : vector<16xi1>, vector<16xf32>
      %add3A_1145 = arith.constant 15 : i32
      %add3A_1146 = vector.broadcast %add3A_1145 : i32 to vector<16xi32>
      %add3A_1147 = arith.addi %shift_left3A_770, %add3A_1146 : vector<16xi32>
      %gather3A_1148 = tpu.vector_load_idx %arg12[%add3A_752, %add3A_1147] : memref<256x128xf32, #tpu.memory_space<vmem>>[vector<16xi32>, vector<16xi32>], vector<16xf32>,
      %bitcast3A_1149 = vector.bitcast %gather3A_1148 : vector<16xf32> to vector<32xbf16>
      %unpack3A_1150 = tpu.unpack_subelements %bitcast3A_1149, 0 {pack_format = #tpu.pack_format<interleaved>} : vector<32xbf16> -> vector<16xf32>
      %unpack3A_1151 = tpu.unpack_subelements %bitcast3A_1149, 1 {pack_format = #tpu.pack_format<interleaved>} : vector<32xbf16> -> vector<16xf32>
      %eq3A_1152 = arith.constant 0 : i32
      %eq3A_1153 = vector.broadcast %eq3A_1152 : i32 to vector<16xi32>
      %eq3A_1154 = arith.cmpi eq, %and3A_778, %eq3A_1153 : vector<16xi32>
      %select_n3A_1155 = arith.select %eq3A_1154, %unpack3A_1150, %unpack3A_1151 : vector<16xi1>, vector<16xf32>
      %mul3A_1156 = arith.mulf %select_n3A_1144, %select_n3A_1155 : vector<16xf32>
      %add3A_1157 = arith.addf %add3A_1133, %mul3A_1156 : vector<16xf32>
      %add3A_1158 = arith.constant 16 : i32
      %add3A_1159 = vector.broadcast %add3A_1158 : i32 to vector<16xi32>
      %add3A_1160 = arith.addi %shift_left3A_764, %add3A_1159 : vector<16xi32>
      %gather3A_1161 = tpu.vector_load_idx %arg11[%add3A_752, %add3A_1160] : memref<256x128xf32, #tpu.memory_space<vmem>>[vector<16xi32>, vector<16xi32>], vector<16xf32>,
      %bitcast3A_1162 = vector.bitcast %gather3A_1161 : vector<16xf32> to vector<32xbf16>
      %unpack3A_1163 = tpu.unpack_subelements %bitcast3A_1162, 0 {pack_format = #tpu.pack_format<interleaved>} : vector<32xbf16> -> vector<16xf32>
      %unpack3A_1164 = tpu.unpack_subelements %bitcast3A_1162, 1 {pack_format = #tpu.pack_format<interleaved>} : vector<32xbf16> -> vector<16xf32>
      %eq3A_1165 = arith.constant 0 : i32
      %eq3A_1166 = vector.broadcast %eq3A_1165 : i32 to vector<16xi32>
      %eq3A_1167 = arith.cmpi eq, %and3A_774, %eq3A_1166 : vector<16xi32>
      %select_n3A_1168 = arith.select %eq3A_1167, %unpack3A_1163, %unpack3A_1164 : vector<16xi1>, vector<16xf32>
      %add3A_1169 = arith.constant 16 : i32
      %add3A_1170 = vector.broadcast %add3A_1169 : i32 to vector<16xi32>
      %add3A_1171 = arith.addi %shift_left3A_770, %add3A_1170 : vector<16xi32>
      %gather3A_1172 = tpu.vector_load_idx %arg12[%add3A_752, %add3A_1171] : memref<256x128xf32, #tpu.memory_space<vmem>>[vector<16xi32>, vector<16xi32>], vector<16xf32>,
      %bitcast3A_1173 = vector.bitcast %gather3A_1172 : vector<16xf32> to vector<32xbf16>
      %unpack3A_1174 = tpu.unpack_subelements %bitcast3A_1173, 0 {pack_format = #tpu.pack_format<interleaved>} : vector<32xbf16> -> vector<16xf32>
      %unpack3A_1175 = tpu.unpack_subelements %bitcast3A_1173, 1 {pack_format = #tpu.pack_format<interleaved>} : vector<32xbf16> -> vector<16xf32>
      %eq3A_1176 = arith.constant 0 : i32
      %eq3A_1177 = vector.broadcast %eq3A_1176 : i32 to vector<16xi32>
      %eq3A_1178 = arith.cmpi eq, %and3A_778, %eq3A_1177 : vector<16xi32>
      %select_n3A_1179 = arith.select %eq3A_1178, %unpack3A_1174, %unpack3A_1175 : vector<16xi1>, vector<16xf32>
      %mul3A_1180 = arith.mulf %select_n3A_1168, %select_n3A_1179 : vector<16xf32>
      %add3A_1181 = arith.addf %add3A_1157, %mul3A_1180 : vector<16xf32>
      %add3A_1182 = arith.constant 17 : i32
      %add3A_1183 = vector.broadcast %add3A_1182 : i32 to vector<16xi32>
      %add3A_1184 = arith.addi %shift_left3A_764, %add3A_1183 : vector<16xi32>
      %gather3A_1185 = tpu.vector_load_idx %arg11[%add3A_752, %add3A_1184] : memref<256x128xf32, #tpu.memory_space<vmem>>[vector<16xi32>, vector<16xi32>], vector<16xf32>,
      %bitcast3A_1186 = vector.bitcast %gather3A_1185 : vector<16xf32> to vector<32xbf16>
      %unpack3A_1187 = tpu.unpack_subelements %bitcast3A_1186, 0 {pack_format = #tpu.pack_format<interleaved>} : vector<32xbf16> -> vector<16xf32>
      %unpack3A_1188 = tpu.unpack_subelements %bitcast3A_1186, 1 {pack_format = #tpu.pack_format<interleaved>} : vector<32xbf16> -> vector<16xf32>
      %eq3A_1189 = arith.constant 0 : i32
      %eq3A_1190 = vector.broadcast %eq3A_1189 : i32 to vector<16xi32>
      %eq3A_1191 = arith.cmpi eq, %and3A_774, %eq3A_1190 : vector<16xi32>
      %select_n3A_1192 = arith.select %eq3A_1191, %unpack3A_1187, %unpack3A_1188 : vector<16xi1>, vector<16xf32>
      %add3A_1193 = arith.constant 17 : i32
      %add3A_1194 = vector.broadcast %add3A_1193 : i32 to vector<16xi32>
      %add3A_1195 = arith.addi %shift_left3A_770, %add3A_1194 : vector<16xi32>
      %gather3A_1196 = tpu.vector_load_idx %arg12[%add3A_752, %add3A_1195] : memref<256x128xf32, #tpu.memory_space<vmem>>[vector<16xi32>, vector<16xi32>], vector<16xf32>,
      %bitcast3A_1197 = vector.bitcast %gather3A_1196 : vector<16xf32> to vector<32xbf16>
      %unpack3A_1198 = tpu.unpack_subelements %bitcast3A_1197, 0 {pack_format = #tpu.pack_format<interleaved>} : vector<32xbf16> -> vector<16xf32>
      %unpack3A_1199 = tpu.unpack_subelements %bitcast3A_1197, 1 {pack_format = #tpu.pack_format<interleaved>} : vector<32xbf16> -> vector<16xf32>
      %eq3A_1200 = arith.constant 0 : i32
      %eq3A_1201 = vector.broadcast %eq3A_1200 : i32 to vector<16xi32>
      %eq3A_1202 = arith.cmpi eq, %and3A_778, %eq3A_1201 : vector<16xi32>
      %select_n3A_1203 = arith.select %eq3A_1202, %unpack3A_1198, %unpack3A_1199 : vector<16xi1>, vector<16xf32>
      %mul3A_1204 = arith.mulf %select_n3A_1192, %select_n3A_1203 : vector<16xf32>
      %add3A_1205 = arith.addf %add3A_1181, %mul3A_1204 : vector<16xf32>
      %add3A_1206 = arith.constant 18 : i32
      %add3A_1207 = vector.broadcast %add3A_1206 : i32 to vector<16xi32>
      %add3A_1208 = arith.addi %shift_left3A_764, %add3A_1207 : vector<16xi32>
      %gather3A_1209 = tpu.vector_load_idx %arg11[%add3A_752, %add3A_1208] : memref<256x128xf32, #tpu.memory_space<vmem>>[vector<16xi32>, vector<16xi32>], vector<16xf32>,
      %bitcast3A_1210 = vector.bitcast %gather3A_1209 : vector<16xf32> to vector<32xbf16>
      %unpack3A_1211 = tpu.unpack_subelements %bitcast3A_1210, 0 {pack_format = #tpu.pack_format<interleaved>} : vector<32xbf16> -> vector<16xf32>
      %unpack3A_1212 = tpu.unpack_subelements %bitcast3A_1210, 1 {pack_format = #tpu.pack_format<interleaved>} : vector<32xbf16> -> vector<16xf32>
      %eq3A_1213 = arith.constant 0 : i32
      %eq3A_1214 = vector.broadcast %eq3A_1213 : i32 to vector<16xi32>
      %eq3A_1215 = arith.cmpi eq, %and3A_774, %eq3A_1214 : vector<16xi32>
      %select_n3A_1216 = arith.select %eq3A_1215, %unpack3A_1211, %unpack3A_1212 : vector<16xi1>, vector<16xf32>
      %add3A_1217 = arith.constant 18 : i32
      %add3A_1218 = vector.broadcast %add3A_1217 : i32 to vector<16xi32>
      %add3A_1219 = arith.addi %shift_left3A_770, %add3A_1218 : vector<16xi32>
      %gather3A_1220 = tpu.vector_load_idx %arg12[%add3A_752, %add3A_1219] : memref<256x128xf32, #tpu.memory_space<vmem>>[vector<16xi32>, vector<16xi32>], vector<16xf32>,
      %bitcast3A_1221 = vector.bitcast %gather3A_1220 : vector<16xf32> to vector<32xbf16>
      %unpack3A_1222 = tpu.unpack_subelements %bitcast3A_1221, 0 {pack_format = #tpu.pack_format<interleaved>} : vector<32xbf16> -> vector<16xf32>
      %unpack3A_1223 = tpu.unpack_subelements %bitcast3A_1221, 1 {pack_format = #tpu.pack_format<interleaved>} : vector<32xbf16> -> vector<16xf32>
      %eq3A_1224 = arith.constant 0 : i32
      %eq3A_1225 = vector.broadcast %eq3A_1224 : i32 to vector<16xi32>
      %eq3A_1226 = arith.cmpi eq, %and3A_778, %eq3A_1225 : vector<16xi32>
      %select_n3A_1227 = arith.select %eq3A_1226, %unpack3A_1222, %unpack3A_1223 : vector<16xi1>, vector<16xf32>
      %mul3A_1228 = arith.mulf %select_n3A_1216, %select_n3A_1227 : vector<16xf32>
      %add3A_1229 = arith.addf %add3A_1205, %mul3A_1228 : vector<16xf32>
      %add3A_1230 = arith.constant 19 : i32
      %add3A_1231 = vector.broadcast %add3A_1230 : i32 to vector<16xi32>
      %add3A_1232 = arith.addi %shift_left3A_764, %add3A_1231 : vector<16xi32>
      %gather3A_1233 = tpu.vector_load_idx %arg11[%add3A_752, %add3A_1232] : memref<256x128xf32, #tpu.memory_space<vmem>>[vector<16xi32>, vector<16xi32>], vector<16xf32>,
      %bitcast3A_1234 = vector.bitcast %gather3A_1233 : vector<16xf32> to vector<32xbf16>
      %unpack3A_1235 = tpu.unpack_subelements %bitcast3A_1234, 0 {pack_format = #tpu.pack_format<interleaved>} : vector<32xbf16> -> vector<16xf32>
      %unpack3A_1236 = tpu.unpack_subelements %bitcast3A_1234, 1 {pack_format = #tpu.pack_format<interleaved>} : vector<32xbf16> -> vector<16xf32>
      %eq3A_1237 = arith.constant 0 : i32
      %eq3A_1238 = vector.broadcast %eq3A_1237 : i32 to vector<16xi32>
      %eq3A_1239 = arith.cmpi eq, %and3A_774, %eq3A_1238 : vector<16xi32>
      %select_n3A_1240 = arith.select %eq3A_1239, %unpack3A_1235, %unpack3A_1236 : vector<16xi1>, vector<16xf32>
      %add3A_1241 = arith.constant 19 : i32
      %add3A_1242 = vector.broadcast %add3A_1241 : i32 to vector<16xi32>
      %add3A_1243 = arith.addi %shift_left3A_770, %add3A_1242 : vector<16xi32>
      %gather3A_1244 = tpu.vector_load_idx %arg12[%add3A_752, %add3A_1243] : memref<256x128xf32, #tpu.memory_space<vmem>>[vector<16xi32>, vector<16xi32>], vector<16xf32>,
      %bitcast3A_1245 = vector.bitcast %gather3A_1244 : vector<16xf32> to vector<32xbf16>
      %unpack3A_1246 = tpu.unpack_subelements %bitcast3A_1245, 0 {pack_format = #tpu.pack_format<interleaved>} : vector<32xbf16> -> vector<16xf32>
      %unpack3A_1247 = tpu.unpack_subelements %bitcast3A_1245, 1 {pack_format = #tpu.pack_format<interleaved>} : vector<32xbf16> -> vector<16xf32>
      %eq3A_1248 = arith.constant 0 : i32
      %eq3A_1249 = vector.broadcast %eq3A_1248 : i32 to vector<16xi32>
      %eq3A_1250 = arith.cmpi eq, %and3A_778, %eq3A_1249 : vector<16xi32>
      %select_n3A_1251 = arith.select %eq3A_1250, %unpack3A_1246, %unpack3A_1247 : vector<16xi1>, vector<16xf32>
      %mul3A_1252 = arith.mulf %select_n3A_1240, %select_n3A_1251 : vector<16xf32>
      %add3A_1253 = arith.addf %add3A_1229, %mul3A_1252 : vector<16xf32>
      %add3A_1254 = arith.constant 20 : i32
      %add3A_1255 = vector.broadcast %add3A_1254 : i32 to vector<16xi32>
      %add3A_1256 = arith.addi %shift_left3A_764, %add3A_1255 : vector<16xi32>
      %gather3A_1257 = tpu.vector_load_idx %arg11[%add3A_752, %add3A_1256] : memref<256x128xf32, #tpu.memory_space<vmem>>[vector<16xi32>, vector<16xi32>], vector<16xf32>,
      %bitcast3A_1258 = vector.bitcast %gather3A_1257 : vector<16xf32> to vector<32xbf16>
      %unpack3A_1259 = tpu.unpack_subelements %bitcast3A_1258, 0 {pack_format = #tpu.pack_format<interleaved>} : vector<32xbf16> -> vector<16xf32>
      %unpack3A_1260 = tpu.unpack_subelements %bitcast3A_1258, 1 {pack_format = #tpu.pack_format<interleaved>} : vector<32xbf16> -> vector<16xf32>
      %eq3A_1261 = arith.constant 0 : i32
      %eq3A_1262 = vector.broadcast %eq3A_1261 : i32 to vector<16xi32>
      %eq3A_1263 = arith.cmpi eq, %and3A_774, %eq3A_1262 : vector<16xi32>
      %select_n3A_1264 = arith.select %eq3A_1263, %unpack3A_1259, %unpack3A_1260 : vector<16xi1>, vector<16xf32>
      %add3A_1265 = arith.constant 20 : i32
      %add3A_1266 = vector.broadcast %add3A_1265 : i32 to vector<16xi32>
      %add3A_1267 = arith.addi %shift_left3A_770, %add3A_1266 : vector<16xi32>
      %gather3A_1268 = tpu.vector_load_idx %arg12[%add3A_752, %add3A_1267] : memref<256x128xf32, #tpu.memory_space<vmem>>[vector<16xi32>, vector<16xi32>], vector<16xf32>,
      %bitcast3A_1269 = vector.bitcast %gather3A_1268 : vector<16xf32> to vector<32xbf16>
      %unpack3A_1270 = tpu.unpack_subelements %bitcast3A_1269, 0 {pack_format = #tpu.pack_format<interleaved>} : vector<32xbf16> -> vector<16xf32>
      %unpack3A_1271 = tpu.unpack_subelements %bitcast3A_1269, 1 {pack_format = #tpu.pack_format<interleaved>} : vector<32xbf16> -> vector<16xf32>
      %eq3A_1272 = arith.constant 0 : i32
      %eq3A_1273 = vector.broadcast %eq3A_1272 : i32 to vector<16xi32>
      %eq3A_1274 = arith.cmpi eq, %and3A_778, %eq3A_1273 : vector<16xi32>
      %select_n3A_1275 = arith.select %eq3A_1274, %unpack3A_1270, %unpack3A_1271 : vector<16xi1>, vector<16xf32>
      %mul3A_1276 = arith.mulf %select_n3A_1264, %select_n3A_1275 : vector<16xf32>
      %add3A_1277 = arith.addf %add3A_1253, %mul3A_1276 : vector<16xf32>
      %add3A_1278 = arith.constant 21 : i32
      %add3A_1279 = vector.broadcast %add3A_1278 : i32 to vector<16xi32>
      %add3A_1280 = arith.addi %shift_left3A_764, %add3A_1279 : vector<16xi32>
      %gather3A_1281 = tpu.vector_load_idx %arg11[%add3A_752, %add3A_1280] : memref<256x128xf32, #tpu.memory_space<vmem>>[vector<16xi32>, vector<16xi32>], vector<16xf32>,
      %bitcast3A_1282 = vector.bitcast %gather3A_1281 : vector<16xf32> to vector<32xbf16>
      %unpack3A_1283 = tpu.unpack_subelements %bitcast3A_1282, 0 {pack_format = #tpu.pack_format<interleaved>} : vector<32xbf16> -> vector<16xf32>
      %unpack3A_1284 = tpu.unpack_subelements %bitcast3A_1282, 1 {pack_format = #tpu.pack_format<interleaved>} : vector<32xbf16> -> vector<16xf32>
      %eq3A_1285 = arith.constant 0 : i32
      %eq3A_1286 = vector.broadcast %eq3A_1285 : i32 to vector<16xi32>
      %eq3A_1287 = arith.cmpi eq, %and3A_774, %eq3A_1286 : vector<16xi32>
      %select_n3A_1288 = arith.select %eq3A_1287, %unpack3A_1283, %unpack3A_1284 : vector<16xi1>, vector<16xf32>
      %add3A_1289 = arith.constant 21 : i32
      %add3A_1290 = vector.broadcast %add3A_1289 : i32 to vector<16xi32>
      %add3A_1291 = arith.addi %shift_left3A_770, %add3A_1290 : vector<16xi32>
      %gather3A_1292 = tpu.vector_load_idx %arg12[%add3A_752, %add3A_1291] : memref<256x128xf32, #tpu.memory_space<vmem>>[vector<16xi32>, vector<16xi32>], vector<16xf32>,
      %bitcast3A_1293 = vector.bitcast %gather3A_1292 : vector<16xf32> to vector<32xbf16>
      %unpack3A_1294 = tpu.unpack_subelements %bitcast3A_1293, 0 {pack_format = #tpu.pack_format<interleaved>} : vector<32xbf16> -> vector<16xf32>
      %unpack3A_1295 = tpu.unpack_subelements %bitcast3A_1293, 1 {pack_format = #tpu.pack_format<interleaved>} : vector<32xbf16> -> vector<16xf32>
      %eq3A_1296 = arith.constant 0 : i32
      %eq3A_1297 = vector.broadcast %eq3A_1296 : i32 to vector<16xi32>
      %eq3A_1298 = arith.cmpi eq, %and3A_778, %eq3A_1297 : vector<16xi32>
      %select_n3A_1299 = arith.select %eq3A_1298, %unpack3A_1294, %unpack3A_1295 : vector<16xi1>, vector<16xf32>
      %mul3A_1300 = arith.mulf %select_n3A_1288, %select_n3A_1299 : vector<16xf32>
      %add3A_1301 = arith.addf %add3A_1277, %mul3A_1300 : vector<16xf32>
      %add3A_1302 = arith.constant 22 : i32
      %add3A_1303 = vector.broadcast %add3A_1302 : i32 to vector<16xi32>
      %add3A_1304 = arith.addi %shift_left3A_764, %add3A_1303 : vector<16xi32>
      %gather3A_1305 = tpu.vector_load_idx %arg11[%add3A_752, %add3A_1304] : memref<256x128xf32, #tpu.memory_space<vmem>>[vector<16xi32>, vector<16xi32>], vector<16xf32>,
      %bitcast3A_1306 = vector.bitcast %gather3A_1305 : vector<16xf32> to vector<32xbf16>
      %unpack3A_1307 = tpu.unpack_subelements %bitcast3A_1306, 0 {pack_format = #tpu.pack_format<interleaved>} : vector<32xbf16> -> vector<16xf32>
      %unpack3A_1308 = tpu.unpack_subelements %bitcast3A_1306, 1 {pack_format = #tpu.pack_format<interleaved>} : vector<32xbf16> -> vector<16xf32>
      %eq3A_1309 = arith.constant 0 : i32
      %eq3A_1310 = vector.broadcast %eq3A_1309 : i32 to vector<16xi32>
      %eq3A_1311 = arith.cmpi eq, %and3A_774, %eq3A_1310 : vector<16xi32>
      %select_n3A_1312 = arith.select %eq3A_1311, %unpack3A_1307, %unpack3A_1308 : vector<16xi1>, vector<16xf32>
      %add3A_1313 = arith.constant 22 : i32
      %add3A_1314 = vector.broadcast %add3A_1313 : i32 to vector<16xi32>
      %add3A_1315 = arith.addi %shift_left3A_770, %add3A_1314 : vector<16xi32>
      %gather3A_1316 = tpu.vector_load_idx %arg12[%add3A_752, %add3A_1315] : memref<256x128xf32, #tpu.memory_space<vmem>>[vector<16xi32>, vector<16xi32>], vector<16xf32>,
      %bitcast3A_1317 = vector.bitcast %gather3A_1316 : vector<16xf32> to vector<32xbf16>
      %unpack3A_1318 = tpu.unpack_subelements %bitcast3A_1317, 0 {pack_format = #tpu.pack_format<interleaved>} : vector<32xbf16> -> vector<16xf32>
      %unpack3A_1319 = tpu.unpack_subelements %bitcast3A_1317, 1 {pack_format = #tpu.pack_format<interleaved>} : vector<32xbf16> -> vector<16xf32>
      %eq3A_1320 = arith.constant 0 : i32
      %eq3A_1321 = vector.broadcast %eq3A_1320 : i32 to vector<16xi32>
      %eq3A_1322 = arith.cmpi eq, %and3A_778, %eq3A_1321 : vector<16xi32>
      %select_n3A_1323 = arith.select %eq3A_1322, %unpack3A_1318, %unpack3A_1319 : vector<16xi1>, vector<16xf32>
      %mul3A_1324 = arith.mulf %select_n3A_1312, %select_n3A_1323 : vector<16xf32>
      %add3A_1325 = arith.addf %add3A_1301, %mul3A_1324 : vector<16xf32>
      %add3A_1326 = arith.constant 23 : i32
      %add3A_1327 = vector.broadcast %add3A_1326 : i32 to vector<16xi32>
      %add3A_1328 = arith.addi %shift_left3A_764, %add3A_1327 : vector<16xi32>
      %gather3A_1329 = tpu.vector_load_idx %arg11[%add3A_752, %add3A_1328] : memref<256x128xf32, #tpu.memory_space<vmem>>[vector<16xi32>, vector<16xi32>], vector<16xf32>,
      %bitcast3A_1330 = vector.bitcast %gather3A_1329 : vector<16xf32> to vector<32xbf16>
      %unpack3A_1331 = tpu.unpack_subelements %bitcast3A_1330, 0 {pack_format = #tpu.pack_format<interleaved>} : vector<32xbf16> -> vector<16xf32>
      %unpack3A_1332 = tpu.unpack_subelements %bitcast3A_1330, 1 {pack_format = #tpu.pack_format<interleaved>} : vector<32xbf16> -> vector<16xf32>
      %eq3A_1333 = arith.constant 0 : i32
      %eq3A_1334 = vector.broadcast %eq3A_1333 : i32 to vector<16xi32>
      %eq3A_1335 = arith.cmpi eq, %and3A_774, %eq3A_1334 : vector<16xi32>
      %select_n3A_1336 = arith.select %eq3A_1335, %unpack3A_1331, %unpack3A_1332 : vector<16xi1>, vector<16xf32>
      %add3A_1337 = arith.constant 23 : i32
      %add3A_1338 = vector.broadcast %add3A_1337 : i32 to vector<16xi32>
      %add3A_1339 = arith.addi %shift_left3A_770, %add3A_1338 : vector<16xi32>
      %gather3A_1340 = tpu.vector_load_idx %arg12[%add3A_752, %add3A_1339] : memref<256x128xf32, #tpu.memory_space<vmem>>[vector<16xi32>, vector<16xi32>], vector<16xf32>,
      %bitcast3A_1341 = vector.bitcast %gather3A_1340 : vector<16xf32> to vector<32xbf16>
      %unpack3A_1342 = tpu.unpack_subelements %bitcast3A_1341, 0 {pack_format = #tpu.pack_format<interleaved>} : vector<32xbf16> -> vector<16xf32>
      %unpack3A_1343 = tpu.unpack_subelements %bitcast3A_1341, 1 {pack_format = #tpu.pack_format<interleaved>} : vector<32xbf16> -> vector<16xf32>
      %eq3A_1344 = arith.constant 0 : i32
      %eq3A_1345 = vector.broadcast %eq3A_1344 : i32 to vector<16xi32>
      %eq3A_1346 = arith.cmpi eq, %and3A_778, %eq3A_1345 : vector<16xi32>
      %select_n3A_1347 = arith.select %eq3A_1346, %unpack3A_1342, %unpack3A_1343 : vector<16xi1>, vector<16xf32>
      %mul3A_1348 = arith.mulf %select_n3A_1336, %select_n3A_1347 : vector<16xf32>
      %add3A_1349 = arith.addf %add3A_1325, %mul3A_1348 : vector<16xf32>
      %add3A_1350 = arith.constant 24 : i32
      %add3A_1351 = vector.broadcast %add3A_1350 : i32 to vector<16xi32>
      %add3A_1352 = arith.addi %shift_left3A_764, %add3A_1351 : vector<16xi32>
      %gather3A_1353 = tpu.vector_load_idx %arg11[%add3A_752, %add3A_1352] : memref<256x128xf32, #tpu.memory_space<vmem>>[vector<16xi32>, vector<16xi32>], vector<16xf32>,
      %bitcast3A_1354 = vector.bitcast %gather3A_1353 : vector<16xf32> to vector<32xbf16>
      %unpack3A_1355 = tpu.unpack_subelements %bitcast3A_1354, 0 {pack_format = #tpu.pack_format<interleaved>} : vector<32xbf16> -> vector<16xf32>
      %unpack3A_1356 = tpu.unpack_subelements %bitcast3A_1354, 1 {pack_format = #tpu.pack_format<interleaved>} : vector<32xbf16> -> vector<16xf32>
      %eq3A_1357 = arith.constant 0 : i32
      %eq3A_1358 = vector.broadcast %eq3A_1357 : i32 to vector<16xi32>
      %eq3A_1359 = arith.cmpi eq, %and3A_774, %eq3A_1358 : vector<16xi32>
      %select_n3A_1360 = arith.select %eq3A_1359, %unpack3A_1355, %unpack3A_1356 : vector<16xi1>, vector<16xf32>
      %add3A_1361 = arith.constant 24 : i32
      %add3A_1362 = vector.broadcast %add3A_1361 : i32 to vector<16xi32>
      %add3A_1363 = arith.addi %shift_left3A_770, %add3A_1362 : vector<16xi32>
      %gather3A_1364 = tpu.vector_load_idx %arg12[%add3A_752, %add3A_1363] : memref<256x128xf32, #tpu.memory_space<vmem>>[vector<16xi32>, vector<16xi32>], vector<16xf32>,
      %bitcast3A_1365 = vector.bitcast %gather3A_1364 : vector<16xf32> to vector<32xbf16>
      %unpack3A_1366 = tpu.unpack_subelements %bitcast3A_1365, 0 {pack_format = #tpu.pack_format<interleaved>} : vector<32xbf16> -> vector<16xf32>
      %unpack3A_1367 = tpu.unpack_subelements %bitcast3A_1365, 1 {pack_format = #tpu.pack_format<interleaved>} : vector<32xbf16> -> vector<16xf32>
      %eq3A_1368 = arith.constant 0 : i32
      %eq3A_1369 = vector.broadcast %eq3A_1368 : i32 to vector<16xi32>
      %eq3A_1370 = arith.cmpi eq, %and3A_778, %eq3A_1369 : vector<16xi32>
      %select_n3A_1371 = arith.select %eq3A_1370, %unpack3A_1366, %unpack3A_1367 : vector<16xi1>, vector<16xf32>
      %mul3A_1372 = arith.mulf %select_n3A_1360, %select_n3A_1371 : vector<16xf32>
      %add3A_1373 = arith.addf %add3A_1349, %mul3A_1372 : vector<16xf32>
      %add3A_1374 = arith.constant 25 : i32
      %add3A_1375 = vector.broadcast %add3A_1374 : i32 to vector<16xi32>
      %add3A_1376 = arith.addi %shift_left3A_764, %add3A_1375 : vector<16xi32>
      %gather3A_1377 = tpu.vector_load_idx %arg11[%add3A_752, %add3A_1376] : memref<256x128xf32, #tpu.memory_space<vmem>>[vector<16xi32>, vector<16xi32>], vector<16xf32>,
      %bitcast3A_1378 = vector.bitcast %gather3A_1377 : vector<16xf32> to vector<32xbf16>
      %unpack3A_1379 = tpu.unpack_subelements %bitcast3A_1378, 0 {pack_format = #tpu.pack_format<interleaved>} : vector<32xbf16> -> vector<16xf32>
      %unpack3A_1380 = tpu.unpack_subelements %bitcast3A_1378, 1 {pack_format = #tpu.pack_format<interleaved>} : vector<32xbf16> -> vector<16xf32>
      %eq3A_1381 = arith.constant 0 : i32
      %eq3A_1382 = vector.broadcast %eq3A_1381 : i32 to vector<16xi32>
      %eq3A_1383 = arith.cmpi eq, %and3A_774, %eq3A_1382 : vector<16xi32>
      %select_n3A_1384 = arith.select %eq3A_1383, %unpack3A_1379, %unpack3A_1380 : vector<16xi1>, vector<16xf32>
      %add3A_1385 = arith.constant 25 : i32
      %add3A_1386 = vector.broadcast %add3A_1385 : i32 to vector<16xi32>
      %add3A_1387 = arith.addi %shift_left3A_770, %add3A_1386 : vector<16xi32>
      %gather3A_1388 = tpu.vector_load_idx %arg12[%add3A_752, %add3A_1387] : memref<256x128xf32, #tpu.memory_space<vmem>>[vector<16xi32>, vector<16xi32>], vector<16xf32>,
      %bitcast3A_1389 = vector.bitcast %gather3A_1388 : vector<16xf32> to vector<32xbf16>
      %unpack3A_1390 = tpu.unpack_subelements %bitcast3A_1389, 0 {pack_format = #tpu.pack_format<interleaved>} : vector<32xbf16> -> vector<16xf32>
      %unpack3A_1391 = tpu.unpack_subelements %bitcast3A_1389, 1 {pack_format = #tpu.pack_format<interleaved>} : vector<32xbf16> -> vector<16xf32>
      %eq3A_1392 = arith.constant 0 : i32
      %eq3A_1393 = vector.broadcast %eq3A_1392 : i32 to vector<16xi32>
      %eq3A_1394 = arith.cmpi eq, %and3A_778, %eq3A_1393 : vector<16xi32>
      %select_n3A_1395 = arith.select %eq3A_1394, %unpack3A_1390, %unpack3A_1391 : vector<16xi1>, vector<16xf32>
      %mul3A_1396 = arith.mulf %select_n3A_1384, %select_n3A_1395 : vector<16xf32>
      %add3A_1397 = arith.addf %add3A_1373, %mul3A_1396 : vector<16xf32>
      %add3A_1398 = arith.constant 26 : i32
      %add3A_1399 = vector.broadcast %add3A_1398 : i32 to vector<16xi32>
      %add3A_1400 = arith.addi %shift_left3A_764, %add3A_1399 : vector<16xi32>
      %gather3A_1401 = tpu.vector_load_idx %arg11[%add3A_752, %add3A_1400] : memref<256x128xf32, #tpu.memory_space<vmem>>[vector<16xi32>, vector<16xi32>], vector<16xf32>,
      %bitcast3A_1402 = vector.bitcast %gather3A_1401 : vector<16xf32> to vector<32xbf16>
      %unpack3A_1403 = tpu.unpack_subelements %bitcast3A_1402, 0 {pack_format = #tpu.pack_format<interleaved>} : vector<32xbf16> -> vector<16xf32>
      %unpack3A_1404 = tpu.unpack_subelements %bitcast3A_1402, 1 {pack_format = #tpu.pack_format<interleaved>} : vector<32xbf16> -> vector<16xf32>
      %eq3A_1405 = arith.constant 0 : i32
      %eq3A_1406 = vector.broadcast %eq3A_1405 : i32 to vector<16xi32>
      %eq3A_1407 = arith.cmpi eq, %and3A_774, %eq3A_1406 : vector<16xi32>
      %select_n3A_1408 = arith.select %eq3A_1407, %unpack3A_1403, %unpack3A_1404 : vector<16xi1>, vector<16xf32>
      %add3A_1409 = arith.constant 26 : i32
      %add3A_1410 = vector.broadcast %add3A_1409 : i32 to vector<16xi32>
      %add3A_1411 = arith.addi %shift_left3A_770, %add3A_1410 : vector<16xi32>
      %gather3A_1412 = tpu.vector_load_idx %arg12[%add3A_752, %add3A_1411] : memref<256x128xf32, #tpu.memory_space<vmem>>[vector<16xi32>, vector<16xi32>], vector<16xf32>,
      %bitcast3A_1413 = vector.bitcast %gather3A_1412 : vector<16xf32> to vector<32xbf16>
      %unpack3A_1414 = tpu.unpack_subelements %bitcast3A_1413, 0 {pack_format = #tpu.pack_format<interleaved>} : vector<32xbf16> -> vector<16xf32>
      %unpack3A_1415 = tpu.unpack_subelements %bitcast3A_1413, 1 {pack_format = #tpu.pack_format<interleaved>} : vector<32xbf16> -> vector<16xf32>
      %eq3A_1416 = arith.constant 0 : i32
      %eq3A_1417 = vector.broadcast %eq3A_1416 : i32 to vector<16xi32>
      %eq3A_1418 = arith.cmpi eq, %and3A_778, %eq3A_1417 : vector<16xi32>
      %select_n3A_1419 = arith.select %eq3A_1418, %unpack3A_1414, %unpack3A_1415 : vector<16xi1>, vector<16xf32>
      %mul3A_1420 = arith.mulf %select_n3A_1408, %select_n3A_1419 : vector<16xf32>
      %add3A_1421 = arith.addf %add3A_1397, %mul3A_1420 : vector<16xf32>
      %add3A_1422 = arith.constant 27 : i32
      %add3A_1423 = vector.broadcast %add3A_1422 : i32 to vector<16xi32>
      %add3A_1424 = arith.addi %shift_left3A_764, %add3A_1423 : vector<16xi32>
      %gather3A_1425 = tpu.vector_load_idx %arg11[%add3A_752, %add3A_1424] : memref<256x128xf32, #tpu.memory_space<vmem>>[vector<16xi32>, vector<16xi32>], vector<16xf32>,
      %bitcast3A_1426 = vector.bitcast %gather3A_1425 : vector<16xf32> to vector<32xbf16>
      %unpack3A_1427 = tpu.unpack_subelements %bitcast3A_1426, 0 {pack_format = #tpu.pack_format<interleaved>} : vector<32xbf16> -> vector<16xf32>
      %unpack3A_1428 = tpu.unpack_subelements %bitcast3A_1426, 1 {pack_format = #tpu.pack_format<interleaved>} : vector<32xbf16> -> vector<16xf32>
      %eq3A_1429 = arith.constant 0 : i32
      %eq3A_1430 = vector.broadcast %eq3A_1429 : i32 to vector<16xi32>
      %eq3A_1431 = arith.cmpi eq, %and3A_774, %eq3A_1430 : vector<16xi32>
      %select_n3A_1432 = arith.select %eq3A_1431, %unpack3A_1427, %unpack3A_1428 : vector<16xi1>, vector<16xf32>
      %add3A_1433 = arith.constant 27 : i32
      %add3A_1434 = vector.broadcast %add3A_1433 : i32 to vector<16xi32>
      %add3A_1435 = arith.addi %shift_left3A_770, %add3A_1434 : vector<16xi32>
      %gather3A_1436 = tpu.vector_load_idx %arg12[%add3A_752, %add3A_1435] : memref<256x128xf32, #tpu.memory_space<vmem>>[vector<16xi32>, vector<16xi32>], vector<16xf32>,
      %bitcast3A_1437 = vector.bitcast %gather3A_1436 : vector<16xf32> to vector<32xbf16>
      %unpack3A_1438 = tpu.unpack_subelements %bitcast3A_1437, 0 {pack_format = #tpu.pack_format<interleaved>} : vector<32xbf16> -> vector<16xf32>
      %unpack3A_1439 = tpu.unpack_subelements %bitcast3A_1437, 1 {pack_format = #tpu.pack_format<interleaved>} : vector<32xbf16> -> vector<16xf32>
      %eq3A_1440 = arith.constant 0 : i32
      %eq3A_1441 = vector.broadcast %eq3A_1440 : i32 to vector<16xi32>
      %eq3A_1442 = arith.cmpi eq, %and3A_778, %eq3A_1441 : vector<16xi32>
      %select_n3A_1443 = arith.select %eq3A_1442, %unpack3A_1438, %unpack3A_1439 : vector<16xi1>, vector<16xf32>
      %mul3A_1444 = arith.mulf %select_n3A_1432, %select_n3A_1443 : vector<16xf32>
      %add3A_1445 = arith.addf %add3A_1421, %mul3A_1444 : vector<16xf32>
      %add3A_1446 = arith.constant 28 : i32
      %add3A_1447 = vector.broadcast %add3A_1446 : i32 to vector<16xi32>
      %add3A_1448 = arith.addi %shift_left3A_764, %add3A_1447 : vector<16xi32>
      %gather3A_1449 = tpu.vector_load_idx %arg11[%add3A_752, %add3A_1448] : memref<256x128xf32, #tpu.memory_space<vmem>>[vector<16xi32>, vector<16xi32>], vector<16xf32>,
      %bitcast3A_1450 = vector.bitcast %gather3A_1449 : vector<16xf32> to vector<32xbf16>
      %unpack3A_1451 = tpu.unpack_subelements %bitcast3A_1450, 0 {pack_format = #tpu.pack_format<interleaved>} : vector<32xbf16> -> vector<16xf32>
      %unpack3A_1452 = tpu.unpack_subelements %bitcast3A_1450, 1 {pack_format = #tpu.pack_format<interleaved>} : vector<32xbf16> -> vector<16xf32>
      %eq3A_1453 = arith.constant 0 : i32
      %eq3A_1454 = vector.broadcast %eq3A_1453 : i32 to vector<16xi32>
      %eq3A_1455 = arith.cmpi eq, %and3A_774, %eq3A_1454 : vector<16xi32>
      %select_n3A_1456 = arith.select %eq3A_1455, %unpack3A_1451, %unpack3A_1452 : vector<16xi1>, vector<16xf32>
      %add3A_1457 = arith.constant 28 : i32
      %add3A_1458 = vector.broadcast %add3A_1457 : i32 to vector<16xi32>
      %add3A_1459 = arith.addi %shift_left3A_770, %add3A_1458 : vector<16xi32>
      %gather3A_1460 = tpu.vector_load_idx %arg12[%add3A_752, %add3A_1459] : memref<256x128xf32, #tpu.memory_space<vmem>>[vector<16xi32>, vector<16xi32>], vector<16xf32>,
      %bitcast3A_1461 = vector.bitcast %gather3A_1460 : vector<16xf32> to vector<32xbf16>
      %unpack3A_1462 = tpu.unpack_subelements %bitcast3A_1461, 0 {pack_format = #tpu.pack_format<interleaved>} : vector<32xbf16> -> vector<16xf32>
      %unpack3A_1463 = tpu.unpack_subelements %bitcast3A_1461, 1 {pack_format = #tpu.pack_format<interleaved>} : vector<32xbf16> -> vector<16xf32>
      %eq3A_1464 = arith.constant 0 : i32
      %eq3A_1465 = vector.broadcast %eq3A_1464 : i32 to vector<16xi32>
      %eq3A_1466 = arith.cmpi eq, %and3A_778, %eq3A_1465 : vector<16xi32>
      %select_n3A_1467 = arith.select %eq3A_1466, %unpack3A_1462, %unpack3A_1463 : vector<16xi1>, vector<16xf32>
      %mul3A_1468 = arith.mulf %select_n3A_1456, %select_n3A_1467 : vector<16xf32>
      %add3A_1469 = arith.addf %add3A_1445, %mul3A_1468 : vector<16xf32>
      %add3A_1470 = arith.constant 29 : i32
      %add3A_1471 = vector.broadcast %add3A_1470 : i32 to vector<16xi32>
      %add3A_1472 = arith.addi %shift_left3A_764, %add3A_1471 : vector<16xi32>
      %gather3A_1473 = tpu.vector_load_idx %arg11[%add3A_752, %add3A_1472] : memref<256x128xf32, #tpu.memory_space<vmem>>[vector<16xi32>, vector<16xi32>], vector<16xf32>,
      %bitcast3A_1474 = vector.bitcast %gather3A_1473 : vector<16xf32> to vector<32xbf16>
      %unpack3A_1475 = tpu.unpack_subelements %bitcast3A_1474, 0 {pack_format = #tpu.pack_format<interleaved>} : vector<32xbf16> -> vector<16xf32>
      %unpack3A_1476 = tpu.unpack_subelements %bitcast3A_1474, 1 {pack_format = #tpu.pack_format<interleaved>} : vector<32xbf16> -> vector<16xf32>
      %eq3A_1477 = arith.constant 0 : i32
      %eq3A_1478 = vector.broadcast %eq3A_1477 : i32 to vector<16xi32>
      %eq3A_1479 = arith.cmpi eq, %and3A_774, %eq3A_1478 : vector<16xi32>
      %select_n3A_1480 = arith.select %eq3A_1479, %unpack3A_1475, %unpack3A_1476 : vector<16xi1>, vector<16xf32>
      %add3A_1481 = arith.constant 29 : i32
      %add3A_1482 = vector.broadcast %add3A_1481 : i32 to vector<16xi32>
      %add3A_1483 = arith.addi %shift_left3A_770, %add3A_1482 : vector<16xi32>
      %gather3A_1484 = tpu.vector_load_idx %arg12[%add3A_752, %add3A_1483] : memref<256x128xf32, #tpu.memory_space<vmem>>[vector<16xi32>, vector<16xi32>], vector<16xf32>,
      %bitcast3A_1485 = vector.bitcast %gather3A_1484 : vector<16xf32> to vector<32xbf16>
      %unpack3A_1486 = tpu.unpack_subelements %bitcast3A_1485, 0 {pack_format = #tpu.pack_format<interleaved>} : vector<32xbf16> -> vector<16xf32>
      %unpack3A_1487 = tpu.unpack_subelements %bitcast3A_1485, 1 {pack_format = #tpu.pack_format<interleaved>} : vector<32xbf16> -> vector<16xf32>
      %eq3A_1488 = arith.constant 0 : i32
      %eq3A_1489 = vector.broadcast %eq3A_1488 : i32 to vector<16xi32>
      %eq3A_1490 = arith.cmpi eq, %and3A_778, %eq3A_1489 : vector<16xi32>
      %select_n3A_1491 = arith.select %eq3A_1490, %unpack3A_1486, %unpack3A_1487 : vector<16xi1>, vector<16xf32>
      %mul3A_1492 = arith.mulf %select_n3A_1480, %select_n3A_1491 : vector<16xf32>
      %add3A_1493 = arith.addf %add3A_1469, %mul3A_1492 : vector<16xf32>
      %add3A_1494 = arith.constant 30 : i32
      %add3A_1495 = vector.broadcast %add3A_1494 : i32 to vector<16xi32>
      %add3A_1496 = arith.addi %shift_left3A_764, %add3A_1495 : vector<16xi32>
      %gather3A_1497 = tpu.vector_load_idx %arg11[%add3A_752, %add3A_1496] : memref<256x128xf32, #tpu.memory_space<vmem>>[vector<16xi32>, vector<16xi32>], vector<16xf32>,
      %bitcast3A_1498 = vector.bitcast %gather3A_1497 : vector<16xf32> to vector<32xbf16>
      %unpack3A_1499 = tpu.unpack_subelements %bitcast3A_1498, 0 {pack_format = #tpu.pack_format<interleaved>} : vector<32xbf16> -> vector<16xf32>
      %unpack3A_1500 = tpu.unpack_subelements %bitcast3A_1498, 1 {pack_format = #tpu.pack_format<interleaved>} : vector<32xbf16> -> vector<16xf32>
      %eq3A_1501 = arith.constant 0 : i32
      %eq3A_1502 = vector.broadcast %eq3A_1501 : i32 to vector<16xi32>
      %eq3A_1503 = arith.cmpi eq, %and3A_774, %eq3A_1502 : vector<16xi32>
      %select_n3A_1504 = arith.select %eq3A_1503, %unpack3A_1499, %unpack3A_1500 : vector<16xi1>, vector<16xf32>
      %add3A_1505 = arith.constant 30 : i32
      %add3A_1506 = vector.broadcast %add3A_1505 : i32 to vector<16xi32>
      %add3A_1507 = arith.addi %shift_left3A_770, %add3A_1506 : vector<16xi32>
      %gather3A_1508 = tpu.vector_load_idx %arg12[%add3A_752, %add3A_1507] : memref<256x128xf32, #tpu.memory_space<vmem>>[vector<16xi32>, vector<16xi32>], vector<16xf32>,
      %bitcast3A_1509 = vector.bitcast %gather3A_1508 : vector<16xf32> to vector<32xbf16>
      %unpack3A_1510 = tpu.unpack_subelements %bitcast3A_1509, 0 {pack_format = #tpu.pack_format<interleaved>} : vector<32xbf16> -> vector<16xf32>
      %unpack3A_1511 = tpu.unpack_subelements %bitcast3A_1509, 1 {pack_format = #tpu.pack_format<interleaved>} : vector<32xbf16> -> vector<16xf32>
      %eq3A_1512 = arith.constant 0 : i32
      %eq3A_1513 = vector.broadcast %eq3A_1512 : i32 to vector<16xi32>
      %eq3A_1514 = arith.cmpi eq, %and3A_778, %eq3A_1513 : vector<16xi32>
      %select_n3A_1515 = arith.select %eq3A_1514, %unpack3A_1510, %unpack3A_1511 : vector<16xi1>, vector<16xf32>
      %mul3A_1516 = arith.mulf %select_n3A_1504, %select_n3A_1515 : vector<16xf32>
      %add3A_1517 = arith.addf %add3A_1493, %mul3A_1516 : vector<16xf32>
      %add3A_1518 = arith.constant 31 : i32
      %add3A_1519 = vector.broadcast %add3A_1518 : i32 to vector<16xi32>
      %add3A_1520 = arith.addi %shift_left3A_764, %add3A_1519 : vector<16xi32>
      %gather3A_1521 = tpu.vector_load_idx %arg11[%add3A_752, %add3A_1520] : memref<256x128xf32, #tpu.memory_space<vmem>>[vector<16xi32>, vector<16xi32>], vector<16xf32>,
      %bitcast3A_1522 = vector.bitcast %gather3A_1521 : vector<16xf32> to vector<32xbf16>
      %unpack3A_1523 = tpu.unpack_subelements %bitcast3A_1522, 0 {pack_format = #tpu.pack_format<interleaved>} : vector<32xbf16> -> vector<16xf32>
      %unpack3A_1524 = tpu.unpack_subelements %bitcast3A_1522, 1 {pack_format = #tpu.pack_format<interleaved>} : vector<32xbf16> -> vector<16xf32>
      %eq3A_1525 = arith.constant 0 : i32
      %eq3A_1526 = vector.broadcast %eq3A_1525 : i32 to vector<16xi32>
      %eq3A_1527 = arith.cmpi eq, %and3A_774, %eq3A_1526 : vector<16xi32>
      %select_n3A_1528 = arith.select %eq3A_1527, %unpack3A_1523, %unpack3A_1524 : vector<16xi1>, vector<16xf32>
      %add3A_1529 = arith.constant 31 : i32
      %add3A_1530 = vector.broadcast %add3A_1529 : i32 to vector<16xi32>
      %add3A_1531 = arith.addi %shift_left3A_770, %add3A_1530 : vector<16xi32>
      %gather3A_1532 = tpu.vector_load_idx %arg12[%add3A_752, %add3A_1531] : memref<256x128xf32, #tpu.memory_space<vmem>>[vector<16xi32>, vector<16xi32>], vector<16xf32>,
      %bitcast3A_1533 = vector.bitcast %gather3A_1532 : vector<16xf32> to vector<32xbf16>
      %unpack3A_1534 = tpu.unpack_subelements %bitcast3A_1533, 0 {pack_format = #tpu.pack_format<interleaved>} : vector<32xbf16> -> vector<16xf32>
      %unpack3A_1535 = tpu.unpack_subelements %bitcast3A_1533, 1 {pack_format = #tpu.pack_format<interleaved>} : vector<32xbf16> -> vector<16xf32>
      %eq3A_1536 = arith.constant 0 : i32
      %eq3A_1537 = vector.broadcast %eq3A_1536 : i32 to vector<16xi32>
      %eq3A_1538 = arith.cmpi eq, %and3A_778, %eq3A_1537 : vector<16xi32>
      %select_n3A_1539 = arith.select %eq3A_1538, %unpack3A_1534, %unpack3A_1535 : vector<16xi1>, vector<16xf32>
      %mul3A_1540 = arith.mulf %select_n3A_1528, %select_n3A_1539 : vector<16xf32>
      %add3A_1541 = arith.addf %add3A_1517, %mul3A_1540 : vector<16xf32>
      %mul3A_1542 = arith.constant 16 : i32
      %mul3A_1543 = arith.muli %scan3A_748, %mul3A_1542 : i32
      %add3A_1544 = arith.constant 0 : i32
      %add3A_1545 = arith.addi %add3A_1544, %mul3A_1543 : i32
      %swap3A_1546 = arith.index_cast %add3A_1545 : i32 to index
      %swap3A_1547 = tpu.vector_load %arg13[%swap3A_1546] {strides = array<i32>} : memref<512xf32, #tpu.memory_space<vmem>>, vector<16xf32>,
      tpu.vector_store %arg13[%swap3A_1546], %add3A_1541 {strides = array<i32>} : memref<512xf32, #tpu.memory_space<vmem>>, vector<16xf32>,
      %scan3A_1548 = arith.constant 1 : i32
      %scan3A_1549 = arith.addi %scan3A_748, %scan3A_1548 : i32
      %mul3A_1550 = arith.constant 16 : i32
      %mul3A_1551 = arith.muli %scan3A_1549, %mul3A_1550 : i32
      %add3A_1552 = vector.broadcast %mul3A_1551 : i32 to vector<16xi32>
      %add3A_1553 = arith.addi %add3A_1552, %iota3A : vector<16xi32>
      %mul3A_1554 = arith.constant 16 : i32
      %mul3A_1555 = arith.muli %scan3A_1549, %mul3A_1554 : i32
      %add3A_1556 = arith.constant 0 : i32
      %add3A_1557 = arith.addi %add3A_1556, %mul3A_1555 : i32
      %get3A_1558 = arith.index_cast %add3A_1557 : i32 to index
      %get3A_1559 = tpu.vector_load %arg8[%get3A_1558] {strides = array<i32>} : memref<512xi32, #tpu.memory_space<vmem>>, vector<16xi32>,
      %get3A_1560 = arith.index_cast %add3A_1557 : i32 to index
      %get3A_1561 = tpu.vector_load %arg9[%get3A_1560] {strides = array<i32>} : memref<512xi32, #tpu.memory_space<vmem>>, vector<16xi32>,
      %shift_right_logical3A_1562 = arith.constant 18 : i32
      %shift_right_logical3A_1563 = vector.broadcast %shift_right_logical3A_1562 : i32 to vector<16xi32>
      %shift_right_logical3A_1564 = arith.shrui %get3A_1559, %shift_right_logical3A_1563 : vector<16xi32>
      %shift_left3A_1565 = arith.constant 5 : i32
      %shift_left3A_1566 = vector.broadcast %shift_left3A_1565 : i32 to vector<16xi32>
      %shift_left3A_1567 = arith.shli %shift_right_logical3A_1564, %shift_left3A_1566 : vector<16xi32>
      %shift_right_logical3A_1568 = arith.constant 15 : i32
      %shift_right_logical3A_1569 = vector.broadcast %shift_right_logical3A_1568 : i32 to vector<16xi32>
      %shift_right_logical3A_1570 = arith.shrui %get3A_1561, %shift_right_logical3A_1569 : vector<16xi32>
      %shift_left3A_1571 = arith.constant 5 : i32
      %shift_left3A_1572 = vector.broadcast %shift_left3A_1571 : i32 to vector<16xi32>
      %shift_left3A_1573 = arith.shli %shift_right_logical3A_1570, %shift_left3A_1572 : vector<16xi32>
      %shift_right_logical3A_1574 = arith.constant 17 : i32
      %shift_right_logical3A_1575 = vector.broadcast %shift_right_logical3A_1574 : i32 to vector<16xi32>
      %shift_right_logical3A_1576 = arith.shrui %get3A_1559, %shift_right_logical3A_1575 : vector<16xi32>
      %and3A_1577 = arith.andi %shift_right_logical3A_1576, %broadcast_in_dim3A_578 : vector<16xi32>
      %shift_right_logical3A_1578 = arith.constant 14 : i32
      %shift_right_logical3A_1579 = vector.broadcast %shift_right_logical3A_1578 : i32 to vector<16xi32>
      %shift_right_logical3A_1580 = arith.shrui %get3A_1561, %shift_right_logical3A_1579 : vector<16xi32>
      %and3A_1581 = arith.andi %shift_right_logical3A_1580, %broadcast_in_dim3A_578 : vector<16xi32>
      %add3A_1582 = arith.constant 0 : i32
      %add3A_1583 = vector.broadcast %add3A_1582 : i32 to vector<16xi32>
      %add3A_1584 = arith.addi %shift_left3A_1567, %add3A_1583 : vector<16xi32>
      %gather3A_1585 = tpu.vector_load_idx %arg11[%add3A_1553, %add3A_1584] : memref<256x128xf32, #tpu.memory_space<vmem>>[vector<16xi32>, vector<16xi32>], vector<16xf32>,
      %bitcast3A_1586 = vector.bitcast %gather3A_1585 : vector<16xf32> to vector<32xbf16>
      %unpack3A_1587 = tpu.unpack_subelements %bitcast3A_1586, 0 {pack_format = #tpu.pack_format<interleaved>} : vector<32xbf16> -> vector<16xf32>
      %unpack3A_1588 = tpu.unpack_subelements %bitcast3A_1586, 1 {pack_format = #tpu.pack_format<interleaved>} : vector<32xbf16> -> vector<16xf32>
      %eq3A_1589 = arith.constant 0 : i32
      %eq3A_1590 = vector.broadcast %eq3A_1589 : i32 to vector<16xi32>
      %eq3A_1591 = arith.cmpi eq, %and3A_1577, %eq3A_1590 : vector<16xi32>
      %select_n3A_1592 = arith.select %eq3A_1591, %unpack3A_1587, %unpack3A_1588 : vector<16xi1>, vector<16xf32>
      %add3A_1593 = arith.constant 0 : i32
      %add3A_1594 = vector.broadcast %add3A_1593 : i32 to vector<16xi32>
      %add3A_1595 = arith.addi %shift_left3A_1573, %add3A_1594 : vector<16xi32>
      %gather3A_1596 = tpu.vector_load_idx %arg12[%add3A_1553, %add3A_1595] : memref<256x128xf32, #tpu.memory_space<vmem>>[vector<16xi32>, vector<16xi32>], vector<16xf32>,
      %bitcast3A_1597 = vector.bitcast %gather3A_1596 : vector<16xf32> to vector<32xbf16>
      %unpack3A_1598 = tpu.unpack_subelements %bitcast3A_1597, 0 {pack_format = #tpu.pack_format<interleaved>} : vector<32xbf16> -> vector<16xf32>
      %unpack3A_1599 = tpu.unpack_subelements %bitcast3A_1597, 1 {pack_format = #tpu.pack_format<interleaved>} : vector<32xbf16> -> vector<16xf32>
      %eq3A_1600 = arith.constant 0 : i32
      %eq3A_1601 = vector.broadcast %eq3A_1600 : i32 to vector<16xi32>
      %eq3A_1602 = arith.cmpi eq, %and3A_1581, %eq3A_1601 : vector<16xi32>
      %select_n3A_1603 = arith.select %eq3A_1602, %unpack3A_1598, %unpack3A_1599 : vector<16xi1>, vector<16xf32>
      %mul3A_1604 = arith.mulf %select_n3A_1592, %select_n3A_1603 : vector<16xf32>
      %add3A_1605 = arith.addf %get3A_577, %mul3A_1604 : vector<16xf32>
      %add3A_1606 = arith.constant 1 : i32
      %add3A_1607 = vector.broadcast %add3A_1606 : i32 to vector<16xi32>
      %add3A_1608 = arith.addi %shift_left3A_1567, %add3A_1607 : vector<16xi32>
      %gather3A_1609 = tpu.vector_load_idx %arg11[%add3A_1553, %add3A_1608] : memref<256x128xf32, #tpu.memory_space<vmem>>[vector<16xi32>, vector<16xi32>], vector<16xf32>,
      %bitcast3A_1610 = vector.bitcast %gather3A_1609 : vector<16xf32> to vector<32xbf16>
      %unpack3A_1611 = tpu.unpack_subelements %bitcast3A_1610, 0 {pack_format = #tpu.pack_format<interleaved>} : vector<32xbf16> -> vector<16xf32>
      %unpack3A_1612 = tpu.unpack_subelements %bitcast3A_1610, 1 {pack_format = #tpu.pack_format<interleaved>} : vector<32xbf16> -> vector<16xf32>
      %eq3A_1613 = arith.constant 0 : i32
      %eq3A_1614 = vector.broadcast %eq3A_1613 : i32 to vector<16xi32>
      %eq3A_1615 = arith.cmpi eq, %and3A_1577, %eq3A_1614 : vector<16xi32>
      %select_n3A_1616 = arith.select %eq3A_1615, %unpack3A_1611, %unpack3A_1612 : vector<16xi1>, vector<16xf32>
      %add3A_1617 = arith.constant 1 : i32
      %add3A_1618 = vector.broadcast %add3A_1617 : i32 to vector<16xi32>
      %add3A_1619 = arith.addi %shift_left3A_1573, %add3A_1618 : vector<16xi32>
      %gather3A_1620 = tpu.vector_load_idx %arg12[%add3A_1553, %add3A_1619] : memref<256x128xf32, #tpu.memory_space<vmem>>[vector<16xi32>, vector<16xi32>], vector<16xf32>,
      %bitcast3A_1621 = vector.bitcast %gather3A_1620 : vector<16xf32> to vector<32xbf16>
      %unpack3A_1622 = tpu.unpack_subelements %bitcast3A_1621, 0 {pack_format = #tpu.pack_format<interleaved>} : vector<32xbf16> -> vector<16xf32>
      %unpack3A_1623 = tpu.unpack_subelements %bitcast3A_1621, 1 {pack_format = #tpu.pack_format<interleaved>} : vector<32xbf16> -> vector<16xf32>
      %eq3A_1624 = arith.constant 0 : i32
      %eq3A_1625 = vector.broadcast %eq3A_1624 : i32 to vector<16xi32>
      %eq3A_1626 = arith.cmpi eq, %and3A_1581, %eq3A_1625 : vector<16xi32>
      %select_n3A_1627 = arith.select %eq3A_1626, %unpack3A_1622, %unpack3A_1623 : vector<16xi1>, vector<16xf32>
      %mul3A_1628 = arith.mulf %select_n3A_1616, %select_n3A_1627 : vector<16xf32>
      %add3A_1629 = arith.addf %add3A_1605, %mul3A_1628 : vector<16xf32>
      %add3A_1630 = arith.constant 2 : i32
      %add3A_1631 = vector.broadcast %add3A_1630 : i32 to vector<16xi32>
      %add3A_1632 = arith.addi %shift_left3A_1567, %add3A_1631 : vector<16xi32>
      %gather3A_1633 = tpu.vector_load_idx %arg11[%add3A_1553, %add3A_1632] : memref<256x128xf32, #tpu.memory_space<vmem>>[vector<16xi32>, vector<16xi32>], vector<16xf32>,
      %bitcast3A_1634 = vector.bitcast %gather3A_1633 : vector<16xf32> to vector<32xbf16>
      %unpack3A_1635 = tpu.unpack_subelements %bitcast3A_1634, 0 {pack_format = #tpu.pack_format<interleaved>} : vector<32xbf16> -> vector<16xf32>
      %unpack3A_1636 = tpu.unpack_subelements %bitcast3A_1634, 1 {pack_format = #tpu.pack_format<interleaved>} : vector<32xbf16> -> vector<16xf32>
      %eq3A_1637 = arith.constant 0 : i32
      %eq3A_1638 = vector.broadcast %eq3A_1637 : i32 to vector<16xi32>
      %eq3A_1639 = arith.cmpi eq, %and3A_1577, %eq3A_1638 : vector<16xi32>
      %select_n3A_1640 = arith.select %eq3A_1639, %unpack3A_1635, %unpack3A_1636 : vector<16xi1>, vector<16xf32>
      %add3A_1641 = arith.constant 2 : i32
      %add3A_1642 = vector.broadcast %add3A_1641 : i32 to vector<16xi32>
      %add3A_1643 = arith.addi %shift_left3A_1573, %add3A_1642 : vector<16xi32>
      %gather3A_1644 = tpu.vector_load_idx %arg12[%add3A_1553, %add3A_1643] : memref<256x128xf32, #tpu.memory_space<vmem>>[vector<16xi32>, vector<16xi32>], vector<16xf32>,
      %bitcast3A_1645 = vector.bitcast %gather3A_1644 : vector<16xf32> to vector<32xbf16>
      %unpack3A_1646 = tpu.unpack_subelements %bitcast3A_1645, 0 {pack_format = #tpu.pack_format<interleaved>} : vector<32xbf16> -> vector<16xf32>
      %unpack3A_1647 = tpu.unpack_subelements %bitcast3A_1645, 1 {pack_format = #tpu.pack_format<interleaved>} : vector<32xbf16> -> vector<16xf32>
      %eq3A_1648 = arith.constant 0 : i32
      %eq3A_1649 = vector.broadcast %eq3A_1648 : i32 to vector<16xi32>
      %eq3A_1650 = arith.cmpi eq, %and3A_1581, %eq3A_1649 : vector<16xi32>
      %select_n3A_1651 = arith.select %eq3A_1650, %unpack3A_1646, %unpack3A_1647 : vector<16xi1>, vector<16xf32>
      %mul3A_1652 = arith.mulf %select_n3A_1640, %select_n3A_1651 : vector<16xf32>
      %add3A_1653 = arith.addf %add3A_1629, %mul3A_1652 : vector<16xf32>
      %add3A_1654 = arith.constant 3 : i32
      %add3A_1655 = vector.broadcast %add3A_1654 : i32 to vector<16xi32>
      %add3A_1656 = arith.addi %shift_left3A_1567, %add3A_1655 : vector<16xi32>
      %gather3A_1657 = tpu.vector_load_idx %arg11[%add3A_1553, %add3A_1656] : memref<256x128xf32, #tpu.memory_space<vmem>>[vector<16xi32>, vector<16xi32>], vector<16xf32>,
      %bitcast3A_1658 = vector.bitcast %gather3A_1657 : vector<16xf32> to vector<32xbf16>
      %unpack3A_1659 = tpu.unpack_subelements %bitcast3A_1658, 0 {pack_format = #tpu.pack_format<interleaved>} : vector<32xbf16> -> vector<16xf32>
      %unpack3A_1660 = tpu.unpack_subelements %bitcast3A_1658, 1 {pack_format = #tpu.pack_format<interleaved>} : vector<32xbf16> -> vector<16xf32>
      %eq3A_1661 = arith.constant 0 : i32
      %eq3A_1662 = vector.broadcast %eq3A_1661 : i32 to vector<16xi32>
      %eq3A_1663 = arith.cmpi eq, %and3A_1577, %eq3A_1662 : vector<16xi32>
      %select_n3A_1664 = arith.select %eq3A_1663, %unpack3A_1659, %unpack3A_1660 : vector<16xi1>, vector<16xf32>
      %add3A_1665 = arith.constant 3 : i32
      %add3A_1666 = vector.broadcast %add3A_1665 : i32 to vector<16xi32>
      %add3A_1667 = arith.addi %shift_left3A_1573, %add3A_1666 : vector<16xi32>
      %gather3A_1668 = tpu.vector_load_idx %arg12[%add3A_1553, %add3A_1667] : memref<256x128xf32, #tpu.memory_space<vmem>>[vector<16xi32>, vector<16xi32>], vector<16xf32>,
      %bitcast3A_1669 = vector.bitcast %gather3A_1668 : vector<16xf32> to vector<32xbf16>
      %unpack3A_1670 = tpu.unpack_subelements %bitcast3A_1669, 0 {pack_format = #tpu.pack_format<interleaved>} : vector<32xbf16> -> vector<16xf32>
      %unpack3A_1671 = tpu.unpack_subelements %bitcast3A_1669, 1 {pack_format = #tpu.pack_format<interleaved>} : vector<32xbf16> -> vector<16xf32>
      %eq3A_1672 = arith.constant 0 : i32
      %eq3A_1673 = vector.broadcast %eq3A_1672 : i32 to vector<16xi32>
      %eq3A_1674 = arith.cmpi eq, %and3A_1581, %eq3A_1673 : vector<16xi32>
      %select_n3A_1675 = arith.select %eq3A_1674, %unpack3A_1670, %unpack3A_1671 : vector<16xi1>, vector<16xf32>
      %mul3A_1676 = arith.mulf %select_n3A_1664, %select_n3A_1675 : vector<16xf32>
      %add3A_1677 = arith.addf %add3A_1653, %mul3A_1676 : vector<16xf32>
      %add3A_1678 = arith.constant 4 : i32
      %add3A_1679 = vector.broadcast %add3A_1678 : i32 to vector<16xi32>
      %add3A_1680 = arith.addi %shift_left3A_1567, %add3A_1679 : vector<16xi32>
      %gather3A_1681 = tpu.vector_load_idx %arg11[%add3A_1553, %add3A_1680] : memref<256x128xf32, #tpu.memory_space<vmem>>[vector<16xi32>, vector<16xi32>], vector<16xf32>,
      %bitcast3A_1682 = vector.bitcast %gather3A_1681 : vector<16xf32> to vector<32xbf16>
      %unpack3A_1683 = tpu.unpack_subelements %bitcast3A_1682, 0 {pack_format = #tpu.pack_format<interleaved>} : vector<32xbf16> -> vector<16xf32>
      %unpack3A_1684 = tpu.unpack_subelements %bitcast3A_1682, 1 {pack_format = #tpu.pack_format<interleaved>} : vector<32xbf16> -> vector<16xf32>
      %eq3A_1685 = arith.constant 0 : i32
      %eq3A_1686 = vector.broadcast %eq3A_1685 : i32 to vector<16xi32>
      %eq3A_1687 = arith.cmpi eq, %and3A_1577, %eq3A_1686 : vector<16xi32>
      %select_n3A_1688 = arith.select %eq3A_1687, %unpack3A_1683, %unpack3A_1684 : vector<16xi1>, vector<16xf32>
      %add3A_1689 = arith.constant 4 : i32
      %add3A_1690 = vector.broadcast %add3A_1689 : i32 to vector<16xi32>
      %add3A_1691 = arith.addi %shift_left3A_1573, %add3A_1690 : vector<16xi32>
      %gather3A_1692 = tpu.vector_load_idx %arg12[%add3A_1553, %add3A_1691] : memref<256x128xf32, #tpu.memory_space<vmem>>[vector<16xi32>, vector<16xi32>], vector<16xf32>,
      %bitcast3A_1693 = vector.bitcast %gather3A_1692 : vector<16xf32> to vector<32xbf16>
      %unpack3A_1694 = tpu.unpack_subelements %bitcast3A_1693, 0 {pack_format = #tpu.pack_format<interleaved>} : vector<32xbf16> -> vector<16xf32>
      %unpack3A_1695 = tpu.unpack_subelements %bitcast3A_1693, 1 {pack_format = #tpu.pack_format<interleaved>} : vector<32xbf16> -> vector<16xf32>
      %eq3A_1696 = arith.constant 0 : i32
      %eq3A_1697 = vector.broadcast %eq3A_1696 : i32 to vector<16xi32>
      %eq3A_1698 = arith.cmpi eq, %and3A_1581, %eq3A_1697 : vector<16xi32>
      %select_n3A_1699 = arith.select %eq3A_1698, %unpack3A_1694, %unpack3A_1695 : vector<16xi1>, vector<16xf32>
      %mul3A_1700 = arith.mulf %select_n3A_1688, %select_n3A_1699 : vector<16xf32>
      %add3A_1701 = arith.addf %add3A_1677, %mul3A_1700 : vector<16xf32>
      %add3A_1702 = arith.constant 5 : i32
      %add3A_1703 = vector.broadcast %add3A_1702 : i32 to vector<16xi32>
      %add3A_1704 = arith.addi %shift_left3A_1567, %add3A_1703 : vector<16xi32>
      %gather3A_1705 = tpu.vector_load_idx %arg11[%add3A_1553, %add3A_1704] : memref<256x128xf32, #tpu.memory_space<vmem>>[vector<16xi32>, vector<16xi32>], vector<16xf32>,
      %bitcast3A_1706 = vector.bitcast %gather3A_1705 : vector<16xf32> to vector<32xbf16>
      %unpack3A_1707 = tpu.unpack_subelements %bitcast3A_1706, 0 {pack_format = #tpu.pack_format<interleaved>} : vector<32xbf16> -> vector<16xf32>
      %unpack3A_1708 = tpu.unpack_subelements %bitcast3A_1706, 1 {pack_format = #tpu.pack_format<interleaved>} : vector<32xbf16> -> vector<16xf32>
      %eq3A_1709 = arith.constant 0 : i32
      %eq3A_1710 = vector.broadcast %eq3A_1709 : i32 to vector<16xi32>
      %eq3A_1711 = arith.cmpi eq, %and3A_1577, %eq3A_1710 : vector<16xi32>
      %select_n3A_1712 = arith.select %eq3A_1711, %unpack3A_1707, %unpack3A_1708 : vector<16xi1>, vector<16xf32>
      %add3A_1713 = arith.constant 5 : i32
      %add3A_1714 = vector.broadcast %add3A_1713 : i32 to vector<16xi32>
      %add3A_1715 = arith.addi %shift_left3A_1573, %add3A_1714 : vector<16xi32>
      %gather3A_1716 = tpu.vector_load_idx %arg12[%add3A_1553, %add3A_1715] : memref<256x128xf32, #tpu.memory_space<vmem>>[vector<16xi32>, vector<16xi32>], vector<16xf32>,
      %bitcast3A_1717 = vector.bitcast %gather3A_1716 : vector<16xf32> to vector<32xbf16>
      %unpack3A_1718 = tpu.unpack_subelements %bitcast3A_1717, 0 {pack_format = #tpu.pack_format<interleaved>} : vector<32xbf16> -> vector<16xf32>
      %unpack3A_1719 = tpu.unpack_subelements %bitcast3A_1717, 1 {pack_format = #tpu.pack_format<interleaved>} : vector<32xbf16> -> vector<16xf32>
      %eq3A_1720 = arith.constant 0 : i32
      %eq3A_1721 = vector.broadcast %eq3A_1720 : i32 to vector<16xi32>
      %eq3A_1722 = arith.cmpi eq, %and3A_1581, %eq3A_1721 : vector<16xi32>
      %select_n3A_1723 = arith.select %eq3A_1722, %unpack3A_1718, %unpack3A_1719 : vector<16xi1>, vector<16xf32>
      %mul3A_1724 = arith.mulf %select_n3A_1712, %select_n3A_1723 : vector<16xf32>
      %add3A_1725 = arith.addf %add3A_1701, %mul3A_1724 : vector<16xf32>
      %add3A_1726 = arith.constant 6 : i32
      %add3A_1727 = vector.broadcast %add3A_1726 : i32 to vector<16xi32>
      %add3A_1728 = arith.addi %shift_left3A_1567, %add3A_1727 : vector<16xi32>
      %gather3A_1729 = tpu.vector_load_idx %arg11[%add3A_1553, %add3A_1728] : memref<256x128xf32, #tpu.memory_space<vmem>>[vector<16xi32>, vector<16xi32>], vector<16xf32>,
      %bitcast3A_1730 = vector.bitcast %gather3A_1729 : vector<16xf32> to vector<32xbf16>
      %unpack3A_1731 = tpu.unpack_subelements %bitcast3A_1730, 0 {pack_format = #tpu.pack_format<interleaved>} : vector<32xbf16> -> vector<16xf32>
      %unpack3A_1732 = tpu.unpack_subelements %bitcast3A_1730, 1 {pack_format = #tpu.pack_format<interleaved>} : vector<32xbf16> -> vector<16xf32>
      %eq3A_1733 = arith.constant 0 : i32
      %eq3A_1734 = vector.broadcast %eq3A_1733 : i32 to vector<16xi32>
      %eq3A_1735 = arith.cmpi eq, %and3A_1577, %eq3A_1734 : vector<16xi32>
      %select_n3A_1736 = arith.select %eq3A_1735, %unpack3A_1731, %unpack3A_1732 : vector<16xi1>, vector<16xf32>
      %add3A_1737 = arith.constant 6 : i32
      %add3A_1738 = vector.broadcast %add3A_1737 : i32 to vector<16xi32>
      %add3A_1739 = arith.addi %shift_left3A_1573, %add3A_1738 : vector<16xi32>
      %gather3A_1740 = tpu.vector_load_idx %arg12[%add3A_1553, %add3A_1739] : memref<256x128xf32, #tpu.memory_space<vmem>>[vector<16xi32>, vector<16xi32>], vector<16xf32>,
      %bitcast3A_1741 = vector.bitcast %gather3A_1740 : vector<16xf32> to vector<32xbf16>
      %unpack3A_1742 = tpu.unpack_subelements %bitcast3A_1741, 0 {pack_format = #tpu.pack_format<interleaved>} : vector<32xbf16> -> vector<16xf32>
      %unpack3A_1743 = tpu.unpack_subelements %bitcast3A_1741, 1 {pack_format = #tpu.pack_format<interleaved>} : vector<32xbf16> -> vector<16xf32>
      %eq3A_1744 = arith.constant 0 : i32
      %eq3A_1745 = vector.broadcast %eq3A_1744 : i32 to vector<16xi32>
      %eq3A_1746 = arith.cmpi eq, %and3A_1581, %eq3A_1745 : vector<16xi32>
      %select_n3A_1747 = arith.select %eq3A_1746, %unpack3A_1742, %unpack3A_1743 : vector<16xi1>, vector<16xf32>
      %mul3A_1748 = arith.mulf %select_n3A_1736, %select_n3A_1747 : vector<16xf32>
      %add3A_1749 = arith.addf %add3A_1725, %mul3A_1748 : vector<16xf32>
      %add3A_1750 = arith.constant 7 : i32
      %add3A_1751 = vector.broadcast %add3A_1750 : i32 to vector<16xi32>
      %add3A_1752 = arith.addi %shift_left3A_1567, %add3A_1751 : vector<16xi32>
      %gather3A_1753 = tpu.vector_load_idx %arg11[%add3A_1553, %add3A_1752] : memref<256x128xf32, #tpu.memory_space<vmem>>[vector<16xi32>, vector<16xi32>], vector<16xf32>,
      %bitcast3A_1754 = vector.bitcast %gather3A_1753 : vector<16xf32> to vector<32xbf16>
      %unpack3A_1755 = tpu.unpack_subelements %bitcast3A_1754, 0 {pack_format = #tpu.pack_format<interleaved>} : vector<32xbf16> -> vector<16xf32>
      %unpack3A_1756 = tpu.unpack_subelements %bitcast3A_1754, 1 {pack_format = #tpu.pack_format<interleaved>} : vector<32xbf16> -> vector<16xf32>
      %eq3A_1757 = arith.constant 0 : i32
      %eq3A_1758 = vector.broadcast %eq3A_1757 : i32 to vector<16xi32>
      %eq3A_1759 = arith.cmpi eq, %and3A_1577, %eq3A_1758 : vector<16xi32>
      %select_n3A_1760 = arith.select %eq3A_1759, %unpack3A_1755, %unpack3A_1756 : vector<16xi1>, vector<16xf32>
      %add3A_1761 = arith.constant 7 : i32
      %add3A_1762 = vector.broadcast %add3A_1761 : i32 to vector<16xi32>
      %add3A_1763 = arith.addi %shift_left3A_1573, %add3A_1762 : vector<16xi32>
      %gather3A_1764 = tpu.vector_load_idx %arg12[%add3A_1553, %add3A_1763] : memref<256x128xf32, #tpu.memory_space<vmem>>[vector<16xi32>, vector<16xi32>], vector<16xf32>,
      %bitcast3A_1765 = vector.bitcast %gather3A_1764 : vector<16xf32> to vector<32xbf16>
      %unpack3A_1766 = tpu.unpack_subelements %bitcast3A_1765, 0 {pack_format = #tpu.pack_format<interleaved>} : vector<32xbf16> -> vector<16xf32>
      %unpack3A_1767 = tpu.unpack_subelements %bitcast3A_1765, 1 {pack_format = #tpu.pack_format<interleaved>} : vector<32xbf16> -> vector<16xf32>
      %eq3A_1768 = arith.constant 0 : i32
      %eq3A_1769 = vector.broadcast %eq3A_1768 : i32 to vector<16xi32>
      %eq3A_1770 = arith.cmpi eq, %and3A_1581, %eq3A_1769 : vector<16xi32>
      %select_n3A_1771 = arith.select %eq3A_1770, %unpack3A_1766, %unpack3A_1767 : vector<16xi1>, vector<16xf32>
      %mul3A_1772 = arith.mulf %select_n3A_1760, %select_n3A_1771 : vector<16xf32>
      %add3A_1773 = arith.addf %add3A_1749, %mul3A_1772 : vector<16xf32>
      %add3A_1774 = arith.constant 8 : i32
      %add3A_1775 = vector.broadcast %add3A_1774 : i32 to vector<16xi32>
      %add3A_1776 = arith.addi %shift_left3A_1567, %add3A_1775 : vector<16xi32>
      %gather3A_1777 = tpu.vector_load_idx %arg11[%add3A_1553, %add3A_1776] : memref<256x128xf32, #tpu.memory_space<vmem>>[vector<16xi32>, vector<16xi32>], vector<16xf32>,
      %bitcast3A_1778 = vector.bitcast %gather3A_1777 : vector<16xf32> to vector<32xbf16>
      %unpack3A_1779 = tpu.unpack_subelements %bitcast3A_1778, 0 {pack_format = #tpu.pack_format<interleaved>} : vector<32xbf16> -> vector<16xf32>
      %unpack3A_1780 = tpu.unpack_subelements %bitcast3A_1778, 1 {pack_format = #tpu.pack_format<interleaved>} : vector<32xbf16> -> vector<16xf32>
      %eq3A_1781 = arith.constant 0 : i32
      %eq3A_1782 = vector.broadcast %eq3A_1781 : i32 to vector<16xi32>
      %eq3A_1783 = arith.cmpi eq, %and3A_1577, %eq3A_1782 : vector<16xi32>
      %select_n3A_1784 = arith.select %eq3A_1783, %unpack3A_1779, %unpack3A_1780 : vector<16xi1>, vector<16xf32>
      %add3A_1785 = arith.constant 8 : i32
      %add3A_1786 = vector.broadcast %add3A_1785 : i32 to vector<16xi32>
      %add3A_1787 = arith.addi %shift_left3A_1573, %add3A_1786 : vector<16xi32>
      %gather3A_1788 = tpu.vector_load_idx %arg12[%add3A_1553, %add3A_1787] : memref<256x128xf32, #tpu.memory_space<vmem>>[vector<16xi32>, vector<16xi32>], vector<16xf32>,
      %bitcast3A_1789 = vector.bitcast %gather3A_1788 : vector<16xf32> to vector<32xbf16>
      %unpack3A_1790 = tpu.unpack_subelements %bitcast3A_1789, 0 {pack_format = #tpu.pack_format<interleaved>} : vector<32xbf16> -> vector<16xf32>
      %unpack3A_1791 = tpu.unpack_subelements %bitcast3A_1789, 1 {pack_format = #tpu.pack_format<interleaved>} : vector<32xbf16> -> vector<16xf32>
      %eq3A_1792 = arith.constant 0 : i32
      %eq3A_1793 = vector.broadcast %eq3A_1792 : i32 to vector<16xi32>
      %eq3A_1794 = arith.cmpi eq, %and3A_1581, %eq3A_1793 : vector<16xi32>
      %select_n3A_1795 = arith.select %eq3A_1794, %unpack3A_1790, %unpack3A_1791 : vector<16xi1>, vector<16xf32>
      %mul3A_1796 = arith.mulf %select_n3A_1784, %select_n3A_1795 : vector<16xf32>
      %add3A_1797 = arith.addf %add3A_1773, %mul3A_1796 : vector<16xf32>
      %add3A_1798 = arith.constant 9 : i32
      %add3A_1799 = vector.broadcast %add3A_1798 : i32 to vector<16xi32>
      %add3A_1800 = arith.addi %shift_left3A_1567, %add3A_1799 : vector<16xi32>
      %gather3A_1801 = tpu.vector_load_idx %arg11[%add3A_1553, %add3A_1800] : memref<256x128xf32, #tpu.memory_space<vmem>>[vector<16xi32>, vector<16xi32>], vector<16xf32>,
      %bitcast3A_1802 = vector.bitcast %gather3A_1801 : vector<16xf32> to vector<32xbf16>
      %unpack3A_1803 = tpu.unpack_subelements %bitcast3A_1802, 0 {pack_format = #tpu.pack_format<interleaved>} : vector<32xbf16> -> vector<16xf32>
      %unpack3A_1804 = tpu.unpack_subelements %bitcast3A_1802, 1 {pack_format = #tpu.pack_format<interleaved>} : vector<32xbf16> -> vector<16xf32>
      %eq3A_1805 = arith.constant 0 : i32
      %eq3A_1806 = vector.broadcast %eq3A_1805 : i32 to vector<16xi32>
      %eq3A_1807 = arith.cmpi eq, %and3A_1577, %eq3A_1806 : vector<16xi32>
      %select_n3A_1808 = arith.select %eq3A_1807, %unpack3A_1803, %unpack3A_1804 : vector<16xi1>, vector<16xf32>
      %add3A_1809 = arith.constant 9 : i32
      %add3A_1810 = vector.broadcast %add3A_1809 : i32 to vector<16xi32>
      %add3A_1811 = arith.addi %shift_left3A_1573, %add3A_1810 : vector<16xi32>
      %gather3A_1812 = tpu.vector_load_idx %arg12[%add3A_1553, %add3A_1811] : memref<256x128xf32, #tpu.memory_space<vmem>>[vector<16xi32>, vector<16xi32>], vector<16xf32>,
      %bitcast3A_1813 = vector.bitcast %gather3A_1812 : vector<16xf32> to vector<32xbf16>
      %unpack3A_1814 = tpu.unpack_subelements %bitcast3A_1813, 0 {pack_format = #tpu.pack_format<interleaved>} : vector<32xbf16> -> vector<16xf32>
      %unpack3A_1815 = tpu.unpack_subelements %bitcast3A_1813, 1 {pack_format = #tpu.pack_format<interleaved>} : vector<32xbf16> -> vector<16xf32>
      %eq3A_1816 = arith.constant 0 : i32
      %eq3A_1817 = vector.broadcast %eq3A_1816 : i32 to vector<16xi32>
      %eq3A_1818 = arith.cmpi eq, %and3A_1581, %eq3A_1817 : vector<16xi32>
      %select_n3A_1819 = arith.select %eq3A_1818, %unpack3A_1814, %unpack3A_1815 : vector<16xi1>, vector<16xf32>
      %mul3A_1820 = arith.mulf %select_n3A_1808, %select_n3A_1819 : vector<16xf32>
      %add3A_1821 = arith.addf %add3A_1797, %mul3A_1820 : vector<16xf32>
      %add3A_1822 = arith.constant 10 : i32
      %add3A_1823 = vector.broadcast %add3A_1822 : i32 to vector<16xi32>
      %add3A_1824 = arith.addi %shift_left3A_1567, %add3A_1823 : vector<16xi32>
      %gather3A_1825 = tpu.vector_load_idx %arg11[%add3A_1553, %add3A_1824] : memref<256x128xf32, #tpu.memory_space<vmem>>[vector<16xi32>, vector<16xi32>], vector<16xf32>,
      %bitcast3A_1826 = vector.bitcast %gather3A_1825 : vector<16xf32> to vector<32xbf16>
      %unpack3A_1827 = tpu.unpack_subelements %bitcast3A_1826, 0 {pack_format = #tpu.pack_format<interleaved>} : vector<32xbf16> -> vector<16xf32>
      %unpack3A_1828 = tpu.unpack_subelements %bitcast3A_1826, 1 {pack_format = #tpu.pack_format<interleaved>} : vector<32xbf16> -> vector<16xf32>
      %eq3A_1829 = arith.constant 0 : i32
      %eq3A_1830 = vector.broadcast %eq3A_1829 : i32 to vector<16xi32>
      %eq3A_1831 = arith.cmpi eq, %and3A_1577, %eq3A_1830 : vector<16xi32>
      %select_n3A_1832 = arith.select %eq3A_1831, %unpack3A_1827, %unpack3A_1828 : vector<16xi1>, vector<16xf32>
      %add3A_1833 = arith.constant 10 : i32
      %add3A_1834 = vector.broadcast %add3A_1833 : i32 to vector<16xi32>
      %add3A_1835 = arith.addi %shift_left3A_1573, %add3A_1834 : vector<16xi32>
      %gather3A_1836 = tpu.vector_load_idx %arg12[%add3A_1553, %add3A_1835] : memref<256x128xf32, #tpu.memory_space<vmem>>[vector<16xi32>, vector<16xi32>], vector<16xf32>,
      %bitcast3A_1837 = vector.bitcast %gather3A_1836 : vector<16xf32> to vector<32xbf16>
      %unpack3A_1838 = tpu.unpack_subelements %bitcast3A_1837, 0 {pack_format = #tpu.pack_format<interleaved>} : vector<32xbf16> -> vector<16xf32>
      %unpack3A_1839 = tpu.unpack_subelements %bitcast3A_1837, 1 {pack_format = #tpu.pack_format<interleaved>} : vector<32xbf16> -> vector<16xf32>
      %eq3A_1840 = arith.constant 0 : i32
      %eq3A_1841 = vector.broadcast %eq3A_1840 : i32 to vector<16xi32>
      %eq3A_1842 = arith.cmpi eq, %and3A_1581, %eq3A_1841 : vector<16xi32>
      %select_n3A_1843 = arith.select %eq3A_1842, %unpack3A_1838, %unpack3A_1839 : vector<16xi1>, vector<16xf32>
      %mul3A_1844 = arith.mulf %select_n3A_1832, %select_n3A_1843 : vector<16xf32>
      %add3A_1845 = arith.addf %add3A_1821, %mul3A_1844 : vector<16xf32>
      %add3A_1846 = arith.constant 11 : i32
      %add3A_1847 = vector.broadcast %add3A_1846 : i32 to vector<16xi32>
      %add3A_1848 = arith.addi %shift_left3A_1567, %add3A_1847 : vector<16xi32>
      %gather3A_1849 = tpu.vector_load_idx %arg11[%add3A_1553, %add3A_1848] : memref<256x128xf32, #tpu.memory_space<vmem>>[vector<16xi32>, vector<16xi32>], vector<16xf32>,
      %bitcast3A_1850 = vector.bitcast %gather3A_1849 : vector<16xf32> to vector<32xbf16>
      %unpack3A_1851 = tpu.unpack_subelements %bitcast3A_1850, 0 {pack_format = #tpu.pack_format<interleaved>} : vector<32xbf16> -> vector<16xf32>
      %unpack3A_1852 = tpu.unpack_subelements %bitcast3A_1850, 1 {pack_format = #tpu.pack_format<interleaved>} : vector<32xbf16> -> vector<16xf32>
      %eq3A_1853 = arith.constant 0 : i32
      %eq3A_1854 = vector.broadcast %eq3A_1853 : i32 to vector<16xi32>
      %eq3A_1855 = arith.cmpi eq, %and3A_1577, %eq3A_1854 : vector<16xi32>
      %select_n3A_1856 = arith.select %eq3A_1855, %unpack3A_1851, %unpack3A_1852 : vector<16xi1>, vector<16xf32>
      %add3A_1857 = arith.constant 11 : i32
      %add3A_1858 = vector.broadcast %add3A_1857 : i32 to vector<16xi32>
      %add3A_1859 = arith.addi %shift_left3A_1573, %add3A_1858 : vector<16xi32>
      %gather3A_1860 = tpu.vector_load_idx %arg12[%add3A_1553, %add3A_1859] : memref<256x128xf32, #tpu.memory_space<vmem>>[vector<16xi32>, vector<16xi32>], vector<16xf32>,
      %bitcast3A_1861 = vector.bitcast %gather3A_1860 : vector<16xf32> to vector<32xbf16>
      %unpack3A_1862 = tpu.unpack_subelements %bitcast3A_1861, 0 {pack_format = #tpu.pack_format<interleaved>} : vector<32xbf16> -> vector<16xf32>
      %unpack3A_1863 = tpu.unpack_subelements %bitcast3A_1861, 1 {pack_format = #tpu.pack_format<interleaved>} : vector<32xbf16> -> vector<16xf32>
      %eq3A_1864 = arith.constant 0 : i32
      %eq3A_1865 = vector.broadcast %eq3A_1864 : i32 to vector<16xi32>
      %eq3A_1866 = arith.cmpi eq, %and3A_1581, %eq3A_1865 : vector<16xi32>
      %select_n3A_1867 = arith.select %eq3A_1866, %unpack3A_1862, %unpack3A_1863 : vector<16xi1>, vector<16xf32>
      %mul3A_1868 = arith.mulf %select_n3A_1856, %select_n3A_1867 : vector<16xf32>
      %add3A_1869 = arith.addf %add3A_1845, %mul3A_1868 : vector<16xf32>
      %add3A_1870 = arith.constant 12 : i32
      %add3A_1871 = vector.broadcast %add3A_1870 : i32 to vector<16xi32>
      %add3A_1872 = arith.addi %shift_left3A_1567, %add3A_1871 : vector<16xi32>
      %gather3A_1873 = tpu.vector_load_idx %arg11[%add3A_1553, %add3A_1872] : memref<256x128xf32, #tpu.memory_space<vmem>>[vector<16xi32>, vector<16xi32>], vector<16xf32>,
      %bitcast3A_1874 = vector.bitcast %gather3A_1873 : vector<16xf32> to vector<32xbf16>
      %unpack3A_1875 = tpu.unpack_subelements %bitcast3A_1874, 0 {pack_format = #tpu.pack_format<interleaved>} : vector<32xbf16> -> vector<16xf32>
      %unpack3A_1876 = tpu.unpack_subelements %bitcast3A_1874, 1 {pack_format = #tpu.pack_format<interleaved>} : vector<32xbf16> -> vector<16xf32>
      %eq3A_1877 = arith.constant 0 : i32
      %eq3A_1878 = vector.broadcast %eq3A_1877 : i32 to vector<16xi32>
      %eq3A_1879 = arith.cmpi eq, %and3A_1577, %eq3A_1878 : vector<16xi32>
      %select_n3A_1880 = arith.select %eq3A_1879, %unpack3A_1875, %unpack3A_1876 : vector<16xi1>, vector<16xf32>
      %add3A_1881 = arith.constant 12 : i32
      %add3A_1882 = vector.broadcast %add3A_1881 : i32 to vector<16xi32>
      %add3A_1883 = arith.addi %shift_left3A_1573, %add3A_1882 : vector<16xi32>
      %gather3A_1884 = tpu.vector_load_idx %arg12[%add3A_1553, %add3A_1883] : memref<256x128xf32, #tpu.memory_space<vmem>>[vector<16xi32>, vector<16xi32>], vector<16xf32>,
      %bitcast3A_1885 = vector.bitcast %gather3A_1884 : vector<16xf32> to vector<32xbf16>
      %unpack3A_1886 = tpu.unpack_subelements %bitcast3A_1885, 0 {pack_format = #tpu.pack_format<interleaved>} : vector<32xbf16> -> vector<16xf32>
      %unpack3A_1887 = tpu.unpack_subelements %bitcast3A_1885, 1 {pack_format = #tpu.pack_format<interleaved>} : vector<32xbf16> -> vector<16xf32>
      %eq3A_1888 = arith.constant 0 : i32
      %eq3A_1889 = vector.broadcast %eq3A_1888 : i32 to vector<16xi32>
      %eq3A_1890 = arith.cmpi eq, %and3A_1581, %eq3A_1889 : vector<16xi32>
      %select_n3A_1891 = arith.select %eq3A_1890, %unpack3A_1886, %unpack3A_1887 : vector<16xi1>, vector<16xf32>
      %mul3A_1892 = arith.mulf %select_n3A_1880, %select_n3A_1891 : vector<16xf32>
      %add3A_1893 = arith.addf %add3A_1869, %mul3A_1892 : vector<16xf32>
      %add3A_1894 = arith.constant 13 : i32
      %add3A_1895 = vector.broadcast %add3A_1894 : i32 to vector<16xi32>
      %add3A_1896 = arith.addi %shift_left3A_1567, %add3A_1895 : vector<16xi32>
      %gather3A_1897 = tpu.vector_load_idx %arg11[%add3A_1553, %add3A_1896] : memref<256x128xf32, #tpu.memory_space<vmem>>[vector<16xi32>, vector<16xi32>], vector<16xf32>,
      %bitcast3A_1898 = vector.bitcast %gather3A_1897 : vector<16xf32> to vector<32xbf16>
      %unpack3A_1899 = tpu.unpack_subelements %bitcast3A_1898, 0 {pack_format = #tpu.pack_format<interleaved>} : vector<32xbf16> -> vector<16xf32>
      %unpack3A_1900 = tpu.unpack_subelements %bitcast3A_1898, 1 {pack_format = #tpu.pack_format<interleaved>} : vector<32xbf16> -> vector<16xf32>
      %eq3A_1901 = arith.constant 0 : i32
      %eq3A_1902 = vector.broadcast %eq3A_1901 : i32 to vector<16xi32>
      %eq3A_1903 = arith.cmpi eq, %and3A_1577, %eq3A_1902 : vector<16xi32>
      %select_n3A_1904 = arith.select %eq3A_1903, %unpack3A_1899, %unpack3A_1900 : vector<16xi1>, vector<16xf32>
      %add3A_1905 = arith.constant 13 : i32
      %add3A_1906 = vector.broadcast %add3A_1905 : i32 to vector<16xi32>
      %add3A_1907 = arith.addi %shift_left3A_1573, %add3A_1906 : vector<16xi32>
      %gather3A_1908 = tpu.vector_load_idx %arg12[%add3A_1553, %add3A_1907] : memref<256x128xf32, #tpu.memory_space<vmem>>[vector<16xi32>, vector<16xi32>], vector<16xf32>,
      %bitcast3A_1909 = vector.bitcast %gather3A_1908 : vector<16xf32> to vector<32xbf16>
      %unpack3A_1910 = tpu.unpack_subelements %bitcast3A_1909, 0 {pack_format = #tpu.pack_format<interleaved>} : vector<32xbf16> -> vector<16xf32>
      %unpack3A_1911 = tpu.unpack_subelements %bitcast3A_1909, 1 {pack_format = #tpu.pack_format<interleaved>} : vector<32xbf16> -> vector<16xf32>
      %eq3A_1912 = arith.constant 0 : i32
      %eq3A_1913 = vector.broadcast %eq3A_1912 : i32 to vector<16xi32>
      %eq3A_1914 = arith.cmpi eq, %and3A_1581, %eq3A_1913 : vector<16xi32>
      %select_n3A_1915 = arith.select %eq3A_1914, %unpack3A_1910, %unpack3A_1911 : vector<16xi1>, vector<16xf32>
      %mul3A_1916 = arith.mulf %select_n3A_1904, %select_n3A_1915 : vector<16xf32>
      %add3A_1917 = arith.addf %add3A_1893, %mul3A_1916 : vector<16xf32>
      %add3A_1918 = arith.constant 14 : i32
      %add3A_1919 = vector.broadcast %add3A_1918 : i32 to vector<16xi32>
      %add3A_1920 = arith.addi %shift_left3A_1567, %add3A_1919 : vector<16xi32>
      %gather3A_1921 = tpu.vector_load_idx %arg11[%add3A_1553, %add3A_1920] : memref<256x128xf32, #tpu.memory_space<vmem>>[vector<16xi32>, vector<16xi32>], vector<16xf32>,
      %bitcast3A_1922 = vector.bitcast %gather3A_1921 : vector<16xf32> to vector<32xbf16>
      %unpack3A_1923 = tpu.unpack_subelements %bitcast3A_1922, 0 {pack_format = #tpu.pack_format<interleaved>} : vector<32xbf16> -> vector<16xf32>
      %unpack3A_1924 = tpu.unpack_subelements %bitcast3A_1922, 1 {pack_format = #tpu.pack_format<interleaved>} : vector<32xbf16> -> vector<16xf32>
      %eq3A_1925 = arith.constant 0 : i32
      %eq3A_1926 = vector.broadcast %eq3A_1925 : i32 to vector<16xi32>
      %eq3A_1927 = arith.cmpi eq, %and3A_1577, %eq3A_1926 : vector<16xi32>
      %select_n3A_1928 = arith.select %eq3A_1927, %unpack3A_1923, %unpack3A_1924 : vector<16xi1>, vector<16xf32>
      %add3A_1929 = arith.constant 14 : i32
      %add3A_1930 = vector.broadcast %add3A_1929 : i32 to vector<16xi32>
      %add3A_1931 = arith.addi %shift_left3A_1573, %add3A_1930 : vector<16xi32>
      %gather3A_1932 = tpu.vector_load_idx %arg12[%add3A_1553, %add3A_1931] : memref<256x128xf32, #tpu.memory_space<vmem>>[vector<16xi32>, vector<16xi32>], vector<16xf32>,
      %bitcast3A_1933 = vector.bitcast %gather3A_1932 : vector<16xf32> to vector<32xbf16>
      %unpack3A_1934 = tpu.unpack_subelements %bitcast3A_1933, 0 {pack_format = #tpu.pack_format<interleaved>} : vector<32xbf16> -> vector<16xf32>
      %unpack3A_1935 = tpu.unpack_subelements %bitcast3A_1933, 1 {pack_format = #tpu.pack_format<interleaved>} : vector<32xbf16> -> vector<16xf32>
      %eq3A_1936 = arith.constant 0 : i32
      %eq3A_1937 = vector.broadcast %eq3A_1936 : i32 to vector<16xi32>
      %eq3A_1938 = arith.cmpi eq, %and3A_1581, %eq3A_1937 : vector<16xi32>
      %select_n3A_1939 = arith.select %eq3A_1938, %unpack3A_1934, %unpack3A_1935 : vector<16xi1>, vector<16xf32>
      %mul3A_1940 = arith.mulf %select_n3A_1928, %select_n3A_1939 : vector<16xf32>
      %add3A_1941 = arith.addf %add3A_1917, %mul3A_1940 : vector<16xf32>
      %add3A_1942 = arith.constant 15 : i32
      %add3A_1943 = vector.broadcast %add3A_1942 : i32 to vector<16xi32>
      %add3A_1944 = arith.addi %shift_left3A_1567, %add3A_1943 : vector<16xi32>
      %gather3A_1945 = tpu.vector_load_idx %arg11[%add3A_1553, %add3A_1944] : memref<256x128xf32, #tpu.memory_space<vmem>>[vector<16xi32>, vector<16xi32>], vector<16xf32>,
      %bitcast3A_1946 = vector.bitcast %gather3A_1945 : vector<16xf32> to vector<32xbf16>
      %unpack3A_1947 = tpu.unpack_subelements %bitcast3A_1946, 0 {pack_format = #tpu.pack_format<interleaved>} : vector<32xbf16> -> vector<16xf32>
      %unpack3A_1948 = tpu.unpack_subelements %bitcast3A_1946, 1 {pack_format = #tpu.pack_format<interleaved>} : vector<32xbf16> -> vector<16xf32>
      %eq3A_1949 = arith.constant 0 : i32
      %eq3A_1950 = vector.broadcast %eq3A_1949 : i32 to vector<16xi32>
      %eq3A_1951 = arith.cmpi eq, %and3A_1577, %eq3A_1950 : vector<16xi32>
      %select_n3A_1952 = arith.select %eq3A_1951, %unpack3A_1947, %unpack3A_1948 : vector<16xi1>, vector<16xf32>
      %add3A_1953 = arith.constant 15 : i32
      %add3A_1954 = vector.broadcast %add3A_1953 : i32 to vector<16xi32>
      %add3A_1955 = arith.addi %shift_left3A_1573, %add3A_1954 : vector<16xi32>
      %gather3A_1956 = tpu.vector_load_idx %arg12[%add3A_1553, %add3A_1955] : memref<256x128xf32, #tpu.memory_space<vmem>>[vector<16xi32>, vector<16xi32>], vector<16xf32>,
      %bitcast3A_1957 = vector.bitcast %gather3A_1956 : vector<16xf32> to vector<32xbf16>
      %unpack3A_1958 = tpu.unpack_subelements %bitcast3A_1957, 0 {pack_format = #tpu.pack_format<interleaved>} : vector<32xbf16> -> vector<16xf32>
      %unpack3A_1959 = tpu.unpack_subelements %bitcast3A_1957, 1 {pack_format = #tpu.pack_format<interleaved>} : vector<32xbf16> -> vector<16xf32>
      %eq3A_1960 = arith.constant 0 : i32
      %eq3A_1961 = vector.broadcast %eq3A_1960 : i32 to vector<16xi32>
      %eq3A_1962 = arith.cmpi eq, %and3A_1581, %eq3A_1961 : vector<16xi32>
      %select_n3A_1963 = arith.select %eq3A_1962, %unpack3A_1958, %unpack3A_1959 : vector<16xi1>, vector<16xf32>
      %mul3A_1964 = arith.mulf %select_n3A_1952, %select_n3A_1963 : vector<16xf32>
      %add3A_1965 = arith.addf %add3A_1941, %mul3A_1964 : vector<16xf32>
      %add3A_1966 = arith.constant 16 : i32
      %add3A_1967 = vector.broadcast %add3A_1966 : i32 to vector<16xi32>
      %add3A_1968 = arith.addi %shift_left3A_1567, %add3A_1967 : vector<16xi32>
      %gather3A_1969 = tpu.vector_load_idx %arg11[%add3A_1553, %add3A_1968] : memref<256x128xf32, #tpu.memory_space<vmem>>[vector<16xi32>, vector<16xi32>], vector<16xf32>,
      %bitcast3A_1970 = vector.bitcast %gather3A_1969 : vector<16xf32> to vector<32xbf16>
      %unpack3A_1971 = tpu.unpack_subelements %bitcast3A_1970, 0 {pack_format = #tpu.pack_format<interleaved>} : vector<32xbf16> -> vector<16xf32>
      %unpack3A_1972 = tpu.unpack_subelements %bitcast3A_1970, 1 {pack_format = #tpu.pack_format<interleaved>} : vector<32xbf16> -> vector<16xf32>
      %eq3A_1973 = arith.constant 0 : i32
      %eq3A_1974 = vector.broadcast %eq3A_1973 : i32 to vector<16xi32>
      %eq3A_1975 = arith.cmpi eq, %and3A_1577, %eq3A_1974 : vector<16xi32>
      %select_n3A_1976 = arith.select %eq3A_1975, %unpack3A_1971, %unpack3A_1972 : vector<16xi1>, vector<16xf32>
      %add3A_1977 = arith.constant 16 : i32
      %add3A_1978 = vector.broadcast %add3A_1977 : i32 to vector<16xi32>
      %add3A_1979 = arith.addi %shift_left3A_1573, %add3A_1978 : vector<16xi32>
      %gather3A_1980 = tpu.vector_load_idx %arg12[%add3A_1553, %add3A_1979] : memref<256x128xf32, #tpu.memory_space<vmem>>[vector<16xi32>, vector<16xi32>], vector<16xf32>,
      %bitcast3A_1981 = vector.bitcast %gather3A_1980 : vector<16xf32> to vector<32xbf16>
      %unpack3A_1982 = tpu.unpack_subelements %bitcast3A_1981, 0 {pack_format = #tpu.pack_format<interleaved>} : vector<32xbf16> -> vector<16xf32>
      %unpack3A_1983 = tpu.unpack_subelements %bitcast3A_1981, 1 {pack_format = #tpu.pack_format<interleaved>} : vector<32xbf16> -> vector<16xf32>
      %eq3A_1984 = arith.constant 0 : i32
      %eq3A_1985 = vector.broadcast %eq3A_1984 : i32 to vector<16xi32>
      %eq3A_1986 = arith.cmpi eq, %and3A_1581, %eq3A_1985 : vector<16xi32>
      %select_n3A_1987 = arith.select %eq3A_1986, %unpack3A_1982, %unpack3A_1983 : vector<16xi1>, vector<16xf32>
      %mul3A_1988 = arith.mulf %select_n3A_1976, %select_n3A_1987 : vector<16xf32>
      %add3A_1989 = arith.addf %add3A_1965, %mul3A_1988 : vector<16xf32>
      %add3A_1990 = arith.constant 17 : i32
      %add3A_1991 = vector.broadcast %add3A_1990 : i32 to vector<16xi32>
      %add3A_1992 = arith.addi %shift_left3A_1567, %add3A_1991 : vector<16xi32>
      %gather3A_1993 = tpu.vector_load_idx %arg11[%add3A_1553, %add3A_1992] : memref<256x128xf32, #tpu.memory_space<vmem>>[vector<16xi32>, vector<16xi32>], vector<16xf32>,
      %bitcast3A_1994 = vector.bitcast %gather3A_1993 : vector<16xf32> to vector<32xbf16>
      %unpack3A_1995 = tpu.unpack_subelements %bitcast3A_1994, 0 {pack_format = #tpu.pack_format<interleaved>} : vector<32xbf16> -> vector<16xf32>
      %unpack3A_1996 = tpu.unpack_subelements %bitcast3A_1994, 1 {pack_format = #tpu.pack_format<interleaved>} : vector<32xbf16> -> vector<16xf32>
      %eq3A_1997 = arith.constant 0 : i32
      %eq3A_1998 = vector.broadcast %eq3A_1997 : i32 to vector<16xi32>
      %eq3A_1999 = arith.cmpi eq, %and3A_1577, %eq3A_1998 : vector<16xi32>
      %select_n3A_2000 = arith.select %eq3A_1999, %unpack3A_1995, %unpack3A_1996 : vector<16xi1>, vector<16xf32>
      %add3A_2001 = arith.constant 17 : i32
      %add3A_2002 = vector.broadcast %add3A_2001 : i32 to vector<16xi32>
      %add3A_2003 = arith.addi %shift_left3A_1573, %add3A_2002 : vector<16xi32>
      %gather3A_2004 = tpu.vector_load_idx %arg12[%add3A_1553, %add3A_2003] : memref<256x128xf32, #tpu.memory_space<vmem>>[vector<16xi32>, vector<16xi32>], vector<16xf32>,
      %bitcast3A_2005 = vector.bitcast %gather3A_2004 : vector<16xf32> to vector<32xbf16>
      %unpack3A_2006 = tpu.unpack_subelements %bitcast3A_2005, 0 {pack_format = #tpu.pack_format<interleaved>} : vector<32xbf16> -> vector<16xf32>
      %unpack3A_2007 = tpu.unpack_subelements %bitcast3A_2005, 1 {pack_format = #tpu.pack_format<interleaved>} : vector<32xbf16> -> vector<16xf32>
      %eq3A_2008 = arith.constant 0 : i32
      %eq3A_2009 = vector.broadcast %eq3A_2008 : i32 to vector<16xi32>
      %eq3A_2010 = arith.cmpi eq, %and3A_1581, %eq3A_2009 : vector<16xi32>
      %select_n3A_2011 = arith.select %eq3A_2010, %unpack3A_2006, %unpack3A_2007 : vector<16xi1>, vector<16xf32>
      %mul3A_2012 = arith.mulf %select_n3A_2000, %select_n3A_2011 : vector<16xf32>
      %add3A_2013 = arith.addf %add3A_1989, %mul3A_2012 : vector<16xf32>
      %add3A_2014 = arith.constant 18 : i32
      %add3A_2015 = vector.broadcast %add3A_2014 : i32 to vector<16xi32>
      %add3A_2016 = arith.addi %shift_left3A_1567, %add3A_2015 : vector<16xi32>
      %gather3A_2017 = tpu.vector_load_idx %arg11[%add3A_1553, %add3A_2016] : memref<256x128xf32, #tpu.memory_space<vmem>>[vector<16xi32>, vector<16xi32>], vector<16xf32>,
      %bitcast3A_2018 = vector.bitcast %gather3A_2017 : vector<16xf32> to vector<32xbf16>
      %unpack3A_2019 = tpu.unpack_subelements %bitcast3A_2018, 0 {pack_format = #tpu.pack_format<interleaved>} : vector<32xbf16> -> vector<16xf32>
      %unpack3A_2020 = tpu.unpack_subelements %bitcast3A_2018, 1 {pack_format = #tpu.pack_format<interleaved>} : vector<32xbf16> -> vector<16xf32>
      %eq3A_2021 = arith.constant 0 : i32
      %eq3A_2022 = vector.broadcast %eq3A_2021 : i32 to vector<16xi32>
      %eq3A_2023 = arith.cmpi eq, %and3A_1577, %eq3A_2022 : vector<16xi32>
      %select_n3A_2024 = arith.select %eq3A_2023, %unpack3A_2019, %unpack3A_2020 : vector<16xi1>, vector<16xf32>
      %add3A_2025 = arith.constant 18 : i32
      %add3A_2026 = vector.broadcast %add3A_2025 : i32 to vector<16xi32>
      %add3A_2027 = arith.addi %shift_left3A_1573, %add3A_2026 : vector<16xi32>
      %gather3A_2028 = tpu.vector_load_idx %arg12[%add3A_1553, %add3A_2027] : memref<256x128xf32, #tpu.memory_space<vmem>>[vector<16xi32>, vector<16xi32>], vector<16xf32>,
      %bitcast3A_2029 = vector.bitcast %gather3A_2028 : vector<16xf32> to vector<32xbf16>
      %unpack3A_2030 = tpu.unpack_subelements %bitcast3A_2029, 0 {pack_format = #tpu.pack_format<interleaved>} : vector<32xbf16> -> vector<16xf32>
      %unpack3A_2031 = tpu.unpack_subelements %bitcast3A_2029, 1 {pack_format = #tpu.pack_format<interleaved>} : vector<32xbf16> -> vector<16xf32>
      %eq3A_2032 = arith.constant 0 : i32
      %eq3A_2033 = vector.broadcast %eq3A_2032 : i32 to vector<16xi32>
      %eq3A_2034 = arith.cmpi eq, %and3A_1581, %eq3A_2033 : vector<16xi32>
      %select_n3A_2035 = arith.select %eq3A_2034, %unpack3A_2030, %unpack3A_2031 : vector<16xi1>, vector<16xf32>
      %mul3A_2036 = arith.mulf %select_n3A_2024, %select_n3A_2035 : vector<16xf32>
      %add3A_2037 = arith.addf %add3A_2013, %mul3A_2036 : vector<16xf32>
      %add3A_2038 = arith.constant 19 : i32
      %add3A_2039 = vector.broadcast %add3A_2038 : i32 to vector<16xi32>
      %add3A_2040 = arith.addi %shift_left3A_1567, %add3A_2039 : vector<16xi32>
      %gather3A_2041 = tpu.vector_load_idx %arg11[%add3A_1553, %add3A_2040] : memref<256x128xf32, #tpu.memory_space<vmem>>[vector<16xi32>, vector<16xi32>], vector<16xf32>,
      %bitcast3A_2042 = vector.bitcast %gather3A_2041 : vector<16xf32> to vector<32xbf16>
      %unpack3A_2043 = tpu.unpack_subelements %bitcast3A_2042, 0 {pack_format = #tpu.pack_format<interleaved>} : vector<32xbf16> -> vector<16xf32>
      %unpack3A_2044 = tpu.unpack_subelements %bitcast3A_2042, 1 {pack_format = #tpu.pack_format<interleaved>} : vector<32xbf16> -> vector<16xf32>
      %eq3A_2045 = arith.constant 0 : i32
      %eq3A_2046 = vector.broadcast %eq3A_2045 : i32 to vector<16xi32>
      %eq3A_2047 = arith.cmpi eq, %and3A_1577, %eq3A_2046 : vector<16xi32>
      %select_n3A_2048 = arith.select %eq3A_2047, %unpack3A_2043, %unpack3A_2044 : vector<16xi1>, vector<16xf32>
      %add3A_2049 = arith.constant 19 : i32
      %add3A_2050 = vector.broadcast %add3A_2049 : i32 to vector<16xi32>
      %add3A_2051 = arith.addi %shift_left3A_1573, %add3A_2050 : vector<16xi32>
      %gather3A_2052 = tpu.vector_load_idx %arg12[%add3A_1553, %add3A_2051] : memref<256x128xf32, #tpu.memory_space<vmem>>[vector<16xi32>, vector<16xi32>], vector<16xf32>,
      %bitcast3A_2053 = vector.bitcast %gather3A_2052 : vector<16xf32> to vector<32xbf16>
      %unpack3A_2054 = tpu.unpack_subelements %bitcast3A_2053, 0 {pack_format = #tpu.pack_format<interleaved>} : vector<32xbf16> -> vector<16xf32>
      %unpack3A_2055 = tpu.unpack_subelements %bitcast3A_2053, 1 {pack_format = #tpu.pack_format<interleaved>} : vector<32xbf16> -> vector<16xf32>
      %eq3A_2056 = arith.constant 0 : i32
      %eq3A_2057 = vector.broadcast %eq3A_2056 : i32 to vector<16xi32>
      %eq3A_2058 = arith.cmpi eq, %and3A_1581, %eq3A_2057 : vector<16xi32>
      %select_n3A_2059 = arith.select %eq3A_2058, %unpack3A_2054, %unpack3A_2055 : vector<16xi1>, vector<16xf32>
      %mul3A_2060 = arith.mulf %select_n3A_2048, %select_n3A_2059 : vector<16xf32>
      %add3A_2061 = arith.addf %add3A_2037, %mul3A_2060 : vector<16xf32>
      %add3A_2062 = arith.constant 20 : i32
      %add3A_2063 = vector.broadcast %add3A_2062 : i32 to vector<16xi32>
      %add3A_2064 = arith.addi %shift_left3A_1567, %add3A_2063 : vector<16xi32>
      %gather3A_2065 = tpu.vector_load_idx %arg11[%add3A_1553, %add3A_2064] : memref<256x128xf32, #tpu.memory_space<vmem>>[vector<16xi32>, vector<16xi32>], vector<16xf32>,
      %bitcast3A_2066 = vector.bitcast %gather3A_2065 : vector<16xf32> to vector<32xbf16>
      %unpack3A_2067 = tpu.unpack_subelements %bitcast3A_2066, 0 {pack_format = #tpu.pack_format<interleaved>} : vector<32xbf16> -> vector<16xf32>
      %unpack3A_2068 = tpu.unpack_subelements %bitcast3A_2066, 1 {pack_format = #tpu.pack_format<interleaved>} : vector<32xbf16> -> vector<16xf32>
      %eq3A_2069 = arith.constant 0 : i32
      %eq3A_2070 = vector.broadcast %eq3A_2069 : i32 to vector<16xi32>
      %eq3A_2071 = arith.cmpi eq, %and3A_1577, %eq3A_2070 : vector<16xi32>
      %select_n3A_2072 = arith.select %eq3A_2071, %unpack3A_2067, %unpack3A_2068 : vector<16xi1>, vector<16xf32>
      %add3A_2073 = arith.constant 20 : i32
      %add3A_2074 = vector.broadcast %add3A_2073 : i32 to vector<16xi32>
      %add3A_2075 = arith.addi %shift_left3A_1573, %add3A_2074 : vector<16xi32>
      %gather3A_2076 = tpu.vector_load_idx %arg12[%add3A_1553, %add3A_2075] : memref<256x128xf32, #tpu.memory_space<vmem>>[vector<16xi32>, vector<16xi32>], vector<16xf32>,
      %bitcast3A_2077 = vector.bitcast %gather3A_2076 : vector<16xf32> to vector<32xbf16>
      %unpack3A_2078 = tpu.unpack_subelements %bitcast3A_2077, 0 {pack_format = #tpu.pack_format<interleaved>} : vector<32xbf16> -> vector<16xf32>
      %unpack3A_2079 = tpu.unpack_subelements %bitcast3A_2077, 1 {pack_format = #tpu.pack_format<interleaved>} : vector<32xbf16> -> vector<16xf32>
      %eq3A_2080 = arith.constant 0 : i32
      %eq3A_2081 = vector.broadcast %eq3A_2080 : i32 to vector<16xi32>
      %eq3A_2082 = arith.cmpi eq, %and3A_1581, %eq3A_2081 : vector<16xi32>
      %select_n3A_2083 = arith.select %eq3A_2082, %unpack3A_2078, %unpack3A_2079 : vector<16xi1>, vector<16xf32>
      %mul3A_2084 = arith.mulf %select_n3A_2072, %select_n3A_2083 : vector<16xf32>
      %add3A_2085 = arith.addf %add3A_2061, %mul3A_2084 : vector<16xf32>
      %add3A_2086 = arith.constant 21 : i32
      %add3A_2087 = vector.broadcast %add3A_2086 : i32 to vector<16xi32>
      %add3A_2088 = arith.addi %shift_left3A_1567, %add3A_2087 : vector<16xi32>
      %gather3A_2089 = tpu.vector_load_idx %arg11[%add3A_1553, %add3A_2088] : memref<256x128xf32, #tpu.memory_space<vmem>>[vector<16xi32>, vector<16xi32>], vector<16xf32>,
      %bitcast3A_2090 = vector.bitcast %gather3A_2089 : vector<16xf32> to vector<32xbf16>
      %unpack3A_2091 = tpu.unpack_subelements %bitcast3A_2090, 0 {pack_format = #tpu.pack_format<interleaved>} : vector<32xbf16> -> vector<16xf32>
      %unpack3A_2092 = tpu.unpack_subelements %bitcast3A_2090, 1 {pack_format = #tpu.pack_format<interleaved>} : vector<32xbf16> -> vector<16xf32>
      %eq3A_2093 = arith.constant 0 : i32
      %eq3A_2094 = vector.broadcast %eq3A_2093 : i32 to vector<16xi32>
      %eq3A_2095 = arith.cmpi eq, %and3A_1577, %eq3A_2094 : vector<16xi32>
      %select_n3A_2096 = arith.select %eq3A_2095, %unpack3A_2091, %unpack3A_2092 : vector<16xi1>, vector<16xf32>
      %add3A_2097 = arith.constant 21 : i32
      %add3A_2098 = vector.broadcast %add3A_2097 : i32 to vector<16xi32>
      %add3A_2099 = arith.addi %shift_left3A_1573, %add3A_2098 : vector<16xi32>
      %gather3A_2100 = tpu.vector_load_idx %arg12[%add3A_1553, %add3A_2099] : memref<256x128xf32, #tpu.memory_space<vmem>>[vector<16xi32>, vector<16xi32>], vector<16xf32>,
      %bitcast3A_2101 = vector.bitcast %gather3A_2100 : vector<16xf32> to vector<32xbf16>
      %unpack3A_2102 = tpu.unpack_subelements %bitcast3A_2101, 0 {pack_format = #tpu.pack_format<interleaved>} : vector<32xbf16> -> vector<16xf32>
      %unpack3A_2103 = tpu.unpack_subelements %bitcast3A_2101, 1 {pack_format = #tpu.pack_format<interleaved>} : vector<32xbf16> -> vector<16xf32>
      %eq3A_2104 = arith.constant 0 : i32
      %eq3A_2105 = vector.broadcast %eq3A_2104 : i32 to vector<16xi32>
      %eq3A_2106 = arith.cmpi eq, %and3A_1581, %eq3A_2105 : vector<16xi32>
      %select_n3A_2107 = arith.select %eq3A_2106, %unpack3A_2102, %unpack3A_2103 : vector<16xi1>, vector<16xf32>
      %mul3A_2108 = arith.mulf %select_n3A_2096, %select_n3A_2107 : vector<16xf32>
      %add3A_2109 = arith.addf %add3A_2085, %mul3A_2108 : vector<16xf32>
      %add3A_2110 = arith.constant 22 : i32
      %add3A_2111 = vector.broadcast %add3A_2110 : i32 to vector<16xi32>
      %add3A_2112 = arith.addi %shift_left3A_1567, %add3A_2111 : vector<16xi32>
      %gather3A_2113 = tpu.vector_load_idx %arg11[%add3A_1553, %add3A_2112] : memref<256x128xf32, #tpu.memory_space<vmem>>[vector<16xi32>, vector<16xi32>], vector<16xf32>,
      %bitcast3A_2114 = vector.bitcast %gather3A_2113 : vector<16xf32> to vector<32xbf16>
      %unpack3A_2115 = tpu.unpack_subelements %bitcast3A_2114, 0 {pack_format = #tpu.pack_format<interleaved>} : vector<32xbf16> -> vector<16xf32>
      %unpack3A_2116 = tpu.unpack_subelements %bitcast3A_2114, 1 {pack_format = #tpu.pack_format<interleaved>} : vector<32xbf16> -> vector<16xf32>
      %eq3A_2117 = arith.constant 0 : i32
      %eq3A_2118 = vector.broadcast %eq3A_2117 : i32 to vector<16xi32>
      %eq3A_2119 = arith.cmpi eq, %and3A_1577, %eq3A_2118 : vector<16xi32>
      %select_n3A_2120 = arith.select %eq3A_2119, %unpack3A_2115, %unpack3A_2116 : vector<16xi1>, vector<16xf32>
      %add3A_2121 = arith.constant 22 : i32
      %add3A_2122 = vector.broadcast %add3A_2121 : i32 to vector<16xi32>
      %add3A_2123 = arith.addi %shift_left3A_1573, %add3A_2122 : vector<16xi32>
      %gather3A_2124 = tpu.vector_load_idx %arg12[%add3A_1553, %add3A_2123] : memref<256x128xf32, #tpu.memory_space<vmem>>[vector<16xi32>, vector<16xi32>], vector<16xf32>,
      %bitcast3A_2125 = vector.bitcast %gather3A_2124 : vector<16xf32> to vector<32xbf16>
      %unpack3A_2126 = tpu.unpack_subelements %bitcast3A_2125, 0 {pack_format = #tpu.pack_format<interleaved>} : vector<32xbf16> -> vector<16xf32>
      %unpack3A_2127 = tpu.unpack_subelements %bitcast3A_2125, 1 {pack_format = #tpu.pack_format<interleaved>} : vector<32xbf16> -> vector<16xf32>
      %eq3A_2128 = arith.constant 0 : i32
      %eq3A_2129 = vector.broadcast %eq3A_2128 : i32 to vector<16xi32>
      %eq3A_2130 = arith.cmpi eq, %and3A_1581, %eq3A_2129 : vector<16xi32>
      %select_n3A_2131 = arith.select %eq3A_2130, %unpack3A_2126, %unpack3A_2127 : vector<16xi1>, vector<16xf32>
      %mul3A_2132 = arith.mulf %select_n3A_2120, %select_n3A_2131 : vector<16xf32>
      %add3A_2133 = arith.addf %add3A_2109, %mul3A_2132 : vector<16xf32>
      %add3A_2134 = arith.constant 23 : i32
      %add3A_2135 = vector.broadcast %add3A_2134 : i32 to vector<16xi32>
      %add3A_2136 = arith.addi %shift_left3A_1567, %add3A_2135 : vector<16xi32>
      %gather3A_2137 = tpu.vector_load_idx %arg11[%add3A_1553, %add3A_2136] : memref<256x128xf32, #tpu.memory_space<vmem>>[vector<16xi32>, vector<16xi32>], vector<16xf32>,
      %bitcast3A_2138 = vector.bitcast %gather3A_2137 : vector<16xf32> to vector<32xbf16>
      %unpack3A_2139 = tpu.unpack_subelements %bitcast3A_2138, 0 {pack_format = #tpu.pack_format<interleaved>} : vector<32xbf16> -> vector<16xf32>
      %unpack3A_2140 = tpu.unpack_subelements %bitcast3A_2138, 1 {pack_format = #tpu.pack_format<interleaved>} : vector<32xbf16> -> vector<16xf32>
      %eq3A_2141 = arith.constant 0 : i32
      %eq3A_2142 = vector.broadcast %eq3A_2141 : i32 to vector<16xi32>
      %eq3A_2143 = arith.cmpi eq, %and3A_1577, %eq3A_2142 : vector<16xi32>
      %select_n3A_2144 = arith.select %eq3A_2143, %unpack3A_2139, %unpack3A_2140 : vector<16xi1>, vector<16xf32>
      %add3A_2145 = arith.constant 23 : i32
      %add3A_2146 = vector.broadcast %add3A_2145 : i32 to vector<16xi32>
      %add3A_2147 = arith.addi %shift_left3A_1573, %add3A_2146 : vector<16xi32>
      %gather3A_2148 = tpu.vector_load_idx %arg12[%add3A_1553, %add3A_2147] : memref<256x128xf32, #tpu.memory_space<vmem>>[vector<16xi32>, vector<16xi32>], vector<16xf32>,
      %bitcast3A_2149 = vector.bitcast %gather3A_2148 : vector<16xf32> to vector<32xbf16>
      %unpack3A_2150 = tpu.unpack_subelements %bitcast3A_2149, 0 {pack_format = #tpu.pack_format<interleaved>} : vector<32xbf16> -> vector<16xf32>
      %unpack3A_2151 = tpu.unpack_subelements %bitcast3A_2149, 1 {pack_format = #tpu.pack_format<interleaved>} : vector<32xbf16> -> vector<16xf32>
      %eq3A_2152 = arith.constant 0 : i32
      %eq3A_2153 = vector.broadcast %eq3A_2152 : i32 to vector<16xi32>
      %eq3A_2154 = arith.cmpi eq, %and3A_1581, %eq3A_2153 : vector<16xi32>
      %select_n3A_2155 = arith.select %eq3A_2154, %unpack3A_2150, %unpack3A_2151 : vector<16xi1>, vector<16xf32>
      %mul3A_2156 = arith.mulf %select_n3A_2144, %select_n3A_2155 : vector<16xf32>
      %add3A_2157 = arith.addf %add3A_2133, %mul3A_2156 : vector<16xf32>
      %add3A_2158 = arith.constant 24 : i32
      %add3A_2159 = vector.broadcast %add3A_2158 : i32 to vector<16xi32>
      %add3A_2160 = arith.addi %shift_left3A_1567, %add3A_2159 : vector<16xi32>
      %gather3A_2161 = tpu.vector_load_idx %arg11[%add3A_1553, %add3A_2160] : memref<256x128xf32, #tpu.memory_space<vmem>>[vector<16xi32>, vector<16xi32>], vector<16xf32>,
      %bitcast3A_2162 = vector.bitcast %gather3A_2161 : vector<16xf32> to vector<32xbf16>
      %unpack3A_2163 = tpu.unpack_subelements %bitcast3A_2162, 0 {pack_format = #tpu.pack_format<interleaved>} : vector<32xbf16> -> vector<16xf32>
      %unpack3A_2164 = tpu.unpack_subelements %bitcast3A_2162, 1 {pack_format = #tpu.pack_format<interleaved>} : vector<32xbf16> -> vector<16xf32>
      %eq3A_2165 = arith.constant 0 : i32
      %eq3A_2166 = vector.broadcast %eq3A_2165 : i32 to vector<16xi32>
      %eq3A_2167 = arith.cmpi eq, %and3A_1577, %eq3A_2166 : vector<16xi32>
      %select_n3A_2168 = arith.select %eq3A_2167, %unpack3A_2163, %unpack3A_2164 : vector<16xi1>, vector<16xf32>
      %add3A_2169 = arith.constant 24 : i32
      %add3A_2170 = vector.broadcast %add3A_2169 : i32 to vector<16xi32>
      %add3A_2171 = arith.addi %shift_left3A_1573, %add3A_2170 : vector<16xi32>
      %gather3A_2172 = tpu.vector_load_idx %arg12[%add3A_1553, %add3A_2171] : memref<256x128xf32, #tpu.memory_space<vmem>>[vector<16xi32>, vector<16xi32>], vector<16xf32>,
      %bitcast3A_2173 = vector.bitcast %gather3A_2172 : vector<16xf32> to vector<32xbf16>
      %unpack3A_2174 = tpu.unpack_subelements %bitcast3A_2173, 0 {pack_format = #tpu.pack_format<interleaved>} : vector<32xbf16> -> vector<16xf32>
      %unpack3A_2175 = tpu.unpack_subelements %bitcast3A_2173, 1 {pack_format = #tpu.pack_format<interleaved>} : vector<32xbf16> -> vector<16xf32>
      %eq3A_2176 = arith.constant 0 : i32
      %eq3A_2177 = vector.broadcast %eq3A_2176 : i32 to vector<16xi32>
      %eq3A_2178 = arith.cmpi eq, %and3A_1581, %eq3A_2177 : vector<16xi32>
      %select_n3A_2179 = arith.select %eq3A_2178, %unpack3A_2174, %unpack3A_2175 : vector<16xi1>, vector<16xf32>
      %mul3A_2180 = arith.mulf %select_n3A_2168, %select_n3A_2179 : vector<16xf32>
      %add3A_2181 = arith.addf %add3A_2157, %mul3A_2180 : vector<16xf32>
      %add3A_2182 = arith.constant 25 : i32
      %add3A_2183 = vector.broadcast %add3A_2182 : i32 to vector<16xi32>
      %add3A_2184 = arith.addi %shift_left3A_1567, %add3A_2183 : vector<16xi32>
      %gather3A_2185 = tpu.vector_load_idx %arg11[%add3A_1553, %add3A_2184] : memref<256x128xf32, #tpu.memory_space<vmem>>[vector<16xi32>, vector<16xi32>], vector<16xf32>,
      %bitcast3A_2186 = vector.bitcast %gather3A_2185 : vector<16xf32> to vector<32xbf16>
      %unpack3A_2187 = tpu.unpack_subelements %bitcast3A_2186, 0 {pack_format = #tpu.pack_format<interleaved>} : vector<32xbf16> -> vector<16xf32>
      %unpack3A_2188 = tpu.unpack_subelements %bitcast3A_2186, 1 {pack_format = #tpu.pack_format<interleaved>} : vector<32xbf16> -> vector<16xf32>
      %eq3A_2189 = arith.constant 0 : i32
      %eq3A_2190 = vector.broadcast %eq3A_2189 : i32 to vector<16xi32>
      %eq3A_2191 = arith.cmpi eq, %and3A_1577, %eq3A_2190 : vector<16xi32>
      %select_n3A_2192 = arith.select %eq3A_2191, %unpack3A_2187, %unpack3A_2188 : vector<16xi1>, vector<16xf32>
      %add3A_2193 = arith.constant 25 : i32
      %add3A_2194 = vector.broadcast %add3A_2193 : i32 to vector<16xi32>
      %add3A_2195 = arith.addi %shift_left3A_1573, %add3A_2194 : vector<16xi32>
      %gather3A_2196 = tpu.vector_load_idx %arg12[%add3A_1553, %add3A_2195] : memref<256x128xf32, #tpu.memory_space<vmem>>[vector<16xi32>, vector<16xi32>], vector<16xf32>,
      %bitcast3A_2197 = vector.bitcast %gather3A_2196 : vector<16xf32> to vector<32xbf16>
      %unpack3A_2198 = tpu.unpack_subelements %bitcast3A_2197, 0 {pack_format = #tpu.pack_format<interleaved>} : vector<32xbf16> -> vector<16xf32>
      %unpack3A_2199 = tpu.unpack_subelements %bitcast3A_2197, 1 {pack_format = #tpu.pack_format<interleaved>} : vector<32xbf16> -> vector<16xf32>
      %eq3A_2200 = arith.constant 0 : i32
      %eq3A_2201 = vector.broadcast %eq3A_2200 : i32 to vector<16xi32>
      %eq3A_2202 = arith.cmpi eq, %and3A_1581, %eq3A_2201 : vector<16xi32>
      %select_n3A_2203 = arith.select %eq3A_2202, %unpack3A_2198, %unpack3A_2199 : vector<16xi1>, vector<16xf32>
      %mul3A_2204 = arith.mulf %select_n3A_2192, %select_n3A_2203 : vector<16xf32>
      %add3A_2205 = arith.addf %add3A_2181, %mul3A_2204 : vector<16xf32>
      %add3A_2206 = arith.constant 26 : i32
      %add3A_2207 = vector.broadcast %add3A_2206 : i32 to vector<16xi32>
      %add3A_2208 = arith.addi %shift_left3A_1567, %add3A_2207 : vector<16xi32>
      %gather3A_2209 = tpu.vector_load_idx %arg11[%add3A_1553, %add3A_2208] : memref<256x128xf32, #tpu.memory_space<vmem>>[vector<16xi32>, vector<16xi32>], vector<16xf32>,
      %bitcast3A_2210 = vector.bitcast %gather3A_2209 : vector<16xf32> to vector<32xbf16>
      %unpack3A_2211 = tpu.unpack_subelements %bitcast3A_2210, 0 {pack_format = #tpu.pack_format<interleaved>} : vector<32xbf16> -> vector<16xf32>
      %unpack3A_2212 = tpu.unpack_subelements %bitcast3A_2210, 1 {pack_format = #tpu.pack_format<interleaved>} : vector<32xbf16> -> vector<16xf32>
      %eq3A_2213 = arith.constant 0 : i32
      %eq3A_2214 = vector.broadcast %eq3A_2213 : i32 to vector<16xi32>
      %eq3A_2215 = arith.cmpi eq, %and3A_1577, %eq3A_2214 : vector<16xi32>
      %select_n3A_2216 = arith.select %eq3A_2215, %unpack3A_2211, %unpack3A_2212 : vector<16xi1>, vector<16xf32>
      %add3A_2217 = arith.constant 26 : i32
      %add3A_2218 = vector.broadcast %add3A_2217 : i32 to vector<16xi32>
      %add3A_2219 = arith.addi %shift_left3A_1573, %add3A_2218 : vector<16xi32>
      %gather3A_2220 = tpu.vector_load_idx %arg12[%add3A_1553, %add3A_2219] : memref<256x128xf32, #tpu.memory_space<vmem>>[vector<16xi32>, vector<16xi32>], vector<16xf32>,
      %bitcast3A_2221 = vector.bitcast %gather3A_2220 : vector<16xf32> to vector<32xbf16>
      %unpack3A_2222 = tpu.unpack_subelements %bitcast3A_2221, 0 {pack_format = #tpu.pack_format<interleaved>} : vector<32xbf16> -> vector<16xf32>
      %unpack3A_2223 = tpu.unpack_subelements %bitcast3A_2221, 1 {pack_format = #tpu.pack_format<interleaved>} : vector<32xbf16> -> vector<16xf32>
      %eq3A_2224 = arith.constant 0 : i32
      %eq3A_2225 = vector.broadcast %eq3A_2224 : i32 to vector<16xi32>
      %eq3A_2226 = arith.cmpi eq, %and3A_1581, %eq3A_2225 : vector<16xi32>
      %select_n3A_2227 = arith.select %eq3A_2226, %unpack3A_2222, %unpack3A_2223 : vector<16xi1>, vector<16xf32>
      %mul3A_2228 = arith.mulf %select_n3A_2216, %select_n3A_2227 : vector<16xf32>
      %add3A_2229 = arith.addf %add3A_2205, %mul3A_2228 : vector<16xf32>
      %add3A_2230 = arith.constant 27 : i32
      %add3A_2231 = vector.broadcast %add3A_2230 : i32 to vector<16xi32>
      %add3A_2232 = arith.addi %shift_left3A_1567, %add3A_2231 : vector<16xi32>
      %gather3A_2233 = tpu.vector_load_idx %arg11[%add3A_1553, %add3A_2232] : memref<256x128xf32, #tpu.memory_space<vmem>>[vector<16xi32>, vector<16xi32>], vector<16xf32>,
      %bitcast3A_2234 = vector.bitcast %gather3A_2233 : vector<16xf32> to vector<32xbf16>
      %unpack3A_2235 = tpu.unpack_subelements %bitcast3A_2234, 0 {pack_format = #tpu.pack_format<interleaved>} : vector<32xbf16> -> vector<16xf32>
      %unpack3A_2236 = tpu.unpack_subelements %bitcast3A_2234, 1 {pack_format = #tpu.pack_format<interleaved>} : vector<32xbf16> -> vector<16xf32>
      %eq3A_2237 = arith.constant 0 : i32
      %eq3A_2238 = vector.broadcast %eq3A_2237 : i32 to vector<16xi32>
      %eq3A_2239 = arith.cmpi eq, %and3A_1577, %eq3A_2238 : vector<16xi32>
      %select_n3A_2240 = arith.select %eq3A_2239, %unpack3A_2235, %unpack3A_2236 : vector<16xi1>, vector<16xf32>
      %add3A_2241 = arith.constant 27 : i32
      %add3A_2242 = vector.broadcast %add3A_2241 : i32 to vector<16xi32>
      %add3A_2243 = arith.addi %shift_left3A_1573, %add3A_2242 : vector<16xi32>
      %gather3A_2244 = tpu.vector_load_idx %arg12[%add3A_1553, %add3A_2243] : memref<256x128xf32, #tpu.memory_space<vmem>>[vector<16xi32>, vector<16xi32>], vector<16xf32>,
      %bitcast3A_2245 = vector.bitcast %gather3A_2244 : vector<16xf32> to vector<32xbf16>
      %unpack3A_2246 = tpu.unpack_subelements %bitcast3A_2245, 0 {pack_format = #tpu.pack_format<interleaved>} : vector<32xbf16> -> vector<16xf32>
      %unpack3A_2247 = tpu.unpack_subelements %bitcast3A_2245, 1 {pack_format = #tpu.pack_format<interleaved>} : vector<32xbf16> -> vector<16xf32>
      %eq3A_2248 = arith.constant 0 : i32
      %eq3A_2249 = vector.broadcast %eq3A_2248 : i32 to vector<16xi32>
      %eq3A_2250 = arith.cmpi eq, %and3A_1581, %eq3A_2249 : vector<16xi32>
      %select_n3A_2251 = arith.select %eq3A_2250, %unpack3A_2246, %unpack3A_2247 : vector<16xi1>, vector<16xf32>
      %mul3A_2252 = arith.mulf %select_n3A_2240, %select_n3A_2251 : vector<16xf32>
      %add3A_2253 = arith.addf %add3A_2229, %mul3A_2252 : vector<16xf32>
      %add3A_2254 = arith.constant 28 : i32
      %add3A_2255 = vector.broadcast %add3A_2254 : i32 to vector<16xi32>
      %add3A_2256 = arith.addi %shift_left3A_1567, %add3A_2255 : vector<16xi32>
      %gather3A_2257 = tpu.vector_load_idx %arg11[%add3A_1553, %add3A_2256] : memref<256x128xf32, #tpu.memory_space<vmem>>[vector<16xi32>, vector<16xi32>], vector<16xf32>,
      %bitcast3A_2258 = vector.bitcast %gather3A_2257 : vector<16xf32> to vector<32xbf16>
      %unpack3A_2259 = tpu.unpack_subelements %bitcast3A_2258, 0 {pack_format = #tpu.pack_format<interleaved>} : vector<32xbf16> -> vector<16xf32>
      %unpack3A_2260 = tpu.unpack_subelements %bitcast3A_2258, 1 {pack_format = #tpu.pack_format<interleaved>} : vector<32xbf16> -> vector<16xf32>
      %eq3A_2261 = arith.constant 0 : i32
      %eq3A_2262 = vector.broadcast %eq3A_2261 : i32 to vector<16xi32>
      %eq3A_2263 = arith.cmpi eq, %and3A_1577, %eq3A_2262 : vector<16xi32>
      %select_n3A_2264 = arith.select %eq3A_2263, %unpack3A_2259, %unpack3A_2260 : vector<16xi1>, vector<16xf32>
      %add3A_2265 = arith.constant 28 : i32
      %add3A_2266 = vector.broadcast %add3A_2265 : i32 to vector<16xi32>
      %add3A_2267 = arith.addi %shift_left3A_1573, %add3A_2266 : vector<16xi32>
      %gather3A_2268 = tpu.vector_load_idx %arg12[%add3A_1553, %add3A_2267] : memref<256x128xf32, #tpu.memory_space<vmem>>[vector<16xi32>, vector<16xi32>], vector<16xf32>,
      %bitcast3A_2269 = vector.bitcast %gather3A_2268 : vector<16xf32> to vector<32xbf16>
      %unpack3A_2270 = tpu.unpack_subelements %bitcast3A_2269, 0 {pack_format = #tpu.pack_format<interleaved>} : vector<32xbf16> -> vector<16xf32>
      %unpack3A_2271 = tpu.unpack_subelements %bitcast3A_2269, 1 {pack_format = #tpu.pack_format<interleaved>} : vector<32xbf16> -> vector<16xf32>
      %eq3A_2272 = arith.constant 0 : i32
      %eq3A_2273 = vector.broadcast %eq3A_2272 : i32 to vector<16xi32>
      %eq3A_2274 = arith.cmpi eq, %and3A_1581, %eq3A_2273 : vector<16xi32>
      %select_n3A_2275 = arith.select %eq3A_2274, %unpack3A_2270, %unpack3A_2271 : vector<16xi1>, vector<16xf32>
      %mul3A_2276 = arith.mulf %select_n3A_2264, %select_n3A_2275 : vector<16xf32>
      %add3A_2277 = arith.addf %add3A_2253, %mul3A_2276 : vector<16xf32>
      %add3A_2278 = arith.constant 29 : i32
      %add3A_2279 = vector.broadcast %add3A_2278 : i32 to vector<16xi32>
      %add3A_2280 = arith.addi %shift_left3A_1567, %add3A_2279 : vector<16xi32>
      %gather3A_2281 = tpu.vector_load_idx %arg11[%add3A_1553, %add3A_2280] : memref<256x128xf32, #tpu.memory_space<vmem>>[vector<16xi32>, vector<16xi32>], vector<16xf32>,
      %bitcast3A_2282 = vector.bitcast %gather3A_2281 : vector<16xf32> to vector<32xbf16>
      %unpack3A_2283 = tpu.unpack_subelements %bitcast3A_2282, 0 {pack_format = #tpu.pack_format<interleaved>} : vector<32xbf16> -> vector<16xf32>
      %unpack3A_2284 = tpu.unpack_subelements %bitcast3A_2282, 1 {pack_format = #tpu.pack_format<interleaved>} : vector<32xbf16> -> vector<16xf32>
      %eq3A_2285 = arith.constant 0 : i32
      %eq3A_2286 = vector.broadcast %eq3A_2285 : i32 to vector<16xi32>
      %eq3A_2287 = arith.cmpi eq, %and3A_1577, %eq3A_2286 : vector<16xi32>
      %select_n3A_2288 = arith.select %eq3A_2287, %unpack3A_2283, %unpack3A_2284 : vector<16xi1>, vector<16xf32>
      %add3A_2289 = arith.constant 29 : i32
      %add3A_2290 = vector.broadcast %add3A_2289 : i32 to vector<16xi32>
      %add3A_2291 = arith.addi %shift_left3A_1573, %add3A_2290 : vector<16xi32>
      %gather3A_2292 = tpu.vector_load_idx %arg12[%add3A_1553, %add3A_2291] : memref<256x128xf32, #tpu.memory_space<vmem>>[vector<16xi32>, vector<16xi32>], vector<16xf32>,
      %bitcast3A_2293 = vector.bitcast %gather3A_2292 : vector<16xf32> to vector<32xbf16>
      %unpack3A_2294 = tpu.unpack_subelements %bitcast3A_2293, 0 {pack_format = #tpu.pack_format<interleaved>} : vector<32xbf16> -> vector<16xf32>
      %unpack3A_2295 = tpu.unpack_subelements %bitcast3A_2293, 1 {pack_format = #tpu.pack_format<interleaved>} : vector<32xbf16> -> vector<16xf32>
      %eq3A_2296 = arith.constant 0 : i32
      %eq3A_2297 = vector.broadcast %eq3A_2296 : i32 to vector<16xi32>
      %eq3A_2298 = arith.cmpi eq, %and3A_1581, %eq3A_2297 : vector<16xi32>
      %select_n3A_2299 = arith.select %eq3A_2298, %unpack3A_2294, %unpack3A_2295 : vector<16xi1>, vector<16xf32>
      %mul3A_2300 = arith.mulf %select_n3A_2288, %select_n3A_2299 : vector<16xf32>
      %add3A_2301 = arith.addf %add3A_2277, %mul3A_2300 : vector<16xf32>
      %add3A_2302 = arith.constant 30 : i32
      %add3A_2303 = vector.broadcast %add3A_2302 : i32 to vector<16xi32>
      %add3A_2304 = arith.addi %shift_left3A_1567, %add3A_2303 : vector<16xi32>
      %gather3A_2305 = tpu.vector_load_idx %arg11[%add3A_1553, %add3A_2304] : memref<256x128xf32, #tpu.memory_space<vmem>>[vector<16xi32>, vector<16xi32>], vector<16xf32>,
      %bitcast3A_2306 = vector.bitcast %gather3A_2305 : vector<16xf32> to vector<32xbf16>
      %unpack3A_2307 = tpu.unpack_subelements %bitcast3A_2306, 0 {pack_format = #tpu.pack_format<interleaved>} : vector<32xbf16> -> vector<16xf32>
      %unpack3A_2308 = tpu.unpack_subelements %bitcast3A_2306, 1 {pack_format = #tpu.pack_format<interleaved>} : vector<32xbf16> -> vector<16xf32>
      %eq3A_2309 = arith.constant 0 : i32
      %eq3A_2310 = vector.broadcast %eq3A_2309 : i32 to vector<16xi32>
      %eq3A_2311 = arith.cmpi eq, %and3A_1577, %eq3A_2310 : vector<16xi32>
      %select_n3A_2312 = arith.select %eq3A_2311, %unpack3A_2307, %unpack3A_2308 : vector<16xi1>, vector<16xf32>
      %add3A_2313 = arith.constant 30 : i32
      %add3A_2314 = vector.broadcast %add3A_2313 : i32 to vector<16xi32>
      %add3A_2315 = arith.addi %shift_left3A_1573, %add3A_2314 : vector<16xi32>
      %gather3A_2316 = tpu.vector_load_idx %arg12[%add3A_1553, %add3A_2315] : memref<256x128xf32, #tpu.memory_space<vmem>>[vector<16xi32>, vector<16xi32>], vector<16xf32>,
      %bitcast3A_2317 = vector.bitcast %gather3A_2316 : vector<16xf32> to vector<32xbf16>
      %unpack3A_2318 = tpu.unpack_subelements %bitcast3A_2317, 0 {pack_format = #tpu.pack_format<interleaved>} : vector<32xbf16> -> vector<16xf32>
      %unpack3A_2319 = tpu.unpack_subelements %bitcast3A_2317, 1 {pack_format = #tpu.pack_format<interleaved>} : vector<32xbf16> -> vector<16xf32>
      %eq3A_2320 = arith.constant 0 : i32
      %eq3A_2321 = vector.broadcast %eq3A_2320 : i32 to vector<16xi32>
      %eq3A_2322 = arith.cmpi eq, %and3A_1581, %eq3A_2321 : vector<16xi32>
      %select_n3A_2323 = arith.select %eq3A_2322, %unpack3A_2318, %unpack3A_2319 : vector<16xi1>, vector<16xf32>
      %mul3A_2324 = arith.mulf %select_n3A_2312, %select_n3A_2323 : vector<16xf32>
      %add3A_2325 = arith.addf %add3A_2301, %mul3A_2324 : vector<16xf32>
      %add3A_2326 = arith.constant 31 : i32
      %add3A_2327 = vector.broadcast %add3A_2326 : i32 to vector<16xi32>
      %add3A_2328 = arith.addi %shift_left3A_1567, %add3A_2327 : vector<16xi32>
      %gather3A_2329 = tpu.vector_load_idx %arg11[%add3A_1553, %add3A_2328] : memref<256x128xf32, #tpu.memory_space<vmem>>[vector<16xi32>, vector<16xi32>], vector<16xf32>,
      %bitcast3A_2330 = vector.bitcast %gather3A_2329 : vector<16xf32> to vector<32xbf16>
      %unpack3A_2331 = tpu.unpack_subelements %bitcast3A_2330, 0 {pack_format = #tpu.pack_format<interleaved>} : vector<32xbf16> -> vector<16xf32>
      %unpack3A_2332 = tpu.unpack_subelements %bitcast3A_2330, 1 {pack_format = #tpu.pack_format<interleaved>} : vector<32xbf16> -> vector<16xf32>
      %eq3A_2333 = arith.constant 0 : i32
      %eq3A_2334 = vector.broadcast %eq3A_2333 : i32 to vector<16xi32>
      %eq3A_2335 = arith.cmpi eq, %and3A_1577, %eq3A_2334 : vector<16xi32>
      %select_n3A_2336 = arith.select %eq3A_2335, %unpack3A_2331, %unpack3A_2332 : vector<16xi1>, vector<16xf32>
      %add3A_2337 = arith.constant 31 : i32
      %add3A_2338 = vector.broadcast %add3A_2337 : i32 to vector<16xi32>
      %add3A_2339 = arith.addi %shift_left3A_1573, %add3A_2338 : vector<16xi32>
      %gather3A_2340 = tpu.vector_load_idx %arg12[%add3A_1553, %add3A_2339] : memref<256x128xf32, #tpu.memory_space<vmem>>[vector<16xi32>, vector<16xi32>], vector<16xf32>,
      %bitcast3A_2341 = vector.bitcast %gather3A_2340 : vector<16xf32> to vector<32xbf16>
      %unpack3A_2342 = tpu.unpack_subelements %bitcast3A_2341, 0 {pack_format = #tpu.pack_format<interleaved>} : vector<32xbf16> -> vector<16xf32>
      %unpack3A_2343 = tpu.unpack_subelements %bitcast3A_2341, 1 {pack_format = #tpu.pack_format<interleaved>} : vector<32xbf16> -> vector<16xf32>
      %eq3A_2344 = arith.constant 0 : i32
      %eq3A_2345 = vector.broadcast %eq3A_2344 : i32 to vector<16xi32>
      %eq3A_2346 = arith.cmpi eq, %and3A_1581, %eq3A_2345 : vector<16xi32>
      %select_n3A_2347 = arith.select %eq3A_2346, %unpack3A_2342, %unpack3A_2343 : vector<16xi1>, vector<16xf32>
      %mul3A_2348 = arith.mulf %select_n3A_2336, %select_n3A_2347 : vector<16xf32>
      %add3A_2349 = arith.addf %add3A_2325, %mul3A_2348 : vector<16xf32>
      %mul3A_2350 = arith.constant 16 : i32
      %mul3A_2351 = arith.muli %scan3A_1549, %mul3A_2350 : i32
      %add3A_2352 = arith.constant 0 : i32
      %add3A_2353 = arith.addi %add3A_2352, %mul3A_2351 : i32
      %swap3A_2354 = arith.index_cast %add3A_2353 : i32 to index
      %swap3A_2355 = tpu.vector_load %arg13[%swap3A_2354] {strides = array<i32>} : memref<512xf32, #tpu.memory_space<vmem>>, vector<16xf32>,
      tpu.vector_store %arg13[%swap3A_2354], %add3A_2349 {strides = array<i32>} : memref<512xf32, #tpu.memory_space<vmem>>, vector<16xf32>,
    }
    %scan3A_661 = arith.constant 16 : i32
    %dma_start3A_662 = arith.constant 2 : i32
    %dma_start3A_663 = arith.constant 0 : i32
    %dma_start3A_664 = arith.constant 0 : i32
    %dma_start3A_665 = tpu.memref_slice %arg11[%dma_start3A_663, %dma_start3A_664] : memref<256x128xf32, #tpu.memory_space<vmem>> -> memref<128x128xf32, #tpu.memory_space<vmem>>
    %dma_start3A_666 = arith.constant 0 : i32
    %dma_start3A_667 = tpu.memref_slice %arg10[%dma_start3A_662, %dma_start3A_666] : memref<8x128xi32, #tpu.memory_space<vmem>> -> memref<1x128xi32, #tpu.memory_space<vmem>>
    %dma_start3A_668 = tpu.memref_squeeze %dma_start3A_667 : memref<1x128xi32, #tpu.memory_space<vmem>> -> memref<128xi32, #tpu.memory_space<vmem>>
    %dma_start3A_669 = arith.constant 0 : i32
    %dma_start3A_670 = arith.constant 0 : i32
    %dma_start3A_671 = tpu.memref_slice %arg4[%dma_start3A_669, %dma_start3A_670] : memref<131072x128xf32, #tpu.memory_space<hbm>> -> memref<131072x128xf32, #tpu.memory_space<hbm>>
    tpu.enqueue_indirect_dma source(%dma_start3A_671 : memref<131072x128xf32, #tpu.memory_space<hbm>>) target(%dma_start3A_665 : memref<128x128xf32, #tpu.memory_space<vmem>>) offsets(%dma_start3A_668 : memref<128xi32, #tpu.memory_space<vmem>>) semaphore(%arg15 : memref<!tpu.dma_semaphore, #tpu.memory_space<semaphore_mem>>)
    %dma_start3A_672 = arith.constant 6 : i32
    %dma_start3A_673 = arith.constant 0 : i32
    %dma_start3A_674 = arith.constant 0 : i32
    %dma_start3A_675 = tpu.memref_slice %arg12[%dma_start3A_673, %dma_start3A_674] : memref<256x128xf32, #tpu.memory_space<vmem>> -> memref<128x128xf32, #tpu.memory_space<vmem>>
    %dma_start3A_676 = arith.constant 0 : i32
    %dma_start3A_677 = tpu.memref_slice %arg10[%dma_start3A_672, %dma_start3A_676] : memref<8x128xi32, #tpu.memory_space<vmem>> -> memref<1x128xi32, #tpu.memory_space<vmem>>
    %dma_start3A_678 = tpu.memref_squeeze %dma_start3A_677 : memref<1x128xi32, #tpu.memory_space<vmem>> -> memref<128xi32, #tpu.memory_space<vmem>>
    %dma_start3A_679 = arith.constant 0 : i32
    %dma_start3A_680 = arith.constant 0 : i32
    %dma_start3A_681 = tpu.memref_slice %arg5[%dma_start3A_679, %dma_start3A_680] : memref<16384x128xf32, #tpu.memory_space<hbm>> -> memref<16384x128xf32, #tpu.memory_space<hbm>>
    tpu.enqueue_indirect_dma source(%dma_start3A_681 : memref<16384x128xf32, #tpu.memory_space<hbm>>) target(%dma_start3A_675 : memref<128x128xf32, #tpu.memory_space<vmem>>) offsets(%dma_start3A_678 : memref<128xi32, #tpu.memory_space<vmem>>) semaphore(%arg15 : memref<!tpu.dma_semaphore, #tpu.memory_space<semaphore_mem>>)
    %dma_start3A_682 = arith.constant 3 : i32
    %dma_start3A_683 = arith.constant 128 : i32
    %dma_start3A_684 = arith.constant 0 : i32
    %dma_start3A_685 = tpu.memref_slice %arg11[%dma_start3A_683, %dma_start3A_684] : memref<256x128xf32, #tpu.memory_space<vmem>> -> memref<128x128xf32, #tpu.memory_space<vmem>>
    %dma_start3A_686 = arith.constant 0 : i32
    %dma_start3A_687 = tpu.memref_slice %arg10[%dma_start3A_682, %dma_start3A_686] : memref<8x128xi32, #tpu.memory_space<vmem>> -> memref<1x128xi32, #tpu.memory_space<vmem>>
    %dma_start3A_688 = tpu.memref_squeeze %dma_start3A_687 : memref<1x128xi32, #tpu.memory_space<vmem>> -> memref<128xi32, #tpu.memory_space<vmem>>
    %dma_start3A_689 = arith.constant 0 : i32
    %dma_start3A_690 = arith.constant 0 : i32
    %dma_start3A_691 = tpu.memref_slice %arg4[%dma_start3A_689, %dma_start3A_690] : memref<131072x128xf32, #tpu.memory_space<hbm>> -> memref<131072x128xf32, #tpu.memory_space<hbm>>
    tpu.enqueue_indirect_dma source(%dma_start3A_691 : memref<131072x128xf32, #tpu.memory_space<hbm>>) target(%dma_start3A_685 : memref<128x128xf32, #tpu.memory_space<vmem>>) offsets(%dma_start3A_688 : memref<128xi32, #tpu.memory_space<vmem>>) semaphore(%arg15 : memref<!tpu.dma_semaphore, #tpu.memory_space<semaphore_mem>>)
    %dma_start3A_692 = arith.constant 7 : i32
    %dma_start3A_693 = arith.constant 128 : i32
    %dma_start3A_694 = arith.constant 0 : i32
    %dma_start3A_695 = tpu.memref_slice %arg12[%dma_start3A_693, %dma_start3A_694] : memref<256x128xf32, #tpu.memory_space<vmem>> -> memref<128x128xf32, #tpu.memory_space<vmem>>
    %dma_start3A_696 = arith.constant 0 : i32
    %dma_start3A_697 = tpu.memref_slice %arg10[%dma_start3A_692, %dma_start3A_696] : memref<8x128xi32, #tpu.memory_space<vmem>> -> memref<1x128xi32, #tpu.memory_space<vmem>>
    %dma_start3A_698 = tpu.memref_squeeze %dma_start3A_697 : memref<1x128xi32, #tpu.memory_space<vmem>> -> memref<128xi32, #tpu.memory_space<vmem>>
    %dma_start3A_699 = arith.constant 0 : i32
    %dma_start3A_700 = arith.constant 0 : i32
    %dma_start3A_701 = tpu.memref_slice %arg5[%dma_start3A_699, %dma_start3A_700] : memref<16384x128xf32, #tpu.memory_space<hbm>> -> memref<16384x128xf32, #tpu.memory_space<hbm>>
    tpu.enqueue_indirect_dma source(%dma_start3A_701 : memref<16384x128xf32, #tpu.memory_space<hbm>>) target(%dma_start3A_695 : memref<128x128xf32, #tpu.memory_space<vmem>>) offsets(%dma_start3A_698 : memref<128xi32, #tpu.memory_space<vmem>>) semaphore(%arg15 : memref<!tpu.dma_semaphore, #tpu.memory_space<semaphore_mem>>)
    %dma_wait3A_702 = arith.constant 2 : i32
    %dma_wait3A_703 = arith.constant 0 : i32
    %dma_wait3A_704 = arith.constant 0 : i32
    %dma_wait3A_705 = tpu.memref_slice %arg11[%dma_wait3A_703, %dma_wait3A_704] : memref<256x128xf32, #tpu.memory_space<vmem>> -> memref<128x128xf32, #tpu.memory_space<vmem>>
    %dma_wait3A_706 = arith.constant 0 : i32
    %dma_wait3A_707 = tpu.memref_slice %arg10[%dma_wait3A_702, %dma_wait3A_706] : memref<8x128xi32, #tpu.memory_space<vmem>> -> memref<1x128xi32, #tpu.memory_space<vmem>>
    %dma_wait3A_708 = tpu.memref_squeeze %dma_wait3A_707 : memref<1x128xi32, #tpu.memory_space<vmem>> -> memref<128xi32, #tpu.memory_space<vmem>>
    %dma_wait3A_709 = arith.constant 0 : i32
    %dma_wait3A_710 = arith.constant 0 : i32
    %dma_wait3A_711 = tpu.memref_slice %arg4[%dma_wait3A_709, %dma_wait3A_710] : memref<131072x128xf32, #tpu.memory_space<hbm>> -> memref<131072x128xf32, #tpu.memory_space<hbm>>
    tpu.wait_indirect_dma semaphore(%arg15 : memref<!tpu.dma_semaphore, #tpu.memory_space<semaphore_mem>>) src(%dma_wait3A_711 : memref<131072x128xf32, #tpu.memory_space<hbm>>) dst(%dma_wait3A_705 : memref<128x128xf32, #tpu.memory_space<vmem>>)
    %dma_wait3A_712 = arith.constant 6 : i32
    %dma_wait3A_713 = arith.constant 0 : i32
    %dma_wait3A_714 = arith.constant 0 : i32
    %dma_wait3A_715 = tpu.memref_slice %arg12[%dma_wait3A_713, %dma_wait3A_714] : memref<256x128xf32, #tpu.memory_space<vmem>> -> memref<128x128xf32, #tpu.memory_space<vmem>>
    %dma_wait3A_716 = arith.constant 0 : i32
    %dma_wait3A_717 = tpu.memref_slice %arg10[%dma_wait3A_712, %dma_wait3A_716] : memref<8x128xi32, #tpu.memory_space<vmem>> -> memref<1x128xi32, #tpu.memory_space<vmem>>
    %dma_wait3A_718 = tpu.memref_squeeze %dma_wait3A_717 : memref<1x128xi32, #tpu.memory_space<vmem>> -> memref<128xi32, #tpu.memory_space<vmem>>
    %dma_wait3A_719 = arith.constant 0 : i32
    %dma_wait3A_720 = arith.constant 0 : i32
    %dma_wait3A_721 = tpu.memref_slice %arg5[%dma_wait3A_719, %dma_wait3A_720] : memref<16384x128xf32, #tpu.memory_space<hbm>> -> memref<16384x128xf32, #tpu.memory_space<hbm>>
    tpu.wait_indirect_dma semaphore(%arg15 : memref<!tpu.dma_semaphore, #tpu.memory_space<semaphore_mem>>) src(%dma_wait3A_721 : memref<16384x128xf32, #tpu.memory_space<hbm>>) dst(%dma_wait3A_715 : memref<128x128xf32, #tpu.memory_space<vmem>>)
    %dma_wait3A_722 = arith.constant 3 : i32
    %dma_wait3A_723 = arith.constant 128 : i32
    %dma_wait3A_724 = arith.constant 0 : i32
    %dma_wait3A_725 = tpu.memref_slice %arg11[%dma_wait3A_723, %dma_wait3A_724] : memref<256x128xf32, #tpu.memory_space<vmem>> -> memref<128x128xf32, #tpu.memory_space<vmem>>
    %dma_wait3A_726 = arith.constant 0 : i32
    %dma_wait3A_727 = tpu.memref_slice %arg10[%dma_wait3A_722, %dma_wait3A_726] : memref<8x128xi32, #tpu.memory_space<vmem>> -> memref<1x128xi32, #tpu.memory_space<vmem>>
    %dma_wait3A_728 = tpu.memref_squeeze %dma_wait3A_727 : memref<1x128xi32, #tpu.memory_space<vmem>> -> memref<128xi32, #tpu.memory_space<vmem>>
    %dma_wait3A_729 = arith.constant 0 : i32
    %dma_wait3A_730 = arith.constant 0 : i32
    %dma_wait3A_731 = tpu.memref_slice %arg4[%dma_wait3A_729, %dma_wait3A_730] : memref<131072x128xf32, #tpu.memory_space<hbm>> -> memref<131072x128xf32, #tpu.memory_space<hbm>>
    tpu.wait_indirect_dma semaphore(%arg15 : memref<!tpu.dma_semaphore, #tpu.memory_space<semaphore_mem>>) src(%dma_wait3A_731 : memref<131072x128xf32, #tpu.memory_space<hbm>>) dst(%dma_wait3A_725 : memref<128x128xf32, #tpu.memory_space<vmem>>)
    %dma_wait3A_732 = arith.constant 7 : i32
    %dma_wait3A_733 = arith.constant 128 : i32
    %dma_wait3A_734 = arith.constant 0 : i32
    %dma_wait3A_735 = tpu.memref_slice %arg12[%dma_wait3A_733, %dma_wait3A_734] : memref<256x128xf32, #tpu.memory_space<vmem>> -> memref<128x128xf32, #tpu.memory_space<vmem>>
    %dma_wait3A_736 = arith.constant 0 : i32
    %dma_wait3A_737 = tpu.memref_slice %arg10[%dma_wait3A_732, %dma_wait3A_736] : memref<8x128xi32, #tpu.memory_space<vmem>> -> memref<1x128xi32, #tpu.memory_space<vmem>>
    %dma_wait3A_738 = tpu.memref_squeeze %dma_wait3A_737 : memref<1x128xi32, #tpu.memory_space<vmem>> -> memref<128xi32, #tpu.memory_space<vmem>>
    %dma_wait3A_739 = arith.constant 0 : i32
    %dma_wait3A_740 = arith.constant 0 : i32
    %dma_wait3A_741 = tpu.memref_slice %arg5[%dma_wait3A_739, %dma_wait3A_740] : memref<16384x128xf32, #tpu.memory_space<hbm>> -> memref<16384x128xf32, #tpu.memory_space<hbm>>
    tpu.wait_indirect_dma semaphore(%arg15 : memref<!tpu.dma_semaphore, #tpu.memory_space<semaphore_mem>>) src(%dma_wait3A_741 : memref<16384x128xf32, #tpu.memory_space<hbm>>) dst(%dma_wait3A_735 : memref<128x128xf32, #tpu.memory_space<vmem>>)
    %scan3A_742 = arith.constant 0 : i32
    %scan3A_743 = arith.constant 0 : i32
    %scan3A_744 = arith.constant 16 : i32
    %scan3A_745 = arith.addi %scan3A_743, %scan3A_744 : i32
    %scan3A_746 = arith.constant 2 : i32
    scf.for %scan3A_748 = %scan3A_743 to %scan3A_745 step %scan3A_746  : i32 {
      %mul3A_749 = arith.constant 16 : i32
      %mul3A_750 = arith.muli %scan3A_748, %mul3A_749 : i32
      %add3A_751 = vector.broadcast %mul3A_750 : i32 to vector<16xi32>
      %add3A_752 = arith.addi %add3A_751, %iota3A : vector<16xi32>
      %mul3A_753 = arith.constant 16 : i32
      %mul3A_754 = arith.muli %scan3A_748, %mul3A_753 : i32
      %add3A_755 = arith.constant 256 : i32
      %add3A_756 = arith.addi %add3A_755, %mul3A_754 : i32
      %get3A_757 = arith.index_cast %add3A_756 : i32 to index
      %get3A_758 = tpu.vector_load %arg8[%get3A_757] {strides = array<i32>} : memref<512xi32, #tpu.memory_space<vmem>>, vector<16xi32>,
      %get3A_759 = arith.index_cast %add3A_756 : i32 to index
      %get3A_760 = tpu.vector_load %arg9[%get3A_759] {strides = array<i32>} : memref<512xi32, #tpu.memory_space<vmem>>, vector<16xi32>,
      %shift_right_logical3A = arith.constant 18 : i32
      %shift_right_logical3A_761 = vector.broadcast %shift_right_logical3A : i32 to vector<16xi32>
      %shift_right_logical3A_762 = arith.shrui %get3A_758, %shift_right_logical3A_761 : vector<16xi32>
      %shift_left3A = arith.constant 5 : i32
      %shift_left3A_763 = vector.broadcast %shift_left3A : i32 to vector<16xi32>
      %shift_left3A_764 = arith.shli %shift_right_logical3A_762, %shift_left3A_763 : vector<16xi32>
      %shift_right_logical3A_765 = arith.constant 15 : i32
      %shift_right_logical3A_766 = vector.broadcast %shift_right_logical3A_765 : i32 to vector<16xi32>
      %shift_right_logical3A_767 = arith.shrui %get3A_760, %shift_right_logical3A_766 : vector<16xi32>
      %shift_left3A_768 = arith.constant 5 : i32
      %shift_left3A_769 = vector.broadcast %shift_left3A_768 : i32 to vector<16xi32>
      %shift_left3A_770 = arith.shli %shift_right_logical3A_767, %shift_left3A_769 : vector<16xi32>
      %shift_right_logical3A_771 = arith.constant 17 : i32
      %shift_right_logical3A_772 = vector.broadcast %shift_right_logical3A_771 : i32 to vector<16xi32>
      %shift_right_logical3A_773 = arith.shrui %get3A_758, %shift_right_logical3A_772 : vector<16xi32>
      %and3A_774 = arith.andi %shift_right_logical3A_773, %broadcast_in_dim3A_578 : vector<16xi32>
      %shift_right_logical3A_775 = arith.constant 14 : i32
      %shift_right_logical3A_776 = vector.broadcast %shift_right_logical3A_775 : i32 to vector<16xi32>
      %shift_right_logical3A_777 = arith.shrui %get3A_760, %shift_right_logical3A_776 : vector<16xi32>
      %and3A_778 = arith.andi %shift_right_logical3A_777, %broadcast_in_dim3A_578 : vector<16xi32>
      %add3A_779 = arith.constant 0 : i32
      %add3A_780 = vector.broadcast %add3A_779 : i32 to vector<16xi32>
      %add3A_781 = arith.addi %shift_left3A_764, %add3A_780 : vector<16xi32>
      %gather3A = tpu.vector_load_idx %arg11[%add3A_752, %add3A_781] : memref<256x128xf32, #tpu.memory_space<vmem>>[vector<16xi32>, vector<16xi32>], vector<16xf32>,
      %bitcast3A = vector.bitcast %gather3A : vector<16xf32> to vector<32xbf16>
      %unpack3A = tpu.unpack_subelements %bitcast3A, 0 {pack_format = #tpu.pack_format<interleaved>} : vector<32xbf16> -> vector<16xf32>
      %unpack3A_782 = tpu.unpack_subelements %bitcast3A, 1 {pack_format = #tpu.pack_format<interleaved>} : vector<32xbf16> -> vector<16xf32>
      %eq3A = arith.constant 0 : i32
      %eq3A_783 = vector.broadcast %eq3A : i32 to vector<16xi32>
      %eq3A_784 = arith.cmpi eq, %and3A_774, %eq3A_783 : vector<16xi32>
      %select_n3A = arith.select %eq3A_784, %unpack3A, %unpack3A_782 : vector<16xi1>, vector<16xf32>
      %add3A_785 = arith.constant 0 : i32
      %add3A_786 = vector.broadcast %add3A_785 : i32 to vector<16xi32>
      %add3A_787 = arith.addi %shift_left3A_770, %add3A_786 : vector<16xi32>
      %gather3A_788 = tpu.vector_load_idx %arg12[%add3A_752, %add3A_787] : memref<256x128xf32, #tpu.memory_space<vmem>>[vector<16xi32>, vector<16xi32>], vector<16xf32>,
      %bitcast3A_789 = vector.bitcast %gather3A_788 : vector<16xf32> to vector<32xbf16>
      %unpack3A_790 = tpu.unpack_subelements %bitcast3A_789, 0 {pack_format = #tpu.pack_format<interleaved>} : vector<32xbf16> -> vector<16xf32>
      %unpack3A_791 = tpu.unpack_subelements %bitcast3A_789, 1 {pack_format = #tpu.pack_format<interleaved>} : vector<32xbf16> -> vector<16xf32>
      %eq3A_792 = arith.constant 0 : i32
      %eq3A_793 = vector.broadcast %eq3A_792 : i32 to vector<16xi32>
      %eq3A_794 = arith.cmpi eq, %and3A_778, %eq3A_793 : vector<16xi32>
      %select_n3A_795 = arith.select %eq3A_794, %unpack3A_790, %unpack3A_791 : vector<16xi1>, vector<16xf32>
      %mul3A_796 = arith.mulf %select_n3A, %select_n3A_795 : vector<16xf32>
      %add3A_797 = arith.addf %get3A_577, %mul3A_796 : vector<16xf32>
      %add3A_798 = arith.constant 1 : i32
      %add3A_799 = vector.broadcast %add3A_798 : i32 to vector<16xi32>
      %add3A_800 = arith.addi %shift_left3A_764, %add3A_799 : vector<16xi32>
      %gather3A_801 = tpu.vector_load_idx %arg11[%add3A_752, %add3A_800] : memref<256x128xf32, #tpu.memory_space<vmem>>[vector<16xi32>, vector<16xi32>], vector<16xf32>,
      %bitcast3A_802 = vector.bitcast %gather3A_801 : vector<16xf32> to vector<32xbf16>
      %unpack3A_803 = tpu.unpack_subelements %bitcast3A_802, 0 {pack_format = #tpu.pack_format<interleaved>} : vector<32xbf16> -> vector<16xf32>
      %unpack3A_804 = tpu.unpack_subelements %bitcast3A_802, 1 {pack_format = #tpu.pack_format<interleaved>} : vector<32xbf16> -> vector<16xf32>
      %eq3A_805 = arith.constant 0 : i32
      %eq3A_806 = vector.broadcast %eq3A_805 : i32 to vector<16xi32>
      %eq3A_807 = arith.cmpi eq, %and3A_774, %eq3A_806 : vector<16xi32>
      %select_n3A_808 = arith.select %eq3A_807, %unpack3A_803, %unpack3A_804 : vector<16xi1>, vector<16xf32>
      %add3A_809 = arith.constant 1 : i32
      %add3A_810 = vector.broadcast %add3A_809 : i32 to vector<16xi32>
      %add3A_811 = arith.addi %shift_left3A_770, %add3A_810 : vector<16xi32>
      %gather3A_812 = tpu.vector_load_idx %arg12[%add3A_752, %add3A_811] : memref<256x128xf32, #tpu.memory_space<vmem>>[vector<16xi32>, vector<16xi32>], vector<16xf32>,
      %bitcast3A_813 = vector.bitcast %gather3A_812 : vector<16xf32> to vector<32xbf16>
      %unpack3A_814 = tpu.unpack_subelements %bitcast3A_813, 0 {pack_format = #tpu.pack_format<interleaved>} : vector<32xbf16> -> vector<16xf32>
      %unpack3A_815 = tpu.unpack_subelements %bitcast3A_813, 1 {pack_format = #tpu.pack_format<interleaved>} : vector<32xbf16> -> vector<16xf32>
      %eq3A_816 = arith.constant 0 : i32
      %eq3A_817 = vector.broadcast %eq3A_816 : i32 to vector<16xi32>
      %eq3A_818 = arith.cmpi eq, %and3A_778, %eq3A_817 : vector<16xi32>
      %select_n3A_819 = arith.select %eq3A_818, %unpack3A_814, %unpack3A_815 : vector<16xi1>, vector<16xf32>
      %mul3A_820 = arith.mulf %select_n3A_808, %select_n3A_819 : vector<16xf32>
      %add3A_821 = arith.addf %add3A_797, %mul3A_820 : vector<16xf32>
      %add3A_822 = arith.constant 2 : i32
      %add3A_823 = vector.broadcast %add3A_822 : i32 to vector<16xi32>
      %add3A_824 = arith.addi %shift_left3A_764, %add3A_823 : vector<16xi32>
      %gather3A_825 = tpu.vector_load_idx %arg11[%add3A_752, %add3A_824] : memref<256x128xf32, #tpu.memory_space<vmem>>[vector<16xi32>, vector<16xi32>], vector<16xf32>,
      %bitcast3A_826 = vector.bitcast %gather3A_825 : vector<16xf32> to vector<32xbf16>
      %unpack3A_827 = tpu.unpack_subelements %bitcast3A_826, 0 {pack_format = #tpu.pack_format<interleaved>} : vector<32xbf16> -> vector<16xf32>
      %unpack3A_828 = tpu.unpack_subelements %bitcast3A_826, 1 {pack_format = #tpu.pack_format<interleaved>} : vector<32xbf16> -> vector<16xf32>
      %eq3A_829 = arith.constant 0 : i32
      %eq3A_830 = vector.broadcast %eq3A_829 : i32 to vector<16xi32>
      %eq3A_831 = arith.cmpi eq, %and3A_774, %eq3A_830 : vector<16xi32>
      %select_n3A_832 = arith.select %eq3A_831, %unpack3A_827, %unpack3A_828 : vector<16xi1>, vector<16xf32>
      %add3A_833 = arith.constant 2 : i32
      %add3A_834 = vector.broadcast %add3A_833 : i32 to vector<16xi32>
      %add3A_835 = arith.addi %shift_left3A_770, %add3A_834 : vector<16xi32>
      %gather3A_836 = tpu.vector_load_idx %arg12[%add3A_752, %add3A_835] : memref<256x128xf32, #tpu.memory_space<vmem>>[vector<16xi32>, vector<16xi32>], vector<16xf32>,
      %bitcast3A_837 = vector.bitcast %gather3A_836 : vector<16xf32> to vector<32xbf16>
      %unpack3A_838 = tpu.unpack_subelements %bitcast3A_837, 0 {pack_format = #tpu.pack_format<interleaved>} : vector<32xbf16> -> vector<16xf32>
      %unpack3A_839 = tpu.unpack_subelements %bitcast3A_837, 1 {pack_format = #tpu.pack_format<interleaved>} : vector<32xbf16> -> vector<16xf32>
      %eq3A_840 = arith.constant 0 : i32
      %eq3A_841 = vector.broadcast %eq3A_840 : i32 to vector<16xi32>
      %eq3A_842 = arith.cmpi eq, %and3A_778, %eq3A_841 : vector<16xi32>
      %select_n3A_843 = arith.select %eq3A_842, %unpack3A_838, %unpack3A_839 : vector<16xi1>, vector<16xf32>
      %mul3A_844 = arith.mulf %select_n3A_832, %select_n3A_843 : vector<16xf32>
      %add3A_845 = arith.addf %add3A_821, %mul3A_844 : vector<16xf32>
      %add3A_846 = arith.constant 3 : i32
      %add3A_847 = vector.broadcast %add3A_846 : i32 to vector<16xi32>
      %add3A_848 = arith.addi %shift_left3A_764, %add3A_847 : vector<16xi32>
      %gather3A_849 = tpu.vector_load_idx %arg11[%add3A_752, %add3A_848] : memref<256x128xf32, #tpu.memory_space<vmem>>[vector<16xi32>, vector<16xi32>], vector<16xf32>,
      %bitcast3A_850 = vector.bitcast %gather3A_849 : vector<16xf32> to vector<32xbf16>
      %unpack3A_851 = tpu.unpack_subelements %bitcast3A_850, 0 {pack_format = #tpu.pack_format<interleaved>} : vector<32xbf16> -> vector<16xf32>
      %unpack3A_852 = tpu.unpack_subelements %bitcast3A_850, 1 {pack_format = #tpu.pack_format<interleaved>} : vector<32xbf16> -> vector<16xf32>
      %eq3A_853 = arith.constant 0 : i32
      %eq3A_854 = vector.broadcast %eq3A_853 : i32 to vector<16xi32>
      %eq3A_855 = arith.cmpi eq, %and3A_774, %eq3A_854 : vector<16xi32>
      %select_n3A_856 = arith.select %eq3A_855, %unpack3A_851, %unpack3A_852 : vector<16xi1>, vector<16xf32>
      %add3A_857 = arith.constant 3 : i32
      %add3A_858 = vector.broadcast %add3A_857 : i32 to vector<16xi32>
      %add3A_859 = arith.addi %shift_left3A_770, %add3A_858 : vector<16xi32>
      %gather3A_860 = tpu.vector_load_idx %arg12[%add3A_752, %add3A_859] : memref<256x128xf32, #tpu.memory_space<vmem>>[vector<16xi32>, vector<16xi32>], vector<16xf32>,
      %bitcast3A_861 = vector.bitcast %gather3A_860 : vector<16xf32> to vector<32xbf16>
      %unpack3A_862 = tpu.unpack_subelements %bitcast3A_861, 0 {pack_format = #tpu.pack_format<interleaved>} : vector<32xbf16> -> vector<16xf32>
      %unpack3A_863 = tpu.unpack_subelements %bitcast3A_861, 1 {pack_format = #tpu.pack_format<interleaved>} : vector<32xbf16> -> vector<16xf32>
      %eq3A_864 = arith.constant 0 : i32
      %eq3A_865 = vector.broadcast %eq3A_864 : i32 to vector<16xi32>
      %eq3A_866 = arith.cmpi eq, %and3A_778, %eq3A_865 : vector<16xi32>
      %select_n3A_867 = arith.select %eq3A_866, %unpack3A_862, %unpack3A_863 : vector<16xi1>, vector<16xf32>
      %mul3A_868 = arith.mulf %select_n3A_856, %select_n3A_867 : vector<16xf32>
      %add3A_869 = arith.addf %add3A_845, %mul3A_868 : vector<16xf32>
      %add3A_870 = arith.constant 4 : i32
      %add3A_871 = vector.broadcast %add3A_870 : i32 to vector<16xi32>
      %add3A_872 = arith.addi %shift_left3A_764, %add3A_871 : vector<16xi32>
      %gather3A_873 = tpu.vector_load_idx %arg11[%add3A_752, %add3A_872] : memref<256x128xf32, #tpu.memory_space<vmem>>[vector<16xi32>, vector<16xi32>], vector<16xf32>,
      %bitcast3A_874 = vector.bitcast %gather3A_873 : vector<16xf32> to vector<32xbf16>
      %unpack3A_875 = tpu.unpack_subelements %bitcast3A_874, 0 {pack_format = #tpu.pack_format<interleaved>} : vector<32xbf16> -> vector<16xf32>
      %unpack3A_876 = tpu.unpack_subelements %bitcast3A_874, 1 {pack_format = #tpu.pack_format<interleaved>} : vector<32xbf16> -> vector<16xf32>
      %eq3A_877 = arith.constant 0 : i32
      %eq3A_878 = vector.broadcast %eq3A_877 : i32 to vector<16xi32>
      %eq3A_879 = arith.cmpi eq, %and3A_774, %eq3A_878 : vector<16xi32>
      %select_n3A_880 = arith.select %eq3A_879, %unpack3A_875, %unpack3A_876 : vector<16xi1>, vector<16xf32>
      %add3A_881 = arith.constant 4 : i32
      %add3A_882 = vector.broadcast %add3A_881 : i32 to vector<16xi32>
      %add3A_883 = arith.addi %shift_left3A_770, %add3A_882 : vector<16xi32>
      %gather3A_884 = tpu.vector_load_idx %arg12[%add3A_752, %add3A_883] : memref<256x128xf32, #tpu.memory_space<vmem>>[vector<16xi32>, vector<16xi32>], vector<16xf32>,
      %bitcast3A_885 = vector.bitcast %gather3A_884 : vector<16xf32> to vector<32xbf16>
      %unpack3A_886 = tpu.unpack_subelements %bitcast3A_885, 0 {pack_format = #tpu.pack_format<interleaved>} : vector<32xbf16> -> vector<16xf32>
      %unpack3A_887 = tpu.unpack_subelements %bitcast3A_885, 1 {pack_format = #tpu.pack_format<interleaved>} : vector<32xbf16> -> vector<16xf32>
      %eq3A_888 = arith.constant 0 : i32
      %eq3A_889 = vector.broadcast %eq3A_888 : i32 to vector<16xi32>
      %eq3A_890 = arith.cmpi eq, %and3A_778, %eq3A_889 : vector<16xi32>
      %select_n3A_891 = arith.select %eq3A_890, %unpack3A_886, %unpack3A_887 : vector<16xi1>, vector<16xf32>
      %mul3A_892 = arith.mulf %select_n3A_880, %select_n3A_891 : vector<16xf32>
      %add3A_893 = arith.addf %add3A_869, %mul3A_892 : vector<16xf32>
      %add3A_894 = arith.constant 5 : i32
      %add3A_895 = vector.broadcast %add3A_894 : i32 to vector<16xi32>
      %add3A_896 = arith.addi %shift_left3A_764, %add3A_895 : vector<16xi32>
      %gather3A_897 = tpu.vector_load_idx %arg11[%add3A_752, %add3A_896] : memref<256x128xf32, #tpu.memory_space<vmem>>[vector<16xi32>, vector<16xi32>], vector<16xf32>,
      %bitcast3A_898 = vector.bitcast %gather3A_897 : vector<16xf32> to vector<32xbf16>
      %unpack3A_899 = tpu.unpack_subelements %bitcast3A_898, 0 {pack_format = #tpu.pack_format<interleaved>} : vector<32xbf16> -> vector<16xf32>
      %unpack3A_900 = tpu.unpack_subelements %bitcast3A_898, 1 {pack_format = #tpu.pack_format<interleaved>} : vector<32xbf16> -> vector<16xf32>
      %eq3A_901 = arith.constant 0 : i32
      %eq3A_902 = vector.broadcast %eq3A_901 : i32 to vector<16xi32>
      %eq3A_903 = arith.cmpi eq, %and3A_774, %eq3A_902 : vector<16xi32>
      %select_n3A_904 = arith.select %eq3A_903, %unpack3A_899, %unpack3A_900 : vector<16xi1>, vector<16xf32>
      %add3A_905 = arith.constant 5 : i32
      %add3A_906 = vector.broadcast %add3A_905 : i32 to vector<16xi32>
      %add3A_907 = arith.addi %shift_left3A_770, %add3A_906 : vector<16xi32>
      %gather3A_908 = tpu.vector_load_idx %arg12[%add3A_752, %add3A_907] : memref<256x128xf32, #tpu.memory_space<vmem>>[vector<16xi32>, vector<16xi32>], vector<16xf32>,
      %bitcast3A_909 = vector.bitcast %gather3A_908 : vector<16xf32> to vector<32xbf16>
      %unpack3A_910 = tpu.unpack_subelements %bitcast3A_909, 0 {pack_format = #tpu.pack_format<interleaved>} : vector<32xbf16> -> vector<16xf32>
      %unpack3A_911 = tpu.unpack_subelements %bitcast3A_909, 1 {pack_format = #tpu.pack_format<interleaved>} : vector<32xbf16> -> vector<16xf32>
      %eq3A_912 = arith.constant 0 : i32
      %eq3A_913 = vector.broadcast %eq3A_912 : i32 to vector<16xi32>
      %eq3A_914 = arith.cmpi eq, %and3A_778, %eq3A_913 : vector<16xi32>
      %select_n3A_915 = arith.select %eq3A_914, %unpack3A_910, %unpack3A_911 : vector<16xi1>, vector<16xf32>
      %mul3A_916 = arith.mulf %select_n3A_904, %select_n3A_915 : vector<16xf32>
      %add3A_917 = arith.addf %add3A_893, %mul3A_916 : vector<16xf32>
      %add3A_918 = arith.constant 6 : i32
      %add3A_919 = vector.broadcast %add3A_918 : i32 to vector<16xi32>
      %add3A_920 = arith.addi %shift_left3A_764, %add3A_919 : vector<16xi32>
      %gather3A_921 = tpu.vector_load_idx %arg11[%add3A_752, %add3A_920] : memref<256x128xf32, #tpu.memory_space<vmem>>[vector<16xi32>, vector<16xi32>], vector<16xf32>,
      %bitcast3A_922 = vector.bitcast %gather3A_921 : vector<16xf32> to vector<32xbf16>
      %unpack3A_923 = tpu.unpack_subelements %bitcast3A_922, 0 {pack_format = #tpu.pack_format<interleaved>} : vector<32xbf16> -> vector<16xf32>
      %unpack3A_924 = tpu.unpack_subelements %bitcast3A_922, 1 {pack_format = #tpu.pack_format<interleaved>} : vector<32xbf16> -> vector<16xf32>
      %eq3A_925 = arith.constant 0 : i32
      %eq3A_926 = vector.broadcast %eq3A_925 : i32 to vector<16xi32>
      %eq3A_927 = arith.cmpi eq, %and3A_774, %eq3A_926 : vector<16xi32>
      %select_n3A_928 = arith.select %eq3A_927, %unpack3A_923, %unpack3A_924 : vector<16xi1>, vector<16xf32>
      %add3A_929 = arith.constant 6 : i32
      %add3A_930 = vector.broadcast %add3A_929 : i32 to vector<16xi32>
      %add3A_931 = arith.addi %shift_left3A_770, %add3A_930 : vector<16xi32>
      %gather3A_932 = tpu.vector_load_idx %arg12[%add3A_752, %add3A_931] : memref<256x128xf32, #tpu.memory_space<vmem>>[vector<16xi32>, vector<16xi32>], vector<16xf32>,
      %bitcast3A_933 = vector.bitcast %gather3A_932 : vector<16xf32> to vector<32xbf16>
      %unpack3A_934 = tpu.unpack_subelements %bitcast3A_933, 0 {pack_format = #tpu.pack_format<interleaved>} : vector<32xbf16> -> vector<16xf32>
      %unpack3A_935 = tpu.unpack_subelements %bitcast3A_933, 1 {pack_format = #tpu.pack_format<interleaved>} : vector<32xbf16> -> vector<16xf32>
      %eq3A_936 = arith.constant 0 : i32
      %eq3A_937 = vector.broadcast %eq3A_936 : i32 to vector<16xi32>
      %eq3A_938 = arith.cmpi eq, %and3A_778, %eq3A_937 : vector<16xi32>
      %select_n3A_939 = arith.select %eq3A_938, %unpack3A_934, %unpack3A_935 : vector<16xi1>, vector<16xf32>
      %mul3A_940 = arith.mulf %select_n3A_928, %select_n3A_939 : vector<16xf32>
      %add3A_941 = arith.addf %add3A_917, %mul3A_940 : vector<16xf32>
      %add3A_942 = arith.constant 7 : i32
      %add3A_943 = vector.broadcast %add3A_942 : i32 to vector<16xi32>
      %add3A_944 = arith.addi %shift_left3A_764, %add3A_943 : vector<16xi32>
      %gather3A_945 = tpu.vector_load_idx %arg11[%add3A_752, %add3A_944] : memref<256x128xf32, #tpu.memory_space<vmem>>[vector<16xi32>, vector<16xi32>], vector<16xf32>,
      %bitcast3A_946 = vector.bitcast %gather3A_945 : vector<16xf32> to vector<32xbf16>
      %unpack3A_947 = tpu.unpack_subelements %bitcast3A_946, 0 {pack_format = #tpu.pack_format<interleaved>} : vector<32xbf16> -> vector<16xf32>
      %unpack3A_948 = tpu.unpack_subelements %bitcast3A_946, 1 {pack_format = #tpu.pack_format<interleaved>} : vector<32xbf16> -> vector<16xf32>
      %eq3A_949 = arith.constant 0 : i32
      %eq3A_950 = vector.broadcast %eq3A_949 : i32 to vector<16xi32>
      %eq3A_951 = arith.cmpi eq, %and3A_774, %eq3A_950 : vector<16xi32>
      %select_n3A_952 = arith.select %eq3A_951, %unpack3A_947, %unpack3A_948 : vector<16xi1>, vector<16xf32>
      %add3A_953 = arith.constant 7 : i32
      %add3A_954 = vector.broadcast %add3A_953 : i32 to vector<16xi32>
      %add3A_955 = arith.addi %shift_left3A_770, %add3A_954 : vector<16xi32>
      %gather3A_956 = tpu.vector_load_idx %arg12[%add3A_752, %add3A_955] : memref<256x128xf32, #tpu.memory_space<vmem>>[vector<16xi32>, vector<16xi32>], vector<16xf32>,
      %bitcast3A_957 = vector.bitcast %gather3A_956 : vector<16xf32> to vector<32xbf16>
      %unpack3A_958 = tpu.unpack_subelements %bitcast3A_957, 0 {pack_format = #tpu.pack_format<interleaved>} : vector<32xbf16> -> vector<16xf32>
      %unpack3A_959 = tpu.unpack_subelements %bitcast3A_957, 1 {pack_format = #tpu.pack_format<interleaved>} : vector<32xbf16> -> vector<16xf32>
      %eq3A_960 = arith.constant 0 : i32
      %eq3A_961 = vector.broadcast %eq3A_960 : i32 to vector<16xi32>
      %eq3A_962 = arith.cmpi eq, %and3A_778, %eq3A_961 : vector<16xi32>
      %select_n3A_963 = arith.select %eq3A_962, %unpack3A_958, %unpack3A_959 : vector<16xi1>, vector<16xf32>
      %mul3A_964 = arith.mulf %select_n3A_952, %select_n3A_963 : vector<16xf32>
      %add3A_965 = arith.addf %add3A_941, %mul3A_964 : vector<16xf32>
      %add3A_966 = arith.constant 8 : i32
      %add3A_967 = vector.broadcast %add3A_966 : i32 to vector<16xi32>
      %add3A_968 = arith.addi %shift_left3A_764, %add3A_967 : vector<16xi32>
      %gather3A_969 = tpu.vector_load_idx %arg11[%add3A_752, %add3A_968] : memref<256x128xf32, #tpu.memory_space<vmem>>[vector<16xi32>, vector<16xi32>], vector<16xf32>,
      %bitcast3A_970 = vector.bitcast %gather3A_969 : vector<16xf32> to vector<32xbf16>
      %unpack3A_971 = tpu.unpack_subelements %bitcast3A_970, 0 {pack_format = #tpu.pack_format<interleaved>} : vector<32xbf16> -> vector<16xf32>
      %unpack3A_972 = tpu.unpack_subelements %bitcast3A_970, 1 {pack_format = #tpu.pack_format<interleaved>} : vector<32xbf16> -> vector<16xf32>
      %eq3A_973 = arith.constant 0 : i32
      %eq3A_974 = vector.broadcast %eq3A_973 : i32 to vector<16xi32>
      %eq3A_975 = arith.cmpi eq, %and3A_774, %eq3A_974 : vector<16xi32>
      %select_n3A_976 = arith.select %eq3A_975, %unpack3A_971, %unpack3A_972 : vector<16xi1>, vector<16xf32>
      %add3A_977 = arith.constant 8 : i32
      %add3A_978 = vector.broadcast %add3A_977 : i32 to vector<16xi32>
      %add3A_979 = arith.addi %shift_left3A_770, %add3A_978 : vector<16xi32>
      %gather3A_980 = tpu.vector_load_idx %arg12[%add3A_752, %add3A_979] : memref<256x128xf32, #tpu.memory_space<vmem>>[vector<16xi32>, vector<16xi32>], vector<16xf32>,
      %bitcast3A_981 = vector.bitcast %gather3A_980 : vector<16xf32> to vector<32xbf16>
      %unpack3A_982 = tpu.unpack_subelements %bitcast3A_981, 0 {pack_format = #tpu.pack_format<interleaved>} : vector<32xbf16> -> vector<16xf32>
      %unpack3A_983 = tpu.unpack_subelements %bitcast3A_981, 1 {pack_format = #tpu.pack_format<interleaved>} : vector<32xbf16> -> vector<16xf32>
      %eq3A_984 = arith.constant 0 : i32
      %eq3A_985 = vector.broadcast %eq3A_984 : i32 to vector<16xi32>
      %eq3A_986 = arith.cmpi eq, %and3A_778, %eq3A_985 : vector<16xi32>
      %select_n3A_987 = arith.select %eq3A_986, %unpack3A_982, %unpack3A_983 : vector<16xi1>, vector<16xf32>
      %mul3A_988 = arith.mulf %select_n3A_976, %select_n3A_987 : vector<16xf32>
      %add3A_989 = arith.addf %add3A_965, %mul3A_988 : vector<16xf32>
      %add3A_990 = arith.constant 9 : i32
      %add3A_991 = vector.broadcast %add3A_990 : i32 to vector<16xi32>
      %add3A_992 = arith.addi %shift_left3A_764, %add3A_991 : vector<16xi32>
      %gather3A_993 = tpu.vector_load_idx %arg11[%add3A_752, %add3A_992] : memref<256x128xf32, #tpu.memory_space<vmem>>[vector<16xi32>, vector<16xi32>], vector<16xf32>,
      %bitcast3A_994 = vector.bitcast %gather3A_993 : vector<16xf32> to vector<32xbf16>
      %unpack3A_995 = tpu.unpack_subelements %bitcast3A_994, 0 {pack_format = #tpu.pack_format<interleaved>} : vector<32xbf16> -> vector<16xf32>
      %unpack3A_996 = tpu.unpack_subelements %bitcast3A_994, 1 {pack_format = #tpu.pack_format<interleaved>} : vector<32xbf16> -> vector<16xf32>
      %eq3A_997 = arith.constant 0 : i32
      %eq3A_998 = vector.broadcast %eq3A_997 : i32 to vector<16xi32>
      %eq3A_999 = arith.cmpi eq, %and3A_774, %eq3A_998 : vector<16xi32>
      %select_n3A_1000 = arith.select %eq3A_999, %unpack3A_995, %unpack3A_996 : vector<16xi1>, vector<16xf32>
      %add3A_1001 = arith.constant 9 : i32
      %add3A_1002 = vector.broadcast %add3A_1001 : i32 to vector<16xi32>
      %add3A_1003 = arith.addi %shift_left3A_770, %add3A_1002 : vector<16xi32>
      %gather3A_1004 = tpu.vector_load_idx %arg12[%add3A_752, %add3A_1003] : memref<256x128xf32, #tpu.memory_space<vmem>>[vector<16xi32>, vector<16xi32>], vector<16xf32>,
      %bitcast3A_1005 = vector.bitcast %gather3A_1004 : vector<16xf32> to vector<32xbf16>
      %unpack3A_1006 = tpu.unpack_subelements %bitcast3A_1005, 0 {pack_format = #tpu.pack_format<interleaved>} : vector<32xbf16> -> vector<16xf32>
      %unpack3A_1007 = tpu.unpack_subelements %bitcast3A_1005, 1 {pack_format = #tpu.pack_format<interleaved>} : vector<32xbf16> -> vector<16xf32>
      %eq3A_1008 = arith.constant 0 : i32
      %eq3A_1009 = vector.broadcast %eq3A_1008 : i32 to vector<16xi32>
      %eq3A_1010 = arith.cmpi eq, %and3A_778, %eq3A_1009 : vector<16xi32>
      %select_n3A_1011 = arith.select %eq3A_1010, %unpack3A_1006, %unpack3A_1007 : vector<16xi1>, vector<16xf32>
      %mul3A_1012 = arith.mulf %select_n3A_1000, %select_n3A_1011 : vector<16xf32>
      %add3A_1013 = arith.addf %add3A_989, %mul3A_1012 : vector<16xf32>
      %add3A_1014 = arith.constant 10 : i32
      %add3A_1015 = vector.broadcast %add3A_1014 : i32 to vector<16xi32>
      %add3A_1016 = arith.addi %shift_left3A_764, %add3A_1015 : vector<16xi32>
      %gather3A_1017 = tpu.vector_load_idx %arg11[%add3A_752, %add3A_1016] : memref<256x128xf32, #tpu.memory_space<vmem>>[vector<16xi32>, vector<16xi32>], vector<16xf32>,
      %bitcast3A_1018 = vector.bitcast %gather3A_1017 : vector<16xf32> to vector<32xbf16>
      %unpack3A_1019 = tpu.unpack_subelements %bitcast3A_1018, 0 {pack_format = #tpu.pack_format<interleaved>} : vector<32xbf16> -> vector<16xf32>
      %unpack3A_1020 = tpu.unpack_subelements %bitcast3A_1018, 1 {pack_format = #tpu.pack_format<interleaved>} : vector<32xbf16> -> vector<16xf32>
      %eq3A_1021 = arith.constant 0 : i32
      %eq3A_1022 = vector.broadcast %eq3A_1021 : i32 to vector<16xi32>
      %eq3A_1023 = arith.cmpi eq, %and3A_774, %eq3A_1022 : vector<16xi32>
      %select_n3A_1024 = arith.select %eq3A_1023, %unpack3A_1019, %unpack3A_1020 : vector<16xi1>, vector<16xf32>
      %add3A_1025 = arith.constant 10 : i32
      %add3A_1026 = vector.broadcast %add3A_1025 : i32 to vector<16xi32>
      %add3A_1027 = arith.addi %shift_left3A_770, %add3A_1026 : vector<16xi32>
      %gather3A_1028 = tpu.vector_load_idx %arg12[%add3A_752, %add3A_1027] : memref<256x128xf32, #tpu.memory_space<vmem>>[vector<16xi32>, vector<16xi32>], vector<16xf32>,
      %bitcast3A_1029 = vector.bitcast %gather3A_1028 : vector<16xf32> to vector<32xbf16>
      %unpack3A_1030 = tpu.unpack_subelements %bitcast3A_1029, 0 {pack_format = #tpu.pack_format<interleaved>} : vector<32xbf16> -> vector<16xf32>
      %unpack3A_1031 = tpu.unpack_subelements %bitcast3A_1029, 1 {pack_format = #tpu.pack_format<interleaved>} : vector<32xbf16> -> vector<16xf32>
      %eq3A_1032 = arith.constant 0 : i32
      %eq3A_1033 = vector.broadcast %eq3A_1032 : i32 to vector<16xi32>
      %eq3A_1034 = arith.cmpi eq, %and3A_778, %eq3A_1033 : vector<16xi32>
      %select_n3A_1035 = arith.select %eq3A_1034, %unpack3A_1030, %unpack3A_1031 : vector<16xi1>, vector<16xf32>
      %mul3A_1036 = arith.mulf %select_n3A_1024, %select_n3A_1035 : vector<16xf32>
      %add3A_1037 = arith.addf %add3A_1013, %mul3A_1036 : vector<16xf32>
      %add3A_1038 = arith.constant 11 : i32
      %add3A_1039 = vector.broadcast %add3A_1038 : i32 to vector<16xi32>
      %add3A_1040 = arith.addi %shift_left3A_764, %add3A_1039 : vector<16xi32>
      %gather3A_1041 = tpu.vector_load_idx %arg11[%add3A_752, %add3A_1040] : memref<256x128xf32, #tpu.memory_space<vmem>>[vector<16xi32>, vector<16xi32>], vector<16xf32>,
      %bitcast3A_1042 = vector.bitcast %gather3A_1041 : vector<16xf32> to vector<32xbf16>
      %unpack3A_1043 = tpu.unpack_subelements %bitcast3A_1042, 0 {pack_format = #tpu.pack_format<interleaved>} : vector<32xbf16> -> vector<16xf32>
      %unpack3A_1044 = tpu.unpack_subelements %bitcast3A_1042, 1 {pack_format = #tpu.pack_format<interleaved>} : vector<32xbf16> -> vector<16xf32>
      %eq3A_1045 = arith.constant 0 : i32
      %eq3A_1046 = vector.broadcast %eq3A_1045 : i32 to vector<16xi32>
      %eq3A_1047 = arith.cmpi eq, %and3A_774, %eq3A_1046 : vector<16xi32>
      %select_n3A_1048 = arith.select %eq3A_1047, %unpack3A_1043, %unpack3A_1044 : vector<16xi1>, vector<16xf32>
      %add3A_1049 = arith.constant 11 : i32
      %add3A_1050 = vector.broadcast %add3A_1049 : i32 to vector<16xi32>
      %add3A_1051 = arith.addi %shift_left3A_770, %add3A_1050 : vector<16xi32>
      %gather3A_1052 = tpu.vector_load_idx %arg12[%add3A_752, %add3A_1051] : memref<256x128xf32, #tpu.memory_space<vmem>>[vector<16xi32>, vector<16xi32>], vector<16xf32>,
      %bitcast3A_1053 = vector.bitcast %gather3A_1052 : vector<16xf32> to vector<32xbf16>
      %unpack3A_1054 = tpu.unpack_subelements %bitcast3A_1053, 0 {pack_format = #tpu.pack_format<interleaved>} : vector<32xbf16> -> vector<16xf32>
      %unpack3A_1055 = tpu.unpack_subelements %bitcast3A_1053, 1 {pack_format = #tpu.pack_format<interleaved>} : vector<32xbf16> -> vector<16xf32>
      %eq3A_1056 = arith.constant 0 : i32
      %eq3A_1057 = vector.broadcast %eq3A_1056 : i32 to vector<16xi32>
      %eq3A_1058 = arith.cmpi eq, %and3A_778, %eq3A_1057 : vector<16xi32>
      %select_n3A_1059 = arith.select %eq3A_1058, %unpack3A_1054, %unpack3A_1055 : vector<16xi1>, vector<16xf32>
      %mul3A_1060 = arith.mulf %select_n3A_1048, %select_n3A_1059 : vector<16xf32>
      %add3A_1061 = arith.addf %add3A_1037, %mul3A_1060 : vector<16xf32>
      %add3A_1062 = arith.constant 12 : i32
      %add3A_1063 = vector.broadcast %add3A_1062 : i32 to vector<16xi32>
      %add3A_1064 = arith.addi %shift_left3A_764, %add3A_1063 : vector<16xi32>
      %gather3A_1065 = tpu.vector_load_idx %arg11[%add3A_752, %add3A_1064] : memref<256x128xf32, #tpu.memory_space<vmem>>[vector<16xi32>, vector<16xi32>], vector<16xf32>,
      %bitcast3A_1066 = vector.bitcast %gather3A_1065 : vector<16xf32> to vector<32xbf16>
      %unpack3A_1067 = tpu.unpack_subelements %bitcast3A_1066, 0 {pack_format = #tpu.pack_format<interleaved>} : vector<32xbf16> -> vector<16xf32>
      %unpack3A_1068 = tpu.unpack_subelements %bitcast3A_1066, 1 {pack_format = #tpu.pack_format<interleaved>} : vector<32xbf16> -> vector<16xf32>
      %eq3A_1069 = arith.constant 0 : i32
      %eq3A_1070 = vector.broadcast %eq3A_1069 : i32 to vector<16xi32>
      %eq3A_1071 = arith.cmpi eq, %and3A_774, %eq3A_1070 : vector<16xi32>
      %select_n3A_1072 = arith.select %eq3A_1071, %unpack3A_1067, %unpack3A_1068 : vector<16xi1>, vector<16xf32>
      %add3A_1073 = arith.constant 12 : i32
      %add3A_1074 = vector.broadcast %add3A_1073 : i32 to vector<16xi32>
      %add3A_1075 = arith.addi %shift_left3A_770, %add3A_1074 : vector<16xi32>
      %gather3A_1076 = tpu.vector_load_idx %arg12[%add3A_752, %add3A_1075] : memref<256x128xf32, #tpu.memory_space<vmem>>[vector<16xi32>, vector<16xi32>], vector<16xf32>,
      %bitcast3A_1077 = vector.bitcast %gather3A_1076 : vector<16xf32> to vector<32xbf16>
      %unpack3A_1078 = tpu.unpack_subelements %bitcast3A_1077, 0 {pack_format = #tpu.pack_format<interleaved>} : vector<32xbf16> -> vector<16xf32>
      %unpack3A_1079 = tpu.unpack_subelements %bitcast3A_1077, 1 {pack_format = #tpu.pack_format<interleaved>} : vector<32xbf16> -> vector<16xf32>
      %eq3A_1080 = arith.constant 0 : i32
      %eq3A_1081 = vector.broadcast %eq3A_1080 : i32 to vector<16xi32>
      %eq3A_1082 = arith.cmpi eq, %and3A_778, %eq3A_1081 : vector<16xi32>
      %select_n3A_1083 = arith.select %eq3A_1082, %unpack3A_1078, %unpack3A_1079 : vector<16xi1>, vector<16xf32>
      %mul3A_1084 = arith.mulf %select_n3A_1072, %select_n3A_1083 : vector<16xf32>
      %add3A_1085 = arith.addf %add3A_1061, %mul3A_1084 : vector<16xf32>
      %add3A_1086 = arith.constant 13 : i32
      %add3A_1087 = vector.broadcast %add3A_1086 : i32 to vector<16xi32>
      %add3A_1088 = arith.addi %shift_left3A_764, %add3A_1087 : vector<16xi32>
      %gather3A_1089 = tpu.vector_load_idx %arg11[%add3A_752, %add3A_1088] : memref<256x128xf32, #tpu.memory_space<vmem>>[vector<16xi32>, vector<16xi32>], vector<16xf32>,
      %bitcast3A_1090 = vector.bitcast %gather3A_1089 : vector<16xf32> to vector<32xbf16>
      %unpack3A_1091 = tpu.unpack_subelements %bitcast3A_1090, 0 {pack_format = #tpu.pack_format<interleaved>} : vector<32xbf16> -> vector<16xf32>
      %unpack3A_1092 = tpu.unpack_subelements %bitcast3A_1090, 1 {pack_format = #tpu.pack_format<interleaved>} : vector<32xbf16> -> vector<16xf32>
      %eq3A_1093 = arith.constant 0 : i32
      %eq3A_1094 = vector.broadcast %eq3A_1093 : i32 to vector<16xi32>
      %eq3A_1095 = arith.cmpi eq, %and3A_774, %eq3A_1094 : vector<16xi32>
      %select_n3A_1096 = arith.select %eq3A_1095, %unpack3A_1091, %unpack3A_1092 : vector<16xi1>, vector<16xf32>
      %add3A_1097 = arith.constant 13 : i32
      %add3A_1098 = vector.broadcast %add3A_1097 : i32 to vector<16xi32>
      %add3A_1099 = arith.addi %shift_left3A_770, %add3A_1098 : vector<16xi32>
      %gather3A_1100 = tpu.vector_load_idx %arg12[%add3A_752, %add3A_1099] : memref<256x128xf32, #tpu.memory_space<vmem>>[vector<16xi32>, vector<16xi32>], vector<16xf32>,
      %bitcast3A_1101 = vector.bitcast %gather3A_1100 : vector<16xf32> to vector<32xbf16>
      %unpack3A_1102 = tpu.unpack_subelements %bitcast3A_1101, 0 {pack_format = #tpu.pack_format<interleaved>} : vector<32xbf16> -> vector<16xf32>
      %unpack3A_1103 = tpu.unpack_subelements %bitcast3A_1101, 1 {pack_format = #tpu.pack_format<interleaved>} : vector<32xbf16> -> vector<16xf32>
      %eq3A_1104 = arith.constant 0 : i32
      %eq3A_1105 = vector.broadcast %eq3A_1104 : i32 to vector<16xi32>
      %eq3A_1106 = arith.cmpi eq, %and3A_778, %eq3A_1105 : vector<16xi32>
      %select_n3A_1107 = arith.select %eq3A_1106, %unpack3A_1102, %unpack3A_1103 : vector<16xi1>, vector<16xf32>
      %mul3A_1108 = arith.mulf %select_n3A_1096, %select_n3A_1107 : vector<16xf32>
      %add3A_1109 = arith.addf %add3A_1085, %mul3A_1108 : vector<16xf32>
      %add3A_1110 = arith.constant 14 : i32
      %add3A_1111 = vector.broadcast %add3A_1110 : i32 to vector<16xi32>
      %add3A_1112 = arith.addi %shift_left3A_764, %add3A_1111 : vector<16xi32>
      %gather3A_1113 = tpu.vector_load_idx %arg11[%add3A_752, %add3A_1112] : memref<256x128xf32, #tpu.memory_space<vmem>>[vector<16xi32>, vector<16xi32>], vector<16xf32>,
      %bitcast3A_1114 = vector.bitcast %gather3A_1113 : vector<16xf32> to vector<32xbf16>
      %unpack3A_1115 = tpu.unpack_subelements %bitcast3A_1114, 0 {pack_format = #tpu.pack_format<interleaved>} : vector<32xbf16> -> vector<16xf32>
      %unpack3A_1116 = tpu.unpack_subelements %bitcast3A_1114, 1 {pack_format = #tpu.pack_format<interleaved>} : vector<32xbf16> -> vector<16xf32>
      %eq3A_1117 = arith.constant 0 : i32
      %eq3A_1118 = vector.broadcast %eq3A_1117 : i32 to vector<16xi32>
      %eq3A_1119 = arith.cmpi eq, %and3A_774, %eq3A_1118 : vector<16xi32>
      %select_n3A_1120 = arith.select %eq3A_1119, %unpack3A_1115, %unpack3A_1116 : vector<16xi1>, vector<16xf32>
      %add3A_1121 = arith.constant 14 : i32
      %add3A_1122 = vector.broadcast %add3A_1121 : i32 to vector<16xi32>
      %add3A_1123 = arith.addi %shift_left3A_770, %add3A_1122 : vector<16xi32>
      %gather3A_1124 = tpu.vector_load_idx %arg12[%add3A_752, %add3A_1123] : memref<256x128xf32, #tpu.memory_space<vmem>>[vector<16xi32>, vector<16xi32>], vector<16xf32>,
      %bitcast3A_1125 = vector.bitcast %gather3A_1124 : vector<16xf32> to vector<32xbf16>
      %unpack3A_1126 = tpu.unpack_subelements %bitcast3A_1125, 0 {pack_format = #tpu.pack_format<interleaved>} : vector<32xbf16> -> vector<16xf32>
      %unpack3A_1127 = tpu.unpack_subelements %bitcast3A_1125, 1 {pack_format = #tpu.pack_format<interleaved>} : vector<32xbf16> -> vector<16xf32>
      %eq3A_1128 = arith.constant 0 : i32
      %eq3A_1129 = vector.broadcast %eq3A_1128 : i32 to vector<16xi32>
      %eq3A_1130 = arith.cmpi eq, %and3A_778, %eq3A_1129 : vector<16xi32>
      %select_n3A_1131 = arith.select %eq3A_1130, %unpack3A_1126, %unpack3A_1127 : vector<16xi1>, vector<16xf32>
      %mul3A_1132 = arith.mulf %select_n3A_1120, %select_n3A_1131 : vector<16xf32>
      %add3A_1133 = arith.addf %add3A_1109, %mul3A_1132 : vector<16xf32>
      %add3A_1134 = arith.constant 15 : i32
      %add3A_1135 = vector.broadcast %add3A_1134 : i32 to vector<16xi32>
      %add3A_1136 = arith.addi %shift_left3A_764, %add3A_1135 : vector<16xi32>
      %gather3A_1137 = tpu.vector_load_idx %arg11[%add3A_752, %add3A_1136] : memref<256x128xf32, #tpu.memory_space<vmem>>[vector<16xi32>, vector<16xi32>], vector<16xf32>,
      %bitcast3A_1138 = vector.bitcast %gather3A_1137 : vector<16xf32> to vector<32xbf16>
      %unpack3A_1139 = tpu.unpack_subelements %bitcast3A_1138, 0 {pack_format = #tpu.pack_format<interleaved>} : vector<32xbf16> -> vector<16xf32>
      %unpack3A_1140 = tpu.unpack_subelements %bitcast3A_1138, 1 {pack_format = #tpu.pack_format<interleaved>} : vector<32xbf16> -> vector<16xf32>
      %eq3A_1141 = arith.constant 0 : i32
      %eq3A_1142 = vector.broadcast %eq3A_1141 : i32 to vector<16xi32>
      %eq3A_1143 = arith.cmpi eq, %and3A_774, %eq3A_1142 : vector<16xi32>
      %select_n3A_1144 = arith.select %eq3A_1143, %unpack3A_1139, %unpack3A_1140 : vector<16xi1>, vector<16xf32>
      %add3A_1145 = arith.constant 15 : i32
      %add3A_1146 = vector.broadcast %add3A_1145 : i32 to vector<16xi32>
      %add3A_1147 = arith.addi %shift_left3A_770, %add3A_1146 : vector<16xi32>
      %gather3A_1148 = tpu.vector_load_idx %arg12[%add3A_752, %add3A_1147] : memref<256x128xf32, #tpu.memory_space<vmem>>[vector<16xi32>, vector<16xi32>], vector<16xf32>,
      %bitcast3A_1149 = vector.bitcast %gather3A_1148 : vector<16xf32> to vector<32xbf16>
      %unpack3A_1150 = tpu.unpack_subelements %bitcast3A_1149, 0 {pack_format = #tpu.pack_format<interleaved>} : vector<32xbf16> -> vector<16xf32>
      %unpack3A_1151 = tpu.unpack_subelements %bitcast3A_1149, 1 {pack_format = #tpu.pack_format<interleaved>} : vector<32xbf16> -> vector<16xf32>
      %eq3A_1152 = arith.constant 0 : i32
      %eq3A_1153 = vector.broadcast %eq3A_1152 : i32 to vector<16xi32>
      %eq3A_1154 = arith.cmpi eq, %and3A_778, %eq3A_1153 : vector<16xi32>
      %select_n3A_1155 = arith.select %eq3A_1154, %unpack3A_1150, %unpack3A_1151 : vector<16xi1>, vector<16xf32>
      %mul3A_1156 = arith.mulf %select_n3A_1144, %select_n3A_1155 : vector<16xf32>
      %add3A_1157 = arith.addf %add3A_1133, %mul3A_1156 : vector<16xf32>
      %add3A_1158 = arith.constant 16 : i32
      %add3A_1159 = vector.broadcast %add3A_1158 : i32 to vector<16xi32>
      %add3A_1160 = arith.addi %shift_left3A_764, %add3A_1159 : vector<16xi32>
      %gather3A_1161 = tpu.vector_load_idx %arg11[%add3A_752, %add3A_1160] : memref<256x128xf32, #tpu.memory_space<vmem>>[vector<16xi32>, vector<16xi32>], vector<16xf32>,
      %bitcast3A_1162 = vector.bitcast %gather3A_1161 : vector<16xf32> to vector<32xbf16>
      %unpack3A_1163 = tpu.unpack_subelements %bitcast3A_1162, 0 {pack_format = #tpu.pack_format<interleaved>} : vector<32xbf16> -> vector<16xf32>
      %unpack3A_1164 = tpu.unpack_subelements %bitcast3A_1162, 1 {pack_format = #tpu.pack_format<interleaved>} : vector<32xbf16> -> vector<16xf32>
      %eq3A_1165 = arith.constant 0 : i32
      %eq3A_1166 = vector.broadcast %eq3A_1165 : i32 to vector<16xi32>
      %eq3A_1167 = arith.cmpi eq, %and3A_774, %eq3A_1166 : vector<16xi32>
      %select_n3A_1168 = arith.select %eq3A_1167, %unpack3A_1163, %unpack3A_1164 : vector<16xi1>, vector<16xf32>
      %add3A_1169 = arith.constant 16 : i32
      %add3A_1170 = vector.broadcast %add3A_1169 : i32 to vector<16xi32>
      %add3A_1171 = arith.addi %shift_left3A_770, %add3A_1170 : vector<16xi32>
      %gather3A_1172 = tpu.vector_load_idx %arg12[%add3A_752, %add3A_1171] : memref<256x128xf32, #tpu.memory_space<vmem>>[vector<16xi32>, vector<16xi32>], vector<16xf32>,
      %bitcast3A_1173 = vector.bitcast %gather3A_1172 : vector<16xf32> to vector<32xbf16>
      %unpack3A_1174 = tpu.unpack_subelements %bitcast3A_1173, 0 {pack_format = #tpu.pack_format<interleaved>} : vector<32xbf16> -> vector<16xf32>
      %unpack3A_1175 = tpu.unpack_subelements %bitcast3A_1173, 1 {pack_format = #tpu.pack_format<interleaved>} : vector<32xbf16> -> vector<16xf32>
      %eq3A_1176 = arith.constant 0 : i32
      %eq3A_1177 = vector.broadcast %eq3A_1176 : i32 to vector<16xi32>
      %eq3A_1178 = arith.cmpi eq, %and3A_778, %eq3A_1177 : vector<16xi32>
      %select_n3A_1179 = arith.select %eq3A_1178, %unpack3A_1174, %unpack3A_1175 : vector<16xi1>, vector<16xf32>
      %mul3A_1180 = arith.mulf %select_n3A_1168, %select_n3A_1179 : vector<16xf32>
      %add3A_1181 = arith.addf %add3A_1157, %mul3A_1180 : vector<16xf32>
      %add3A_1182 = arith.constant 17 : i32
      %add3A_1183 = vector.broadcast %add3A_1182 : i32 to vector<16xi32>
      %add3A_1184 = arith.addi %shift_left3A_764, %add3A_1183 : vector<16xi32>
      %gather3A_1185 = tpu.vector_load_idx %arg11[%add3A_752, %add3A_1184] : memref<256x128xf32, #tpu.memory_space<vmem>>[vector<16xi32>, vector<16xi32>], vector<16xf32>,
      %bitcast3A_1186 = vector.bitcast %gather3A_1185 : vector<16xf32> to vector<32xbf16>
      %unpack3A_1187 = tpu.unpack_subelements %bitcast3A_1186, 0 {pack_format = #tpu.pack_format<interleaved>} : vector<32xbf16> -> vector<16xf32>
      %unpack3A_1188 = tpu.unpack_subelements %bitcast3A_1186, 1 {pack_format = #tpu.pack_format<interleaved>} : vector<32xbf16> -> vector<16xf32>
      %eq3A_1189 = arith.constant 0 : i32
      %eq3A_1190 = vector.broadcast %eq3A_1189 : i32 to vector<16xi32>
      %eq3A_1191 = arith.cmpi eq, %and3A_774, %eq3A_1190 : vector<16xi32>
      %select_n3A_1192 = arith.select %eq3A_1191, %unpack3A_1187, %unpack3A_1188 : vector<16xi1>, vector<16xf32>
      %add3A_1193 = arith.constant 17 : i32
      %add3A_1194 = vector.broadcast %add3A_1193 : i32 to vector<16xi32>
      %add3A_1195 = arith.addi %shift_left3A_770, %add3A_1194 : vector<16xi32>
      %gather3A_1196 = tpu.vector_load_idx %arg12[%add3A_752, %add3A_1195] : memref<256x128xf32, #tpu.memory_space<vmem>>[vector<16xi32>, vector<16xi32>], vector<16xf32>,
      %bitcast3A_1197 = vector.bitcast %gather3A_1196 : vector<16xf32> to vector<32xbf16>
      %unpack3A_1198 = tpu.unpack_subelements %bitcast3A_1197, 0 {pack_format = #tpu.pack_format<interleaved>} : vector<32xbf16> -> vector<16xf32>
      %unpack3A_1199 = tpu.unpack_subelements %bitcast3A_1197, 1 {pack_format = #tpu.pack_format<interleaved>} : vector<32xbf16> -> vector<16xf32>
      %eq3A_1200 = arith.constant 0 : i32
      %eq3A_1201 = vector.broadcast %eq3A_1200 : i32 to vector<16xi32>
      %eq3A_1202 = arith.cmpi eq, %and3A_778, %eq3A_1201 : vector<16xi32>
      %select_n3A_1203 = arith.select %eq3A_1202, %unpack3A_1198, %unpack3A_1199 : vector<16xi1>, vector<16xf32>
      %mul3A_1204 = arith.mulf %select_n3A_1192, %select_n3A_1203 : vector<16xf32>
      %add3A_1205 = arith.addf %add3A_1181, %mul3A_1204 : vector<16xf32>
      %add3A_1206 = arith.constant 18 : i32
      %add3A_1207 = vector.broadcast %add3A_1206 : i32 to vector<16xi32>
      %add3A_1208 = arith.addi %shift_left3A_764, %add3A_1207 : vector<16xi32>
      %gather3A_1209 = tpu.vector_load_idx %arg11[%add3A_752, %add3A_1208] : memref<256x128xf32, #tpu.memory_space<vmem>>[vector<16xi32>, vector<16xi32>], vector<16xf32>,
      %bitcast3A_1210 = vector.bitcast %gather3A_1209 : vector<16xf32> to vector<32xbf16>
      %unpack3A_1211 = tpu.unpack_subelements %bitcast3A_1210, 0 {pack_format = #tpu.pack_format<interleaved>} : vector<32xbf16> -> vector<16xf32>
      %unpack3A_1212 = tpu.unpack_subelements %bitcast3A_1210, 1 {pack_format = #tpu.pack_format<interleaved>} : vector<32xbf16> -> vector<16xf32>
      %eq3A_1213 = arith.constant 0 : i32
      %eq3A_1214 = vector.broadcast %eq3A_1213 : i32 to vector<16xi32>
      %eq3A_1215 = arith.cmpi eq, %and3A_774, %eq3A_1214 : vector<16xi32>
      %select_n3A_1216 = arith.select %eq3A_1215, %unpack3A_1211, %unpack3A_1212 : vector<16xi1>, vector<16xf32>
      %add3A_1217 = arith.constant 18 : i32
      %add3A_1218 = vector.broadcast %add3A_1217 : i32 to vector<16xi32>
      %add3A_1219 = arith.addi %shift_left3A_770, %add3A_1218 : vector<16xi32>
      %gather3A_1220 = tpu.vector_load_idx %arg12[%add3A_752, %add3A_1219] : memref<256x128xf32, #tpu.memory_space<vmem>>[vector<16xi32>, vector<16xi32>], vector<16xf32>,
      %bitcast3A_1221 = vector.bitcast %gather3A_1220 : vector<16xf32> to vector<32xbf16>
      %unpack3A_1222 = tpu.unpack_subelements %bitcast3A_1221, 0 {pack_format = #tpu.pack_format<interleaved>} : vector<32xbf16> -> vector<16xf32>
      %unpack3A_1223 = tpu.unpack_subelements %bitcast3A_1221, 1 {pack_format = #tpu.pack_format<interleaved>} : vector<32xbf16> -> vector<16xf32>
      %eq3A_1224 = arith.constant 0 : i32
      %eq3A_1225 = vector.broadcast %eq3A_1224 : i32 to vector<16xi32>
      %eq3A_1226 = arith.cmpi eq, %and3A_778, %eq3A_1225 : vector<16xi32>
      %select_n3A_1227 = arith.select %eq3A_1226, %unpack3A_1222, %unpack3A_1223 : vector<16xi1>, vector<16xf32>
      %mul3A_1228 = arith.mulf %select_n3A_1216, %select_n3A_1227 : vector<16xf32>
      %add3A_1229 = arith.addf %add3A_1205, %mul3A_1228 : vector<16xf32>
      %add3A_1230 = arith.constant 19 : i32
      %add3A_1231 = vector.broadcast %add3A_1230 : i32 to vector<16xi32>
      %add3A_1232 = arith.addi %shift_left3A_764, %add3A_1231 : vector<16xi32>
      %gather3A_1233 = tpu.vector_load_idx %arg11[%add3A_752, %add3A_1232] : memref<256x128xf32, #tpu.memory_space<vmem>>[vector<16xi32>, vector<16xi32>], vector<16xf32>,
      %bitcast3A_1234 = vector.bitcast %gather3A_1233 : vector<16xf32> to vector<32xbf16>
      %unpack3A_1235 = tpu.unpack_subelements %bitcast3A_1234, 0 {pack_format = #tpu.pack_format<interleaved>} : vector<32xbf16> -> vector<16xf32>
      %unpack3A_1236 = tpu.unpack_subelements %bitcast3A_1234, 1 {pack_format = #tpu.pack_format<interleaved>} : vector<32xbf16> -> vector<16xf32>
      %eq3A_1237 = arith.constant 0 : i32
      %eq3A_1238 = vector.broadcast %eq3A_1237 : i32 to vector<16xi32>
      %eq3A_1239 = arith.cmpi eq, %and3A_774, %eq3A_1238 : vector<16xi32>
      %select_n3A_1240 = arith.select %eq3A_1239, %unpack3A_1235, %unpack3A_1236 : vector<16xi1>, vector<16xf32>
      %add3A_1241 = arith.constant 19 : i32
      %add3A_1242 = vector.broadcast %add3A_1241 : i32 to vector<16xi32>
      %add3A_1243 = arith.addi %shift_left3A_770, %add3A_1242 : vector<16xi32>
      %gather3A_1244 = tpu.vector_load_idx %arg12[%add3A_752, %add3A_1243] : memref<256x128xf32, #tpu.memory_space<vmem>>[vector<16xi32>, vector<16xi32>], vector<16xf32>,
      %bitcast3A_1245 = vector.bitcast %gather3A_1244 : vector<16xf32> to vector<32xbf16>
      %unpack3A_1246 = tpu.unpack_subelements %bitcast3A_1245, 0 {pack_format = #tpu.pack_format<interleaved>} : vector<32xbf16> -> vector<16xf32>
      %unpack3A_1247 = tpu.unpack_subelements %bitcast3A_1245, 1 {pack_format = #tpu.pack_format<interleaved>} : vector<32xbf16> -> vector<16xf32>
      %eq3A_1248 = arith.constant 0 : i32
      %eq3A_1249 = vector.broadcast %eq3A_1248 : i32 to vector<16xi32>
      %eq3A_1250 = arith.cmpi eq, %and3A_778, %eq3A_1249 : vector<16xi32>
      %select_n3A_1251 = arith.select %eq3A_1250, %unpack3A_1246, %unpack3A_1247 : vector<16xi1>, vector<16xf32>
      %mul3A_1252 = arith.mulf %select_n3A_1240, %select_n3A_1251 : vector<16xf32>
      %add3A_1253 = arith.addf %add3A_1229, %mul3A_1252 : vector<16xf32>
      %add3A_1254 = arith.constant 20 : i32
      %add3A_1255 = vector.broadcast %add3A_1254 : i32 to vector<16xi32>
      %add3A_1256 = arith.addi %shift_left3A_764, %add3A_1255 : vector<16xi32>
      %gather3A_1257 = tpu.vector_load_idx %arg11[%add3A_752, %add3A_1256] : memref<256x128xf32, #tpu.memory_space<vmem>>[vector<16xi32>, vector<16xi32>], vector<16xf32>,
      %bitcast3A_1258 = vector.bitcast %gather3A_1257 : vector<16xf32> to vector<32xbf16>
      %unpack3A_1259 = tpu.unpack_subelements %bitcast3A_1258, 0 {pack_format = #tpu.pack_format<interleaved>} : vector<32xbf16> -> vector<16xf32>
      %unpack3A_1260 = tpu.unpack_subelements %bitcast3A_1258, 1 {pack_format = #tpu.pack_format<interleaved>} : vector<32xbf16> -> vector<16xf32>
      %eq3A_1261 = arith.constant 0 : i32
      %eq3A_1262 = vector.broadcast %eq3A_1261 : i32 to vector<16xi32>
      %eq3A_1263 = arith.cmpi eq, %and3A_774, %eq3A_1262 : vector<16xi32>
      %select_n3A_1264 = arith.select %eq3A_1263, %unpack3A_1259, %unpack3A_1260 : vector<16xi1>, vector<16xf32>
      %add3A_1265 = arith.constant 20 : i32
      %add3A_1266 = vector.broadcast %add3A_1265 : i32 to vector<16xi32>
      %add3A_1267 = arith.addi %shift_left3A_770, %add3A_1266 : vector<16xi32>
      %gather3A_1268 = tpu.vector_load_idx %arg12[%add3A_752, %add3A_1267] : memref<256x128xf32, #tpu.memory_space<vmem>>[vector<16xi32>, vector<16xi32>], vector<16xf32>,
      %bitcast3A_1269 = vector.bitcast %gather3A_1268 : vector<16xf32> to vector<32xbf16>
      %unpack3A_1270 = tpu.unpack_subelements %bitcast3A_1269, 0 {pack_format = #tpu.pack_format<interleaved>} : vector<32xbf16> -> vector<16xf32>
      %unpack3A_1271 = tpu.unpack_subelements %bitcast3A_1269, 1 {pack_format = #tpu.pack_format<interleaved>} : vector<32xbf16> -> vector<16xf32>
      %eq3A_1272 = arith.constant 0 : i32
      %eq3A_1273 = vector.broadcast %eq3A_1272 : i32 to vector<16xi32>
      %eq3A_1274 = arith.cmpi eq, %and3A_778, %eq3A_1273 : vector<16xi32>
      %select_n3A_1275 = arith.select %eq3A_1274, %unpack3A_1270, %unpack3A_1271 : vector<16xi1>, vector<16xf32>
      %mul3A_1276 = arith.mulf %select_n3A_1264, %select_n3A_1275 : vector<16xf32>
      %add3A_1277 = arith.addf %add3A_1253, %mul3A_1276 : vector<16xf32>
      %add3A_1278 = arith.constant 21 : i32
      %add3A_1279 = vector.broadcast %add3A_1278 : i32 to vector<16xi32>
      %add3A_1280 = arith.addi %shift_left3A_764, %add3A_1279 : vector<16xi32>
      %gather3A_1281 = tpu.vector_load_idx %arg11[%add3A_752, %add3A_1280] : memref<256x128xf32, #tpu.memory_space<vmem>>[vector<16xi32>, vector<16xi32>], vector<16xf32>,
      %bitcast3A_1282 = vector.bitcast %gather3A_1281 : vector<16xf32> to vector<32xbf16>
      %unpack3A_1283 = tpu.unpack_subelements %bitcast3A_1282, 0 {pack_format = #tpu.pack_format<interleaved>} : vector<32xbf16> -> vector<16xf32>
      %unpack3A_1284 = tpu.unpack_subelements %bitcast3A_1282, 1 {pack_format = #tpu.pack_format<interleaved>} : vector<32xbf16> -> vector<16xf32>
      %eq3A_1285 = arith.constant 0 : i32
      %eq3A_1286 = vector.broadcast %eq3A_1285 : i32 to vector<16xi32>
      %eq3A_1287 = arith.cmpi eq, %and3A_774, %eq3A_1286 : vector<16xi32>
      %select_n3A_1288 = arith.select %eq3A_1287, %unpack3A_1283, %unpack3A_1284 : vector<16xi1>, vector<16xf32>
      %add3A_1289 = arith.constant 21 : i32
      %add3A_1290 = vector.broadcast %add3A_1289 : i32 to vector<16xi32>
      %add3A_1291 = arith.addi %shift_left3A_770, %add3A_1290 : vector<16xi32>
      %gather3A_1292 = tpu.vector_load_idx %arg12[%add3A_752, %add3A_1291] : memref<256x128xf32, #tpu.memory_space<vmem>>[vector<16xi32>, vector<16xi32>], vector<16xf32>,
      %bitcast3A_1293 = vector.bitcast %gather3A_1292 : vector<16xf32> to vector<32xbf16>
      %unpack3A_1294 = tpu.unpack_subelements %bitcast3A_1293, 0 {pack_format = #tpu.pack_format<interleaved>} : vector<32xbf16> -> vector<16xf32>
      %unpack3A_1295 = tpu.unpack_subelements %bitcast3A_1293, 1 {pack_format = #tpu.pack_format<interleaved>} : vector<32xbf16> -> vector<16xf32>
      %eq3A_1296 = arith.constant 0 : i32
      %eq3A_1297 = vector.broadcast %eq3A_1296 : i32 to vector<16xi32>
      %eq3A_1298 = arith.cmpi eq, %and3A_778, %eq3A_1297 : vector<16xi32>
      %select_n3A_1299 = arith.select %eq3A_1298, %unpack3A_1294, %unpack3A_1295 : vector<16xi1>, vector<16xf32>
      %mul3A_1300 = arith.mulf %select_n3A_1288, %select_n3A_1299 : vector<16xf32>
      %add3A_1301 = arith.addf %add3A_1277, %mul3A_1300 : vector<16xf32>
      %add3A_1302 = arith.constant 22 : i32
      %add3A_1303 = vector.broadcast %add3A_1302 : i32 to vector<16xi32>
      %add3A_1304 = arith.addi %shift_left3A_764, %add3A_1303 : vector<16xi32>
      %gather3A_1305 = tpu.vector_load_idx %arg11[%add3A_752, %add3A_1304] : memref<256x128xf32, #tpu.memory_space<vmem>>[vector<16xi32>, vector<16xi32>], vector<16xf32>,
      %bitcast3A_1306 = vector.bitcast %gather3A_1305 : vector<16xf32> to vector<32xbf16>
      %unpack3A_1307 = tpu.unpack_subelements %bitcast3A_1306, 0 {pack_format = #tpu.pack_format<interleaved>} : vector<32xbf16> -> vector<16xf32>
      %unpack3A_1308 = tpu.unpack_subelements %bitcast3A_1306, 1 {pack_format = #tpu.pack_format<interleaved>} : vector<32xbf16> -> vector<16xf32>
      %eq3A_1309 = arith.constant 0 : i32
      %eq3A_1310 = vector.broadcast %eq3A_1309 : i32 to vector<16xi32>
      %eq3A_1311 = arith.cmpi eq, %and3A_774, %eq3A_1310 : vector<16xi32>
      %select_n3A_1312 = arith.select %eq3A_1311, %unpack3A_1307, %unpack3A_1308 : vector<16xi1>, vector<16xf32>
      %add3A_1313 = arith.constant 22 : i32
      %add3A_1314 = vector.broadcast %add3A_1313 : i32 to vector<16xi32>
      %add3A_1315 = arith.addi %shift_left3A_770, %add3A_1314 : vector<16xi32>
      %gather3A_1316 = tpu.vector_load_idx %arg12[%add3A_752, %add3A_1315] : memref<256x128xf32, #tpu.memory_space<vmem>>[vector<16xi32>, vector<16xi32>], vector<16xf32>,
      %bitcast3A_1317 = vector.bitcast %gather3A_1316 : vector<16xf32> to vector<32xbf16>
      %unpack3A_1318 = tpu.unpack_subelements %bitcast3A_1317, 0 {pack_format = #tpu.pack_format<interleaved>} : vector<32xbf16> -> vector<16xf32>
      %unpack3A_1319 = tpu.unpack_subelements %bitcast3A_1317, 1 {pack_format = #tpu.pack_format<interleaved>} : vector<32xbf16> -> vector<16xf32>
      %eq3A_1320 = arith.constant 0 : i32
      %eq3A_1321 = vector.broadcast %eq3A_1320 : i32 to vector<16xi32>
      %eq3A_1322 = arith.cmpi eq, %and3A_778, %eq3A_1321 : vector<16xi32>
      %select_n3A_1323 = arith.select %eq3A_1322, %unpack3A_1318, %unpack3A_1319 : vector<16xi1>, vector<16xf32>
      %mul3A_1324 = arith.mulf %select_n3A_1312, %select_n3A_1323 : vector<16xf32>
      %add3A_1325 = arith.addf %add3A_1301, %mul3A_1324 : vector<16xf32>
      %add3A_1326 = arith.constant 23 : i32
      %add3A_1327 = vector.broadcast %add3A_1326 : i32 to vector<16xi32>
      %add3A_1328 = arith.addi %shift_left3A_764, %add3A_1327 : vector<16xi32>
      %gather3A_1329 = tpu.vector_load_idx %arg11[%add3A_752, %add3A_1328] : memref<256x128xf32, #tpu.memory_space<vmem>>[vector<16xi32>, vector<16xi32>], vector<16xf32>,
      %bitcast3A_1330 = vector.bitcast %gather3A_1329 : vector<16xf32> to vector<32xbf16>
      %unpack3A_1331 = tpu.unpack_subelements %bitcast3A_1330, 0 {pack_format = #tpu.pack_format<interleaved>} : vector<32xbf16> -> vector<16xf32>
      %unpack3A_1332 = tpu.unpack_subelements %bitcast3A_1330, 1 {pack_format = #tpu.pack_format<interleaved>} : vector<32xbf16> -> vector<16xf32>
      %eq3A_1333 = arith.constant 0 : i32
      %eq3A_1334 = vector.broadcast %eq3A_1333 : i32 to vector<16xi32>
      %eq3A_1335 = arith.cmpi eq, %and3A_774, %eq3A_1334 : vector<16xi32>
      %select_n3A_1336 = arith.select %eq3A_1335, %unpack3A_1331, %unpack3A_1332 : vector<16xi1>, vector<16xf32>
      %add3A_1337 = arith.constant 23 : i32
      %add3A_1338 = vector.broadcast %add3A_1337 : i32 to vector<16xi32>
      %add3A_1339 = arith.addi %shift_left3A_770, %add3A_1338 : vector<16xi32>
      %gather3A_1340 = tpu.vector_load_idx %arg12[%add3A_752, %add3A_1339] : memref<256x128xf32, #tpu.memory_space<vmem>>[vector<16xi32>, vector<16xi32>], vector<16xf32>,
      %bitcast3A_1341 = vector.bitcast %gather3A_1340 : vector<16xf32> to vector<32xbf16>
      %unpack3A_1342 = tpu.unpack_subelements %bitcast3A_1341, 0 {pack_format = #tpu.pack_format<interleaved>} : vector<32xbf16> -> vector<16xf32>
      %unpack3A_1343 = tpu.unpack_subelements %bitcast3A_1341, 1 {pack_format = #tpu.pack_format<interleaved>} : vector<32xbf16> -> vector<16xf32>
      %eq3A_1344 = arith.constant 0 : i32
      %eq3A_1345 = vector.broadcast %eq3A_1344 : i32 to vector<16xi32>
      %eq3A_1346 = arith.cmpi eq, %and3A_778, %eq3A_1345 : vector<16xi32>
      %select_n3A_1347 = arith.select %eq3A_1346, %unpack3A_1342, %unpack3A_1343 : vector<16xi1>, vector<16xf32>
      %mul3A_1348 = arith.mulf %select_n3A_1336, %select_n3A_1347 : vector<16xf32>
      %add3A_1349 = arith.addf %add3A_1325, %mul3A_1348 : vector<16xf32>
      %add3A_1350 = arith.constant 24 : i32
      %add3A_1351 = vector.broadcast %add3A_1350 : i32 to vector<16xi32>
      %add3A_1352 = arith.addi %shift_left3A_764, %add3A_1351 : vector<16xi32>
      %gather3A_1353 = tpu.vector_load_idx %arg11[%add3A_752, %add3A_1352] : memref<256x128xf32, #tpu.memory_space<vmem>>[vector<16xi32>, vector<16xi32>], vector<16xf32>,
      %bitcast3A_1354 = vector.bitcast %gather3A_1353 : vector<16xf32> to vector<32xbf16>
      %unpack3A_1355 = tpu.unpack_subelements %bitcast3A_1354, 0 {pack_format = #tpu.pack_format<interleaved>} : vector<32xbf16> -> vector<16xf32>
      %unpack3A_1356 = tpu.unpack_subelements %bitcast3A_1354, 1 {pack_format = #tpu.pack_format<interleaved>} : vector<32xbf16> -> vector<16xf32>
      %eq3A_1357 = arith.constant 0 : i32
      %eq3A_1358 = vector.broadcast %eq3A_1357 : i32 to vector<16xi32>
      %eq3A_1359 = arith.cmpi eq, %and3A_774, %eq3A_1358 : vector<16xi32>
      %select_n3A_1360 = arith.select %eq3A_1359, %unpack3A_1355, %unpack3A_1356 : vector<16xi1>, vector<16xf32>
      %add3A_1361 = arith.constant 24 : i32
      %add3A_1362 = vector.broadcast %add3A_1361 : i32 to vector<16xi32>
      %add3A_1363 = arith.addi %shift_left3A_770, %add3A_1362 : vector<16xi32>
      %gather3A_1364 = tpu.vector_load_idx %arg12[%add3A_752, %add3A_1363] : memref<256x128xf32, #tpu.memory_space<vmem>>[vector<16xi32>, vector<16xi32>], vector<16xf32>,
      %bitcast3A_1365 = vector.bitcast %gather3A_1364 : vector<16xf32> to vector<32xbf16>
      %unpack3A_1366 = tpu.unpack_subelements %bitcast3A_1365, 0 {pack_format = #tpu.pack_format<interleaved>} : vector<32xbf16> -> vector<16xf32>
      %unpack3A_1367 = tpu.unpack_subelements %bitcast3A_1365, 1 {pack_format = #tpu.pack_format<interleaved>} : vector<32xbf16> -> vector<16xf32>
      %eq3A_1368 = arith.constant 0 : i32
      %eq3A_1369 = vector.broadcast %eq3A_1368 : i32 to vector<16xi32>
      %eq3A_1370 = arith.cmpi eq, %and3A_778, %eq3A_1369 : vector<16xi32>
      %select_n3A_1371 = arith.select %eq3A_1370, %unpack3A_1366, %unpack3A_1367 : vector<16xi1>, vector<16xf32>
      %mul3A_1372 = arith.mulf %select_n3A_1360, %select_n3A_1371 : vector<16xf32>
      %add3A_1373 = arith.addf %add3A_1349, %mul3A_1372 : vector<16xf32>
      %add3A_1374 = arith.constant 25 : i32
      %add3A_1375 = vector.broadcast %add3A_1374 : i32 to vector<16xi32>
      %add3A_1376 = arith.addi %shift_left3A_764, %add3A_1375 : vector<16xi32>
      %gather3A_1377 = tpu.vector_load_idx %arg11[%add3A_752, %add3A_1376] : memref<256x128xf32, #tpu.memory_space<vmem>>[vector<16xi32>, vector<16xi32>], vector<16xf32>,
      %bitcast3A_1378 = vector.bitcast %gather3A_1377 : vector<16xf32> to vector<32xbf16>
      %unpack3A_1379 = tpu.unpack_subelements %bitcast3A_1378, 0 {pack_format = #tpu.pack_format<interleaved>} : vector<32xbf16> -> vector<16xf32>
      %unpack3A_1380 = tpu.unpack_subelements %bitcast3A_1378, 1 {pack_format = #tpu.pack_format<interleaved>} : vector<32xbf16> -> vector<16xf32>
      %eq3A_1381 = arith.constant 0 : i32
      %eq3A_1382 = vector.broadcast %eq3A_1381 : i32 to vector<16xi32>
      %eq3A_1383 = arith.cmpi eq, %and3A_774, %eq3A_1382 : vector<16xi32>
      %select_n3A_1384 = arith.select %eq3A_1383, %unpack3A_1379, %unpack3A_1380 : vector<16xi1>, vector<16xf32>
      %add3A_1385 = arith.constant 25 : i32
      %add3A_1386 = vector.broadcast %add3A_1385 : i32 to vector<16xi32>
      %add3A_1387 = arith.addi %shift_left3A_770, %add3A_1386 : vector<16xi32>
      %gather3A_1388 = tpu.vector_load_idx %arg12[%add3A_752, %add3A_1387] : memref<256x128xf32, #tpu.memory_space<vmem>>[vector<16xi32>, vector<16xi32>], vector<16xf32>,
      %bitcast3A_1389 = vector.bitcast %gather3A_1388 : vector<16xf32> to vector<32xbf16>
      %unpack3A_1390 = tpu.unpack_subelements %bitcast3A_1389, 0 {pack_format = #tpu.pack_format<interleaved>} : vector<32xbf16> -> vector<16xf32>
      %unpack3A_1391 = tpu.unpack_subelements %bitcast3A_1389, 1 {pack_format = #tpu.pack_format<interleaved>} : vector<32xbf16> -> vector<16xf32>
      %eq3A_1392 = arith.constant 0 : i32
      %eq3A_1393 = vector.broadcast %eq3A_1392 : i32 to vector<16xi32>
      %eq3A_1394 = arith.cmpi eq, %and3A_778, %eq3A_1393 : vector<16xi32>
      %select_n3A_1395 = arith.select %eq3A_1394, %unpack3A_1390, %unpack3A_1391 : vector<16xi1>, vector<16xf32>
      %mul3A_1396 = arith.mulf %select_n3A_1384, %select_n3A_1395 : vector<16xf32>
      %add3A_1397 = arith.addf %add3A_1373, %mul3A_1396 : vector<16xf32>
      %add3A_1398 = arith.constant 26 : i32
      %add3A_1399 = vector.broadcast %add3A_1398 : i32 to vector<16xi32>
      %add3A_1400 = arith.addi %shift_left3A_764, %add3A_1399 : vector<16xi32>
      %gather3A_1401 = tpu.vector_load_idx %arg11[%add3A_752, %add3A_1400] : memref<256x128xf32, #tpu.memory_space<vmem>>[vector<16xi32>, vector<16xi32>], vector<16xf32>,
      %bitcast3A_1402 = vector.bitcast %gather3A_1401 : vector<16xf32> to vector<32xbf16>
      %unpack3A_1403 = tpu.unpack_subelements %bitcast3A_1402, 0 {pack_format = #tpu.pack_format<interleaved>} : vector<32xbf16> -> vector<16xf32>
      %unpack3A_1404 = tpu.unpack_subelements %bitcast3A_1402, 1 {pack_format = #tpu.pack_format<interleaved>} : vector<32xbf16> -> vector<16xf32>
      %eq3A_1405 = arith.constant 0 : i32
      %eq3A_1406 = vector.broadcast %eq3A_1405 : i32 to vector<16xi32>
      %eq3A_1407 = arith.cmpi eq, %and3A_774, %eq3A_1406 : vector<16xi32>
      %select_n3A_1408 = arith.select %eq3A_1407, %unpack3A_1403, %unpack3A_1404 : vector<16xi1>, vector<16xf32>
      %add3A_1409 = arith.constant 26 : i32
      %add3A_1410 = vector.broadcast %add3A_1409 : i32 to vector<16xi32>
      %add3A_1411 = arith.addi %shift_left3A_770, %add3A_1410 : vector<16xi32>
      %gather3A_1412 = tpu.vector_load_idx %arg12[%add3A_752, %add3A_1411] : memref<256x128xf32, #tpu.memory_space<vmem>>[vector<16xi32>, vector<16xi32>], vector<16xf32>,
      %bitcast3A_1413 = vector.bitcast %gather3A_1412 : vector<16xf32> to vector<32xbf16>
      %unpack3A_1414 = tpu.unpack_subelements %bitcast3A_1413, 0 {pack_format = #tpu.pack_format<interleaved>} : vector<32xbf16> -> vector<16xf32>
      %unpack3A_1415 = tpu.unpack_subelements %bitcast3A_1413, 1 {pack_format = #tpu.pack_format<interleaved>} : vector<32xbf16> -> vector<16xf32>
      %eq3A_1416 = arith.constant 0 : i32
      %eq3A_1417 = vector.broadcast %eq3A_1416 : i32 to vector<16xi32>
      %eq3A_1418 = arith.cmpi eq, %and3A_778, %eq3A_1417 : vector<16xi32>
      %select_n3A_1419 = arith.select %eq3A_1418, %unpack3A_1414, %unpack3A_1415 : vector<16xi1>, vector<16xf32>
      %mul3A_1420 = arith.mulf %select_n3A_1408, %select_n3A_1419 : vector<16xf32>
      %add3A_1421 = arith.addf %add3A_1397, %mul3A_1420 : vector<16xf32>
      %add3A_1422 = arith.constant 27 : i32
      %add3A_1423 = vector.broadcast %add3A_1422 : i32 to vector<16xi32>
      %add3A_1424 = arith.addi %shift_left3A_764, %add3A_1423 : vector<16xi32>
      %gather3A_1425 = tpu.vector_load_idx %arg11[%add3A_752, %add3A_1424] : memref<256x128xf32, #tpu.memory_space<vmem>>[vector<16xi32>, vector<16xi32>], vector<16xf32>,
      %bitcast3A_1426 = vector.bitcast %gather3A_1425 : vector<16xf32> to vector<32xbf16>
      %unpack3A_1427 = tpu.unpack_subelements %bitcast3A_1426, 0 {pack_format = #tpu.pack_format<interleaved>} : vector<32xbf16> -> vector<16xf32>
      %unpack3A_1428 = tpu.unpack_subelements %bitcast3A_1426, 1 {pack_format = #tpu.pack_format<interleaved>} : vector<32xbf16> -> vector<16xf32>
      %eq3A_1429 = arith.constant 0 : i32
      %eq3A_1430 = vector.broadcast %eq3A_1429 : i32 to vector<16xi32>
      %eq3A_1431 = arith.cmpi eq, %and3A_774, %eq3A_1430 : vector<16xi32>
      %select_n3A_1432 = arith.select %eq3A_1431, %unpack3A_1427, %unpack3A_1428 : vector<16xi1>, vector<16xf32>
      %add3A_1433 = arith.constant 27 : i32
      %add3A_1434 = vector.broadcast %add3A_1433 : i32 to vector<16xi32>
      %add3A_1435 = arith.addi %shift_left3A_770, %add3A_1434 : vector<16xi32>
      %gather3A_1436 = tpu.vector_load_idx %arg12[%add3A_752, %add3A_1435] : memref<256x128xf32, #tpu.memory_space<vmem>>[vector<16xi32>, vector<16xi32>], vector<16xf32>,
      %bitcast3A_1437 = vector.bitcast %gather3A_1436 : vector<16xf32> to vector<32xbf16>
      %unpack3A_1438 = tpu.unpack_subelements %bitcast3A_1437, 0 {pack_format = #tpu.pack_format<interleaved>} : vector<32xbf16> -> vector<16xf32>
      %unpack3A_1439 = tpu.unpack_subelements %bitcast3A_1437, 1 {pack_format = #tpu.pack_format<interleaved>} : vector<32xbf16> -> vector<16xf32>
      %eq3A_1440 = arith.constant 0 : i32
      %eq3A_1441 = vector.broadcast %eq3A_1440 : i32 to vector<16xi32>
      %eq3A_1442 = arith.cmpi eq, %and3A_778, %eq3A_1441 : vector<16xi32>
      %select_n3A_1443 = arith.select %eq3A_1442, %unpack3A_1438, %unpack3A_1439 : vector<16xi1>, vector<16xf32>
      %mul3A_1444 = arith.mulf %select_n3A_1432, %select_n3A_1443 : vector<16xf32>
      %add3A_1445 = arith.addf %add3A_1421, %mul3A_1444 : vector<16xf32>
      %add3A_1446 = arith.constant 28 : i32
      %add3A_1447 = vector.broadcast %add3A_1446 : i32 to vector<16xi32>
      %add3A_1448 = arith.addi %shift_left3A_764, %add3A_1447 : vector<16xi32>
      %gather3A_1449 = tpu.vector_load_idx %arg11[%add3A_752, %add3A_1448] : memref<256x128xf32, #tpu.memory_space<vmem>>[vector<16xi32>, vector<16xi32>], vector<16xf32>,
      %bitcast3A_1450 = vector.bitcast %gather3A_1449 : vector<16xf32> to vector<32xbf16>
      %unpack3A_1451 = tpu.unpack_subelements %bitcast3A_1450, 0 {pack_format = #tpu.pack_format<interleaved>} : vector<32xbf16> -> vector<16xf32>
      %unpack3A_1452 = tpu.unpack_subelements %bitcast3A_1450, 1 {pack_format = #tpu.pack_format<interleaved>} : vector<32xbf16> -> vector<16xf32>
      %eq3A_1453 = arith.constant 0 : i32
      %eq3A_1454 = vector.broadcast %eq3A_1453 : i32 to vector<16xi32>
      %eq3A_1455 = arith.cmpi eq, %and3A_774, %eq3A_1454 : vector<16xi32>
      %select_n3A_1456 = arith.select %eq3A_1455, %unpack3A_1451, %unpack3A_1452 : vector<16xi1>, vector<16xf32>
      %add3A_1457 = arith.constant 28 : i32
      %add3A_1458 = vector.broadcast %add3A_1457 : i32 to vector<16xi32>
      %add3A_1459 = arith.addi %shift_left3A_770, %add3A_1458 : vector<16xi32>
      %gather3A_1460 = tpu.vector_load_idx %arg12[%add3A_752, %add3A_1459] : memref<256x128xf32, #tpu.memory_space<vmem>>[vector<16xi32>, vector<16xi32>], vector<16xf32>,
      %bitcast3A_1461 = vector.bitcast %gather3A_1460 : vector<16xf32> to vector<32xbf16>
      %unpack3A_1462 = tpu.unpack_subelements %bitcast3A_1461, 0 {pack_format = #tpu.pack_format<interleaved>} : vector<32xbf16> -> vector<16xf32>
      %unpack3A_1463 = tpu.unpack_subelements %bitcast3A_1461, 1 {pack_format = #tpu.pack_format<interleaved>} : vector<32xbf16> -> vector<16xf32>
      %eq3A_1464 = arith.constant 0 : i32
      %eq3A_1465 = vector.broadcast %eq3A_1464 : i32 to vector<16xi32>
      %eq3A_1466 = arith.cmpi eq, %and3A_778, %eq3A_1465 : vector<16xi32>
      %select_n3A_1467 = arith.select %eq3A_1466, %unpack3A_1462, %unpack3A_1463 : vector<16xi1>, vector<16xf32>
      %mul3A_1468 = arith.mulf %select_n3A_1456, %select_n3A_1467 : vector<16xf32>
      %add3A_1469 = arith.addf %add3A_1445, %mul3A_1468 : vector<16xf32>
      %add3A_1470 = arith.constant 29 : i32
      %add3A_1471 = vector.broadcast %add3A_1470 : i32 to vector<16xi32>
      %add3A_1472 = arith.addi %shift_left3A_764, %add3A_1471 : vector<16xi32>
      %gather3A_1473 = tpu.vector_load_idx %arg11[%add3A_752, %add3A_1472] : memref<256x128xf32, #tpu.memory_space<vmem>>[vector<16xi32>, vector<16xi32>], vector<16xf32>,
      %bitcast3A_1474 = vector.bitcast %gather3A_1473 : vector<16xf32> to vector<32xbf16>
      %unpack3A_1475 = tpu.unpack_subelements %bitcast3A_1474, 0 {pack_format = #tpu.pack_format<interleaved>} : vector<32xbf16> -> vector<16xf32>
      %unpack3A_1476 = tpu.unpack_subelements %bitcast3A_1474, 1 {pack_format = #tpu.pack_format<interleaved>} : vector<32xbf16> -> vector<16xf32>
      %eq3A_1477 = arith.constant 0 : i32
      %eq3A_1478 = vector.broadcast %eq3A_1477 : i32 to vector<16xi32>
      %eq3A_1479 = arith.cmpi eq, %and3A_774, %eq3A_1478 : vector<16xi32>
      %select_n3A_1480 = arith.select %eq3A_1479, %unpack3A_1475, %unpack3A_1476 : vector<16xi1>, vector<16xf32>
      %add3A_1481 = arith.constant 29 : i32
      %add3A_1482 = vector.broadcast %add3A_1481 : i32 to vector<16xi32>
      %add3A_1483 = arith.addi %shift_left3A_770, %add3A_1482 : vector<16xi32>
      %gather3A_1484 = tpu.vector_load_idx %arg12[%add3A_752, %add3A_1483] : memref<256x128xf32, #tpu.memory_space<vmem>>[vector<16xi32>, vector<16xi32>], vector<16xf32>,
      %bitcast3A_1485 = vector.bitcast %gather3A_1484 : vector<16xf32> to vector<32xbf16>
      %unpack3A_1486 = tpu.unpack_subelements %bitcast3A_1485, 0 {pack_format = #tpu.pack_format<interleaved>} : vector<32xbf16> -> vector<16xf32>
      %unpack3A_1487 = tpu.unpack_subelements %bitcast3A_1485, 1 {pack_format = #tpu.pack_format<interleaved>} : vector<32xbf16> -> vector<16xf32>
      %eq3A_1488 = arith.constant 0 : i32
      %eq3A_1489 = vector.broadcast %eq3A_1488 : i32 to vector<16xi32>
      %eq3A_1490 = arith.cmpi eq, %and3A_778, %eq3A_1489 : vector<16xi32>
      %select_n3A_1491 = arith.select %eq3A_1490, %unpack3A_1486, %unpack3A_1487 : vector<16xi1>, vector<16xf32>
      %mul3A_1492 = arith.mulf %select_n3A_1480, %select_n3A_1491 : vector<16xf32>
      %add3A_1493 = arith.addf %add3A_1469, %mul3A_1492 : vector<16xf32>
      %add3A_1494 = arith.constant 30 : i32
      %add3A_1495 = vector.broadcast %add3A_1494 : i32 to vector<16xi32>
      %add3A_1496 = arith.addi %shift_left3A_764, %add3A_1495 : vector<16xi32>
      %gather3A_1497 = tpu.vector_load_idx %arg11[%add3A_752, %add3A_1496] : memref<256x128xf32, #tpu.memory_space<vmem>>[vector<16xi32>, vector<16xi32>], vector<16xf32>,
      %bitcast3A_1498 = vector.bitcast %gather3A_1497 : vector<16xf32> to vector<32xbf16>
      %unpack3A_1499 = tpu.unpack_subelements %bitcast3A_1498, 0 {pack_format = #tpu.pack_format<interleaved>} : vector<32xbf16> -> vector<16xf32>
      %unpack3A_1500 = tpu.unpack_subelements %bitcast3A_1498, 1 {pack_format = #tpu.pack_format<interleaved>} : vector<32xbf16> -> vector<16xf32>
      %eq3A_1501 = arith.constant 0 : i32
      %eq3A_1502 = vector.broadcast %eq3A_1501 : i32 to vector<16xi32>
      %eq3A_1503 = arith.cmpi eq, %and3A_774, %eq3A_1502 : vector<16xi32>
      %select_n3A_1504 = arith.select %eq3A_1503, %unpack3A_1499, %unpack3A_1500 : vector<16xi1>, vector<16xf32>
      %add3A_1505 = arith.constant 30 : i32
      %add3A_1506 = vector.broadcast %add3A_1505 : i32 to vector<16xi32>
      %add3A_1507 = arith.addi %shift_left3A_770, %add3A_1506 : vector<16xi32>
      %gather3A_1508 = tpu.vector_load_idx %arg12[%add3A_752, %add3A_1507] : memref<256x128xf32, #tpu.memory_space<vmem>>[vector<16xi32>, vector<16xi32>], vector<16xf32>,
      %bitcast3A_1509 = vector.bitcast %gather3A_1508 : vector<16xf32> to vector<32xbf16>
      %unpack3A_1510 = tpu.unpack_subelements %bitcast3A_1509, 0 {pack_format = #tpu.pack_format<interleaved>} : vector<32xbf16> -> vector<16xf32>
      %unpack3A_1511 = tpu.unpack_subelements %bitcast3A_1509, 1 {pack_format = #tpu.pack_format<interleaved>} : vector<32xbf16> -> vector<16xf32>
      %eq3A_1512 = arith.constant 0 : i32
      %eq3A_1513 = vector.broadcast %eq3A_1512 : i32 to vector<16xi32>
      %eq3A_1514 = arith.cmpi eq, %and3A_778, %eq3A_1513 : vector<16xi32>
      %select_n3A_1515 = arith.select %eq3A_1514, %unpack3A_1510, %unpack3A_1511 : vector<16xi1>, vector<16xf32>
      %mul3A_1516 = arith.mulf %select_n3A_1504, %select_n3A_1515 : vector<16xf32>
      %add3A_1517 = arith.addf %add3A_1493, %mul3A_1516 : vector<16xf32>
      %add3A_1518 = arith.constant 31 : i32
      %add3A_1519 = vector.broadcast %add3A_1518 : i32 to vector<16xi32>
      %add3A_1520 = arith.addi %shift_left3A_764, %add3A_1519 : vector<16xi32>
      %gather3A_1521 = tpu.vector_load_idx %arg11[%add3A_752, %add3A_1520] : memref<256x128xf32, #tpu.memory_space<vmem>>[vector<16xi32>, vector<16xi32>], vector<16xf32>,
      %bitcast3A_1522 = vector.bitcast %gather3A_1521 : vector<16xf32> to vector<32xbf16>
      %unpack3A_1523 = tpu.unpack_subelements %bitcast3A_1522, 0 {pack_format = #tpu.pack_format<interleaved>} : vector<32xbf16> -> vector<16xf32>
      %unpack3A_1524 = tpu.unpack_subelements %bitcast3A_1522, 1 {pack_format = #tpu.pack_format<interleaved>} : vector<32xbf16> -> vector<16xf32>
      %eq3A_1525 = arith.constant 0 : i32
      %eq3A_1526 = vector.broadcast %eq3A_1525 : i32 to vector<16xi32>
      %eq3A_1527 = arith.cmpi eq, %and3A_774, %eq3A_1526 : vector<16xi32>
      %select_n3A_1528 = arith.select %eq3A_1527, %unpack3A_1523, %unpack3A_1524 : vector<16xi1>, vector<16xf32>
      %add3A_1529 = arith.constant 31 : i32
      %add3A_1530 = vector.broadcast %add3A_1529 : i32 to vector<16xi32>
      %add3A_1531 = arith.addi %shift_left3A_770, %add3A_1530 : vector<16xi32>
      %gather3A_1532 = tpu.vector_load_idx %arg12[%add3A_752, %add3A_1531] : memref<256x128xf32, #tpu.memory_space<vmem>>[vector<16xi32>, vector<16xi32>], vector<16xf32>,
      %bitcast3A_1533 = vector.bitcast %gather3A_1532 : vector<16xf32> to vector<32xbf16>
      %unpack3A_1534 = tpu.unpack_subelements %bitcast3A_1533, 0 {pack_format = #tpu.pack_format<interleaved>} : vector<32xbf16> -> vector<16xf32>
      %unpack3A_1535 = tpu.unpack_subelements %bitcast3A_1533, 1 {pack_format = #tpu.pack_format<interleaved>} : vector<32xbf16> -> vector<16xf32>
      %eq3A_1536 = arith.constant 0 : i32
      %eq3A_1537 = vector.broadcast %eq3A_1536 : i32 to vector<16xi32>
      %eq3A_1538 = arith.cmpi eq, %and3A_778, %eq3A_1537 : vector<16xi32>
      %select_n3A_1539 = arith.select %eq3A_1538, %unpack3A_1534, %unpack3A_1535 : vector<16xi1>, vector<16xf32>
      %mul3A_1540 = arith.mulf %select_n3A_1528, %select_n3A_1539 : vector<16xf32>
      %add3A_1541 = arith.addf %add3A_1517, %mul3A_1540 : vector<16xf32>
      %mul3A_1542 = arith.constant 16 : i32
      %mul3A_1543 = arith.muli %scan3A_748, %mul3A_1542 : i32
      %add3A_1544 = arith.constant 256 : i32
      %add3A_1545 = arith.addi %add3A_1544, %mul3A_1543 : i32
      %swap3A_1546 = arith.index_cast %add3A_1545 : i32 to index
      %swap3A_1547 = tpu.vector_load %arg13[%swap3A_1546] {strides = array<i32>} : memref<512xf32, #tpu.memory_space<vmem>>, vector<16xf32>,
      tpu.vector_store %arg13[%swap3A_1546], %add3A_1541 {strides = array<i32>} : memref<512xf32, #tpu.memory_space<vmem>>, vector<16xf32>,
      %scan3A_1548 = arith.constant 1 : i32
      %scan3A_1549 = arith.addi %scan3A_748, %scan3A_1548 : i32
      %mul3A_1550 = arith.constant 16 : i32
      %mul3A_1551 = arith.muli %scan3A_1549, %mul3A_1550 : i32
      %add3A_1552 = vector.broadcast %mul3A_1551 : i32 to vector<16xi32>
      %add3A_1553 = arith.addi %add3A_1552, %iota3A : vector<16xi32>
      %mul3A_1554 = arith.constant 16 : i32
      %mul3A_1555 = arith.muli %scan3A_1549, %mul3A_1554 : i32
      %add3A_1556 = arith.constant 256 : i32
      %add3A_1557 = arith.addi %add3A_1556, %mul3A_1555 : i32
      %get3A_1558 = arith.index_cast %add3A_1557 : i32 to index
      %get3A_1559 = tpu.vector_load %arg8[%get3A_1558] {strides = array<i32>} : memref<512xi32, #tpu.memory_space<vmem>>, vector<16xi32>,
      %get3A_1560 = arith.index_cast %add3A_1557 : i32 to index
      %get3A_1561 = tpu.vector_load %arg9[%get3A_1560] {strides = array<i32>} : memref<512xi32, #tpu.memory_space<vmem>>, vector<16xi32>,
      %shift_right_logical3A_1562 = arith.constant 18 : i32
      %shift_right_logical3A_1563 = vector.broadcast %shift_right_logical3A_1562 : i32 to vector<16xi32>
      %shift_right_logical3A_1564 = arith.shrui %get3A_1559, %shift_right_logical3A_1563 : vector<16xi32>
      %shift_left3A_1565 = arith.constant 5 : i32
      %shift_left3A_1566 = vector.broadcast %shift_left3A_1565 : i32 to vector<16xi32>
      %shift_left3A_1567 = arith.shli %shift_right_logical3A_1564, %shift_left3A_1566 : vector<16xi32>
      %shift_right_logical3A_1568 = arith.constant 15 : i32
      %shift_right_logical3A_1569 = vector.broadcast %shift_right_logical3A_1568 : i32 to vector<16xi32>
      %shift_right_logical3A_1570 = arith.shrui %get3A_1561, %shift_right_logical3A_1569 : vector<16xi32>
      %shift_left3A_1571 = arith.constant 5 : i32
      %shift_left3A_1572 = vector.broadcast %shift_left3A_1571 : i32 to vector<16xi32>
      %shift_left3A_1573 = arith.shli %shift_right_logical3A_1570, %shift_left3A_1572 : vector<16xi32>
      %shift_right_logical3A_1574 = arith.constant 17 : i32
      %shift_right_logical3A_1575 = vector.broadcast %shift_right_logical3A_1574 : i32 to vector<16xi32>
      %shift_right_logical3A_1576 = arith.shrui %get3A_1559, %shift_right_logical3A_1575 : vector<16xi32>
      %and3A_1577 = arith.andi %shift_right_logical3A_1576, %broadcast_in_dim3A_578 : vector<16xi32>
      %shift_right_logical3A_1578 = arith.constant 14 : i32
      %shift_right_logical3A_1579 = vector.broadcast %shift_right_logical3A_1578 : i32 to vector<16xi32>
      %shift_right_logical3A_1580 = arith.shrui %get3A_1561, %shift_right_logical3A_1579 : vector<16xi32>
      %and3A_1581 = arith.andi %shift_right_logical3A_1580, %broadcast_in_dim3A_578 : vector<16xi32>
      %add3A_1582 = arith.constant 0 : i32
      %add3A_1583 = vector.broadcast %add3A_1582 : i32 to vector<16xi32>
      %add3A_1584 = arith.addi %shift_left3A_1567, %add3A_1583 : vector<16xi32>
      %gather3A_1585 = tpu.vector_load_idx %arg11[%add3A_1553, %add3A_1584] : memref<256x128xf32, #tpu.memory_space<vmem>>[vector<16xi32>, vector<16xi32>], vector<16xf32>,
      %bitcast3A_1586 = vector.bitcast %gather3A_1585 : vector<16xf32> to vector<32xbf16>
      %unpack3A_1587 = tpu.unpack_subelements %bitcast3A_1586, 0 {pack_format = #tpu.pack_format<interleaved>} : vector<32xbf16> -> vector<16xf32>
      %unpack3A_1588 = tpu.unpack_subelements %bitcast3A_1586, 1 {pack_format = #tpu.pack_format<interleaved>} : vector<32xbf16> -> vector<16xf32>
      %eq3A_1589 = arith.constant 0 : i32
      %eq3A_1590 = vector.broadcast %eq3A_1589 : i32 to vector<16xi32>
      %eq3A_1591 = arith.cmpi eq, %and3A_1577, %eq3A_1590 : vector<16xi32>
      %select_n3A_1592 = arith.select %eq3A_1591, %unpack3A_1587, %unpack3A_1588 : vector<16xi1>, vector<16xf32>
      %add3A_1593 = arith.constant 0 : i32
      %add3A_1594 = vector.broadcast %add3A_1593 : i32 to vector<16xi32>
      %add3A_1595 = arith.addi %shift_left3A_1573, %add3A_1594 : vector<16xi32>
      %gather3A_1596 = tpu.vector_load_idx %arg12[%add3A_1553, %add3A_1595] : memref<256x128xf32, #tpu.memory_space<vmem>>[vector<16xi32>, vector<16xi32>], vector<16xf32>,
      %bitcast3A_1597 = vector.bitcast %gather3A_1596 : vector<16xf32> to vector<32xbf16>
      %unpack3A_1598 = tpu.unpack_subelements %bitcast3A_1597, 0 {pack_format = #tpu.pack_format<interleaved>} : vector<32xbf16> -> vector<16xf32>
      %unpack3A_1599 = tpu.unpack_subelements %bitcast3A_1597, 1 {pack_format = #tpu.pack_format<interleaved>} : vector<32xbf16> -> vector<16xf32>
      %eq3A_1600 = arith.constant 0 : i32
      %eq3A_1601 = vector.broadcast %eq3A_1600 : i32 to vector<16xi32>
      %eq3A_1602 = arith.cmpi eq, %and3A_1581, %eq3A_1601 : vector<16xi32>
      %select_n3A_1603 = arith.select %eq3A_1602, %unpack3A_1598, %unpack3A_1599 : vector<16xi1>, vector<16xf32>
      %mul3A_1604 = arith.mulf %select_n3A_1592, %select_n3A_1603 : vector<16xf32>
      %add3A_1605 = arith.addf %get3A_577, %mul3A_1604 : vector<16xf32>
      %add3A_1606 = arith.constant 1 : i32
      %add3A_1607 = vector.broadcast %add3A_1606 : i32 to vector<16xi32>
      %add3A_1608 = arith.addi %shift_left3A_1567, %add3A_1607 : vector<16xi32>
      %gather3A_1609 = tpu.vector_load_idx %arg11[%add3A_1553, %add3A_1608] : memref<256x128xf32, #tpu.memory_space<vmem>>[vector<16xi32>, vector<16xi32>], vector<16xf32>,
      %bitcast3A_1610 = vector.bitcast %gather3A_1609 : vector<16xf32> to vector<32xbf16>
      %unpack3A_1611 = tpu.unpack_subelements %bitcast3A_1610, 0 {pack_format = #tpu.pack_format<interleaved>} : vector<32xbf16> -> vector<16xf32>
      %unpack3A_1612 = tpu.unpack_subelements %bitcast3A_1610, 1 {pack_format = #tpu.pack_format<interleaved>} : vector<32xbf16> -> vector<16xf32>
      %eq3A_1613 = arith.constant 0 : i32
      %eq3A_1614 = vector.broadcast %eq3A_1613 : i32 to vector<16xi32>
      %eq3A_1615 = arith.cmpi eq, %and3A_1577, %eq3A_1614 : vector<16xi32>
      %select_n3A_1616 = arith.select %eq3A_1615, %unpack3A_1611, %unpack3A_1612 : vector<16xi1>, vector<16xf32>
      %add3A_1617 = arith.constant 1 : i32
      %add3A_1618 = vector.broadcast %add3A_1617 : i32 to vector<16xi32>
      %add3A_1619 = arith.addi %shift_left3A_1573, %add3A_1618 : vector<16xi32>
      %gather3A_1620 = tpu.vector_load_idx %arg12[%add3A_1553, %add3A_1619] : memref<256x128xf32, #tpu.memory_space<vmem>>[vector<16xi32>, vector<16xi32>], vector<16xf32>,
      %bitcast3A_1621 = vector.bitcast %gather3A_1620 : vector<16xf32> to vector<32xbf16>
      %unpack3A_1622 = tpu.unpack_subelements %bitcast3A_1621, 0 {pack_format = #tpu.pack_format<interleaved>} : vector<32xbf16> -> vector<16xf32>
      %unpack3A_1623 = tpu.unpack_subelements %bitcast3A_1621, 1 {pack_format = #tpu.pack_format<interleaved>} : vector<32xbf16> -> vector<16xf32>
      %eq3A_1624 = arith.constant 0 : i32
      %eq3A_1625 = vector.broadcast %eq3A_1624 : i32 to vector<16xi32>
      %eq3A_1626 = arith.cmpi eq, %and3A_1581, %eq3A_1625 : vector<16xi32>
      %select_n3A_1627 = arith.select %eq3A_1626, %unpack3A_1622, %unpack3A_1623 : vector<16xi1>, vector<16xf32>
      %mul3A_1628 = arith.mulf %select_n3A_1616, %select_n3A_1627 : vector<16xf32>
      %add3A_1629 = arith.addf %add3A_1605, %mul3A_1628 : vector<16xf32>
      %add3A_1630 = arith.constant 2 : i32
      %add3A_1631 = vector.broadcast %add3A_1630 : i32 to vector<16xi32>
      %add3A_1632 = arith.addi %shift_left3A_1567, %add3A_1631 : vector<16xi32>
      %gather3A_1633 = tpu.vector_load_idx %arg11[%add3A_1553, %add3A_1632] : memref<256x128xf32, #tpu.memory_space<vmem>>[vector<16xi32>, vector<16xi32>], vector<16xf32>,
      %bitcast3A_1634 = vector.bitcast %gather3A_1633 : vector<16xf32> to vector<32xbf16>
      %unpack3A_1635 = tpu.unpack_subelements %bitcast3A_1634, 0 {pack_format = #tpu.pack_format<interleaved>} : vector<32xbf16> -> vector<16xf32>
      %unpack3A_1636 = tpu.unpack_subelements %bitcast3A_1634, 1 {pack_format = #tpu.pack_format<interleaved>} : vector<32xbf16> -> vector<16xf32>
      %eq3A_1637 = arith.constant 0 : i32
      %eq3A_1638 = vector.broadcast %eq3A_1637 : i32 to vector<16xi32>
      %eq3A_1639 = arith.cmpi eq, %and3A_1577, %eq3A_1638 : vector<16xi32>
      %select_n3A_1640 = arith.select %eq3A_1639, %unpack3A_1635, %unpack3A_1636 : vector<16xi1>, vector<16xf32>
      %add3A_1641 = arith.constant 2 : i32
      %add3A_1642 = vector.broadcast %add3A_1641 : i32 to vector<16xi32>
      %add3A_1643 = arith.addi %shift_left3A_1573, %add3A_1642 : vector<16xi32>
      %gather3A_1644 = tpu.vector_load_idx %arg12[%add3A_1553, %add3A_1643] : memref<256x128xf32, #tpu.memory_space<vmem>>[vector<16xi32>, vector<16xi32>], vector<16xf32>,
      %bitcast3A_1645 = vector.bitcast %gather3A_1644 : vector<16xf32> to vector<32xbf16>
      %unpack3A_1646 = tpu.unpack_subelements %bitcast3A_1645, 0 {pack_format = #tpu.pack_format<interleaved>} : vector<32xbf16> -> vector<16xf32>
      %unpack3A_1647 = tpu.unpack_subelements %bitcast3A_1645, 1 {pack_format = #tpu.pack_format<interleaved>} : vector<32xbf16> -> vector<16xf32>
      %eq3A_1648 = arith.constant 0 : i32
      %eq3A_1649 = vector.broadcast %eq3A_1648 : i32 to vector<16xi32>
      %eq3A_1650 = arith.cmpi eq, %and3A_1581, %eq3A_1649 : vector<16xi32>
      %select_n3A_1651 = arith.select %eq3A_1650, %unpack3A_1646, %unpack3A_1647 : vector<16xi1>, vector<16xf32>
      %mul3A_1652 = arith.mulf %select_n3A_1640, %select_n3A_1651 : vector<16xf32>
      %add3A_1653 = arith.addf %add3A_1629, %mul3A_1652 : vector<16xf32>
      %add3A_1654 = arith.constant 3 : i32
      %add3A_1655 = vector.broadcast %add3A_1654 : i32 to vector<16xi32>
      %add3A_1656 = arith.addi %shift_left3A_1567, %add3A_1655 : vector<16xi32>
      %gather3A_1657 = tpu.vector_load_idx %arg11[%add3A_1553, %add3A_1656] : memref<256x128xf32, #tpu.memory_space<vmem>>[vector<16xi32>, vector<16xi32>], vector<16xf32>,
      %bitcast3A_1658 = vector.bitcast %gather3A_1657 : vector<16xf32> to vector<32xbf16>
      %unpack3A_1659 = tpu.unpack_subelements %bitcast3A_1658, 0 {pack_format = #tpu.pack_format<interleaved>} : vector<32xbf16> -> vector<16xf32>
      %unpack3A_1660 = tpu.unpack_subelements %bitcast3A_1658, 1 {pack_format = #tpu.pack_format<interleaved>} : vector<32xbf16> -> vector<16xf32>
      %eq3A_1661 = arith.constant 0 : i32
      %eq3A_1662 = vector.broadcast %eq3A_1661 : i32 to vector<16xi32>
      %eq3A_1663 = arith.cmpi eq, %and3A_1577, %eq3A_1662 : vector<16xi32>
      %select_n3A_1664 = arith.select %eq3A_1663, %unpack3A_1659, %unpack3A_1660 : vector<16xi1>, vector<16xf32>
      %add3A_1665 = arith.constant 3 : i32
      %add3A_1666 = vector.broadcast %add3A_1665 : i32 to vector<16xi32>
      %add3A_1667 = arith.addi %shift_left3A_1573, %add3A_1666 : vector<16xi32>
      %gather3A_1668 = tpu.vector_load_idx %arg12[%add3A_1553, %add3A_1667] : memref<256x128xf32, #tpu.memory_space<vmem>>[vector<16xi32>, vector<16xi32>], vector<16xf32>,
      %bitcast3A_1669 = vector.bitcast %gather3A_1668 : vector<16xf32> to vector<32xbf16>
      %unpack3A_1670 = tpu.unpack_subelements %bitcast3A_1669, 0 {pack_format = #tpu.pack_format<interleaved>} : vector<32xbf16> -> vector<16xf32>
      %unpack3A_1671 = tpu.unpack_subelements %bitcast3A_1669, 1 {pack_format = #tpu.pack_format<interleaved>} : vector<32xbf16> -> vector<16xf32>
      %eq3A_1672 = arith.constant 0 : i32
      %eq3A_1673 = vector.broadcast %eq3A_1672 : i32 to vector<16xi32>
      %eq3A_1674 = arith.cmpi eq, %and3A_1581, %eq3A_1673 : vector<16xi32>
      %select_n3A_1675 = arith.select %eq3A_1674, %unpack3A_1670, %unpack3A_1671 : vector<16xi1>, vector<16xf32>
      %mul3A_1676 = arith.mulf %select_n3A_1664, %select_n3A_1675 : vector<16xf32>
      %add3A_1677 = arith.addf %add3A_1653, %mul3A_1676 : vector<16xf32>
      %add3A_1678 = arith.constant 4 : i32
      %add3A_1679 = vector.broadcast %add3A_1678 : i32 to vector<16xi32>
      %add3A_1680 = arith.addi %shift_left3A_1567, %add3A_1679 : vector<16xi32>
      %gather3A_1681 = tpu.vector_load_idx %arg11[%add3A_1553, %add3A_1680] : memref<256x128xf32, #tpu.memory_space<vmem>>[vector<16xi32>, vector<16xi32>], vector<16xf32>,
      %bitcast3A_1682 = vector.bitcast %gather3A_1681 : vector<16xf32> to vector<32xbf16>
      %unpack3A_1683 = tpu.unpack_subelements %bitcast3A_1682, 0 {pack_format = #tpu.pack_format<interleaved>} : vector<32xbf16> -> vector<16xf32>
      %unpack3A_1684 = tpu.unpack_subelements %bitcast3A_1682, 1 {pack_format = #tpu.pack_format<interleaved>} : vector<32xbf16> -> vector<16xf32>
      %eq3A_1685 = arith.constant 0 : i32
      %eq3A_1686 = vector.broadcast %eq3A_1685 : i32 to vector<16xi32>
      %eq3A_1687 = arith.cmpi eq, %and3A_1577, %eq3A_1686 : vector<16xi32>
      %select_n3A_1688 = arith.select %eq3A_1687, %unpack3A_1683, %unpack3A_1684 : vector<16xi1>, vector<16xf32>
      %add3A_1689 = arith.constant 4 : i32
      %add3A_1690 = vector.broadcast %add3A_1689 : i32 to vector<16xi32>
      %add3A_1691 = arith.addi %shift_left3A_1573, %add3A_1690 : vector<16xi32>
      %gather3A_1692 = tpu.vector_load_idx %arg12[%add3A_1553, %add3A_1691] : memref<256x128xf32, #tpu.memory_space<vmem>>[vector<16xi32>, vector<16xi32>], vector<16xf32>,
      %bitcast3A_1693 = vector.bitcast %gather3A_1692 : vector<16xf32> to vector<32xbf16>
      %unpack3A_1694 = tpu.unpack_subelements %bitcast3A_1693, 0 {pack_format = #tpu.pack_format<interleaved>} : vector<32xbf16> -> vector<16xf32>
      %unpack3A_1695 = tpu.unpack_subelements %bitcast3A_1693, 1 {pack_format = #tpu.pack_format<interleaved>} : vector<32xbf16> -> vector<16xf32>
      %eq3A_1696 = arith.constant 0 : i32
      %eq3A_1697 = vector.broadcast %eq3A_1696 : i32 to vector<16xi32>
      %eq3A_1698 = arith.cmpi eq, %and3A_1581, %eq3A_1697 : vector<16xi32>
      %select_n3A_1699 = arith.select %eq3A_1698, %unpack3A_1694, %unpack3A_1695 : vector<16xi1>, vector<16xf32>
      %mul3A_1700 = arith.mulf %select_n3A_1688, %select_n3A_1699 : vector<16xf32>
      %add3A_1701 = arith.addf %add3A_1677, %mul3A_1700 : vector<16xf32>
      %add3A_1702 = arith.constant 5 : i32
      %add3A_1703 = vector.broadcast %add3A_1702 : i32 to vector<16xi32>
      %add3A_1704 = arith.addi %shift_left3A_1567, %add3A_1703 : vector<16xi32>
      %gather3A_1705 = tpu.vector_load_idx %arg11[%add3A_1553, %add3A_1704] : memref<256x128xf32, #tpu.memory_space<vmem>>[vector<16xi32>, vector<16xi32>], vector<16xf32>,
      %bitcast3A_1706 = vector.bitcast %gather3A_1705 : vector<16xf32> to vector<32xbf16>
      %unpack3A_1707 = tpu.unpack_subelements %bitcast3A_1706, 0 {pack_format = #tpu.pack_format<interleaved>} : vector<32xbf16> -> vector<16xf32>
      %unpack3A_1708 = tpu.unpack_subelements %bitcast3A_1706, 1 {pack_format = #tpu.pack_format<interleaved>} : vector<32xbf16> -> vector<16xf32>
      %eq3A_1709 = arith.constant 0 : i32
      %eq3A_1710 = vector.broadcast %eq3A_1709 : i32 to vector<16xi32>
      %eq3A_1711 = arith.cmpi eq, %and3A_1577, %eq3A_1710 : vector<16xi32>
      %select_n3A_1712 = arith.select %eq3A_1711, %unpack3A_1707, %unpack3A_1708 : vector<16xi1>, vector<16xf32>
      %add3A_1713 = arith.constant 5 : i32
      %add3A_1714 = vector.broadcast %add3A_1713 : i32 to vector<16xi32>
      %add3A_1715 = arith.addi %shift_left3A_1573, %add3A_1714 : vector<16xi32>
      %gather3A_1716 = tpu.vector_load_idx %arg12[%add3A_1553, %add3A_1715] : memref<256x128xf32, #tpu.memory_space<vmem>>[vector<16xi32>, vector<16xi32>], vector<16xf32>,
      %bitcast3A_1717 = vector.bitcast %gather3A_1716 : vector<16xf32> to vector<32xbf16>
      %unpack3A_1718 = tpu.unpack_subelements %bitcast3A_1717, 0 {pack_format = #tpu.pack_format<interleaved>} : vector<32xbf16> -> vector<16xf32>
      %unpack3A_1719 = tpu.unpack_subelements %bitcast3A_1717, 1 {pack_format = #tpu.pack_format<interleaved>} : vector<32xbf16> -> vector<16xf32>
      %eq3A_1720 = arith.constant 0 : i32
      %eq3A_1721 = vector.broadcast %eq3A_1720 : i32 to vector<16xi32>
      %eq3A_1722 = arith.cmpi eq, %and3A_1581, %eq3A_1721 : vector<16xi32>
      %select_n3A_1723 = arith.select %eq3A_1722, %unpack3A_1718, %unpack3A_1719 : vector<16xi1>, vector<16xf32>
      %mul3A_1724 = arith.mulf %select_n3A_1712, %select_n3A_1723 : vector<16xf32>
      %add3A_1725 = arith.addf %add3A_1701, %mul3A_1724 : vector<16xf32>
      %add3A_1726 = arith.constant 6 : i32
      %add3A_1727 = vector.broadcast %add3A_1726 : i32 to vector<16xi32>
      %add3A_1728 = arith.addi %shift_left3A_1567, %add3A_1727 : vector<16xi32>
      %gather3A_1729 = tpu.vector_load_idx %arg11[%add3A_1553, %add3A_1728] : memref<256x128xf32, #tpu.memory_space<vmem>>[vector<16xi32>, vector<16xi32>], vector<16xf32>,
      %bitcast3A_1730 = vector.bitcast %gather3A_1729 : vector<16xf32> to vector<32xbf16>
      %unpack3A_1731 = tpu.unpack_subelements %bitcast3A_1730, 0 {pack_format = #tpu.pack_format<interleaved>} : vector<32xbf16> -> vector<16xf32>
      %unpack3A_1732 = tpu.unpack_subelements %bitcast3A_1730, 1 {pack_format = #tpu.pack_format<interleaved>} : vector<32xbf16> -> vector<16xf32>
      %eq3A_1733 = arith.constant 0 : i32
      %eq3A_1734 = vector.broadcast %eq3A_1733 : i32 to vector<16xi32>
      %eq3A_1735 = arith.cmpi eq, %and3A_1577, %eq3A_1734 : vector<16xi32>
      %select_n3A_1736 = arith.select %eq3A_1735, %unpack3A_1731, %unpack3A_1732 : vector<16xi1>, vector<16xf32>
      %add3A_1737 = arith.constant 6 : i32
      %add3A_1738 = vector.broadcast %add3A_1737 : i32 to vector<16xi32>
      %add3A_1739 = arith.addi %shift_left3A_1573, %add3A_1738 : vector<16xi32>
      %gather3A_1740 = tpu.vector_load_idx %arg12[%add3A_1553, %add3A_1739] : memref<256x128xf32, #tpu.memory_space<vmem>>[vector<16xi32>, vector<16xi32>], vector<16xf32>,
      %bitcast3A_1741 = vector.bitcast %gather3A_1740 : vector<16xf32> to vector<32xbf16>
      %unpack3A_1742 = tpu.unpack_subelements %bitcast3A_1741, 0 {pack_format = #tpu.pack_format<interleaved>} : vector<32xbf16> -> vector<16xf32>
      %unpack3A_1743 = tpu.unpack_subelements %bitcast3A_1741, 1 {pack_format = #tpu.pack_format<interleaved>} : vector<32xbf16> -> vector<16xf32>
      %eq3A_1744 = arith.constant 0 : i32
      %eq3A_1745 = vector.broadcast %eq3A_1744 : i32 to vector<16xi32>
      %eq3A_1746 = arith.cmpi eq, %and3A_1581, %eq3A_1745 : vector<16xi32>
      %select_n3A_1747 = arith.select %eq3A_1746, %unpack3A_1742, %unpack3A_1743 : vector<16xi1>, vector<16xf32>
      %mul3A_1748 = arith.mulf %select_n3A_1736, %select_n3A_1747 : vector<16xf32>
      %add3A_1749 = arith.addf %add3A_1725, %mul3A_1748 : vector<16xf32>
      %add3A_1750 = arith.constant 7 : i32
      %add3A_1751 = vector.broadcast %add3A_1750 : i32 to vector<16xi32>
      %add3A_1752 = arith.addi %shift_left3A_1567, %add3A_1751 : vector<16xi32>
      %gather3A_1753 = tpu.vector_load_idx %arg11[%add3A_1553, %add3A_1752] : memref<256x128xf32, #tpu.memory_space<vmem>>[vector<16xi32>, vector<16xi32>], vector<16xf32>,
      %bitcast3A_1754 = vector.bitcast %gather3A_1753 : vector<16xf32> to vector<32xbf16>
      %unpack3A_1755 = tpu.unpack_subelements %bitcast3A_1754, 0 {pack_format = #tpu.pack_format<interleaved>} : vector<32xbf16> -> vector<16xf32>
      %unpack3A_1756 = tpu.unpack_subelements %bitcast3A_1754, 1 {pack_format = #tpu.pack_format<interleaved>} : vector<32xbf16> -> vector<16xf32>
      %eq3A_1757 = arith.constant 0 : i32
      %eq3A_1758 = vector.broadcast %eq3A_1757 : i32 to vector<16xi32>
      %eq3A_1759 = arith.cmpi eq, %and3A_1577, %eq3A_1758 : vector<16xi32>
      %select_n3A_1760 = arith.select %eq3A_1759, %unpack3A_1755, %unpack3A_1756 : vector<16xi1>, vector<16xf32>
      %add3A_1761 = arith.constant 7 : i32
      %add3A_1762 = vector.broadcast %add3A_1761 : i32 to vector<16xi32>
      %add3A_1763 = arith.addi %shift_left3A_1573, %add3A_1762 : vector<16xi32>
      %gather3A_1764 = tpu.vector_load_idx %arg12[%add3A_1553, %add3A_1763] : memref<256x128xf32, #tpu.memory_space<vmem>>[vector<16xi32>, vector<16xi32>], vector<16xf32>,
      %bitcast3A_1765 = vector.bitcast %gather3A_1764 : vector<16xf32> to vector<32xbf16>
      %unpack3A_1766 = tpu.unpack_subelements %bitcast3A_1765, 0 {pack_format = #tpu.pack_format<interleaved>} : vector<32xbf16> -> vector<16xf32>
      %unpack3A_1767 = tpu.unpack_subelements %bitcast3A_1765, 1 {pack_format = #tpu.pack_format<interleaved>} : vector<32xbf16> -> vector<16xf32>
      %eq3A_1768 = arith.constant 0 : i32
      %eq3A_1769 = vector.broadcast %eq3A_1768 : i32 to vector<16xi32>
      %eq3A_1770 = arith.cmpi eq, %and3A_1581, %eq3A_1769 : vector<16xi32>
      %select_n3A_1771 = arith.select %eq3A_1770, %unpack3A_1766, %unpack3A_1767 : vector<16xi1>, vector<16xf32>
      %mul3A_1772 = arith.mulf %select_n3A_1760, %select_n3A_1771 : vector<16xf32>
      %add3A_1773 = arith.addf %add3A_1749, %mul3A_1772 : vector<16xf32>
      %add3A_1774 = arith.constant 8 : i32
      %add3A_1775 = vector.broadcast %add3A_1774 : i32 to vector<16xi32>
      %add3A_1776 = arith.addi %shift_left3A_1567, %add3A_1775 : vector<16xi32>
      %gather3A_1777 = tpu.vector_load_idx %arg11[%add3A_1553, %add3A_1776] : memref<256x128xf32, #tpu.memory_space<vmem>>[vector<16xi32>, vector<16xi32>], vector<16xf32>,
      %bitcast3A_1778 = vector.bitcast %gather3A_1777 : vector<16xf32> to vector<32xbf16>
      %unpack3A_1779 = tpu.unpack_subelements %bitcast3A_1778, 0 {pack_format = #tpu.pack_format<interleaved>} : vector<32xbf16> -> vector<16xf32>
      %unpack3A_1780 = tpu.unpack_subelements %bitcast3A_1778, 1 {pack_format = #tpu.pack_format<interleaved>} : vector<32xbf16> -> vector<16xf32>
      %eq3A_1781 = arith.constant 0 : i32
      %eq3A_1782 = vector.broadcast %eq3A_1781 : i32 to vector<16xi32>
      %eq3A_1783 = arith.cmpi eq, %and3A_1577, %eq3A_1782 : vector<16xi32>
      %select_n3A_1784 = arith.select %eq3A_1783, %unpack3A_1779, %unpack3A_1780 : vector<16xi1>, vector<16xf32>
      %add3A_1785 = arith.constant 8 : i32
      %add3A_1786 = vector.broadcast %add3A_1785 : i32 to vector<16xi32>
      %add3A_1787 = arith.addi %shift_left3A_1573, %add3A_1786 : vector<16xi32>
      %gather3A_1788 = tpu.vector_load_idx %arg12[%add3A_1553, %add3A_1787] : memref<256x128xf32, #tpu.memory_space<vmem>>[vector<16xi32>, vector<16xi32>], vector<16xf32>,
      %bitcast3A_1789 = vector.bitcast %gather3A_1788 : vector<16xf32> to vector<32xbf16>
      %unpack3A_1790 = tpu.unpack_subelements %bitcast3A_1789, 0 {pack_format = #tpu.pack_format<interleaved>} : vector<32xbf16> -> vector<16xf32>
      %unpack3A_1791 = tpu.unpack_subelements %bitcast3A_1789, 1 {pack_format = #tpu.pack_format<interleaved>} : vector<32xbf16> -> vector<16xf32>
      %eq3A_1792 = arith.constant 0 : i32
      %eq3A_1793 = vector.broadcast %eq3A_1792 : i32 to vector<16xi32>
      %eq3A_1794 = arith.cmpi eq, %and3A_1581, %eq3A_1793 : vector<16xi32>
      %select_n3A_1795 = arith.select %eq3A_1794, %unpack3A_1790, %unpack3A_1791 : vector<16xi1>, vector<16xf32>
      %mul3A_1796 = arith.mulf %select_n3A_1784, %select_n3A_1795 : vector<16xf32>
      %add3A_1797 = arith.addf %add3A_1773, %mul3A_1796 : vector<16xf32>
      %add3A_1798 = arith.constant 9 : i32
      %add3A_1799 = vector.broadcast %add3A_1798 : i32 to vector<16xi32>
      %add3A_1800 = arith.addi %shift_left3A_1567, %add3A_1799 : vector<16xi32>
      %gather3A_1801 = tpu.vector_load_idx %arg11[%add3A_1553, %add3A_1800] : memref<256x128xf32, #tpu.memory_space<vmem>>[vector<16xi32>, vector<16xi32>], vector<16xf32>,
      %bitcast3A_1802 = vector.bitcast %gather3A_1801 : vector<16xf32> to vector<32xbf16>
      %unpack3A_1803 = tpu.unpack_subelements %bitcast3A_1802, 0 {pack_format = #tpu.pack_format<interleaved>} : vector<32xbf16> -> vector<16xf32>
      %unpack3A_1804 = tpu.unpack_subelements %bitcast3A_1802, 1 {pack_format = #tpu.pack_format<interleaved>} : vector<32xbf16> -> vector<16xf32>
      %eq3A_1805 = arith.constant 0 : i32
      %eq3A_1806 = vector.broadcast %eq3A_1805 : i32 to vector<16xi32>
      %eq3A_1807 = arith.cmpi eq, %and3A_1577, %eq3A_1806 : vector<16xi32>
      %select_n3A_1808 = arith.select %eq3A_1807, %unpack3A_1803, %unpack3A_1804 : vector<16xi1>, vector<16xf32>
      %add3A_1809 = arith.constant 9 : i32
      %add3A_1810 = vector.broadcast %add3A_1809 : i32 to vector<16xi32>
      %add3A_1811 = arith.addi %shift_left3A_1573, %add3A_1810 : vector<16xi32>
      %gather3A_1812 = tpu.vector_load_idx %arg12[%add3A_1553, %add3A_1811] : memref<256x128xf32, #tpu.memory_space<vmem>>[vector<16xi32>, vector<16xi32>], vector<16xf32>,
      %bitcast3A_1813 = vector.bitcast %gather3A_1812 : vector<16xf32> to vector<32xbf16>
      %unpack3A_1814 = tpu.unpack_subelements %bitcast3A_1813, 0 {pack_format = #tpu.pack_format<interleaved>} : vector<32xbf16> -> vector<16xf32>
      %unpack3A_1815 = tpu.unpack_subelements %bitcast3A_1813, 1 {pack_format = #tpu.pack_format<interleaved>} : vector<32xbf16> -> vector<16xf32>
      %eq3A_1816 = arith.constant 0 : i32
      %eq3A_1817 = vector.broadcast %eq3A_1816 : i32 to vector<16xi32>
      %eq3A_1818 = arith.cmpi eq, %and3A_1581, %eq3A_1817 : vector<16xi32>
      %select_n3A_1819 = arith.select %eq3A_1818, %unpack3A_1814, %unpack3A_1815 : vector<16xi1>, vector<16xf32>
      %mul3A_1820 = arith.mulf %select_n3A_1808, %select_n3A_1819 : vector<16xf32>
      %add3A_1821 = arith.addf %add3A_1797, %mul3A_1820 : vector<16xf32>
      %add3A_1822 = arith.constant 10 : i32
      %add3A_1823 = vector.broadcast %add3A_1822 : i32 to vector<16xi32>
      %add3A_1824 = arith.addi %shift_left3A_1567, %add3A_1823 : vector<16xi32>
      %gather3A_1825 = tpu.vector_load_idx %arg11[%add3A_1553, %add3A_1824] : memref<256x128xf32, #tpu.memory_space<vmem>>[vector<16xi32>, vector<16xi32>], vector<16xf32>,
      %bitcast3A_1826 = vector.bitcast %gather3A_1825 : vector<16xf32> to vector<32xbf16>
      %unpack3A_1827 = tpu.unpack_subelements %bitcast3A_1826, 0 {pack_format = #tpu.pack_format<interleaved>} : vector<32xbf16> -> vector<16xf32>
      %unpack3A_1828 = tpu.unpack_subelements %bitcast3A_1826, 1 {pack_format = #tpu.pack_format<interleaved>} : vector<32xbf16> -> vector<16xf32>
      %eq3A_1829 = arith.constant 0 : i32
      %eq3A_1830 = vector.broadcast %eq3A_1829 : i32 to vector<16xi32>
      %eq3A_1831 = arith.cmpi eq, %and3A_1577, %eq3A_1830 : vector<16xi32>
      %select_n3A_1832 = arith.select %eq3A_1831, %unpack3A_1827, %unpack3A_1828 : vector<16xi1>, vector<16xf32>
      %add3A_1833 = arith.constant 10 : i32
      %add3A_1834 = vector.broadcast %add3A_1833 : i32 to vector<16xi32>
      %add3A_1835 = arith.addi %shift_left3A_1573, %add3A_1834 : vector<16xi32>
      %gather3A_1836 = tpu.vector_load_idx %arg12[%add3A_1553, %add3A_1835] : memref<256x128xf32, #tpu.memory_space<vmem>>[vector<16xi32>, vector<16xi32>], vector<16xf32>,
      %bitcast3A_1837 = vector.bitcast %gather3A_1836 : vector<16xf32> to vector<32xbf16>
      %unpack3A_1838 = tpu.unpack_subelements %bitcast3A_1837, 0 {pack_format = #tpu.pack_format<interleaved>} : vector<32xbf16> -> vector<16xf32>
      %unpack3A_1839 = tpu.unpack_subelements %bitcast3A_1837, 1 {pack_format = #tpu.pack_format<interleaved>} : vector<32xbf16> -> vector<16xf32>
      %eq3A_1840 = arith.constant 0 : i32
      %eq3A_1841 = vector.broadcast %eq3A_1840 : i32 to vector<16xi32>
      %eq3A_1842 = arith.cmpi eq, %and3A_1581, %eq3A_1841 : vector<16xi32>
      %select_n3A_1843 = arith.select %eq3A_1842, %unpack3A_1838, %unpack3A_1839 : vector<16xi1>, vector<16xf32>
      %mul3A_1844 = arith.mulf %select_n3A_1832, %select_n3A_1843 : vector<16xf32>
      %add3A_1845 = arith.addf %add3A_1821, %mul3A_1844 : vector<16xf32>
      %add3A_1846 = arith.constant 11 : i32
      %add3A_1847 = vector.broadcast %add3A_1846 : i32 to vector<16xi32>
      %add3A_1848 = arith.addi %shift_left3A_1567, %add3A_1847 : vector<16xi32>
      %gather3A_1849 = tpu.vector_load_idx %arg11[%add3A_1553, %add3A_1848] : memref<256x128xf32, #tpu.memory_space<vmem>>[vector<16xi32>, vector<16xi32>], vector<16xf32>,
      %bitcast3A_1850 = vector.bitcast %gather3A_1849 : vector<16xf32> to vector<32xbf16>
      %unpack3A_1851 = tpu.unpack_subelements %bitcast3A_1850, 0 {pack_format = #tpu.pack_format<interleaved>} : vector<32xbf16> -> vector<16xf32>
      %unpack3A_1852 = tpu.unpack_subelements %bitcast3A_1850, 1 {pack_format = #tpu.pack_format<interleaved>} : vector<32xbf16> -> vector<16xf32>
      %eq3A_1853 = arith.constant 0 : i32
      %eq3A_1854 = vector.broadcast %eq3A_1853 : i32 to vector<16xi32>
      %eq3A_1855 = arith.cmpi eq, %and3A_1577, %eq3A_1854 : vector<16xi32>
      %select_n3A_1856 = arith.select %eq3A_1855, %unpack3A_1851, %unpack3A_1852 : vector<16xi1>, vector<16xf32>
      %add3A_1857 = arith.constant 11 : i32
      %add3A_1858 = vector.broadcast %add3A_1857 : i32 to vector<16xi32>
      %add3A_1859 = arith.addi %shift_left3A_1573, %add3A_1858 : vector<16xi32>
      %gather3A_1860 = tpu.vector_load_idx %arg12[%add3A_1553, %add3A_1859] : memref<256x128xf32, #tpu.memory_space<vmem>>[vector<16xi32>, vector<16xi32>], vector<16xf32>,
      %bitcast3A_1861 = vector.bitcast %gather3A_1860 : vector<16xf32> to vector<32xbf16>
      %unpack3A_1862 = tpu.unpack_subelements %bitcast3A_1861, 0 {pack_format = #tpu.pack_format<interleaved>} : vector<32xbf16> -> vector<16xf32>
      %unpack3A_1863 = tpu.unpack_subelements %bitcast3A_1861, 1 {pack_format = #tpu.pack_format<interleaved>} : vector<32xbf16> -> vector<16xf32>
      %eq3A_1864 = arith.constant 0 : i32
      %eq3A_1865 = vector.broadcast %eq3A_1864 : i32 to vector<16xi32>
      %eq3A_1866 = arith.cmpi eq, %and3A_1581, %eq3A_1865 : vector<16xi32>
      %select_n3A_1867 = arith.select %eq3A_1866, %unpack3A_1862, %unpack3A_1863 : vector<16xi1>, vector<16xf32>
      %mul3A_1868 = arith.mulf %select_n3A_1856, %select_n3A_1867 : vector<16xf32>
      %add3A_1869 = arith.addf %add3A_1845, %mul3A_1868 : vector<16xf32>
      %add3A_1870 = arith.constant 12 : i32
      %add3A_1871 = vector.broadcast %add3A_1870 : i32 to vector<16xi32>
      %add3A_1872 = arith.addi %shift_left3A_1567, %add3A_1871 : vector<16xi32>
      %gather3A_1873 = tpu.vector_load_idx %arg11[%add3A_1553, %add3A_1872] : memref<256x128xf32, #tpu.memory_space<vmem>>[vector<16xi32>, vector<16xi32>], vector<16xf32>,
      %bitcast3A_1874 = vector.bitcast %gather3A_1873 : vector<16xf32> to vector<32xbf16>
      %unpack3A_1875 = tpu.unpack_subelements %bitcast3A_1874, 0 {pack_format = #tpu.pack_format<interleaved>} : vector<32xbf16> -> vector<16xf32>
      %unpack3A_1876 = tpu.unpack_subelements %bitcast3A_1874, 1 {pack_format = #tpu.pack_format<interleaved>} : vector<32xbf16> -> vector<16xf32>
      %eq3A_1877 = arith.constant 0 : i32
      %eq3A_1878 = vector.broadcast %eq3A_1877 : i32 to vector<16xi32>
      %eq3A_1879 = arith.cmpi eq, %and3A_1577, %eq3A_1878 : vector<16xi32>
      %select_n3A_1880 = arith.select %eq3A_1879, %unpack3A_1875, %unpack3A_1876 : vector<16xi1>, vector<16xf32>
      %add3A_1881 = arith.constant 12 : i32
      %add3A_1882 = vector.broadcast %add3A_1881 : i32 to vector<16xi32>
      %add3A_1883 = arith.addi %shift_left3A_1573, %add3A_1882 : vector<16xi32>
      %gather3A_1884 = tpu.vector_load_idx %arg12[%add3A_1553, %add3A_1883] : memref<256x128xf32, #tpu.memory_space<vmem>>[vector<16xi32>, vector<16xi32>], vector<16xf32>,
      %bitcast3A_1885 = vector.bitcast %gather3A_1884 : vector<16xf32> to vector<32xbf16>
      %unpack3A_1886 = tpu.unpack_subelements %bitcast3A_1885, 0 {pack_format = #tpu.pack_format<interleaved>} : vector<32xbf16> -> vector<16xf32>
      %unpack3A_1887 = tpu.unpack_subelements %bitcast3A_1885, 1 {pack_format = #tpu.pack_format<interleaved>} : vector<32xbf16> -> vector<16xf32>
      %eq3A_1888 = arith.constant 0 : i32
      %eq3A_1889 = vector.broadcast %eq3A_1888 : i32 to vector<16xi32>
      %eq3A_1890 = arith.cmpi eq, %and3A_1581, %eq3A_1889 : vector<16xi32>
      %select_n3A_1891 = arith.select %eq3A_1890, %unpack3A_1886, %unpack3A_1887 : vector<16xi1>, vector<16xf32>
      %mul3A_1892 = arith.mulf %select_n3A_1880, %select_n3A_1891 : vector<16xf32>
      %add3A_1893 = arith.addf %add3A_1869, %mul3A_1892 : vector<16xf32>
      %add3A_1894 = arith.constant 13 : i32
      %add3A_1895 = vector.broadcast %add3A_1894 : i32 to vector<16xi32>
      %add3A_1896 = arith.addi %shift_left3A_1567, %add3A_1895 : vector<16xi32>
      %gather3A_1897 = tpu.vector_load_idx %arg11[%add3A_1553, %add3A_1896] : memref<256x128xf32, #tpu.memory_space<vmem>>[vector<16xi32>, vector<16xi32>], vector<16xf32>,
      %bitcast3A_1898 = vector.bitcast %gather3A_1897 : vector<16xf32> to vector<32xbf16>
      %unpack3A_1899 = tpu.unpack_subelements %bitcast3A_1898, 0 {pack_format = #tpu.pack_format<interleaved>} : vector<32xbf16> -> vector<16xf32>
      %unpack3A_1900 = tpu.unpack_subelements %bitcast3A_1898, 1 {pack_format = #tpu.pack_format<interleaved>} : vector<32xbf16> -> vector<16xf32>
      %eq3A_1901 = arith.constant 0 : i32
      %eq3A_1902 = vector.broadcast %eq3A_1901 : i32 to vector<16xi32>
      %eq3A_1903 = arith.cmpi eq, %and3A_1577, %eq3A_1902 : vector<16xi32>
      %select_n3A_1904 = arith.select %eq3A_1903, %unpack3A_1899, %unpack3A_1900 : vector<16xi1>, vector<16xf32>
      %add3A_1905 = arith.constant 13 : i32
      %add3A_1906 = vector.broadcast %add3A_1905 : i32 to vector<16xi32>
      %add3A_1907 = arith.addi %shift_left3A_1573, %add3A_1906 : vector<16xi32>
      %gather3A_1908 = tpu.vector_load_idx %arg12[%add3A_1553, %add3A_1907] : memref<256x128xf32, #tpu.memory_space<vmem>>[vector<16xi32>, vector<16xi32>], vector<16xf32>,
      %bitcast3A_1909 = vector.bitcast %gather3A_1908 : vector<16xf32> to vector<32xbf16>
      %unpack3A_1910 = tpu.unpack_subelements %bitcast3A_1909, 0 {pack_format = #tpu.pack_format<interleaved>} : vector<32xbf16> -> vector<16xf32>
      %unpack3A_1911 = tpu.unpack_subelements %bitcast3A_1909, 1 {pack_format = #tpu.pack_format<interleaved>} : vector<32xbf16> -> vector<16xf32>
      %eq3A_1912 = arith.constant 0 : i32
      %eq3A_1913 = vector.broadcast %eq3A_1912 : i32 to vector<16xi32>
      %eq3A_1914 = arith.cmpi eq, %and3A_1581, %eq3A_1913 : vector<16xi32>
      %select_n3A_1915 = arith.select %eq3A_1914, %unpack3A_1910, %unpack3A_1911 : vector<16xi1>, vector<16xf32>
      %mul3A_1916 = arith.mulf %select_n3A_1904, %select_n3A_1915 : vector<16xf32>
      %add3A_1917 = arith.addf %add3A_1893, %mul3A_1916 : vector<16xf32>
      %add3A_1918 = arith.constant 14 : i32
      %add3A_1919 = vector.broadcast %add3A_1918 : i32 to vector<16xi32>
      %add3A_1920 = arith.addi %shift_left3A_1567, %add3A_1919 : vector<16xi32>
      %gather3A_1921 = tpu.vector_load_idx %arg11[%add3A_1553, %add3A_1920] : memref<256x128xf32, #tpu.memory_space<vmem>>[vector<16xi32>, vector<16xi32>], vector<16xf32>,
      %bitcast3A_1922 = vector.bitcast %gather3A_1921 : vector<16xf32> to vector<32xbf16>
      %unpack3A_1923 = tpu.unpack_subelements %bitcast3A_1922, 0 {pack_format = #tpu.pack_format<interleaved>} : vector<32xbf16> -> vector<16xf32>
      %unpack3A_1924 = tpu.unpack_subelements %bitcast3A_1922, 1 {pack_format = #tpu.pack_format<interleaved>} : vector<32xbf16> -> vector<16xf32>
      %eq3A_1925 = arith.constant 0 : i32
      %eq3A_1926 = vector.broadcast %eq3A_1925 : i32 to vector<16xi32>
      %eq3A_1927 = arith.cmpi eq, %and3A_1577, %eq3A_1926 : vector<16xi32>
      %select_n3A_1928 = arith.select %eq3A_1927, %unpack3A_1923, %unpack3A_1924 : vector<16xi1>, vector<16xf32>
      %add3A_1929 = arith.constant 14 : i32
      %add3A_1930 = vector.broadcast %add3A_1929 : i32 to vector<16xi32>
      %add3A_1931 = arith.addi %shift_left3A_1573, %add3A_1930 : vector<16xi32>
      %gather3A_1932 = tpu.vector_load_idx %arg12[%add3A_1553, %add3A_1931] : memref<256x128xf32, #tpu.memory_space<vmem>>[vector<16xi32>, vector<16xi32>], vector<16xf32>,
      %bitcast3A_1933 = vector.bitcast %gather3A_1932 : vector<16xf32> to vector<32xbf16>
      %unpack3A_1934 = tpu.unpack_subelements %bitcast3A_1933, 0 {pack_format = #tpu.pack_format<interleaved>} : vector<32xbf16> -> vector<16xf32>
      %unpack3A_1935 = tpu.unpack_subelements %bitcast3A_1933, 1 {pack_format = #tpu.pack_format<interleaved>} : vector<32xbf16> -> vector<16xf32>
      %eq3A_1936 = arith.constant 0 : i32
      %eq3A_1937 = vector.broadcast %eq3A_1936 : i32 to vector<16xi32>
      %eq3A_1938 = arith.cmpi eq, %and3A_1581, %eq3A_1937 : vector<16xi32>
      %select_n3A_1939 = arith.select %eq3A_1938, %unpack3A_1934, %unpack3A_1935 : vector<16xi1>, vector<16xf32>
      %mul3A_1940 = arith.mulf %select_n3A_1928, %select_n3A_1939 : vector<16xf32>
      %add3A_1941 = arith.addf %add3A_1917, %mul3A_1940 : vector<16xf32>
      %add3A_1942 = arith.constant 15 : i32
      %add3A_1943 = vector.broadcast %add3A_1942 : i32 to vector<16xi32>
      %add3A_1944 = arith.addi %shift_left3A_1567, %add3A_1943 : vector<16xi32>
      %gather3A_1945 = tpu.vector_load_idx %arg11[%add3A_1553, %add3A_1944] : memref<256x128xf32, #tpu.memory_space<vmem>>[vector<16xi32>, vector<16xi32>], vector<16xf32>,
      %bitcast3A_1946 = vector.bitcast %gather3A_1945 : vector<16xf32> to vector<32xbf16>
      %unpack3A_1947 = tpu.unpack_subelements %bitcast3A_1946, 0 {pack_format = #tpu.pack_format<interleaved>} : vector<32xbf16> -> vector<16xf32>
      %unpack3A_1948 = tpu.unpack_subelements %bitcast3A_1946, 1 {pack_format = #tpu.pack_format<interleaved>} : vector<32xbf16> -> vector<16xf32>
      %eq3A_1949 = arith.constant 0 : i32
      %eq3A_1950 = vector.broadcast %eq3A_1949 : i32 to vector<16xi32>
      %eq3A_1951 = arith.cmpi eq, %and3A_1577, %eq3A_1950 : vector<16xi32>
      %select_n3A_1952 = arith.select %eq3A_1951, %unpack3A_1947, %unpack3A_1948 : vector<16xi1>, vector<16xf32>
      %add3A_1953 = arith.constant 15 : i32
      %add3A_1954 = vector.broadcast %add3A_1953 : i32 to vector<16xi32>
      %add3A_1955 = arith.addi %shift_left3A_1573, %add3A_1954 : vector<16xi32>
      %gather3A_1956 = tpu.vector_load_idx %arg12[%add3A_1553, %add3A_1955] : memref<256x128xf32, #tpu.memory_space<vmem>>[vector<16xi32>, vector<16xi32>], vector<16xf32>,
      %bitcast3A_1957 = vector.bitcast %gather3A_1956 : vector<16xf32> to vector<32xbf16>
      %unpack3A_1958 = tpu.unpack_subelements %bitcast3A_1957, 0 {pack_format = #tpu.pack_format<interleaved>} : vector<32xbf16> -> vector<16xf32>
      %unpack3A_1959 = tpu.unpack_subelements %bitcast3A_1957, 1 {pack_format = #tpu.pack_format<interleaved>} : vector<32xbf16> -> vector<16xf32>
      %eq3A_1960 = arith.constant 0 : i32
      %eq3A_1961 = vector.broadcast %eq3A_1960 : i32 to vector<16xi32>
      %eq3A_1962 = arith.cmpi eq, %and3A_1581, %eq3A_1961 : vector<16xi32>
      %select_n3A_1963 = arith.select %eq3A_1962, %unpack3A_1958, %unpack3A_1959 : vector<16xi1>, vector<16xf32>
      %mul3A_1964 = arith.mulf %select_n3A_1952, %select_n3A_1963 : vector<16xf32>
      %add3A_1965 = arith.addf %add3A_1941, %mul3A_1964 : vector<16xf32>
      %add3A_1966 = arith.constant 16 : i32
      %add3A_1967 = vector.broadcast %add3A_1966 : i32 to vector<16xi32>
      %add3A_1968 = arith.addi %shift_left3A_1567, %add3A_1967 : vector<16xi32>
      %gather3A_1969 = tpu.vector_load_idx %arg11[%add3A_1553, %add3A_1968] : memref<256x128xf32, #tpu.memory_space<vmem>>[vector<16xi32>, vector<16xi32>], vector<16xf32>,
      %bitcast3A_1970 = vector.bitcast %gather3A_1969 : vector<16xf32> to vector<32xbf16>
      %unpack3A_1971 = tpu.unpack_subelements %bitcast3A_1970, 0 {pack_format = #tpu.pack_format<interleaved>} : vector<32xbf16> -> vector<16xf32>
      %unpack3A_1972 = tpu.unpack_subelements %bitcast3A_1970, 1 {pack_format = #tpu.pack_format<interleaved>} : vector<32xbf16> -> vector<16xf32>
      %eq3A_1973 = arith.constant 0 : i32
      %eq3A_1974 = vector.broadcast %eq3A_1973 : i32 to vector<16xi32>
      %eq3A_1975 = arith.cmpi eq, %and3A_1577, %eq3A_1974 : vector<16xi32>
      %select_n3A_1976 = arith.select %eq3A_1975, %unpack3A_1971, %unpack3A_1972 : vector<16xi1>, vector<16xf32>
      %add3A_1977 = arith.constant 16 : i32
      %add3A_1978 = vector.broadcast %add3A_1977 : i32 to vector<16xi32>
      %add3A_1979 = arith.addi %shift_left3A_1573, %add3A_1978 : vector<16xi32>
      %gather3A_1980 = tpu.vector_load_idx %arg12[%add3A_1553, %add3A_1979] : memref<256x128xf32, #tpu.memory_space<vmem>>[vector<16xi32>, vector<16xi32>], vector<16xf32>,
      %bitcast3A_1981 = vector.bitcast %gather3A_1980 : vector<16xf32> to vector<32xbf16>
      %unpack3A_1982 = tpu.unpack_subelements %bitcast3A_1981, 0 {pack_format = #tpu.pack_format<interleaved>} : vector<32xbf16> -> vector<16xf32>
      %unpack3A_1983 = tpu.unpack_subelements %bitcast3A_1981, 1 {pack_format = #tpu.pack_format<interleaved>} : vector<32xbf16> -> vector<16xf32>
      %eq3A_1984 = arith.constant 0 : i32
      %eq3A_1985 = vector.broadcast %eq3A_1984 : i32 to vector<16xi32>
      %eq3A_1986 = arith.cmpi eq, %and3A_1581, %eq3A_1985 : vector<16xi32>
      %select_n3A_1987 = arith.select %eq3A_1986, %unpack3A_1982, %unpack3A_1983 : vector<16xi1>, vector<16xf32>
      %mul3A_1988 = arith.mulf %select_n3A_1976, %select_n3A_1987 : vector<16xf32>
      %add3A_1989 = arith.addf %add3A_1965, %mul3A_1988 : vector<16xf32>
      %add3A_1990 = arith.constant 17 : i32
      %add3A_1991 = vector.broadcast %add3A_1990 : i32 to vector<16xi32>
      %add3A_1992 = arith.addi %shift_left3A_1567, %add3A_1991 : vector<16xi32>
      %gather3A_1993 = tpu.vector_load_idx %arg11[%add3A_1553, %add3A_1992] : memref<256x128xf32, #tpu.memory_space<vmem>>[vector<16xi32>, vector<16xi32>], vector<16xf32>,
      %bitcast3A_1994 = vector.bitcast %gather3A_1993 : vector<16xf32> to vector<32xbf16>
      %unpack3A_1995 = tpu.unpack_subelements %bitcast3A_1994, 0 {pack_format = #tpu.pack_format<interleaved>} : vector<32xbf16> -> vector<16xf32>
      %unpack3A_1996 = tpu.unpack_subelements %bitcast3A_1994, 1 {pack_format = #tpu.pack_format<interleaved>} : vector<32xbf16> -> vector<16xf32>
      %eq3A_1997 = arith.constant 0 : i32
      %eq3A_1998 = vector.broadcast %eq3A_1997 : i32 to vector<16xi32>
      %eq3A_1999 = arith.cmpi eq, %and3A_1577, %eq3A_1998 : vector<16xi32>
      %select_n3A_2000 = arith.select %eq3A_1999, %unpack3A_1995, %unpack3A_1996 : vector<16xi1>, vector<16xf32>
      %add3A_2001 = arith.constant 17 : i32
      %add3A_2002 = vector.broadcast %add3A_2001 : i32 to vector<16xi32>
      %add3A_2003 = arith.addi %shift_left3A_1573, %add3A_2002 : vector<16xi32>
      %gather3A_2004 = tpu.vector_load_idx %arg12[%add3A_1553, %add3A_2003] : memref<256x128xf32, #tpu.memory_space<vmem>>[vector<16xi32>, vector<16xi32>], vector<16xf32>,
      %bitcast3A_2005 = vector.bitcast %gather3A_2004 : vector<16xf32> to vector<32xbf16>
      %unpack3A_2006 = tpu.unpack_subelements %bitcast3A_2005, 0 {pack_format = #tpu.pack_format<interleaved>} : vector<32xbf16> -> vector<16xf32>
      %unpack3A_2007 = tpu.unpack_subelements %bitcast3A_2005, 1 {pack_format = #tpu.pack_format<interleaved>} : vector<32xbf16> -> vector<16xf32>
      %eq3A_2008 = arith.constant 0 : i32
      %eq3A_2009 = vector.broadcast %eq3A_2008 : i32 to vector<16xi32>
      %eq3A_2010 = arith.cmpi eq, %and3A_1581, %eq3A_2009 : vector<16xi32>
      %select_n3A_2011 = arith.select %eq3A_2010, %unpack3A_2006, %unpack3A_2007 : vector<16xi1>, vector<16xf32>
      %mul3A_2012 = arith.mulf %select_n3A_2000, %select_n3A_2011 : vector<16xf32>
      %add3A_2013 = arith.addf %add3A_1989, %mul3A_2012 : vector<16xf32>
      %add3A_2014 = arith.constant 18 : i32
      %add3A_2015 = vector.broadcast %add3A_2014 : i32 to vector<16xi32>
      %add3A_2016 = arith.addi %shift_left3A_1567, %add3A_2015 : vector<16xi32>
      %gather3A_2017 = tpu.vector_load_idx %arg11[%add3A_1553, %add3A_2016] : memref<256x128xf32, #tpu.memory_space<vmem>>[vector<16xi32>, vector<16xi32>], vector<16xf32>,
      %bitcast3A_2018 = vector.bitcast %gather3A_2017 : vector<16xf32> to vector<32xbf16>
      %unpack3A_2019 = tpu.unpack_subelements %bitcast3A_2018, 0 {pack_format = #tpu.pack_format<interleaved>} : vector<32xbf16> -> vector<16xf32>
      %unpack3A_2020 = tpu.unpack_subelements %bitcast3A_2018, 1 {pack_format = #tpu.pack_format<interleaved>} : vector<32xbf16> -> vector<16xf32>
      %eq3A_2021 = arith.constant 0 : i32
      %eq3A_2022 = vector.broadcast %eq3A_2021 : i32 to vector<16xi32>
      %eq3A_2023 = arith.cmpi eq, %and3A_1577, %eq3A_2022 : vector<16xi32>
      %select_n3A_2024 = arith.select %eq3A_2023, %unpack3A_2019, %unpack3A_2020 : vector<16xi1>, vector<16xf32>
      %add3A_2025 = arith.constant 18 : i32
      %add3A_2026 = vector.broadcast %add3A_2025 : i32 to vector<16xi32>
      %add3A_2027 = arith.addi %shift_left3A_1573, %add3A_2026 : vector<16xi32>
      %gather3A_2028 = tpu.vector_load_idx %arg12[%add3A_1553, %add3A_2027] : memref<256x128xf32, #tpu.memory_space<vmem>>[vector<16xi32>, vector<16xi32>], vector<16xf32>,
      %bitcast3A_2029 = vector.bitcast %gather3A_2028 : vector<16xf32> to vector<32xbf16>
      %unpack3A_2030 = tpu.unpack_subelements %bitcast3A_2029, 0 {pack_format = #tpu.pack_format<interleaved>} : vector<32xbf16> -> vector<16xf32>
      %unpack3A_2031 = tpu.unpack_subelements %bitcast3A_2029, 1 {pack_format = #tpu.pack_format<interleaved>} : vector<32xbf16> -> vector<16xf32>
      %eq3A_2032 = arith.constant 0 : i32
      %eq3A_2033 = vector.broadcast %eq3A_2032 : i32 to vector<16xi32>
      %eq3A_2034 = arith.cmpi eq, %and3A_1581, %eq3A_2033 : vector<16xi32>
      %select_n3A_2035 = arith.select %eq3A_2034, %unpack3A_2030, %unpack3A_2031 : vector<16xi1>, vector<16xf32>
      %mul3A_2036 = arith.mulf %select_n3A_2024, %select_n3A_2035 : vector<16xf32>
      %add3A_2037 = arith.addf %add3A_2013, %mul3A_2036 : vector<16xf32>
      %add3A_2038 = arith.constant 19 : i32
      %add3A_2039 = vector.broadcast %add3A_2038 : i32 to vector<16xi32>
      %add3A_2040 = arith.addi %shift_left3A_1567, %add3A_2039 : vector<16xi32>
      %gather3A_2041 = tpu.vector_load_idx %arg11[%add3A_1553, %add3A_2040] : memref<256x128xf32, #tpu.memory_space<vmem>>[vector<16xi32>, vector<16xi32>], vector<16xf32>,
      %bitcast3A_2042 = vector.bitcast %gather3A_2041 : vector<16xf32> to vector<32xbf16>
      %unpack3A_2043 = tpu.unpack_subelements %bitcast3A_2042, 0 {pack_format = #tpu.pack_format<interleaved>} : vector<32xbf16> -> vector<16xf32>
      %unpack3A_2044 = tpu.unpack_subelements %bitcast3A_2042, 1 {pack_format = #tpu.pack_format<interleaved>} : vector<32xbf16> -> vector<16xf32>
      %eq3A_2045 = arith.constant 0 : i32
      %eq3A_2046 = vector.broadcast %eq3A_2045 : i32 to vector<16xi32>
      %eq3A_2047 = arith.cmpi eq, %and3A_1577, %eq3A_2046 : vector<16xi32>
      %select_n3A_2048 = arith.select %eq3A_2047, %unpack3A_2043, %unpack3A_2044 : vector<16xi1>, vector<16xf32>
      %add3A_2049 = arith.constant 19 : i32
      %add3A_2050 = vector.broadcast %add3A_2049 : i32 to vector<16xi32>
      %add3A_2051 = arith.addi %shift_left3A_1573, %add3A_2050 : vector<16xi32>
      %gather3A_2052 = tpu.vector_load_idx %arg12[%add3A_1553, %add3A_2051] : memref<256x128xf32, #tpu.memory_space<vmem>>[vector<16xi32>, vector<16xi32>], vector<16xf32>,
      %bitcast3A_2053 = vector.bitcast %gather3A_2052 : vector<16xf32> to vector<32xbf16>
      %unpack3A_2054 = tpu.unpack_subelements %bitcast3A_2053, 0 {pack_format = #tpu.pack_format<interleaved>} : vector<32xbf16> -> vector<16xf32>
      %unpack3A_2055 = tpu.unpack_subelements %bitcast3A_2053, 1 {pack_format = #tpu.pack_format<interleaved>} : vector<32xbf16> -> vector<16xf32>
      %eq3A_2056 = arith.constant 0 : i32
      %eq3A_2057 = vector.broadcast %eq3A_2056 : i32 to vector<16xi32>
      %eq3A_2058 = arith.cmpi eq, %and3A_1581, %eq3A_2057 : vector<16xi32>
      %select_n3A_2059 = arith.select %eq3A_2058, %unpack3A_2054, %unpack3A_2055 : vector<16xi1>, vector<16xf32>
      %mul3A_2060 = arith.mulf %select_n3A_2048, %select_n3A_2059 : vector<16xf32>
      %add3A_2061 = arith.addf %add3A_2037, %mul3A_2060 : vector<16xf32>
      %add3A_2062 = arith.constant 20 : i32
      %add3A_2063 = vector.broadcast %add3A_2062 : i32 to vector<16xi32>
      %add3A_2064 = arith.addi %shift_left3A_1567, %add3A_2063 : vector<16xi32>
      %gather3A_2065 = tpu.vector_load_idx %arg11[%add3A_1553, %add3A_2064] : memref<256x128xf32, #tpu.memory_space<vmem>>[vector<16xi32>, vector<16xi32>], vector<16xf32>,
      %bitcast3A_2066 = vector.bitcast %gather3A_2065 : vector<16xf32> to vector<32xbf16>
      %unpack3A_2067 = tpu.unpack_subelements %bitcast3A_2066, 0 {pack_format = #tpu.pack_format<interleaved>} : vector<32xbf16> -> vector<16xf32>
      %unpack3A_2068 = tpu.unpack_subelements %bitcast3A_2066, 1 {pack_format = #tpu.pack_format<interleaved>} : vector<32xbf16> -> vector<16xf32>
      %eq3A_2069 = arith.constant 0 : i32
      %eq3A_2070 = vector.broadcast %eq3A_2069 : i32 to vector<16xi32>
      %eq3A_2071 = arith.cmpi eq, %and3A_1577, %eq3A_2070 : vector<16xi32>
      %select_n3A_2072 = arith.select %eq3A_2071, %unpack3A_2067, %unpack3A_2068 : vector<16xi1>, vector<16xf32>
      %add3A_2073 = arith.constant 20 : i32
      %add3A_2074 = vector.broadcast %add3A_2073 : i32 to vector<16xi32>
      %add3A_2075 = arith.addi %shift_left3A_1573, %add3A_2074 : vector<16xi32>
      %gather3A_2076 = tpu.vector_load_idx %arg12[%add3A_1553, %add3A_2075] : memref<256x128xf32, #tpu.memory_space<vmem>>[vector<16xi32>, vector<16xi32>], vector<16xf32>,
      %bitcast3A_2077 = vector.bitcast %gather3A_2076 : vector<16xf32> to vector<32xbf16>
      %unpack3A_2078 = tpu.unpack_subelements %bitcast3A_2077, 0 {pack_format = #tpu.pack_format<interleaved>} : vector<32xbf16> -> vector<16xf32>
      %unpack3A_2079 = tpu.unpack_subelements %bitcast3A_2077, 1 {pack_format = #tpu.pack_format<interleaved>} : vector<32xbf16> -> vector<16xf32>
      %eq3A_2080 = arith.constant 0 : i32
      %eq3A_2081 = vector.broadcast %eq3A_2080 : i32 to vector<16xi32>
      %eq3A_2082 = arith.cmpi eq, %and3A_1581, %eq3A_2081 : vector<16xi32>
      %select_n3A_2083 = arith.select %eq3A_2082, %unpack3A_2078, %unpack3A_2079 : vector<16xi1>, vector<16xf32>
      %mul3A_2084 = arith.mulf %select_n3A_2072, %select_n3A_2083 : vector<16xf32>
      %add3A_2085 = arith.addf %add3A_2061, %mul3A_2084 : vector<16xf32>
      %add3A_2086 = arith.constant 21 : i32
      %add3A_2087 = vector.broadcast %add3A_2086 : i32 to vector<16xi32>
      %add3A_2088 = arith.addi %shift_left3A_1567, %add3A_2087 : vector<16xi32>
      %gather3A_2089 = tpu.vector_load_idx %arg11[%add3A_1553, %add3A_2088] : memref<256x128xf32, #tpu.memory_space<vmem>>[vector<16xi32>, vector<16xi32>], vector<16xf32>,
      %bitcast3A_2090 = vector.bitcast %gather3A_2089 : vector<16xf32> to vector<32xbf16>
      %unpack3A_2091 = tpu.unpack_subelements %bitcast3A_2090, 0 {pack_format = #tpu.pack_format<interleaved>} : vector<32xbf16> -> vector<16xf32>
      %unpack3A_2092 = tpu.unpack_subelements %bitcast3A_2090, 1 {pack_format = #tpu.pack_format<interleaved>} : vector<32xbf16> -> vector<16xf32>
      %eq3A_2093 = arith.constant 0 : i32
      %eq3A_2094 = vector.broadcast %eq3A_2093 : i32 to vector<16xi32>
      %eq3A_2095 = arith.cmpi eq, %and3A_1577, %eq3A_2094 : vector<16xi32>
      %select_n3A_2096 = arith.select %eq3A_2095, %unpack3A_2091, %unpack3A_2092 : vector<16xi1>, vector<16xf32>
      %add3A_2097 = arith.constant 21 : i32
      %add3A_2098 = vector.broadcast %add3A_2097 : i32 to vector<16xi32>
      %add3A_2099 = arith.addi %shift_left3A_1573, %add3A_2098 : vector<16xi32>
      %gather3A_2100 = tpu.vector_load_idx %arg12[%add3A_1553, %add3A_2099] : memref<256x128xf32, #tpu.memory_space<vmem>>[vector<16xi32>, vector<16xi32>], vector<16xf32>,
      %bitcast3A_2101 = vector.bitcast %gather3A_2100 : vector<16xf32> to vector<32xbf16>
      %unpack3A_2102 = tpu.unpack_subelements %bitcast3A_2101, 0 {pack_format = #tpu.pack_format<interleaved>} : vector<32xbf16> -> vector<16xf32>
      %unpack3A_2103 = tpu.unpack_subelements %bitcast3A_2101, 1 {pack_format = #tpu.pack_format<interleaved>} : vector<32xbf16> -> vector<16xf32>
      %eq3A_2104 = arith.constant 0 : i32
      %eq3A_2105 = vector.broadcast %eq3A_2104 : i32 to vector<16xi32>
      %eq3A_2106 = arith.cmpi eq, %and3A_1581, %eq3A_2105 : vector<16xi32>
      %select_n3A_2107 = arith.select %eq3A_2106, %unpack3A_2102, %unpack3A_2103 : vector<16xi1>, vector<16xf32>
      %mul3A_2108 = arith.mulf %select_n3A_2096, %select_n3A_2107 : vector<16xf32>
      %add3A_2109 = arith.addf %add3A_2085, %mul3A_2108 : vector<16xf32>
      %add3A_2110 = arith.constant 22 : i32
      %add3A_2111 = vector.broadcast %add3A_2110 : i32 to vector<16xi32>
      %add3A_2112 = arith.addi %shift_left3A_1567, %add3A_2111 : vector<16xi32>
      %gather3A_2113 = tpu.vector_load_idx %arg11[%add3A_1553, %add3A_2112] : memref<256x128xf32, #tpu.memory_space<vmem>>[vector<16xi32>, vector<16xi32>], vector<16xf32>,
      %bitcast3A_2114 = vector.bitcast %gather3A_2113 : vector<16xf32> to vector<32xbf16>
      %unpack3A_2115 = tpu.unpack_subelements %bitcast3A_2114, 0 {pack_format = #tpu.pack_format<interleaved>} : vector<32xbf16> -> vector<16xf32>
      %unpack3A_2116 = tpu.unpack_subelements %bitcast3A_2114, 1 {pack_format = #tpu.pack_format<interleaved>} : vector<32xbf16> -> vector<16xf32>
      %eq3A_2117 = arith.constant 0 : i32
      %eq3A_2118 = vector.broadcast %eq3A_2117 : i32 to vector<16xi32>
      %eq3A_2119 = arith.cmpi eq, %and3A_1577, %eq3A_2118 : vector<16xi32>
      %select_n3A_2120 = arith.select %eq3A_2119, %unpack3A_2115, %unpack3A_2116 : vector<16xi1>, vector<16xf32>
      %add3A_2121 = arith.constant 22 : i32
      %add3A_2122 = vector.broadcast %add3A_2121 : i32 to vector<16xi32>
      %add3A_2123 = arith.addi %shift_left3A_1573, %add3A_2122 : vector<16xi32>
      %gather3A_2124 = tpu.vector_load_idx %arg12[%add3A_1553, %add3A_2123] : memref<256x128xf32, #tpu.memory_space<vmem>>[vector<16xi32>, vector<16xi32>], vector<16xf32>,
      %bitcast3A_2125 = vector.bitcast %gather3A_2124 : vector<16xf32> to vector<32xbf16>
      %unpack3A_2126 = tpu.unpack_subelements %bitcast3A_2125, 0 {pack_format = #tpu.pack_format<interleaved>} : vector<32xbf16> -> vector<16xf32>
      %unpack3A_2127 = tpu.unpack_subelements %bitcast3A_2125, 1 {pack_format = #tpu.pack_format<interleaved>} : vector<32xbf16> -> vector<16xf32>
      %eq3A_2128 = arith.constant 0 : i32
      %eq3A_2129 = vector.broadcast %eq3A_2128 : i32 to vector<16xi32>
      %eq3A_2130 = arith.cmpi eq, %and3A_1581, %eq3A_2129 : vector<16xi32>
      %select_n3A_2131 = arith.select %eq3A_2130, %unpack3A_2126, %unpack3A_2127 : vector<16xi1>, vector<16xf32>
      %mul3A_2132 = arith.mulf %select_n3A_2120, %select_n3A_2131 : vector<16xf32>
      %add3A_2133 = arith.addf %add3A_2109, %mul3A_2132 : vector<16xf32>
      %add3A_2134 = arith.constant 23 : i32
      %add3A_2135 = vector.broadcast %add3A_2134 : i32 to vector<16xi32>
      %add3A_2136 = arith.addi %shift_left3A_1567, %add3A_2135 : vector<16xi32>
      %gather3A_2137 = tpu.vector_load_idx %arg11[%add3A_1553, %add3A_2136] : memref<256x128xf32, #tpu.memory_space<vmem>>[vector<16xi32>, vector<16xi32>], vector<16xf32>,
      %bitcast3A_2138 = vector.bitcast %gather3A_2137 : vector<16xf32> to vector<32xbf16>
      %unpack3A_2139 = tpu.unpack_subelements %bitcast3A_2138, 0 {pack_format = #tpu.pack_format<interleaved>} : vector<32xbf16> -> vector<16xf32>
      %unpack3A_2140 = tpu.unpack_subelements %bitcast3A_2138, 1 {pack_format = #tpu.pack_format<interleaved>} : vector<32xbf16> -> vector<16xf32>
      %eq3A_2141 = arith.constant 0 : i32
      %eq3A_2142 = vector.broadcast %eq3A_2141 : i32 to vector<16xi32>
      %eq3A_2143 = arith.cmpi eq, %and3A_1577, %eq3A_2142 : vector<16xi32>
      %select_n3A_2144 = arith.select %eq3A_2143, %unpack3A_2139, %unpack3A_2140 : vector<16xi1>, vector<16xf32>
      %add3A_2145 = arith.constant 23 : i32
      %add3A_2146 = vector.broadcast %add3A_2145 : i32 to vector<16xi32>
      %add3A_2147 = arith.addi %shift_left3A_1573, %add3A_2146 : vector<16xi32>
      %gather3A_2148 = tpu.vector_load_idx %arg12[%add3A_1553, %add3A_2147] : memref<256x128xf32, #tpu.memory_space<vmem>>[vector<16xi32>, vector<16xi32>], vector<16xf32>,
      %bitcast3A_2149 = vector.bitcast %gather3A_2148 : vector<16xf32> to vector<32xbf16>
      %unpack3A_2150 = tpu.unpack_subelements %bitcast3A_2149, 0 {pack_format = #tpu.pack_format<interleaved>} : vector<32xbf16> -> vector<16xf32>
      %unpack3A_2151 = tpu.unpack_subelements %bitcast3A_2149, 1 {pack_format = #tpu.pack_format<interleaved>} : vector<32xbf16> -> vector<16xf32>
      %eq3A_2152 = arith.constant 0 : i32
      %eq3A_2153 = vector.broadcast %eq3A_2152 : i32 to vector<16xi32>
      %eq3A_2154 = arith.cmpi eq, %and3A_1581, %eq3A_2153 : vector<16xi32>
      %select_n3A_2155 = arith.select %eq3A_2154, %unpack3A_2150, %unpack3A_2151 : vector<16xi1>, vector<16xf32>
      %mul3A_2156 = arith.mulf %select_n3A_2144, %select_n3A_2155 : vector<16xf32>
      %add3A_2157 = arith.addf %add3A_2133, %mul3A_2156 : vector<16xf32>
      %add3A_2158 = arith.constant 24 : i32
      %add3A_2159 = vector.broadcast %add3A_2158 : i32 to vector<16xi32>
      %add3A_2160 = arith.addi %shift_left3A_1567, %add3A_2159 : vector<16xi32>
      %gather3A_2161 = tpu.vector_load_idx %arg11[%add3A_1553, %add3A_2160] : memref<256x128xf32, #tpu.memory_space<vmem>>[vector<16xi32>, vector<16xi32>], vector<16xf32>,
      %bitcast3A_2162 = vector.bitcast %gather3A_2161 : vector<16xf32> to vector<32xbf16>
      %unpack3A_2163 = tpu.unpack_subelements %bitcast3A_2162, 0 {pack_format = #tpu.pack_format<interleaved>} : vector<32xbf16> -> vector<16xf32>
      %unpack3A_2164 = tpu.unpack_subelements %bitcast3A_2162, 1 {pack_format = #tpu.pack_format<interleaved>} : vector<32xbf16> -> vector<16xf32>
      %eq3A_2165 = arith.constant 0 : i32
      %eq3A_2166 = vector.broadcast %eq3A_2165 : i32 to vector<16xi32>
      %eq3A_2167 = arith.cmpi eq, %and3A_1577, %eq3A_2166 : vector<16xi32>
      %select_n3A_2168 = arith.select %eq3A_2167, %unpack3A_2163, %unpack3A_2164 : vector<16xi1>, vector<16xf32>
      %add3A_2169 = arith.constant 24 : i32
      %add3A_2170 = vector.broadcast %add3A_2169 : i32 to vector<16xi32>
      %add3A_2171 = arith.addi %shift_left3A_1573, %add3A_2170 : vector<16xi32>
      %gather3A_2172 = tpu.vector_load_idx %arg12[%add3A_1553, %add3A_2171] : memref<256x128xf32, #tpu.memory_space<vmem>>[vector<16xi32>, vector<16xi32>], vector<16xf32>,
      %bitcast3A_2173 = vector.bitcast %gather3A_2172 : vector<16xf32> to vector<32xbf16>
      %unpack3A_2174 = tpu.unpack_subelements %bitcast3A_2173, 0 {pack_format = #tpu.pack_format<interleaved>} : vector<32xbf16> -> vector<16xf32>
      %unpack3A_2175 = tpu.unpack_subelements %bitcast3A_2173, 1 {pack_format = #tpu.pack_format<interleaved>} : vector<32xbf16> -> vector<16xf32>
      %eq3A_2176 = arith.constant 0 : i32
      %eq3A_2177 = vector.broadcast %eq3A_2176 : i32 to vector<16xi32>
      %eq3A_2178 = arith.cmpi eq, %and3A_1581, %eq3A_2177 : vector<16xi32>
      %select_n3A_2179 = arith.select %eq3A_2178, %unpack3A_2174, %unpack3A_2175 : vector<16xi1>, vector<16xf32>
      %mul3A_2180 = arith.mulf %select_n3A_2168, %select_n3A_2179 : vector<16xf32>
      %add3A_2181 = arith.addf %add3A_2157, %mul3A_2180 : vector<16xf32>
      %add3A_2182 = arith.constant 25 : i32
      %add3A_2183 = vector.broadcast %add3A_2182 : i32 to vector<16xi32>
      %add3A_2184 = arith.addi %shift_left3A_1567, %add3A_2183 : vector<16xi32>
      %gather3A_2185 = tpu.vector_load_idx %arg11[%add3A_1553, %add3A_2184] : memref<256x128xf32, #tpu.memory_space<vmem>>[vector<16xi32>, vector<16xi32>], vector<16xf32>,
      %bitcast3A_2186 = vector.bitcast %gather3A_2185 : vector<16xf32> to vector<32xbf16>
      %unpack3A_2187 = tpu.unpack_subelements %bitcast3A_2186, 0 {pack_format = #tpu.pack_format<interleaved>} : vector<32xbf16> -> vector<16xf32>
      %unpack3A_2188 = tpu.unpack_subelements %bitcast3A_2186, 1 {pack_format = #tpu.pack_format<interleaved>} : vector<32xbf16> -> vector<16xf32>
      %eq3A_2189 = arith.constant 0 : i32
      %eq3A_2190 = vector.broadcast %eq3A_2189 : i32 to vector<16xi32>
      %eq3A_2191 = arith.cmpi eq, %and3A_1577, %eq3A_2190 : vector<16xi32>
      %select_n3A_2192 = arith.select %eq3A_2191, %unpack3A_2187, %unpack3A_2188 : vector<16xi1>, vector<16xf32>
      %add3A_2193 = arith.constant 25 : i32
      %add3A_2194 = vector.broadcast %add3A_2193 : i32 to vector<16xi32>
      %add3A_2195 = arith.addi %shift_left3A_1573, %add3A_2194 : vector<16xi32>
      %gather3A_2196 = tpu.vector_load_idx %arg12[%add3A_1553, %add3A_2195] : memref<256x128xf32, #tpu.memory_space<vmem>>[vector<16xi32>, vector<16xi32>], vector<16xf32>,
      %bitcast3A_2197 = vector.bitcast %gather3A_2196 : vector<16xf32> to vector<32xbf16>
      %unpack3A_2198 = tpu.unpack_subelements %bitcast3A_2197, 0 {pack_format = #tpu.pack_format<interleaved>} : vector<32xbf16> -> vector<16xf32>
      %unpack3A_2199 = tpu.unpack_subelements %bitcast3A_2197, 1 {pack_format = #tpu.pack_format<interleaved>} : vector<32xbf16> -> vector<16xf32>
      %eq3A_2200 = arith.constant 0 : i32
      %eq3A_2201 = vector.broadcast %eq3A_2200 : i32 to vector<16xi32>
      %eq3A_2202 = arith.cmpi eq, %and3A_1581, %eq3A_2201 : vector<16xi32>
      %select_n3A_2203 = arith.select %eq3A_2202, %unpack3A_2198, %unpack3A_2199 : vector<16xi1>, vector<16xf32>
      %mul3A_2204 = arith.mulf %select_n3A_2192, %select_n3A_2203 : vector<16xf32>
      %add3A_2205 = arith.addf %add3A_2181, %mul3A_2204 : vector<16xf32>
      %add3A_2206 = arith.constant 26 : i32
      %add3A_2207 = vector.broadcast %add3A_2206 : i32 to vector<16xi32>
      %add3A_2208 = arith.addi %shift_left3A_1567, %add3A_2207 : vector<16xi32>
      %gather3A_2209 = tpu.vector_load_idx %arg11[%add3A_1553, %add3A_2208] : memref<256x128xf32, #tpu.memory_space<vmem>>[vector<16xi32>, vector<16xi32>], vector<16xf32>,
      %bitcast3A_2210 = vector.bitcast %gather3A_2209 : vector<16xf32> to vector<32xbf16>
      %unpack3A_2211 = tpu.unpack_subelements %bitcast3A_2210, 0 {pack_format = #tpu.pack_format<interleaved>} : vector<32xbf16> -> vector<16xf32>
      %unpack3A_2212 = tpu.unpack_subelements %bitcast3A_2210, 1 {pack_format = #tpu.pack_format<interleaved>} : vector<32xbf16> -> vector<16xf32>
      %eq3A_2213 = arith.constant 0 : i32
      %eq3A_2214 = vector.broadcast %eq3A_2213 : i32 to vector<16xi32>
      %eq3A_2215 = arith.cmpi eq, %and3A_1577, %eq3A_2214 : vector<16xi32>
      %select_n3A_2216 = arith.select %eq3A_2215, %unpack3A_2211, %unpack3A_2212 : vector<16xi1>, vector<16xf32>
      %add3A_2217 = arith.constant 26 : i32
      %add3A_2218 = vector.broadcast %add3A_2217 : i32 to vector<16xi32>
      %add3A_2219 = arith.addi %shift_left3A_1573, %add3A_2218 : vector<16xi32>
      %gather3A_2220 = tpu.vector_load_idx %arg12[%add3A_1553, %add3A_2219] : memref<256x128xf32, #tpu.memory_space<vmem>>[vector<16xi32>, vector<16xi32>], vector<16xf32>,
      %bitcast3A_2221 = vector.bitcast %gather3A_2220 : vector<16xf32> to vector<32xbf16>
      %unpack3A_2222 = tpu.unpack_subelements %bitcast3A_2221, 0 {pack_format = #tpu.pack_format<interleaved>} : vector<32xbf16> -> vector<16xf32>
      %unpack3A_2223 = tpu.unpack_subelements %bitcast3A_2221, 1 {pack_format = #tpu.pack_format<interleaved>} : vector<32xbf16> -> vector<16xf32>
      %eq3A_2224 = arith.constant 0 : i32
      %eq3A_2225 = vector.broadcast %eq3A_2224 : i32 to vector<16xi32>
      %eq3A_2226 = arith.cmpi eq, %and3A_1581, %eq3A_2225 : vector<16xi32>
      %select_n3A_2227 = arith.select %eq3A_2226, %unpack3A_2222, %unpack3A_2223 : vector<16xi1>, vector<16xf32>
      %mul3A_2228 = arith.mulf %select_n3A_2216, %select_n3A_2227 : vector<16xf32>
      %add3A_2229 = arith.addf %add3A_2205, %mul3A_2228 : vector<16xf32>
      %add3A_2230 = arith.constant 27 : i32
      %add3A_2231 = vector.broadcast %add3A_2230 : i32 to vector<16xi32>
      %add3A_2232 = arith.addi %shift_left3A_1567, %add3A_2231 : vector<16xi32>
      %gather3A_2233 = tpu.vector_load_idx %arg11[%add3A_1553, %add3A_2232] : memref<256x128xf32, #tpu.memory_space<vmem>>[vector<16xi32>, vector<16xi32>], vector<16xf32>,
      %bitcast3A_2234 = vector.bitcast %gather3A_2233 : vector<16xf32> to vector<32xbf16>
      %unpack3A_2235 = tpu.unpack_subelements %bitcast3A_2234, 0 {pack_format = #tpu.pack_format<interleaved>} : vector<32xbf16> -> vector<16xf32>
      %unpack3A_2236 = tpu.unpack_subelements %bitcast3A_2234, 1 {pack_format = #tpu.pack_format<interleaved>} : vector<32xbf16> -> vector<16xf32>
      %eq3A_2237 = arith.constant 0 : i32
      %eq3A_2238 = vector.broadcast %eq3A_2237 : i32 to vector<16xi32>
      %eq3A_2239 = arith.cmpi eq, %and3A_1577, %eq3A_2238 : vector<16xi32>
      %select_n3A_2240 = arith.select %eq3A_2239, %unpack3A_2235, %unpack3A_2236 : vector<16xi1>, vector<16xf32>
      %add3A_2241 = arith.constant 27 : i32
      %add3A_2242 = vector.broadcast %add3A_2241 : i32 to vector<16xi32>
      %add3A_2243 = arith.addi %shift_left3A_1573, %add3A_2242 : vector<16xi32>
      %gather3A_2244 = tpu.vector_load_idx %arg12[%add3A_1553, %add3A_2243] : memref<256x128xf32, #tpu.memory_space<vmem>>[vector<16xi32>, vector<16xi32>], vector<16xf32>,
      %bitcast3A_2245 = vector.bitcast %gather3A_2244 : vector<16xf32> to vector<32xbf16>
      %unpack3A_2246 = tpu.unpack_subelements %bitcast3A_2245, 0 {pack_format = #tpu.pack_format<interleaved>} : vector<32xbf16> -> vector<16xf32>
      %unpack3A_2247 = tpu.unpack_subelements %bitcast3A_2245, 1 {pack_format = #tpu.pack_format<interleaved>} : vector<32xbf16> -> vector<16xf32>
      %eq3A_2248 = arith.constant 0 : i32
      %eq3A_2249 = vector.broadcast %eq3A_2248 : i32 to vector<16xi32>
      %eq3A_2250 = arith.cmpi eq, %and3A_1581, %eq3A_2249 : vector<16xi32>
      %select_n3A_2251 = arith.select %eq3A_2250, %unpack3A_2246, %unpack3A_2247 : vector<16xi1>, vector<16xf32>
      %mul3A_2252 = arith.mulf %select_n3A_2240, %select_n3A_2251 : vector<16xf32>
      %add3A_2253 = arith.addf %add3A_2229, %mul3A_2252 : vector<16xf32>
      %add3A_2254 = arith.constant 28 : i32
      %add3A_2255 = vector.broadcast %add3A_2254 : i32 to vector<16xi32>
      %add3A_2256 = arith.addi %shift_left3A_1567, %add3A_2255 : vector<16xi32>
      %gather3A_2257 = tpu.vector_load_idx %arg11[%add3A_1553, %add3A_2256] : memref<256x128xf32, #tpu.memory_space<vmem>>[vector<16xi32>, vector<16xi32>], vector<16xf32>,
      %bitcast3A_2258 = vector.bitcast %gather3A_2257 : vector<16xf32> to vector<32xbf16>
      %unpack3A_2259 = tpu.unpack_subelements %bitcast3A_2258, 0 {pack_format = #tpu.pack_format<interleaved>} : vector<32xbf16> -> vector<16xf32>
      %unpack3A_2260 = tpu.unpack_subelements %bitcast3A_2258, 1 {pack_format = #tpu.pack_format<interleaved>} : vector<32xbf16> -> vector<16xf32>
      %eq3A_2261 = arith.constant 0 : i32
      %eq3A_2262 = vector.broadcast %eq3A_2261 : i32 to vector<16xi32>
      %eq3A_2263 = arith.cmpi eq, %and3A_1577, %eq3A_2262 : vector<16xi32>
      %select_n3A_2264 = arith.select %eq3A_2263, %unpack3A_2259, %unpack3A_2260 : vector<16xi1>, vector<16xf32>
      %add3A_2265 = arith.constant 28 : i32
      %add3A_2266 = vector.broadcast %add3A_2265 : i32 to vector<16xi32>
      %add3A_2267 = arith.addi %shift_left3A_1573, %add3A_2266 : vector<16xi32>
      %gather3A_2268 = tpu.vector_load_idx %arg12[%add3A_1553, %add3A_2267] : memref<256x128xf32, #tpu.memory_space<vmem>>[vector<16xi32>, vector<16xi32>], vector<16xf32>,
      %bitcast3A_2269 = vector.bitcast %gather3A_2268 : vector<16xf32> to vector<32xbf16>
      %unpack3A_2270 = tpu.unpack_subelements %bitcast3A_2269, 0 {pack_format = #tpu.pack_format<interleaved>} : vector<32xbf16> -> vector<16xf32>
      %unpack3A_2271 = tpu.unpack_subelements %bitcast3A_2269, 1 {pack_format = #tpu.pack_format<interleaved>} : vector<32xbf16> -> vector<16xf32>
      %eq3A_2272 = arith.constant 0 : i32
      %eq3A_2273 = vector.broadcast %eq3A_2272 : i32 to vector<16xi32>
      %eq3A_2274 = arith.cmpi eq, %and3A_1581, %eq3A_2273 : vector<16xi32>
      %select_n3A_2275 = arith.select %eq3A_2274, %unpack3A_2270, %unpack3A_2271 : vector<16xi1>, vector<16xf32>
      %mul3A_2276 = arith.mulf %select_n3A_2264, %select_n3A_2275 : vector<16xf32>
      %add3A_2277 = arith.addf %add3A_2253, %mul3A_2276 : vector<16xf32>
      %add3A_2278 = arith.constant 29 : i32
      %add3A_2279 = vector.broadcast %add3A_2278 : i32 to vector<16xi32>
      %add3A_2280 = arith.addi %shift_left3A_1567, %add3A_2279 : vector<16xi32>
      %gather3A_2281 = tpu.vector_load_idx %arg11[%add3A_1553, %add3A_2280] : memref<256x128xf32, #tpu.memory_space<vmem>>[vector<16xi32>, vector<16xi32>], vector<16xf32>,
      %bitcast3A_2282 = vector.bitcast %gather3A_2281 : vector<16xf32> to vector<32xbf16>
      %unpack3A_2283 = tpu.unpack_subelements %bitcast3A_2282, 0 {pack_format = #tpu.pack_format<interleaved>} : vector<32xbf16> -> vector<16xf32>
      %unpack3A_2284 = tpu.unpack_subelements %bitcast3A_2282, 1 {pack_format = #tpu.pack_format<interleaved>} : vector<32xbf16> -> vector<16xf32>
      %eq3A_2285 = arith.constant 0 : i32
      %eq3A_2286 = vector.broadcast %eq3A_2285 : i32 to vector<16xi32>
      %eq3A_2287 = arith.cmpi eq, %and3A_1577, %eq3A_2286 : vector<16xi32>
      %select_n3A_2288 = arith.select %eq3A_2287, %unpack3A_2283, %unpack3A_2284 : vector<16xi1>, vector<16xf32>
      %add3A_2289 = arith.constant 29 : i32
      %add3A_2290 = vector.broadcast %add3A_2289 : i32 to vector<16xi32>
      %add3A_2291 = arith.addi %shift_left3A_1573, %add3A_2290 : vector<16xi32>
      %gather3A_2292 = tpu.vector_load_idx %arg12[%add3A_1553, %add3A_2291] : memref<256x128xf32, #tpu.memory_space<vmem>>[vector<16xi32>, vector<16xi32>], vector<16xf32>,
      %bitcast3A_2293 = vector.bitcast %gather3A_2292 : vector<16xf32> to vector<32xbf16>
      %unpack3A_2294 = tpu.unpack_subelements %bitcast3A_2293, 0 {pack_format = #tpu.pack_format<interleaved>} : vector<32xbf16> -> vector<16xf32>
      %unpack3A_2295 = tpu.unpack_subelements %bitcast3A_2293, 1 {pack_format = #tpu.pack_format<interleaved>} : vector<32xbf16> -> vector<16xf32>
      %eq3A_2296 = arith.constant 0 : i32
      %eq3A_2297 = vector.broadcast %eq3A_2296 : i32 to vector<16xi32>
      %eq3A_2298 = arith.cmpi eq, %and3A_1581, %eq3A_2297 : vector<16xi32>
      %select_n3A_2299 = arith.select %eq3A_2298, %unpack3A_2294, %unpack3A_2295 : vector<16xi1>, vector<16xf32>
      %mul3A_2300 = arith.mulf %select_n3A_2288, %select_n3A_2299 : vector<16xf32>
      %add3A_2301 = arith.addf %add3A_2277, %mul3A_2300 : vector<16xf32>
      %add3A_2302 = arith.constant 30 : i32
      %add3A_2303 = vector.broadcast %add3A_2302 : i32 to vector<16xi32>
      %add3A_2304 = arith.addi %shift_left3A_1567, %add3A_2303 : vector<16xi32>
      %gather3A_2305 = tpu.vector_load_idx %arg11[%add3A_1553, %add3A_2304] : memref<256x128xf32, #tpu.memory_space<vmem>>[vector<16xi32>, vector<16xi32>], vector<16xf32>,
      %bitcast3A_2306 = vector.bitcast %gather3A_2305 : vector<16xf32> to vector<32xbf16>
      %unpack3A_2307 = tpu.unpack_subelements %bitcast3A_2306, 0 {pack_format = #tpu.pack_format<interleaved>} : vector<32xbf16> -> vector<16xf32>
      %unpack3A_2308 = tpu.unpack_subelements %bitcast3A_2306, 1 {pack_format = #tpu.pack_format<interleaved>} : vector<32xbf16> -> vector<16xf32>
      %eq3A_2309 = arith.constant 0 : i32
      %eq3A_2310 = vector.broadcast %eq3A_2309 : i32 to vector<16xi32>
      %eq3A_2311 = arith.cmpi eq, %and3A_1577, %eq3A_2310 : vector<16xi32>
      %select_n3A_2312 = arith.select %eq3A_2311, %unpack3A_2307, %unpack3A_2308 : vector<16xi1>, vector<16xf32>
      %add3A_2313 = arith.constant 30 : i32
      %add3A_2314 = vector.broadcast %add3A_2313 : i32 to vector<16xi32>
      %add3A_2315 = arith.addi %shift_left3A_1573, %add3A_2314 : vector<16xi32>
      %gather3A_2316 = tpu.vector_load_idx %arg12[%add3A_1553, %add3A_2315] : memref<256x128xf32, #tpu.memory_space<vmem>>[vector<16xi32>, vector<16xi32>], vector<16xf32>,
      %bitcast3A_2317 = vector.bitcast %gather3A_2316 : vector<16xf32> to vector<32xbf16>
      %unpack3A_2318 = tpu.unpack_subelements %bitcast3A_2317, 0 {pack_format = #tpu.pack_format<interleaved>} : vector<32xbf16> -> vector<16xf32>
      %unpack3A_2319 = tpu.unpack_subelements %bitcast3A_2317, 1 {pack_format = #tpu.pack_format<interleaved>} : vector<32xbf16> -> vector<16xf32>
      %eq3A_2320 = arith.constant 0 : i32
      %eq3A_2321 = vector.broadcast %eq3A_2320 : i32 to vector<16xi32>
      %eq3A_2322 = arith.cmpi eq, %and3A_1581, %eq3A_2321 : vector<16xi32>
      %select_n3A_2323 = arith.select %eq3A_2322, %unpack3A_2318, %unpack3A_2319 : vector<16xi1>, vector<16xf32>
      %mul3A_2324 = arith.mulf %select_n3A_2312, %select_n3A_2323 : vector<16xf32>
      %add3A_2325 = arith.addf %add3A_2301, %mul3A_2324 : vector<16xf32>
      %add3A_2326 = arith.constant 31 : i32
      %add3A_2327 = vector.broadcast %add3A_2326 : i32 to vector<16xi32>
      %add3A_2328 = arith.addi %shift_left3A_1567, %add3A_2327 : vector<16xi32>
      %gather3A_2329 = tpu.vector_load_idx %arg11[%add3A_1553, %add3A_2328] : memref<256x128xf32, #tpu.memory_space<vmem>>[vector<16xi32>, vector<16xi32>], vector<16xf32>,
      %bitcast3A_2330 = vector.bitcast %gather3A_2329 : vector<16xf32> to vector<32xbf16>
      %unpack3A_2331 = tpu.unpack_subelements %bitcast3A_2330, 0 {pack_format = #tpu.pack_format<interleaved>} : vector<32xbf16> -> vector<16xf32>
      %unpack3A_2332 = tpu.unpack_subelements %bitcast3A_2330, 1 {pack_format = #tpu.pack_format<interleaved>} : vector<32xbf16> -> vector<16xf32>
      %eq3A_2333 = arith.constant 0 : i32
      %eq3A_2334 = vector.broadcast %eq3A_2333 : i32 to vector<16xi32>
      %eq3A_2335 = arith.cmpi eq, %and3A_1577, %eq3A_2334 : vector<16xi32>
      %select_n3A_2336 = arith.select %eq3A_2335, %unpack3A_2331, %unpack3A_2332 : vector<16xi1>, vector<16xf32>
      %add3A_2337 = arith.constant 31 : i32
      %add3A_2338 = vector.broadcast %add3A_2337 : i32 to vector<16xi32>
      %add3A_2339 = arith.addi %shift_left3A_1573, %add3A_2338 : vector<16xi32>
      %gather3A_2340 = tpu.vector_load_idx %arg12[%add3A_1553, %add3A_2339] : memref<256x128xf32, #tpu.memory_space<vmem>>[vector<16xi32>, vector<16xi32>], vector<16xf32>,
      %bitcast3A_2341 = vector.bitcast %gather3A_2340 : vector<16xf32> to vector<32xbf16>
      %unpack3A_2342 = tpu.unpack_subelements %bitcast3A_2341, 0 {pack_format = #tpu.pack_format<interleaved>} : vector<32xbf16> -> vector<16xf32>
      %unpack3A_2343 = tpu.unpack_subelements %bitcast3A_2341, 1 {pack_format = #tpu.pack_format<interleaved>} : vector<32xbf16> -> vector<16xf32>
      %eq3A_2344 = arith.constant 0 : i32
      %eq3A_2345 = vector.broadcast %eq3A_2344 : i32 to vector<16xi32>
      %eq3A_2346 = arith.cmpi eq, %and3A_1581, %eq3A_2345 : vector<16xi32>
      %select_n3A_2347 = arith.select %eq3A_2346, %unpack3A_2342, %unpack3A_2343 : vector<16xi1>, vector<16xf32>
      %mul3A_2348 = arith.mulf %select_n3A_2336, %select_n3A_2347 : vector<16xf32>
      %add3A_2349 = arith.addf %add3A_2325, %mul3A_2348 : vector<16xf32>
      %mul3A_2350 = arith.constant 16 : i32
      %mul3A_2351 = arith.muli %scan3A_1549, %mul3A_2350 : i32
      %add3A_2352 = arith.constant 256 : i32
      %add3A_2353 = arith.addi %add3A_2352, %mul3A_2351 : i32
      %swap3A_2354 = arith.index_cast %add3A_2353 : i32 to index
      %swap3A_2355 = tpu.vector_load %arg13[%swap3A_2354] {strides = array<i32>} : memref<512xf32, #tpu.memory_space<vmem>>, vector<16xf32>,
      tpu.vector_store %arg13[%swap3A_2354], %add3A_2349 {strides = array<i32>} : memref<512xf32, #tpu.memory_space<vmem>>, vector<16xf32>,
    }
    %scan3A_747 = arith.constant 16 : i32
    "tpu.region"() ({
      %run_scoped3A = tpu.sem_alloc : memref<!tpu.dma_semaphore, #tpu.memory_space<semaphore_mem>>
      %dma_start3A_748 = tpu.memref_slice %arg7[%mul3A_2] : memref<16384xf32, #tpu.memory_space<hbm>> -> memref<512xf32, #tpu.memory_space<hbm>>
      %dma_start3A_749 = tpu.memref_slice %arg7[%mul3A_2] : memref<16384xf32, #tpu.memory_space<hbm>> -> memref<512xf32, #tpu.memory_space<hbm>>
      tpu.enqueue_dma source(%arg13 : memref<512xf32, #tpu.memory_space<vmem>>) target(%dma_start3A_749 : memref<512xf32, #tpu.memory_space<hbm>>) target_semaphore(%run_scoped3A : memref<!tpu.dma_semaphore, #tpu.memory_space<semaphore_mem>>)
      %dma_wait3A_750 = tpu.memref_slice %arg7[%mul3A_2] : memref<16384xf32, #tpu.memory_space<hbm>> -> memref<512xf32, #tpu.memory_space<hbm>>
      %dma_wait3A_751 = tpu.memref_slice %arg7[%mul3A_2] : memref<16384xf32, #tpu.memory_space<hbm>> -> memref<512xf32, #tpu.memory_space<hbm>>
      tpu.wait_dma2 semaphore(%run_scoped3A : memref<!tpu.dma_semaphore, #tpu.memory_space<semaphore_mem>>) src(%arg13 : memref<512xf32, #tpu.memory_space<vmem>>) dst(%dma_wait3A_751 : memref<512xf32, #tpu.memory_space<hbm>>)
      tpu.yield
    }) : () -> ()
    return
  }
}

module attributes {stable_mosaic.version = 14 : i64} {
  func.func @_relayout_body(%arg0: i32, %arg1: memref<32x8192xf32, #tpu.memory_space<vmem>>, %arg2: memref<32x8192xf32, #tpu.memory_space<vmem>>, %arg3: memref<32x8192xf32, #tpu.memory_space<vmem>>, %arg4: memref<32x8192xf32, #tpu.memory_space<vmem>>, %arg5: memref<32x8192xf32, #tpu.memory_space<vmem>>, %arg6: memref<32x8192xf32, #tpu.memory_space<vmem>>, %arg7: memref<32x8192xf32, #tpu.memory_space<vmem>>, %arg8: memref<32x8192xf32, #tpu.memory_space<vmem>>, %arg9: memref<8192x128xf32, #tpu.memory_space<vmem>>) attributes {dimension_semantics = [#tpu.dimension_semantics<arbitrary>], iteration_bounds = array<i64: 2>, scalar_prefetch = 0 : i64, scratch_operands = 0 : i64, tpu.core_type = #tpu.core_type<tc>, window_params = [{transform_indices = @transform_0, window_bounds = array<i64: 32, 8192>}, {transform_indices = @transform_1, window_bounds = array<i64: 32, 8192>}, {transform_indices = @transform_2, window_bounds = array<i64: 32, 8192>}, {transform_indices = @transform_3, window_bounds = array<i64: 32, 8192>}, {transform_indices = @transform_4, window_bounds = array<i64: 32, 8192>}, {transform_indices = @transform_5, window_bounds = array<i64: 32, 8192>}, {transform_indices = @transform_6, window_bounds = array<i64: 32, 8192>}, {transform_indices = @transform_7, window_bounds = array<i64: 32, 8192>}, {transform_indices = @transform_8, window_bounds = array<i64: 8192, 128>}]} {
    %get3A = arith.constant 0 : index
    %get3A_0 = arith.constant 0 : index
    %get3A_1 = vector.load %arg1[%get3A, %get3A_0] : memref<32x8192xf32, #tpu.memory_space<vmem>>, vector<32x8192xf32>
    %get3A_2 = arith.constant 0 : index
    %get3A_3 = arith.constant 0 : index
    %get3A_4 = vector.load %arg2[%get3A_2, %get3A_3] : memref<32x8192xf32, #tpu.memory_space<vmem>>, vector<32x8192xf32>
    %get3A_5 = arith.constant 0 : index
    %get3A_6 = arith.constant 0 : index
    %get3A_7 = vector.load %arg3[%get3A_5, %get3A_6] : memref<32x8192xf32, #tpu.memory_space<vmem>>, vector<32x8192xf32>
    %get3A_8 = arith.constant 0 : index
    %get3A_9 = arith.constant 0 : index
    %get3A_10 = vector.load %arg4[%get3A_8, %get3A_9] : memref<32x8192xf32, #tpu.memory_space<vmem>>, vector<32x8192xf32>
    %get3A_11 = arith.constant 0 : index
    %get3A_12 = arith.constant 0 : index
    %get3A_13 = vector.load %arg5[%get3A_11, %get3A_12] : memref<32x8192xf32, #tpu.memory_space<vmem>>, vector<32x8192xf32>
    %get3A_14 = arith.constant 0 : index
    %get3A_15 = arith.constant 0 : index
    %get3A_16 = vector.load %arg6[%get3A_14, %get3A_15] : memref<32x8192xf32, #tpu.memory_space<vmem>>, vector<32x8192xf32>
    %get3A_17 = arith.constant 0 : index
    %get3A_18 = arith.constant 0 : index
    %get3A_19 = vector.load %arg7[%get3A_17, %get3A_18] : memref<32x8192xf32, #tpu.memory_space<vmem>>, vector<32x8192xf32>
    %get3A_20 = arith.constant 0 : index
    %get3A_21 = arith.constant 0 : index
    %get3A_22 = vector.load %arg8[%get3A_20, %get3A_21] : memref<32x8192xf32, #tpu.memory_space<vmem>>, vector<32x8192xf32>
    %iota3A = tpu.iota {dimensions = array<i32: 0>} : vector<128x128xi32>
    %iota3A_23 = tpu.iota {dimensions = array<i32: 1>} : vector<128x128xi32>
    %add3A = arith.constant 0 : i32
    %add3A_24 = vector.broadcast %add3A : i32 to vector<128x128xi32>
    %add3A_25 = arith.addi %iota3A, %add3A_24 : vector<128x128xi32>
    %eq3A = arith.cmpi eq, %add3A_25, %iota3A_23 : vector<128x128xi32>
    %convert_element_type3A = arith.extui %eq3A : vector<128x128xi1> to vector<128x128xi32>
    %convert_element_type3A_26 = arith.sitofp %convert_element_type3A : vector<128x128xi32> to vector<128x128xf32>
    %concatenate3A = tpu.concatenate %get3A_1, %get3A_7, %get3A_13, %get3A_19 in 0 : vector<32x8192xf32>, vector<32x8192xf32>, vector<32x8192xf32>, vector<32x8192xf32> -> vector<128x8192xf32>
    %dot_general3A = arith.constant dense<0.000000e+00> : vector<8192x128xf32>
    %dot_general3A_27 = tpu.matmul %concatenate3A, %convert_element_type3A_26, %dot_general3A {dimension_numbers = #tpu.dot_dimension_numbers<[0], [0], [1], [1], [0, 1, 1, 1], [], []>, transpose_lhs_hint = false} : vector<128x8192xf32>, vector<128x128xf32>, vector<8192x128xf32> -> vector<8192x128xf32>
    %concatenate3A_28 = tpu.concatenate %get3A_4, %get3A_10, %get3A_16, %get3A_22 in 0 : vector<32x8192xf32>, vector<32x8192xf32>, vector<32x8192xf32>, vector<32x8192xf32> -> vector<128x8192xf32>
    %dot_general3A_29 = arith.constant dense<0.000000e+00> : vector<8192x128xf32>
    %dot_general3A_30 = tpu.matmul %concatenate3A_28, %convert_element_type3A_26, %dot_general3A_29 {dimension_numbers = #tpu.dot_dimension_numbers<[0], [0], [1], [1], [0, 1, 1, 1], [], []>, transpose_lhs_hint = false} : vector<128x8192xf32>, vector<128x128xf32>, vector<8192x128xf32> -> vector<8192x128xf32>
    %convert_element_type3A_31 = arith.truncf %dot_general3A_27 : vector<8192x128xf32> to vector<8192x128xbf16>
    %bitcast_convert_type3A = tpu.bitcast %convert_element_type3A_31 : vector<8192x128xbf16> -> vector<8192x128xi16>
    %convert_element_type3A_32 = arith.extui %bitcast_convert_type3A : vector<8192x128xi16> to vector<8192x128xi32>
    %convert_element_type3A_33 = arith.truncf %dot_general3A_30 : vector<8192x128xf32> to vector<8192x128xbf16>
    %bitcast_convert_type3A_34 = tpu.bitcast %convert_element_type3A_33 : vector<8192x128xbf16> -> vector<8192x128xi16>
    %convert_element_type3A_35 = arith.extui %bitcast_convert_type3A_34 : vector<8192x128xi16> to vector<8192x128xi32>
    %shift_left3A = arith.constant 16 : i32
    %shift_left3A_36 = vector.broadcast %shift_left3A : i32 to vector<8192x128xi32>
    %shift_left3A_37 = arith.shli %convert_element_type3A_35, %shift_left3A_36 : vector<8192x128xi32>
    %or3A = arith.ori %convert_element_type3A_32, %shift_left3A_37 : vector<8192x128xi32>
    %bitcast_convert_type3A_38 = tpu.bitcast %or3A : vector<8192x128xi32> -> vector<8192x128xf32>
    %swap3A = arith.constant 0 : index
    %swap3A_39 = arith.constant 0 : index
    %swap3A_40 = vector.load %arg9[%swap3A, %swap3A_39] : memref<8192x128xf32, #tpu.memory_space<vmem>>, vector<8192x128xf32>
    tpu.vector_store %arg9[%swap3A, %swap3A_39], %bitcast_convert_type3A_38 {strides = array<i32>} : memref<8192x128xf32, #tpu.memory_space<vmem>>, vector<8192x128xf32>,
    return
  }
  func.func @transform_0(%arg0: i32) -> (i32, i32) {
    %add3A = arith.constant 0 : i32
    %add3A_0 = arith.addi %add3A, %arg0 : i32
    %min3A = arith.constant 12 : i32
    %min3A_1 = arith.minsi %add3A_0, %min3A : i32
    %c0_i32 = arith.constant 0 : i32
    %c0_i32_2 = arith.constant 0 : i32
    return %c0_i32, %min3A_1 : i32, i32
  }
  func.func @transform_1(%arg0: i32) -> (i32, i32) {
    %add3A = arith.constant 2 : i32
    %add3A_0 = arith.addi %add3A, %arg0 : i32
    %min3A = arith.constant 12 : i32
    %min3A_1 = arith.minsi %add3A_0, %min3A : i32
    %c0_i32 = arith.constant 0 : i32
    %c0_i32_2 = arith.constant 0 : i32
    return %c0_i32, %min3A_1 : i32, i32
  }
  func.func @transform_2(%arg0: i32) -> (i32, i32) {
    %add3A = arith.constant 4 : i32
    %add3A_0 = arith.addi %add3A, %arg0 : i32
    %min3A = arith.constant 12 : i32
    %min3A_1 = arith.minsi %add3A_0, %min3A : i32
    %c0_i32 = arith.constant 0 : i32
    %c0_i32_2 = arith.constant 0 : i32
    return %c0_i32, %min3A_1 : i32, i32
  }
  func.func @transform_3(%arg0: i32) -> (i32, i32) {
    %add3A = arith.constant 6 : i32
    %add3A_0 = arith.addi %add3A, %arg0 : i32
    %min3A = arith.constant 12 : i32
    %min3A_1 = arith.minsi %add3A_0, %min3A : i32
    %c0_i32 = arith.constant 0 : i32
    %c0_i32_2 = arith.constant 0 : i32
    return %c0_i32, %min3A_1 : i32, i32
  }
  func.func @transform_4(%arg0: i32) -> (i32, i32) {
    %add3A = arith.constant 8 : i32
    %add3A_0 = arith.addi %add3A, %arg0 : i32
    %min3A = arith.constant 12 : i32
    %min3A_1 = arith.minsi %add3A_0, %min3A : i32
    %c0_i32 = arith.constant 0 : i32
    %c0_i32_2 = arith.constant 0 : i32
    return %c0_i32, %min3A_1 : i32, i32
  }
  func.func @transform_5(%arg0: i32) -> (i32, i32) {
    %add3A = arith.constant 10 : i32
    %add3A_0 = arith.addi %add3A, %arg0 : i32
    %min3A = arith.constant 12 : i32
    %min3A_1 = arith.minsi %add3A_0, %min3A : i32
    %c0_i32 = arith.constant 0 : i32
    %c0_i32_2 = arith.constant 0 : i32
    return %c0_i32, %min3A_1 : i32, i32
  }
  func.func @transform_6(%arg0: i32) -> (i32, i32) {
    %add3A = arith.constant 12 : i32
    %add3A_0 = arith.addi %add3A, %arg0 : i32
    %min3A = arith.constant 12 : i32
    %min3A_1 = arith.minsi %add3A_0, %min3A : i32
    %c0_i32 = arith.constant 0 : i32
    %c0_i32_2 = arith.constant 0 : i32
    return %c0_i32, %min3A_1 : i32, i32
  }
  func.func @transform_7(%arg0: i32) -> (i32, i32) {
    %add3A = arith.constant 14 : i32
    %add3A_0 = arith.addi %add3A, %arg0 : i32
    %min3A = arith.constant 12 : i32
    %min3A_1 = arith.minsi %add3A_0, %min3A : i32
    %c0_i32 = arith.constant 0 : i32
    %c0_i32_2 = arith.constant 0 : i32
    return %c0_i32, %min3A_1 : i32, i32
  }
  func.func @transform_8(%arg0: i32) -> (i32, i32) {
    %c0_i32 = arith.constant 0 : i32
    %c0_i32_0 = arith.constant 0 : i32
    return %arg0, %c0_i32 : i32, i32
  }
}

module attributes {stable_mosaic.version = 14 : i64} {
  func.func @_relayout_body(%arg0: i32, %arg1: memref<32x8192xf32, #tpu.memory_space<vmem>>, %arg2: memref<32x8192xf32, #tpu.memory_space<vmem>>, %arg3: memref<32x8192xf32, #tpu.memory_space<vmem>>, %arg4: memref<32x8192xf32, #tpu.memory_space<vmem>>, %arg5: memref<32x8192xf32, #tpu.memory_space<vmem>>, %arg6: memref<32x8192xf32, #tpu.memory_space<vmem>>, %arg7: memref<32x8192xf32, #tpu.memory_space<vmem>>, %arg8: memref<32x8192xf32, #tpu.memory_space<vmem>>, %arg9: memref<8192x128xf32, #tpu.memory_space<vmem>>) attributes {dimension_semantics = [#tpu.dimension_semantics<arbitrary>], iteration_bounds = array<i64: 16>, scalar_prefetch = 0 : i64, scratch_operands = 0 : i64, tpu.core_type = #tpu.core_type<tc>, window_params = [{transform_indices = @transform_0, window_bounds = array<i64: 32, 8192>}, {transform_indices = @transform_1, window_bounds = array<i64: 32, 8192>}, {transform_indices = @transform_2, window_bounds = array<i64: 32, 8192>}, {transform_indices = @transform_3, window_bounds = array<i64: 32, 8192>}, {transform_indices = @transform_4, window_bounds = array<i64: 32, 8192>}, {transform_indices = @transform_5, window_bounds = array<i64: 32, 8192>}, {transform_indices = @transform_6, window_bounds = array<i64: 32, 8192>}, {transform_indices = @transform_7, window_bounds = array<i64: 32, 8192>}, {transform_indices = @transform_8, window_bounds = array<i64: 8192, 128>}]} {
    %get3A = arith.constant 0 : index
    %get3A_0 = arith.constant 0 : index
    %get3A_1 = vector.load %arg1[%get3A, %get3A_0] : memref<32x8192xf32, #tpu.memory_space<vmem>>, vector<32x8192xf32>
    %get3A_2 = arith.constant 0 : index
    %get3A_3 = arith.constant 0 : index
    %get3A_4 = vector.load %arg2[%get3A_2, %get3A_3] : memref<32x8192xf32, #tpu.memory_space<vmem>>, vector<32x8192xf32>
    %get3A_5 = arith.constant 0 : index
    %get3A_6 = arith.constant 0 : index
    %get3A_7 = vector.load %arg3[%get3A_5, %get3A_6] : memref<32x8192xf32, #tpu.memory_space<vmem>>, vector<32x8192xf32>
    %get3A_8 = arith.constant 0 : index
    %get3A_9 = arith.constant 0 : index
    %get3A_10 = vector.load %arg4[%get3A_8, %get3A_9] : memref<32x8192xf32, #tpu.memory_space<vmem>>, vector<32x8192xf32>
    %get3A_11 = arith.constant 0 : index
    %get3A_12 = arith.constant 0 : index
    %get3A_13 = vector.load %arg5[%get3A_11, %get3A_12] : memref<32x8192xf32, #tpu.memory_space<vmem>>, vector<32x8192xf32>
    %get3A_14 = arith.constant 0 : index
    %get3A_15 = arith.constant 0 : index
    %get3A_16 = vector.load %arg6[%get3A_14, %get3A_15] : memref<32x8192xf32, #tpu.memory_space<vmem>>, vector<32x8192xf32>
    %get3A_17 = arith.constant 0 : index
    %get3A_18 = arith.constant 0 : index
    %get3A_19 = vector.load %arg7[%get3A_17, %get3A_18] : memref<32x8192xf32, #tpu.memory_space<vmem>>, vector<32x8192xf32>
    %get3A_20 = arith.constant 0 : index
    %get3A_21 = arith.constant 0 : index
    %get3A_22 = vector.load %arg8[%get3A_20, %get3A_21] : memref<32x8192xf32, #tpu.memory_space<vmem>>, vector<32x8192xf32>
    %iota3A = tpu.iota {dimensions = array<i32: 0>} : vector<128x128xi32>
    %iota3A_23 = tpu.iota {dimensions = array<i32: 1>} : vector<128x128xi32>
    %add3A = arith.constant 0 : i32
    %add3A_24 = vector.broadcast %add3A : i32 to vector<128x128xi32>
    %add3A_25 = arith.addi %iota3A, %add3A_24 : vector<128x128xi32>
    %eq3A = arith.cmpi eq, %add3A_25, %iota3A_23 : vector<128x128xi32>
    %convert_element_type3A = arith.extui %eq3A : vector<128x128xi1> to vector<128x128xi32>
    %convert_element_type3A_26 = arith.sitofp %convert_element_type3A : vector<128x128xi32> to vector<128x128xf32>
    %concatenate3A = tpu.concatenate %get3A_1, %get3A_7, %get3A_13, %get3A_19 in 0 : vector<32x8192xf32>, vector<32x8192xf32>, vector<32x8192xf32>, vector<32x8192xf32> -> vector<128x8192xf32>
    %dot_general3A = arith.constant dense<0.000000e+00> : vector<8192x128xf32>
    %dot_general3A_27 = tpu.matmul %concatenate3A, %convert_element_type3A_26, %dot_general3A {dimension_numbers = #tpu.dot_dimension_numbers<[0], [0], [1], [1], [0, 1, 1, 1], [], []>, transpose_lhs_hint = false} : vector<128x8192xf32>, vector<128x128xf32>, vector<8192x128xf32> -> vector<8192x128xf32>
    %concatenate3A_28 = tpu.concatenate %get3A_4, %get3A_10, %get3A_16, %get3A_22 in 0 : vector<32x8192xf32>, vector<32x8192xf32>, vector<32x8192xf32>, vector<32x8192xf32> -> vector<128x8192xf32>
    %dot_general3A_29 = arith.constant dense<0.000000e+00> : vector<8192x128xf32>
    %dot_general3A_30 = tpu.matmul %concatenate3A_28, %convert_element_type3A_26, %dot_general3A_29 {dimension_numbers = #tpu.dot_dimension_numbers<[0], [0], [1], [1], [0, 1, 1, 1], [], []>, transpose_lhs_hint = false} : vector<128x8192xf32>, vector<128x128xf32>, vector<8192x128xf32> -> vector<8192x128xf32>
    %convert_element_type3A_31 = arith.truncf %dot_general3A_27 : vector<8192x128xf32> to vector<8192x128xbf16>
    %bitcast_convert_type3A = tpu.bitcast %convert_element_type3A_31 : vector<8192x128xbf16> -> vector<8192x128xi16>
    %convert_element_type3A_32 = arith.extui %bitcast_convert_type3A : vector<8192x128xi16> to vector<8192x128xi32>
    %convert_element_type3A_33 = arith.truncf %dot_general3A_30 : vector<8192x128xf32> to vector<8192x128xbf16>
    %bitcast_convert_type3A_34 = tpu.bitcast %convert_element_type3A_33 : vector<8192x128xbf16> -> vector<8192x128xi16>
    %convert_element_type3A_35 = arith.extui %bitcast_convert_type3A_34 : vector<8192x128xi16> to vector<8192x128xi32>
    %shift_left3A = arith.constant 16 : i32
    %shift_left3A_36 = vector.broadcast %shift_left3A : i32 to vector<8192x128xi32>
    %shift_left3A_37 = arith.shli %convert_element_type3A_35, %shift_left3A_36 : vector<8192x128xi32>
    %or3A = arith.ori %convert_element_type3A_32, %shift_left3A_37 : vector<8192x128xi32>
    %bitcast_convert_type3A_38 = tpu.bitcast %or3A : vector<8192x128xi32> -> vector<8192x128xf32>
    %swap3A = arith.constant 0 : index
    %swap3A_39 = arith.constant 0 : index
    %swap3A_40 = vector.load %arg9[%swap3A, %swap3A_39] : memref<8192x128xf32, #tpu.memory_space<vmem>>, vector<8192x128xf32>
    tpu.vector_store %arg9[%swap3A, %swap3A_39], %bitcast_convert_type3A_38 {strides = array<i32>} : memref<8192x128xf32, #tpu.memory_space<vmem>>, vector<8192x128xf32>,
    return
  }
  func.func @transform_0(%arg0: i32) -> (i32, i32) {
    %add3A = arith.constant 0 : i32
    %add3A_0 = arith.addi %add3A, %arg0 : i32
    %min3A = arith.constant 122 : i32
    %min3A_1 = arith.minsi %add3A_0, %min3A : i32
    %c0_i32 = arith.constant 0 : i32
    %c0_i32_2 = arith.constant 0 : i32
    return %c0_i32, %min3A_1 : i32, i32
  }
  func.func @transform_1(%arg0: i32) -> (i32, i32) {
    %add3A = arith.constant 16 : i32
    %add3A_0 = arith.addi %add3A, %arg0 : i32
    %min3A = arith.constant 122 : i32
    %min3A_1 = arith.minsi %add3A_0, %min3A : i32
    %c0_i32 = arith.constant 0 : i32
    %c0_i32_2 = arith.constant 0 : i32
    return %c0_i32, %min3A_1 : i32, i32
  }
  func.func @transform_2(%arg0: i32) -> (i32, i32) {
    %add3A = arith.constant 32 : i32
    %add3A_0 = arith.addi %add3A, %arg0 : i32
    %min3A = arith.constant 122 : i32
    %min3A_1 = arith.minsi %add3A_0, %min3A : i32
    %c0_i32 = arith.constant 0 : i32
    %c0_i32_2 = arith.constant 0 : i32
    return %c0_i32, %min3A_1 : i32, i32
  }
  func.func @transform_3(%arg0: i32) -> (i32, i32) {
    %add3A = arith.constant 48 : i32
    %add3A_0 = arith.addi %add3A, %arg0 : i32
    %min3A = arith.constant 122 : i32
    %min3A_1 = arith.minsi %add3A_0, %min3A : i32
    %c0_i32 = arith.constant 0 : i32
    %c0_i32_2 = arith.constant 0 : i32
    return %c0_i32, %min3A_1 : i32, i32
  }
  func.func @transform_4(%arg0: i32) -> (i32, i32) {
    %add3A = arith.constant 64 : i32
    %add3A_0 = arith.addi %add3A, %arg0 : i32
    %min3A = arith.constant 122 : i32
    %min3A_1 = arith.minsi %add3A_0, %min3A : i32
    %c0_i32 = arith.constant 0 : i32
    %c0_i32_2 = arith.constant 0 : i32
    return %c0_i32, %min3A_1 : i32, i32
  }
  func.func @transform_5(%arg0: i32) -> (i32, i32) {
    %add3A = arith.constant 80 : i32
    %add3A_0 = arith.addi %add3A, %arg0 : i32
    %min3A = arith.constant 122 : i32
    %min3A_1 = arith.minsi %add3A_0, %min3A : i32
    %c0_i32 = arith.constant 0 : i32
    %c0_i32_2 = arith.constant 0 : i32
    return %c0_i32, %min3A_1 : i32, i32
  }
  func.func @transform_6(%arg0: i32) -> (i32, i32) {
    %add3A = arith.constant 96 : i32
    %add3A_0 = arith.addi %add3A, %arg0 : i32
    %min3A = arith.constant 122 : i32
    %min3A_1 = arith.minsi %add3A_0, %min3A : i32
    %c0_i32 = arith.constant 0 : i32
    %c0_i32_2 = arith.constant 0 : i32
    return %c0_i32, %min3A_1 : i32, i32
  }
  func.func @transform_7(%arg0: i32) -> (i32, i32) {
    %add3A = arith.constant 112 : i32
    %add3A_0 = arith.addi %add3A, %arg0 : i32
    %min3A = arith.constant 122 : i32
    %min3A_1 = arith.minsi %add3A_0, %min3A : i32
    %c0_i32 = arith.constant 0 : i32
    %c0_i32_2 = arith.constant 0 : i32
    return %c0_i32, %min3A_1 : i32, i32
  }
  func.func @transform_8(%arg0: i32) -> (i32, i32) {
    %c0_i32 = arith.constant 0 : i32
    %c0_i32_0 = arith.constant 0 : i32
    return %arg0, %c0_i32 : i32, i32
  }
}

</mosaic_0001>

<sc_bundles>
// kernel: kernel.5.cloned.1.call-start
scs
__scs_entry_jumppad:
0x0: {  	(pc) =	sbr.rel $0x88, $3  }
0x1: {  	(tag) =	ssettag $0x0;
	lr =	simm.s32 $0x1  }
0x2: {  	[smem:$0x3F9C] =	sst lr;
	_ =	strace $0xD0000000  }
0x3: {  	_ = 	snop  }
0x4: {  	_ = 	snop  }
0x5: {  	_ = 	snop  }
0x6: {  	_ = 	snop  }
0x7: {  	_ = 	snop  }
__scs_overlays_trampoline_lowered:
0x8: {  	[smem:$0x3FAB] =	sst s0  }
0x9: {  	[smem:$0x3FAC] =	sst s1  }
0xa: {  	[smem:$0x3FAD] =	sst s2  }
0xb: {  	[smem:$0x3FAE] =	sst s3  }
0xc: {  	[smem:$0x3FAF] =	sst s4  }
0xd: {  	[smem:$0x3FB0] =	sst s5  }
0xe: {  	[smem:$0x3FB1] =	sst s6  }
0xf: {  	[smem:$0x3FB2] =	sst s7  }
0x10: {  	[smem:$0x3FB3] =	sst s8  }
0x11: {  	[smem:$0x3FB4] =	sst s9;
	s0 =	simm.s32 @!p0 $0x0  }
0x12: {  	s1 =	sld [smem:$0x3F9A];
	s0 =	simm.s32 @p0 $0x1  }
0x13: {  	[smem:$0x3FB5] =	sst s0;
	s0 =	simm.s32 @!p1 $0x0  }
0x14: {  	s2 =	sld [smem:$0x3F99];
	s0 =	simm.s32 @p1 $0x1  }
0x15: {  	[smem:$0x3FB6] =	sst s0;
	s0 =	simm.s32 @!p2 $0x0  }
0x16: {  	s3 =	sld [smem:$0x3FDB];
	s0 =	simm.s32 @p2 $0x1  }
0x17: {  	s4 =	simm.s32 $0x1BF5;
	[smem:$0x3FB8] =	sst s0  }
0x18: {  	s0 =	sld [smem:$0x3F9B];
	_ =	swait.ge [sflag:s4], $0x0  }
0x19: {  	s7 =	sld [smem:$0x3F9C]  }
0x1a: {  	s8 =	sadd.s32 $0xFFFFE003, lr  }
0x1b: {  	s9 =	sadd.s32 $0xFFFFFEF7, lr;
	s5 =	simm.s32 $0xFFFFFFFF;
	p2 =	slt.u32 s8, $0xFFFFF086  }
0x1c: {  	p1 =	slt.u32 s9, $0xF7A;
	s5 =	simm.s32 @!p2 $0x0  }
0x1d: {  	s5 =	simm.s32 @p1 $0x1;
	p0 =	seq.s32 s7, s2  }
0x1e: {  	s7 =	smul.u32 @!p0 $0xF7A, s2;
	p2 =	seq.s32 @!p0 s5, $0x0  }
0x1f: {  	s9 =	smul.u32 $0xF7A, s1;
	s8 =	simm.s32 @!p0 $0x1BF5;
	p2 =	por !p2, p0  }
0x20: {  	[sflag:s8] =	ssyncset.s32 @!p0 $0xFFFFF086;
	s6 =	sadd.s32 @!p0 s3, s7;
	s7 =	simm.s32 @!p0 $0x108  }
0x21: {  	s3 =	sadd.s32 s3, s9;
	s6 =	sadd.s32 @!p0 $0x88, s6;
	s7 =	simm.s32 @p2 $0x1082  }
0x22: {  	[simem:s7], [sflag:s8] =	dma.local @!p0 [hbm:s6], $0xF7A  }
0x23: {  	s9 =	sor.u32 $0xD0000000, s2;
	s6 =	simm.s32 $0x108;
	_ =	swait.ge @!p0 [sflag:s8], $0x0  }
0x24: {  	s3 =	sadd.s32 $0x88, s3;
	s6 =	simm.s32 @!p1 $0x1082;
	[sflag:s4] =	ssyncset.s32 $0xFFFFF086  }
0x25: {  	[simem:s6], [sflag:s4] =	dma.local [hbm:s3], $0xF7A  }
0x26: {  	[smem:$0x3F9C] =	sst s1;
	(tag) =	ssettag s2;
	_ =	strace s9  }
0x27: {  	s1 =	sld [smem:$0x3FAC]  }
0x28: {  	s2 =	sld [smem:$0x3FAD]  }
0x29: {  	s4 =	sld [smem:$0x3FAF]  }
0x2a: {  	p0 =	seq.s32 s5, $0x0;
	s5 =	sld [smem:$0x3FB0]  }
0x2b: {  	s6 =	sld [smem:$0x3FB1]  }
0x2c: {  	s7 =	sld [smem:$0x3FB2]  }
0x2d: {  	s3 =	simm.s32 $0x108;
	s8 =	sld [smem:$0x3FB3]  }
0x2e: {  	s3 =	simm.s32 @!p0 $0x1082;
	s9 =	sld [smem:$0x3FB4]  }
0x2f: {  	lr =	sadd.s32 s0, s3;
	s0 =	sld [smem:$0x3FAB]  }
0x30: {  	s3 =	sld [smem:$0x3FAE]  }
0x31: {  	[smem:$0x3FB7] =	sst s10  }
0x32: {  	s10 =	sld [smem:$0x3FB5];
	_ =	sdelay $0x3  }
0x33: {  	p0 =	seq.s32 s10, $0x1;
	s10 =	sld [smem:$0x3FB7];
	_ =	sdelay $0x3  }
0x34: {  	[smem:$0x3FB7] =	sst s10  }
0x35: {  	s10 =	sld [smem:$0x3FB6];
	_ =	sdelay $0x3  }
0x36: {  	p1 =	seq.s32 s10, $0x1;
	s10 =	sld [smem:$0x3FB7];
	_ =	sdelay $0x3  }
0x37: {  	[smem:$0x3FB7] =	sst s10  }
0x38: {  	s10 =	sld [smem:$0x3FB8]  }
0x39: {  	_ = 	snop;
	(pc) =	sbr.ind lr, $3  }
0x3a: {  	_ = 	snop  }
0x3b: {  	_ = 	snop  }
0x3c: {  	p2 =	seq.s32 s10, $0x1;
	s10 =	sld [smem:$0x3FB7]  }
0x3d: {  	_ =	shalt  }
0x3e: {  	_ =	shalt  }
0x3f: {  	_ =	shalt  }
0x40: {  	_ =	shalt  }
0x41: {  	_ =	shalt  }
0x42: {  	_ =	shalt  }
0x43: {  	_ =	shalt  }
0x44: {  	_ =	shalt  }
0x45: {  	_ =	shalt  }
0x46: {  	_ =	shalt  }
0x47: {  	_ =	shalt  }
0x48: {  	_ =	shalt  }
0x49: {  	_ =	shalt  }
0x4a: {  	_ =	shalt  }
0x4b: {  	_ =	shalt  }
0x4c: {  	_ =	shalt  }
0x4d: {  	_ =	shalt  }
0x4e: {  	_ =	shalt  }
0x4f: {  	_ =	shalt  }
0x50: {  	_ =	shalt  }
0x51: {  	_ =	shalt  }
0x52: {  	_ =	shalt  }
0x53: {  	_ =	shalt  }
0x54: {  	_ =	shalt  }
0x55: {  	_ =	shalt  }
0x56: {  	_ =	shalt  }
0x57: {  	_ =	shalt  }
0x58: {  	_ =	shalt  }
0x59: {  	_ =	shalt  }
0x5a: {  	_ =	shalt  }
0x5b: {  	_ =	shalt  }
0x5c: {  	_ =	shalt  }
0x5d: {  	_ =	shalt  }
0x5e: {  	_ =	shalt  }
0x5f: {  	_ =	shalt  }
0x60: {  	_ =	shalt  }
0x61: {  	_ =	shalt  }
0x62: {  	_ =	shalt  }
0x63: {  	_ =	shalt  }
0x64: {  	_ =	shalt  }
0x65: {  	_ =	shalt  }
0x66: {  	_ =	shalt  }
0x67: {  	_ =	shalt  }
0x68: {  	_ =	shalt  }
0x69: {  	_ =	shalt  }
0x6a: {  	_ =	shalt  }
0x6b: {  	_ =	shalt  }
0x6c: {  	_ =	shalt  }
0x6d: {  	_ =	shalt  }
0x6e: {  	_ =	shalt  }
0x6f: {  	_ =	shalt  }
0x70: {  	_ =	shalt  }
0x71: {  	_ =	shalt  }
0x72: {  	_ =	shalt  }
0x73: {  	_ =	shalt  }
0x74: {  	_ =	shalt  }
0x75: {  	_ =	shalt  }
0x76: {  	_ =	shalt  }
0x77: {  	_ =	shalt  }
0x78: {  	_ =	shalt  }
0x79: {  	_ =	shalt  }
0x7a: {  	_ =	shalt  }
0x7b: {  	_ =	shalt  }
0x7c: {  	_ =	shalt  }
0x7d: {  	_ =	shalt  }
0x7e: {  	_ =	shalt  }
0x7f: {  	_ =	shalt  }
0x80: {  	_ =	shalt  }
0x81: {  	_ =	shalt  }
0x82: {  	_ =	shalt  }
0x83: {  	_ =	shalt  }
0x84: {  	_ =	shalt  }
0x85: {  	_ =	shalt  }
0x86: {  	_ =	shalt  }
0x87: {  	_ =	shalt  }
.Lfunc_end0:
.L_simem_size_0:
called_computation_lowered:
.L_overlay_start_0:
0x88: {  	s2 =	sld [smem:$0x3FD9]  }
0x89: {  	s3 =	sld [smem:$0x3FFE];
	_ =	sdelay $0x1  }
0x8a: {  	s1 =	srdreg.scid  }
0x8b: {  	s0 =	sand.u32 $0x1, s1  }
0x8c: {  	s17 =	sshll.u32 s0, $0xA;
	s2 =	sadd.s32 s3, s2  }
0x8d: {  	s2 =	sadd.s32 s2, s17  }
0x8e: {  	[smem:$0x3FC3] =	sst s2  }
0x8f: {  	_ = 	snop  }
0x90: {  	s2 =	sld [smem:$0x3FC9]  }
0x91: {  	s18 =	sld [smem:$0x3FC8]  }
0x92: {  	s4 =	sld [smem:$0x3FD0];
	(tm) =	ssettm $0x1  }
0x93: {  	s5 =	sld [smem:$0x3FFB];
	_ =	sdelay $0x3  }
0x94: {  	_ =	strace s5  }
0x95: {  	s5 =	sld [smem:$0x3FFC];
	_ =	sdelay $0x3  }
0x96: {  	_ =	strace s5  }
0x97: {  	s5 =	sld [smem:$0x3FFD];
	_ =	sdelay $0x3  }
0x98: {  	_ =	strace s5  }
0x99: {  	_ =	strace $0x8FFFFFFF  }
0x9a: {  	s19 =	sld [smem:$0x3FDB];
	_ =	sdelay $0x1  }
0x9b: {  	s6 =	simm.s32 $_scs_section_size  }
0x9c: {  	s7 =	simm.s32 $_size__tile_overlayer_lowered;
	s8 =	simm.s32 $_tile_overlayer_lowered  }
0x9d: {  	s22 =	simm.s32 $0x1BFF;
	s21 =	sshll.u32 s8, $0x1;
	s5 =	sadd.s32 s6, s19  }
0x9e: {  	s9 =	simm.s32 $0x0;
	s20 =	sshll.u32 s7, $0x1;
	s7 =	sadd.s32 s21, s5  }
0x9f: {  	[timem:s9], [sflag:s22] =	dma.local [hbm:s7], s20  }
0xa0: {  	_ =	swait.ge [sflag:s22], s20  }
0xa1: {  	s6 =	ssub.s32 $0x0, s20;
	[sflag:s22] =	ssyncset.done $0x0  }
0xa2: {  	[sflag:s22] =	ssyncadd.s32 s6;
	_ =	sdelay $0x1  }
0xa3: {  	s23 =	simm.s32 $0x1B8B  }
0xa4: {  	_ =	swait.ge [sflag:s23], $0x1  }
0xa5: {  	[sflag:s23] =	ssyncset.done $0x0  }
0xa6: {  	s25 =	simm.s32 $0x1B8E;
	s24 =	sld [smem:$0x3FFE];
	[sflag:s23] =	ssyncadd.s32 $0xFFFFFFFF  }
0xa7: {  	s26 =	simm.s32 $execute0_lowered;
	[smem:$0x3FD2] =	sst s25  }
0xa8: {  	s7 =	sshll.u32 s26, $0x1;
	_ =	strace $0x80000046;
	[dreg:$0x1] =	wrdreg $0xFFFFFFFF  }
0xa9: {  	s28 =	simm.s32 $_size_execute0_lowered;
	s5 =	sadd.s32 s5, s7;
	[dreg:$0x0] =	wrdreg $0x0  }
0xaa: {  	s7 =	sshll.u32 s28, $0x1;
	[dreg:$0x2] =	wrdreg s5  }
0xab: {  	[dreg:$0x3] =	wrdreg s7  }
0xac: {  	[dreg:$0x4] =	wrdreg $0xC0  }
0xad: {  	_ =	task [dreg:s9], $0x5FFFF  }
0xae: {  	[dreg:$0x1] =	wrdreg $0xFFFFFFFF  }
0xaf: {  	[dreg:$0x0] =	wrdreg $0x60  }
0xb0: {  	[dreg:$0x2] =	wrdreg s2  }
0xb1: {  	[dreg:$0x3] =	wrdreg s18  }
0xb2: {  	[dreg:$0x4] =	wrdreg s24  }
0xb3: {  	[dreg:$0x5] =	wrdreg s4  }
0xb4: {  	[dreg:$0x6] =	wrdreg $0x9  }
0xb5: {  	_ =	task.clear_ibuf [dreg:s9], $0x7FFFF;
	_ =	strace $0x90000046  }
0xb6: {  	s29 =	simm.s32 $0x9;
	_ =	strace $0x80000048  }
0xb7: {  	_ =	swait.ge [sflag:s29], $0x1  }
0xb8: {  	[sflag:s29] =	ssyncadd.s32 $0xFFFFFFFF  }
0xb9: {  	_ =	strace $0x90000048  }
0xba: {  	_ =	sfence  }
0xbb: {  	s30 =	sld [smem:$0x0];
	_ =	sdelay $0x2  }
0xbc: {  	s31 =	sshll.u32 s1, $0xD;
	s1 =	sshrl.u32 s1, $0x2  }
0xbd: {  	s3 =	sand.u32 $0x4000, s31;
	s1 =	sadd.s32 s1, s30  }
0xbe: {  	s0 =	sor.u32 s3, s0;
	s1 =	sshll.u32 s1, $0x11  }
0xbf: {  	s0 =	sor.u32 s1, s0  }
0xc0: {  	s0 =	sadd.s32 $0x8F2B, s0  }
0xc1: {  	[sflag:s0] =	ssyncadd.remote.s32 $0x1  }
0xc2: {  	_ =	sfence.sel $0xFFFF  }
0xc3: {  	[dreg:$0x0] =	wrdreg $0xFFFFFFFF;
	(pc) =	sbr.abs _section_cstart, $3  }
0xc4: {  	[dreg:$0x1] =	wrdreg $0xFFFFFFFF  }
0xc5: {  	_ =	task.clear_ibuf [dreg:s9], $0x2FFFF;
	_ =	strace $0x9FFFFFFF  }
0xc6: {  	(tm) =	ssettm $0x7FFFFFFF  }
0xc7: {  	_ =	shalt  }
tec
execute0_lowered:
.L_overlay_start_1:
0x0: {  	(tag) =	ssettag $0x1  }
0x1: {  	s0 =	rddreg [dreg:$0x0]  }
0x2: {  	s2 =	rddreg [dreg:$0x1]  }
0x3: {  	s5 =	rddreg [dreg:$0x2]  }
0x4: {  	s8 =	rddreg [dreg:$0x3]  }
0x5: {  	s1 =	simm.s32 $0x0;
	s6 =	srdreg.scid;
	s9 =	stileid.u32  }
0x6: {  	s13 =	simm.s32 $0x80;
	s14 =	simm.s32 $0x400;
	s15 =	simm.s32 $0x800  }
0x7: {  	s16 =	simm.s32 $0x600;
	s17 =	simm.s32 $0x8800;
	s18 =	simm.s32 $0x480  }
0x8: {  	s19 =	simm.s32 $0x4800;
	s20 =	simm.s32 $0x680;
	s21 =	simm.s32 $0xC800  }
0x9: {  	s22 =	simm.s32 $0x1;
	s23 =	simm.s32 $0x500;
	s24 =	simm.s32 $0x700  }
0xa: {  	s25 =	simm.s32 $0x580;
	s26 =	simm.s32 $0x780;
	s28 =	simm.s32 $0x10800  }
0xb: {  	s29 =	simm.s32 $0x0;
	[smem:$0x7FF] =	sst s1;
	s3 =	sadd.s32 $0x40800, s5  }
0xc: {  	s4 =	sadd.s32 $0x800, s5;
	s6 =	sand.u32 $0x1, s6;
	s9 =	sshll.u32 s9, $0x7  }
0xd: {  	s5 =	sadd.s32 $0x240800, s5;
	s7 =	ssub.s32 $0x2, s6;
	s6 =	sshll.u32 s6, $0x6  }
0xe: {  	_ =	strace $0x80000047;
	s10 =	sshrl.u32 s7, $0x1;
	s9 =	sor.u32 s6, s9  }
0xf: {  	v0 =	vlaneseq.u32;
	s10 =	ssub.s32 s7, s10;
	s6 =	sadd.s32 s0, s9;
	s7 =	sadd.s32 s2, s9  }
0x10: {  	v0 =	vmul.u32 $0x80, v0;
	s8 =	sadd.s32 s8, s9;
	s9 =	smax.u32 s10, $0x1;
	s10 =	simm.s32 $0x2  }
.LBB2_1:
0x11: {  	[tilespmem:s1], [sflag:$0x2] =	stream.linear.gather [hbm4b:s6+s1], $0x200, $0x38;
	[tilespmem:$0x10A80] =	vst v63  }
0x12: {  	_ =	swait.ge [sflag:s10], $0x200  }
0x13: {  	[sflag:s10] =	ssyncset.done $0x0  }
0x14: {  	s0 =	simm.s32 $0x200;
	[sflag:s10] =	ssyncadd.s32 $0xFFFFFE00  }
0x15: {  	[tilespmem:s0], [sflag:$0x2] =	stream.linear.gather [hbm4b:s7+s1], $0x200, $0x38;
	[tilespmem:$0x10A80] =	vst v63  }
0x16: {  	_ =	swait.ge [sflag:s10], $0x200  }
0x17: {  	[sflag:s10] =	ssyncset.done $0x0  }
0x18: {  	s12 =	simm.s32 $0x10A00;
	[sflag:s10] =	ssyncadd.s32 $0xFFFFFE00  }
0x19: {  	[tilespmem:s12], [sflag:$0x2] =	stream.linear.gather [hbm4b:s5+s1], $0x80, $0x38;
	[tilespmem:$0x10A80] =	vst v63  }
0x1a: {  	_ =	swait.ge [sflag:s10], $0x80  }
0x1b: {  	[sflag:s10] =	ssyncset.done $0x0  }
0x1c: {  	[sflag:s10] =	ssyncadd.s32 $0xFFFFFF80  }
0x1d: {  	v1 =	vld [tilespmem:$0x0]  }
0x1e: {  	v2 =	vld [tilespmem:$0x200]  }
0x1f: {  	v3 =	vld [tilespmem:$0x10]  }
0x20: {  	v4 =	vld [tilespmem:$0x210]  }
0x21: {  	v5 =	vld [tilespmem:$0x20]  }
0x22: {  	v6 =	vld [tilespmem:$0x220];
	v1 =	vand.u32 $0x1FFFF, v1  }
0x23: {  	[tilespmem:$0x400] =	vst v1;
	v1 =	vand.u32 $0x3FFF, v2;
	v2 =	vld [tilespmem:$0x30]  }
0x24: {  	[tilespmem:$0x600] =	vst v1;
	v1 =	vand.u32 $0x1FFFF, v3;
	v3 =	vld [tilespmem:$0x230]  }
0x25: {  	v30 =	vld [tilespmem:$0x40];
	[tilespmem:$0x410] =	vst v1;
	v1 =	vand.u32 $0x3FFF, v4  }
0x26: {  	v31 =	vld [tilespmem:$0x240];
	[tilespmem:$0x610] =	vst v1;
	v1 =	vand.u32 $0x1FFFF, v5  }
0x27: {  	v32 =	vld [tilespmem:$0x50];
	[tilespmem:$0x420] =	vst v1;
	v1 =	vand.u32 $0x3FFF, v6  }
0x28: {  	[tilespmem:$0x620] =	vst v1;
	v1 =	vand.u32 $0x1FFFF, v2;
	v2 =	vld [tilespmem:$0x250]  }
0x29: {  	[tilespmem:$0x430] =	vst v1;
	v1 =	vand.u32 $0x3FFF, v3;
	v3 =	vld [tilespmem:$0x60]  }
0x2a: {  	v33 =	vld [tilespmem:$0x260];
	[tilespmem:$0x630] =	vst v1;
	v1 =	vand.u32 $0x1FFFF, v30  }
0x2b: {  	v34 =	vld [tilespmem:$0x70];
	[tilespmem:$0x440] =	vst v1;
	v1 =	vand.u32 $0x3FFF, v31  }
0x2c: {  	v35 =	vld [tilespmem:$0x270];
	[tilespmem:$0x640] =	vst v1;
	v1 =	vand.u32 $0x1FFFF, v32  }
0x2d: {  	[tilespmem:$0x450] =	vst v1;
	v1 =	vand.u32 $0x3FFF, v2;
	v2 =	vld [tilespmem:$0x80]  }
0x2e: {  	[tilespmem:$0x650] =	vst v1;
	v1 =	vand.u32 $0x1FFFF, v3;
	v3 =	vld [tilespmem:$0x280]  }
0x2f: {  	v36 =	vld [tilespmem:$0x90];
	[tilespmem:$0x460] =	vst v1;
	v1 =	vand.u32 $0x3FFF, v33  }
0x30: {  	v37 =	vld [tilespmem:$0x290];
	[tilespmem:$0x660] =	vst v1;
	v1 =	vand.u32 $0x1FFFF, v34  }
0x31: {  	v38 =	vld [tilespmem:$0xA0];
	[tilespmem:$0x470] =	vst v1;
	v1 =	vand.u32 $0x3FFF, v35  }
0x32: {  	[tilespmem:$0x670] =	vst v1;
	v1 =	vand.u32 $0x1FFFF, v2;
	v2 =	vld [tilespmem:$0x2A0]  }
0x33: {  	[tilespmem:$0x480] =	vst v1;
	v1 =	vand.u32 $0x3FFF, v3;
	v3 =	vld [tilespmem:$0xB0]  }
0x34: {  	v39 =	vld [tilespmem:$0x2B0];
	[tilespmem:$0x680] =	vst v1;
	v1 =	vand.u32 $0x1FFFF, v36  }
0x35: {  	v40 =	vld [tilespmem:$0xC0];
	[tilespmem:$0x490] =	vst v1;
	v1 =	vand.u32 $0x3FFF, v37  }
0x36: {  	v41 =	vld [tilespmem:$0x2C0];
	[tilespmem:$0x690] =	vst v1;
	v1 =	vand.u32 $0x1FFFF, v38  }
0x37: {  	[tilespmem:$0x4A0] =	vst v1;
	v1 =	vand.u32 $0x3FFF, v2;
	v2 =	vld [tilespmem:$0xD0]  }
0x38: {  	[tilespmem:$0x6A0] =	vst v1;
	v1 =	vand.u32 $0x1FFFF, v3;
	v3 =	vld [tilespmem:$0x2D0]  }
0x39: {  	v42 =	vld [tilespmem:$0xE0];
	[tilespmem:$0x4B0] =	vst v1;
	v1 =	vand.u32 $0x3FFF, v39  }
0x3a: {  	v43 =	vld [tilespmem:$0x2E0];
	[tilespmem:$0x6B0] =	vst v1;
	v1 =	vand.u32 $0x1FFFF, v40  }
0x3b: {  	v44 =	vld [tilespmem:$0xF0];
	[tilespmem:$0x4C0] =	vst v1;
	v1 =	vand.u32 $0x3FFF, v41  }
0x3c: {  	[tilespmem:$0x6C0] =	vst v1;
	v1 =	vand.u32 $0x1FFFF, v2;
	v2 =	vld [tilespmem:$0x2F0]  }
0x3d: {  	[tilespmem:$0x4D0] =	vst v1;
	v1 =	vand.u32 $0x3FFF, v3;
	v3 =	vld [tilespmem:$0x100]  }
0x3e: {  	v45 =	vld [tilespmem:$0x300];
	[tilespmem:$0x6D0] =	vst v1;
	v1 =	vand.u32 $0x1FFFF, v42  }
0x3f: {  	v46 =	vld [tilespmem:$0x110];
	[tilespmem:$0x4E0] =	vst v1;
	v1 =	vand.u32 $0x3FFF, v43  }
0x40: {  	v47 =	vld [tilespmem:$0x310];
	[tilespmem:$0x6E0] =	vst v1;
	v1 =	vand.u32 $0x1FFFF, v44  }
0x41: {  	[tilespmem:$0x4F0] =	vst v1;
	v1 =	vand.u32 $0x3FFF, v2;
	v2 =	vld [tilespmem:$0x120]  }
0x42: {  	[tilespmem:$0x6F0] =	vst v1;
	v1 =	vand.u32 $0x1FFFF, v3;
	v3 =	vld [tilespmem:$0x320]  }
0x43: {  	v48 =	vld [tilespmem:$0x130];
	[tilespmem:$0x500] =	vst v1;
	v1 =	vand.u32 $0x3FFF, v45  }
0x44: {  	v49 =	vld [tilespmem:$0x330];
	[tilespmem:$0x700] =	vst v1;
	v1 =	vand.u32 $0x1FFFF, v46  }
0x45: {  	v50 =	vld [tilespmem:$0x140];
	[tilespmem:$0x510] =	vst v1;
	v1 =	vand.u32 $0x3FFF, v47  }
0x46: {  	[tilespmem:$0x710] =	vst v1;
	v1 =	vand.u32 $0x1FFFF, v2;
	v2 =	vld [tilespmem:$0x340]  }
0x47: {  	[tilespmem:$0x520] =	vst v1;
	v1 =	vand.u32 $0x3FFF, v3;
	v3 =	vld [tilespmem:$0x150]  }
0x48: {  	v51 =	vld [tilespmem:$0x350];
	[tilespmem:$0x720] =	vst v1;
	v1 =	vand.u32 $0x1FFFF, v48  }
0x49: {  	v52 =	vld [tilespmem:$0x160];
	[tilespmem:$0x530] =	vst v1;
	v1 =	vand.u32 $0x3FFF, v49  }
0x4a: {  	v53 =	vld [tilespmem:$0x360];
	[tilespmem:$0x730] =	vst v1;
	v1 =	vand.u32 $0x1FFFF, v50  }
0x4b: {  	[tilespmem:$0x540] =	vst v1;
	v1 =	vand.u32 $0x3FFF, v2;
	v2 =	vld [tilespmem:$0x170]  }
0x4c: {  	[tilespmem:$0x740] =	vst v1;
	v1 =	vand.u32 $0x1FFFF, v3;
	v3 =	vld [tilespmem:$0x370]  }
0x4d: {  	v54 =	vld [tilespmem:$0x180];
	[tilespmem:$0x550] =	vst v1;
	v1 =	vand.u32 $0x3FFF, v51  }
0x4e: {  	v55 =	vld [tilespmem:$0x380];
	[tilespmem:$0x750] =	vst v1;
	v1 =	vand.u32 $0x1FFFF, v52  }
0x4f: {  	v56 =	vld [tilespmem:$0x190];
	[tilespmem:$0x560] =	vst v1;
	v1 =	vand.u32 $0x3FFF, v53  }
0x50: {  	[tilespmem:$0x760] =	vst v1;
	v1 =	vand.u32 $0x1FFFF, v2;
	v2 =	vld [tilespmem:$0x390]  }
0x51: {  	[tilespmem:$0x570] =	vst v1;
	v1 =	vand.u32 $0x3FFF, v3;
	v3 =	vld [tilespmem:$0x1A0]  }
0x52: {  	v57 =	vld [tilespmem:$0x3A0];
	[tilespmem:$0x770] =	vst v1;
	v1 =	vand.u32 $0x1FFFF, v54  }
0x53: {  	v58 =	vld [tilespmem:$0x1B0];
	[tilespmem:$0x580] =	vst v1;
	v1 =	vand.u32 $0x3FFF, v55  }
0x54: {  	v59 =	vld [tilespmem:$0x3B0];
	[tilespmem:$0x780] =	vst v1;
	v1 =	vand.u32 $0x1FFFF, v56  }
0x55: {  	[tilespmem:$0x590] =	vst v1;
	v1 =	vand.u32 $0x3FFF, v2;
	v2 =	vld [tilespmem:$0x1C0]  }
0x56: {  	[tilespmem:$0x790] =	vst v1;
	v1 =	vand.u32 $0x1FFFF, v3;
	v3 =	vld [tilespmem:$0x3C0]  }
0x57: {  	v60 =	vld [tilespmem:$0x1D0];
	[tilespmem:$0x5A0] =	vst v1;
	v1 =	vand.u32 $0x3FFF, v57  }
0x58: {  	v61 =	vld [tilespmem:$0x3D0];
	[tilespmem:$0x7A0] =	vst v1;
	v1 =	vand.u32 $0x1FFFF, v58  }
0x59: {  	v62 =	vld [tilespmem:$0x1E0];
	[tilespmem:$0x5B0] =	vst v1;
	v1 =	vand.u32 $0x3FFF, v59  }
0x5a: {  	[tilespmem:$0x7B0] =	vst v1;
	v1 =	vand.u32 $0x1FFFF, v2;
	v2 =	vld [tilespmem:$0x3E0]  }
0x5b: {  	[tilespmem:$0x5C0] =	vst v1;
	v1 =	vand.u32 $0x3FFF, v3;
	v3 =	vld [tilespmem:$0x1F0]  }
0x5c: {  	v63 =	vld [tilespmem:$0x3F0];
	[tilespmem:$0x7C0] =	vst v1;
	v1 =	vand.u32 $0x1FFFF, v60  }
0x5d: {  	[tilespmem:$0x5D0] =	vst v1;
	v1 =	vand.u32 $0x3FFF, v61  }
0x5e: {  	[tilespmem:$0x7D0] =	vst v1;
	v1 =	vand.u32 $0x1FFFF, v62  }
0x5f: {  	[tilespmem:$0x5E0] =	vst v1;
	v1 =	vand.u32 $0x3FFF, v2  }
0x60: {  	[tilespmem:$0x7E0] =	vst v1;
	v1 =	vand.u32 $0x1FFFF, v3  }
0x61: {  	[tilespmem:$0x5F0] =	vst v1;
	v1 =	vand.u32 $0x3FFF, v63  }
0x62: {  	[tilespmem:$0x7F0] =	vst v1  }
0x63: {  	v1 =	vld [tilespmem:$0x10A00];
	[tilespmem:s15], [sflag:$0x1] =	stream.indirect.gather [hbm4b:s3+s13], $0x80, s14, s13, $0xb8  }
0x64: {  	_ = 	snop  }
0x65: {  	[tilespmem:s17], [sflag:$0x1] =	stream.indirect.gather [hbm4b:s4+s13], $0x80, s16, s13, $0xb8;
	[tilespmem:$0x10A80] =	vst v63  }
0x66: {  	_ = 	snop  }
0x67: {  	[tilespmem:s19], [sflag:$0x1] =	stream.indirect.gather [hbm4b:s3+s13], $0x80, s18, s13, $0xb8;
	[tilespmem:$0x10A80] =	vst v63  }
0x68: {  	_ = 	snop  }
0x69: {  	[tilespmem:s21], [sflag:$0x1] =	stream.indirect.gather [hbm4b:s4+s13], $0x80, s20, s13, $0xb8;
	[tilespmem:$0x10A80] =	vst v63  }
0x6a: {  	_ =	swait.ge [sflag:s22], $0x4000  }
0x6b: {  	[sflag:s22] =	ssyncset.done $0x0  }
0x6c: {  	[sflag:s22] =	ssyncadd.s32 $0xFFFFC000  }
0x6d: {  	_ =	swait.ge [sflag:s22], $0x4000  }
0x6e: {  	[sflag:s22] =	ssyncset.done $0x0  }
0x6f: {  	[sflag:s22] =	ssyncadd.s32 $0xFFFFC000  }
0x70: {  	_ =	swait.ge [sflag:s22], $0x4000  }
0x71: {  	[sflag:s22] =	ssyncset.done $0x0  }
0x72: {  	[sflag:s22] =	ssyncadd.s32 $0xFFFFC000  }
0x73: {  	s30 =	simm.s32 $0xFFFFFFFE;
	_ =	swait.ge [sflag:s22], $0x4000  }
0x74: {  	s31 =	simm.s32 $0x10;
	s2 =	simm.s32 $0x10810;
	[sflag:s22] =	ssyncset.done $0x0  }
0x75: {  	s11 =	simm.s32 $0x10;
	s0 =	simm.s32 $0x210;
	[sflag:s22] =	ssyncadd.s32 $0xFFFFC000  }
.LBB2_2:
0x76: {  	v4 =	vld [tilespmem:s11+$0xFFFFFFF0];
	_ =	sdelay $0x2  }
0x77: {  	s12 =	sadd.s32 $0xFFFFFFF0, s31  }
0x78: {  	v2 =	vmov s12  }
0x79: {  	v2 =	vshll.u32 v2, $0x7;
	v3 =	vshrl.u32 v4, $0xD  }
0x7a: {  	v5 =	vld [tilespmem:s0+$0xFFFFFFF0];
	v6 =	vor.u32 v0, v2;
	v2 =	vand.u32 $0x7FF80, v3  }
0x7b: {  	v3 =	vand.u32 $0x60, v3;
	v2 =	vadd.s32 v6, v2  }
0x7c: {  	v2 =	vor.u32 v3, v2  }
0x7d: {  	v55 =	vor.u32 $0x1, v2  }
0x7e: {  	v11 =	vor.u32 $0x2, v2  }
0x7f: {  	v7 =	vshrl.u32 v5, $0xA;
	v57 =	vor.u32 $0x3, v2  }
0x80: {  	v3 =	vand.u32 $0x3FFF80, v7;
	v13 =	vor.u32 $0x4, v2  }
0x81: {  	v7 =	vand.u32 $0x60, v7;
	v3 =	vadd.s32 v6, v3;
	v22 =	vor.u32 $0x5, v2;
	v54 =	vld.idx.msk [tilespmem:v2+s15+$0x0], $0xffff  }
0x82: {  	v14 =	vor.u32 $0x6, v2;
	v3 =	vor.u32 v7, v3;
	v7 =	vld.idx.msk [tilespmem:v55+s15+$0x0], $0xffff  }
0x83: {  	v5 =	vand.u32 $0x4000, v5;
	v38 =	vor.u32 $0x8, v2;
	v60 =	vld.idx.msk [tilespmem:v11+s15+$0x0], $0xffff  }
0x84: {  	vm1 =	veq.s32 v5, $0x0;
	v43 =	vor.u32 $0x9, v2;
	v5 =	vld.idx.msk [tilespmem:v57+s15+$0x0], $0xffff  }
0x85: {  	v4 =	vand.u32 $0x20000, v4;
	v21 =	vld.idx.msk [tilespmem:v13+s15+$0x0], $0xffff  }
0x86: {  	vm0 =	veq.s32 v4, $0x0;
	v34 =	vor.u32 $0x7, v2;
	v58 =	vor.u32 $0x3, v3;
	v29 =	vld.idx.msk [tilespmem:v22+s15+$0x0], $0xffff  }
0x87: {  	v52 =	vor.u32 $0xA, v2;
	v8 =	vor.u32 $0x1, v3;
	v12 =	vor.u32 $0x2, v3;
	v33 =	vld.idx.msk [tilespmem:v14+s15+$0x0], $0xffff  }
0x88: {  	v63 =	vor.u32 $0x4, v3;
	v24 =	vor.u32 $0x5, v3;
	v27 =	vor.u32 $0x6, v3;
	v47 =	vld.idx.msk [tilespmem:v38+s15+$0x0], $0xffff  }
0x89: {  	v35 =	vor.u32 $0x7, v3;
	v40 =	vor.u32 $0x8, v3;
	v45 =	vor.u32 $0x9, v3;
	v51 =	vld.idx.msk [tilespmem:v43+s15+$0x0], $0xffff  }
0x8a: {  	v57 =	vor.u32 $0xB, v2;
	v22 =	vor.u32 $0xD, v2;
	v38 =	vor.u32 $0xF, v3;
	v9 =	vld.idx.msk [tilespmem:v3+s17+$0x0], $0xffff  }
0x8b: {  	v16 =	vld.idx.msk [tilespmem:v58+s17+$0x0], $0xffff;
	v58 =	vor.u32 $0xB, v3;
	v10 =	vunpack.i.u.bf16.f32 v54;
	v6 =	vunpack.i.l.bf16.f32 v54  }
0x8c: {  	v8 =	vld.idx.msk [tilespmem:v8+s17+$0x0], $0xffff;
	v54 =	vor.u32 $0xA, v3;
	v6 =	vsel vm0, v6, v10;
	v59 =	vunpack.i.u.bf16.f32 v7  }
0x8d: {  	v12 =	vld.idx.msk [tilespmem:v12+s17+$0x0], $0xffff;
	v7 =	vunpack.i.l.bf16.f32 v7;
	v17 =	vunpack.i.u.bf16.f32 v60;
	v18 =	vunpack.i.l.bf16.f32 v60  }
0x8e: {  	v11 =	vld.idx.msk [tilespmem:v35+s17+$0x0], $0xffff;
	v25 =	vunpack.i.u.bf16.f32 v5;
	v5 =	vunpack.i.l.bf16.f32 v5;
	v28 =	vunpack.i.u.bf16.f32 v21  }
0x8f: {  	v48 =	vld.idx.msk [tilespmem:v40+s17+$0x0], $0xffff;
	v30 =	vunpack.i.l.bf16.f32 v21;
	v36 =	vunpack.i.u.bf16.f32 v29;
	v41 =	vunpack.i.u.bf16.f32 v33  }
0x90: {  	v10 =	vld.idx.msk [tilespmem:v24+s17+$0x0], $0xffff;
	v55 =	vunpack.i.u.bf16.f32 v47;
	v60 =	vunpack.i.u.bf16.f32 v51;
	v24 =	vor.u32 $0xD, v3  }
0x91: {  	v56 =	vunpack.i.u.bf16.f32 v9;
	v9 =	vunpack.i.l.bf16.f32 v9;
	v5 =	vsel vm0, v5, v25  }
0x92: {  	v4 =	vsel vm1, v9, v56;
	v61 =	vunpack.i.u.bf16.f32 v8;
	v8 =	vunpack.i.l.bf16.f32 v8  }
0x93: {  	v19 =	vunpack.i.u.bf16.f32 v12;
	v20 =	vunpack.i.l.bf16.f32 v12;
	v26 =	vunpack.i.u.bf16.f32 v16  }
0x94: {  	v50 =	vunpack.i.u.bf16.f32 v11;
	v11 =	vunpack.i.l.bf16.f32 v11;
	v56 =	vunpack.i.u.bf16.f32 v48  }
0x95: {  	v9 =	vld.idx.msk [tilespmem:v27+s17+$0x0], $0xffff;
	v27 =	vor.u32 $0xE, v2;
	v4 =	vmul.f32 v4, v6;
	v6 =	vsel vm0, v7, v59  }
0x96: {  	v62 =	vsel vm1, v8, v61;
	v23 =	vsel vm1, v20, v19;
	v7 =	vunpack.i.l.bf16.f32 v16  }
0x97: {  	v53 =	vsel vm1, v11, v50;
	v19 =	vor.u32 $0xC, v3;
	v50 =	vor.u32 $0x11, v2  }
0x98: {  	v6 =	vmul.f32 v62, v6;
	v7 =	vsel vm1, v7, v26;
	v62 =	vunpack.i.l.bf16.f32 v51  }
0x99: {  	v8 =	vld.idx.msk [tilespmem:v63+s17+$0x0], $0xffff;
	v51 =	vor.u32 $0x11, v3;
	v4 =	vadd.f32 v4, v1;
	v5 =	vmul.f32 v7, v5  }
0x9a: {  	v61 =	vld.idx.msk [tilespmem:v52+s15+$0x0], $0xffff;
	v7 =	vunpack.i.l.bf16.f32 v29;
	v37 =	vunpack.i.u.bf16.f32 v10;
	v10 =	vunpack.i.l.bf16.f32 v10  }
0x9b: {  	v29 =	vor.u32 $0xE, v3;
	v39 =	vsel vm1, v10, v37;
	v10 =	vld.idx.msk [tilespmem:v54+s17+$0x0], $0xffff;
	v54 =	vor.u32 $0x12, v2  }
0x9c: {  	v4 =	vadd.f32 v6, v4;
	v6 =	vsel vm0, v18, v17;
	v42 =	vunpack.i.u.bf16.f32 v9  }
0x9d: {  	v9 =	vunpack.i.l.bf16.f32 v9;
	v18 =	vor.u32 $0xC, v2;
	v6 =	vmul.f32 v23, v6  }
0x9e: {  	v31 =	vunpack.i.u.bf16.f32 v8;
	v8 =	vunpack.i.l.bf16.f32 v8;
	v44 =	vsel vm1, v9, v42  }
0x9f: {  	v17 =	vld.idx.msk [tilespmem:v57+s15+$0x0], $0xffff;
	v20 =	vunpack.i.u.bf16.f32 v61;
	v42 =	vor.u32 $0x10, v3;
	v8 =	vsel vm1, v8, v31  }
0xa0: {  	v31 =	vld.idx.msk [tilespmem:v22+s15+$0x0], $0xffff;
	v22 =	vor.u32 $0x14, v3;
	v4 =	vadd.f32 v6, v4;
	v6 =	vsel vm0, v30, v28  }
0xa1: {  	v9 =	vld.idx.msk [tilespmem:v45+s17+$0x0], $0xffff;
	v32 =	vmul.f32 v8, v6;
	v6 =	vunpack.i.l.bf16.f32 v33;
	v21 =	vunpack.i.u.bf16.f32 v10  }
0xa2: {  	v11 =	vld.idx.msk [tilespmem:v19+s17+$0x0], $0xffff;
	v10 =	vunpack.i.l.bf16.f32 v10;
	v4 =	vadd.f32 v5, v4;
	v5 =	vsel vm0, v7, v36  }
0xa3: {  	v35 =	vld.idx.msk [tilespmem:v27+s15+$0x0], $0xffff;
	v6 =	vsel vm0, v6, v41;
	v7 =	vunpack.i.l.bf16.f32 v48;
	v23 =	vsel vm1, v10, v21  }
0xa4: {  	v25 =	vunpack.i.u.bf16.f32 v17;
	v36 =	vor.u32 $0xF, v2;
	v41 =	vor.u32 $0x10, v2  }
0xa5: {  	v10 =	vld.idx.msk [tilespmem:v38+s17+$0x0], $0xffff;
	v38 =	vor.u32 $0x17, v2;
	v5 =	vmul.f32 v39, v5;
	v46 =	vmul.f32 v44, v6  }
0xa6: {  	v6 =	vunpack.i.l.bf16.f32 v47;
	v7 =	vsel vm1, v7, v56;
	v63 =	vunpack.i.u.bf16.f32 v9  }
0xa7: {  	v8 =	vld.idx.msk [tilespmem:v34+s15+$0x0], $0xffff;
	v9 =	vunpack.i.l.bf16.f32 v9;
	v34 =	vunpack.i.u.bf16.f32 v11;
	v11 =	vunpack.i.l.bf16.f32 v11  }
0xa8: {  	v44 =	vunpack.i.u.bf16.f32 v35;
	v56 =	vor.u32 $0x12, v3;
	v4 =	vadd.f32 v32, v4  }
0xa9: {  	v6 =	vsel vm0, v6, v55;
	v9 =	vsel vm1, v9, v63;
	v37 =	vsel vm1, v11, v34  }
0xaa: {  	v39 =	vunpack.i.u.bf16.f32 v31;
	v63 =	vld.idx.msk [tilespmem:v54+s15+$0x0], $0xffff;
	v34 =	vor.u32 $0x16, v2;
	v54 =	vor.u32 $0x19, v3  }
0xab: {  	v32 =	vld.idx.msk [tilespmem:v24+s17+$0x0], $0xffff;
	v59 =	vmul.f32 v7, v6;
	v6 =	vsel vm0, v62, v60;
	v7 =	vunpack.i.l.bf16.f32 v61  }
0xac: {  	v11 =	vld.idx.msk [tilespmem:v51+s17+$0x0], $0xffff;
	v61 =	vor.u32 $0x13, v3;
	v4 =	vadd.f32 v5, v4;
	v49 =	vunpack.i.u.bf16.f32 v8  }
0xad: {  	v8 =	vunpack.i.l.bf16.f32 v8;
	v16 =	vmul.f32 v9, v6;
	v6 =	vunpack.i.l.bf16.f32 v17  }
0xae: {  	v5 =	vsel vm0, v8, v49;
	v6 =	vsel vm0, v6, v25;
	v25 =	vor.u32 $0x15, v2  }
0xaf: {  	v9 =	vld.idx.msk [tilespmem:v18+s15+$0x0], $0xffff;
	v4 =	vadd.f32 v46, v4;
	v5 =	vmul.f32 v53, v5;
	v46 =	vunpack.i.l.bf16.f32 v35  }
0xb0: {  	v8 =	vld.idx.msk [tilespmem:v58+s17+$0x0], $0xffff;
	v53 =	vunpack.i.u.bf16.f32 v10;
	v10 =	vunpack.i.l.bf16.f32 v10;
	v35 =	vor.u32 $0x16, v3  }
0xb1: {  	v45 =	vld.idx.msk [tilespmem:v36+s15+$0x0], $0xffff;
	v40 =	vunpack.i.u.bf16.f32 v32;
	v55 =	vsel vm1, v10, v53;
	v18 =	vunpack.i.u.bf16.f32 v11  }
0xb2: {  	v11 =	vunpack.i.l.bf16.f32 v11;
	v10 =	vld.idx.msk [tilespmem:v22+s17+$0x0], $0xffff;
	v22 =	vor.u32 $0x1C, v2;
	v4 =	vadd.f32 v5, v4  }
0xb3: {  	v49 =	vld.idx.msk [tilespmem:v41+s15+$0x0], $0xffff;
	v5 =	vsel vm0, v7, v20;
	v7 =	vunpack.i.l.bf16.f32 v32;
	v20 =	vor.u32 $0x14, v2  }
0xb4: {  	v21 =	vsel vm1, v11, v18;
	v18 =	vor.u32 $0x1B, v2;
	v5 =	vmul.f32 v23, v5  }
0xb5: {  	v33 =	vunpack.i.u.bf16.f32 v9;
	v9 =	vunpack.i.l.bf16.f32 v9;
	v7 =	vsel vm1, v7, v40  }
0xb6: {  	v23 =	vunpack.i.u.bf16.f32 v63;
	v40 =	vor.u32 $0x17, v3;
	v4 =	vadd.f32 v59, v4  }
0xb7: {  	v26 =	vunpack.i.u.bf16.f32 v8;
	v8 =	vunpack.i.l.bf16.f32 v8;
	v52 =	vunpack.i.u.bf16.f32 v45  }
0xb8: {  	v57 =	vunpack.i.u.bf16.f32 v49;
	v59 =	vor.u32 $0x13, v2;
	v28 =	vsel vm1, v8, v26;
	v8 =	vld.idx.msk [tilespmem:v29+s17+$0x0], $0xffff  }
0xb9: {  	v11 =	vld.idx.msk [tilespmem:v35+s17+$0x0], $0xffff;
	v4 =	vadd.f32 v16, v4;
	v30 =	vmul.f32 v28, v6;
	v6 =	vunpack.i.l.bf16.f32 v31  }
0xba: {  	v26 =	vor.u32 $0x15, v3;
	v35 =	vor.u32 $0x1E, v3;
	v16 =	vld.idx.msk [tilespmem:v56+s17+$0x0], $0xffff;
	v6 =	vsel vm0, v6, v39  }
0xbb: {  	v4 =	vadd.f32 v5, v4;
	v5 =	vsel vm0, v9, v33;
	v43 =	vmul.f32 v7, v6  }
0xbc: {  	v29 =	vld.idx.msk [tilespmem:v20+s15+$0x0], $0xffff;
	v6 =	vsel vm0, v46, v44;
	v7 =	vunpack.i.l.bf16.f32 v45;
	v45 =	vor.u32 $0x18, v3  }
0xbd: {  	v5 =	vmul.f32 v37, v5;
	v37 =	vunpack.i.u.bf16.f32 v10;
	v10 =	vunpack.i.l.bf16.f32 v10  }
0xbe: {  	v9 =	vld.idx.msk [tilespmem:v42+s17+$0x0], $0xffff;
	v4 =	vadd.f32 v30, v4;
	v47 =	vunpack.i.u.bf16.f32 v8;
	v8 =	vunpack.i.l.bf16.f32 v8  }
0xbf: {  	v33 =	vld.idx.msk [tilespmem:v25+s15+$0x0], $0xffff;
	v39 =	vsel vm1, v10, v37;
	v8 =	vsel vm1, v8, v47;
	v24 =	vunpack.i.u.bf16.f32 v16  }
0xc0: {  	v4 =	vadd.f32 v5, v4;
	v48 =	vmul.f32 v8, v6;
	v5 =	vsel vm0, v7, v52  }
0xc1: {  	v19 =	vld.idx.msk [tilespmem:v59+s15+$0x0], $0xffff;
	v6 =	vunpack.i.l.bf16.f32 v49;
	v7 =	vunpack.i.l.bf16.f32 v16;
	v36 =	vunpack.i.u.bf16.f32 v29  }
0xc2: {  	v8 =	vld.idx.msk [tilespmem:v50+s15+$0x0], $0xffff;
	v50 =	vunpack.i.u.bf16.f32 v11;
	v11 =	vunpack.i.l.bf16.f32 v11;
	v52 =	vor.u32 $0x19, v2  }
0xc3: {  	v5 =	vmul.f32 v55, v5;
	v58 =	vunpack.i.u.bf16.f32 v9;
	v9 =	vunpack.i.l.bf16.f32 v9  }
0xc4: {  	v47 =	vld.idx.msk [tilespmem:v38+s15+$0x0], $0xffff;
	v6 =	vsel vm0, v6, v57;
	v7 =	vsel vm1, v7, v24;
	v41 =	vunpack.i.u.bf16.f32 v33  }
0xc5: {  	v53 =	vsel vm1, v11, v50;
	v57 =	vor.u32 $0x1A, v2;
	v24 =	vor.u32 $0x1C, v3  }
0xc6: {  	v4 =	vadd.f32 v43, v4;
	v60 =	vsel vm1, v9, v58;
	v28 =	vunpack.i.u.bf16.f32 v19  }
0xc7: {  	v30 =	vunpack.i.l.bf16.f32 v19;
	v43 =	vor.u32 $0x18, v2;
	v58 =	vor.u32 $0x1A, v3  }
0xc8: {  	v9 =	vld.idx.msk [tilespmem:v61+s17+$0x0], $0xffff;
	v19 =	vor.u32 $0x1B, v3;
	v62 =	vmul.f32 v60, v6;
	v6 =	vunpack.i.l.bf16.f32 v63  }
0xc9: {  	v10 =	vld.idx.msk [tilespmem:v54+s17+$0x0], $0xffff;
	v4 =	vadd.f32 v48, v4;
	v6 =	vsel vm0, v6, v23;
	v55 =	vunpack.i.u.bf16.f32 v47  }
0xca: {  	v17 =	vunpack.i.u.bf16.f32 v8;
	v8 =	vunpack.i.l.bf16.f32 v8;
	v27 =	vmul.f32 v7, v6  }
0xcb: {  	v48 =	vld.idx.msk [tilespmem:v40+s17+$0x0], $0xffff;
	v6 =	vsel vm0, v30, v28;
	v7 =	vunpack.i.l.bf16.f32 v29;
	v29 =	vor.u32 $0x1D, v3  }
0xcc: {  	v3 =	vor.u32 $0x1F, v3;
	v4 =	vadd.f32 v5, v4;
	v5 =	vsel vm0, v8, v17  }
0xcd: {  	v61 =	vld.idx.msk [tilespmem:v52+s15+$0x0], $0xffff;
	v5 =	vmul.f32 v21, v5;
	v31 =	vunpack.i.u.bf16.f32 v9;
	v9 =	vunpack.i.l.bf16.f32 v9  }
0xce: {  	v8 =	vld.idx.msk [tilespmem:v26+s17+$0x0], $0xffff;
	v21 =	vunpack.i.u.bf16.f32 v10;
	v10 =	vunpack.i.l.bf16.f32 v10;
	v9 =	vsel vm1, v9, v31  }
0xcf: {  	v17 =	vld.idx.msk [tilespmem:v57+s15+$0x0], $0xffff;
	v4 =	vadd.f32 v62, v4;
	v23 =	vsel vm1, v10, v21;
	v32 =	vmul.f32 v9, v6  }
0xd0: {  	v51 =	vld.idx.msk [tilespmem:v43+s15+$0x0], $0xffff;
	v6 =	vunpack.i.l.bf16.f32 v33;
	v56 =	vunpack.i.u.bf16.f32 v48;
	v33 =	vor.u32 $0x1E, v2  }
0xd1: {  	v11 =	vld.idx.msk [tilespmem:v19+s17+$0x0], $0xffff;
	v4 =	vadd.f32 v5, v4;
	v5 =	vsel vm0, v7, v36;
	v6 =	vsel vm0, v6, v41  }
0xd2: {  	v31 =	vld.idx.msk [tilespmem:v22+s15+$0x0], $0xffff;
	v7 =	vunpack.i.l.bf16.f32 v48;
	v20 =	vunpack.i.u.bf16.f32 v61;
	v5 =	vmul.f32 v39, v5  }
0xd3: {  	v9 =	vld.idx.msk [tilespmem:v34+s15+$0x0], $0xffff;
	v42 =	vunpack.i.u.bf16.f32 v8;
	v8 =	vunpack.i.l.bf16.f32 v8;
	v7 =	vsel vm1, v7, v56  }
0xd4: {  	v25 =	vunpack.i.u.bf16.f32 v17;
	v4 =	vadd.f32 v27, v4;
	v44 =	vsel vm1, v8, v42  }
0xd5: {  	v60 =	vunpack.i.u.bf16.f32 v51;
	v62 =	vunpack.i.l.bf16.f32 v51;
	v27 =	vor.u32 $0x1D, v2  }
0xd6: {  	v40 =	vld.idx.msk [tilespmem:v35+s17+$0x0], $0xffff;
	v36 =	vunpack.i.u.bf16.f32 v11;
	v11 =	vunpack.i.l.bf16.f32 v11;
	v2 =	vor.u32 $0x1F, v2  }
0xd7: {  	v8 =	vld.idx.msk [tilespmem:v45+s17+$0x0], $0xffff;
	v46 =	vmul.f32 v44, v6;
	v6 =	vunpack.i.l.bf16.f32 v47;
	v4 =	vadd.f32 v32, v4  }
0xd8: {  	v3 =	vld.idx.msk [tilespmem:v3+s17+$0x0], $0xffff;
	v37 =	vsel vm1, v11, v36;
	v38 =	vunpack.i.u.bf16.f32 v31;
	v49 =	vunpack.i.u.bf16.f32 v9  }
0xd9: {  	v9 =	vunpack.i.l.bf16.f32 v9;
	v6 =	vsel vm0, v6, v55;
	v4 =	vadd.f32 v5, v4  }
0xda: {  	v32 =	vld.idx.msk [tilespmem:v24+s17+$0x0], $0xffff;
	v59 =	vmul.f32 v7, v6;
	v6 =	vsel vm0, v62, v60;
	v5 =	vsel vm0, v9, v49  }
0xdb: {  	v7 =	vunpack.i.l.bf16.f32 v61;
	v9 =	vld.idx.msk [tilespmem:v58+s17+$0x0], $0xffff;
	v5 =	vmul.f32 v53, v5;
	v4 =	vadd.f32 v46, v4  }
0xdc: {  	v49 =	vunpack.i.u.bf16.f32 v40;
	v63 =	vunpack.i.u.bf16.f32 v8;
	v8 =	vunpack.i.l.bf16.f32 v8  }
0xdd: {  	v10 =	vld.idx.msk [tilespmem:v33+s15+$0x0], $0xffff;
	v53 =	vunpack.i.u.bf16.f32 v3;
	v8 =	vsel vm1, v8, v63;
	v4 =	vadd.f32 v5, v4  }
0xde: {  	v3 =	vunpack.i.l.bf16.f32 v3;
	v16 =	vmul.f32 v8, v6;
	v6 =	vunpack.i.l.bf16.f32 v17;
	v8 =	vld.idx.msk [tilespmem:v18+s15+$0x0], $0xffff  }
0xdf: {  	v39 =	vunpack.i.u.bf16.f32 v32;
	v5 =	vsel vm0, v7, v20;
	v4 =	vadd.f32 v59, v4  }
0xe0: {  	v6 =	vsel vm0, v6, v25;
	v26 =	vunpack.i.u.bf16.f32 v9;
	v9 =	vunpack.i.l.bf16.f32 v9  }
0xe1: {  	v14 =	vld.idx.msk [tilespmem:v27+s15+$0x0], $0xffff;
	v5 =	vmul.f32 v23, v5;
	v28 =	vsel vm1, v9, v26;
	v4 =	vadd.f32 v16, v4  }
0xe2: {  	v47 =	vunpack.i.u.bf16.f32 v10;
	v7 =	vunpack.i.l.bf16.f32 v32;
	v9 =	vld.idx.msk [tilespmem:v29+s17+$0x0], $0xffff;
	v30 =	vmul.f32 v28, v6  }
0xe3: {  	v34 =	vunpack.i.u.bf16.f32 v8;
	v8 =	vunpack.i.l.bf16.f32 v8;
	v4 =	vadd.f32 v5, v4  }
0xe4: {  	v7 =	vsel vm1, v7, v39;
	v6 =	vunpack.i.l.bf16.f32 v31;
	v5 =	vsel vm0, v8, v34  }
0xe5: {  	v2 =	vld.idx.msk [tilespmem:v2+s15+$0x0], $0xffff;
	v6 =	vsel vm0, v6, v38;
	v5 =	vmul.f32 v37, v5;
	v4 =	vadd.f32 v30, v4  }
0xe6: {  	v42 =	vunpack.i.u.bf16.f32 v14;
	v43 =	vunpack.i.l.bf16.f32 v14;
	v41 =	vmul.f32 v7, v6  }
0xe7: {  	v44 =	vunpack.i.u.bf16.f32 v9;
	v9 =	vunpack.i.l.bf16.f32 v9;
	v4 =	vadd.f32 v5, v4  }
0xe8: {  	v48 =	vunpack.i.l.bf16.f32 v10;
	v6 =	vsel vm0, v43, v42;
	v45 =	vsel vm1, v9, v44  }
0xe9: {  	v8 =	vunpack.i.l.bf16.f32 v40;
	v46 =	vmul.f32 v45, v6;
	v4 =	vadd.f32 v41, v4  }
0xea: {  	v52 =	vunpack.i.u.bf16.f32 v2;
	v50 =	vsel vm1, v8, v49;
	v6 =	vsel vm0, v48, v47  }
0xeb: {  	v2 =	vunpack.i.l.bf16.f32 v2;
	v51 =	vmul.f32 v50, v6;
	v4 =	vadd.f32 v46, v4  }
0xec: {  	v3 =	vsel vm1, v3, v53;
	v2 =	vsel vm0, v2, v52  }
0xed: {  	v2 =	vmul.f32 v3, v2;
	v4 =	vadd.f32 v51, v4;
	_ =	sdelay $0x1  }
0xee: {  	v2 =	vadd.f32 v2, v4;
	_ =	sdelay $0x1  }
0xef: {  	[tilespmem:s2+$0xFFFFFFF0] =	vst v2  }
0xf0: {  	v54 =	vld [tilespmem:s11+$0x0];
	_ =	sdelay $0x3  }
0xf1: {  	v2 =	vmov s31  }
0xf2: {  	v2 =	vshll.u32 v2, $0x7;
	v3 =	vshrl.u32 v54, $0xD  }
0xf3: {  	v55 =	vld [tilespmem:s0+$0x0];
	v56 =	vor.u32 v0, v2;
	v2 =	vand.u32 $0x7FF80, v3  }
0xf4: {  	v3 =	vand.u32 $0x60, v3;
	v2 =	vadd.s32 v56, v2  }
0xf5: {  	v2 =	vor.u32 v3, v2  }
0xf6: {  	v59 =	vor.u32 $0x1, v2  }
0xf7: {  	v63 =	vor.u32 $0x2, v2  }
0xf8: {  	v57 =	vshrl.u32 v55, $0xA;
	v18 =	vor.u32 $0x3, v2  }
0xf9: {  	v3 =	vand.u32 $0x3FFF80, v57;
	v23 =	vor.u32 $0x4, v2  }
0xfa: {  	v7 =	vand.u32 $0x60, v57;
	v3 =	vadd.s32 v56, v3;
	v32 =	vor.u32 $0x5, v2;
	v58 =	vld.idx.msk [tilespmem:v2+s15+$0x0], $0xffff  }
0xfb: {  	v37 =	vor.u32 $0x6, v2;
	v3 =	vor.u32 v7, v3;
	v7 =	vld.idx.msk [tilespmem:v59+s15+$0x0], $0xffff  }
0xfc: {  	v5 =	vand.u32 $0x4000, v55;
	v21 =	vld.idx.msk [tilespmem:v63+s15+$0x0], $0xffff  }
0xfd: {  	vm15 =	veq.s32 v5, $0x0;
	v60 =	vor.u32 $0x1, v3;
	v5 =	vld.idx.msk [tilespmem:v18+s15+$0x0], $0xffff  }
0xfe: {  	v4 =	vand.u32 $0x20000, v54;
	v49 =	vor.u32 $0x8, v2;
	v31 =	vld.idx.msk [tilespmem:v23+s15+$0x0], $0xffff  }
0xff: {  	vm14 =	veq.s32 v4, $0x0;
	v45 =	vor.u32 $0x7, v2;
	v16 =	vor.u32 $0x2, v3;
	v40 =	vld.idx.msk [tilespmem:v32+s15+$0x0], $0xffff  }
0x100: {  	v54 =	vor.u32 $0x9, v2;
	v19 =	vor.u32 $0x3, v3;
	v25 =	vor.u32 $0x4, v3;
	v44 =	vld.idx.msk [tilespmem:v37+s15+$0x0], $0xffff  }
0x101: {  	v34 =	vor.u32 $0x5, v3;
	v38 =	vor.u32 $0x6, v3;
	v46 =	vor.u32 $0x7, v3;
	v61 =	vld.idx.msk [tilespmem:v3+s17+$0x0], $0xffff  }
0x102: {  	v51 =	vor.u32 $0x8, v3;
	v56 =	vor.u32 $0x9, v3;
	v63 =	vor.u32 $0xA, v2;
	v8 =	vld.idx.msk [tilespmem:v60+s17+$0x0], $0xffff  }
0x103: {  	v62 =	vunpack.i.u.bf16.f32 v58;
	v6 =	vunpack.i.l.bf16.f32 v58;
	v58 =	vld.idx.msk [tilespmem:v49+s15+$0x0], $0xffff;
	v49 =	vor.u32 $0xF, v3  }
0x104: {  	v12 =	vld.idx.msk [tilespmem:v16+s17+$0x0], $0xffff;
	v6 =	vsel vm14, v6, v62;
	v20 =	vunpack.i.u.bf16.f32 v7;
	v7 =	vunpack.i.l.bf16.f32 v7  }
0x105: {  	v26 =	vld.idx.msk [tilespmem:v19+s17+$0x0], $0xffff;
	v27 =	vunpack.i.u.bf16.f32 v21;
	v28 =	vunpack.i.l.bf16.f32 v21;
	v35 =	vunpack.i.u.bf16.f32 v5  }
0x106: {  	v10 =	vld.idx.msk [tilespmem:v34+s17+$0x0], $0xffff;
	v5 =	vunpack.i.l.bf16.f32 v5;
	v39 =	vunpack.i.u.bf16.f32 v31;
	v41 =	vunpack.i.l.bf16.f32 v31  }
0x107: {  	v11 =	vld.idx.msk [tilespmem:v46+s17+$0x0], $0xffff;
	v47 =	vunpack.i.u.bf16.f32 v40;
	v52 =	vunpack.i.u.bf16.f32 v44;
	v21 =	vor.u32 $0xB, v3  }
0x108: {  	v59 =	vld.idx.msk [tilespmem:v51+s17+$0x0], $0xffff;
	v17 =	vunpack.i.u.bf16.f32 v61;
	v9 =	vunpack.i.l.bf16.f32 v61;
	v5 =	vsel vm14, v5, v35  }
0x109: {  	v35 =	vor.u32 $0xD, v3;
	v4 =	vsel vm15, v9, v17;
	v22 =	vunpack.i.u.bf16.f32 v8  }
0x10a: {  	v8 =	vunpack.i.l.bf16.f32 v8;
	v29 =	vunpack.i.u.bf16.f32 v12;
	v30 =	vunpack.i.l.bf16.f32 v12  }
0x10b: {  	v36 =	vunpack.i.u.bf16.f32 v26;
	v48 =	vunpack.i.u.bf16.f32 v10;
	v10 =	vunpack.i.l.bf16.f32 v10  }
0x10c: {  	v61 =	vunpack.i.u.bf16.f32 v11;
	v11 =	vunpack.i.l.bf16.f32 v11;
	v17 =	vor.u32 $0xA, v3  }
0x10d: {  	v9 =	vld.idx.msk [tilespmem:v38+s17+$0x0], $0xffff;
	v19 =	vunpack.i.u.bf16.f32 v59;
	v38 =	vor.u32 $0xE, v2;
	v4 =	vmul.f32 v4, v6  }
0x10e: {  	v62 =	vld.idx.msk [tilespmem:v54+s15+$0x0], $0xffff;
	v6 =	vsel vm14, v7, v20;
	v24 =	vsel vm15, v8, v22;
	v33 =	vsel vm15, v30, v29  }
0x10f: {  	v7 =	vunpack.i.l.bf16.f32 v26;
	v50 =	vsel vm15, v10, v48;
	v16 =	vsel vm15, v11, v61  }
0x110: {  	v20 =	vor.u32 $0xB, v2;
	v29 =	vor.u32 $0xC, v2;
	v30 =	vor.u32 $0xC, v3  }
0x111: {  	v8 =	vld.idx.msk [tilespmem:v25+s17+$0x0], $0xffff;
	v61 =	vor.u32 $0x11, v2;
	v6 =	vmul.f32 v24, v6;
	v7 =	vsel vm15, v7, v36  }
0x112: {  	v18 =	vunpack.i.u.bf16.f32 v58;
	v4 =	vadd.f32 v4, v1;
	v5 =	vmul.f32 v7, v5  }
0x113: {  	v7 =	vunpack.i.l.bf16.f32 v40;
	v23 =	vunpack.i.u.bf16.f32 v62;
	v25 =	vunpack.i.l.bf16.f32 v62  }
0x114: {  	v24 =	vld.idx.msk [tilespmem:v63+s15+$0x0], $0xffff;
	v40 =	vor.u32 $0xE, v3;
	v62 =	vor.u32 $0x11, v3;
	v4 =	vadd.f32 v6, v4  }
0x115: {  	v6 =	vsel vm14, v28, v27;
	v53 =	vunpack.i.u.bf16.f32 v9;
	v9 =	vunpack.i.l.bf16.f32 v9  }
0x116: {  	v10 =	vld.idx.msk [tilespmem:v17+s17+$0x0], $0xffff;
	v17 =	vor.u32 $0x12, v2;
	v6 =	vmul.f32 v33, v6;
	v42 =	vunpack.i.u.bf16.f32 v8  }
0x117: {  	v8 =	vunpack.i.l.bf16.f32 v8;
	v55 =	vsel vm15, v9, v53;
	v33 =	vor.u32 $0xD, v2  }
0x118: {  	v9 =	vld.idx.msk [tilespmem:v56+s17+$0x0], $0xffff;
	v8 =	vsel vm15, v8, v42;
	v4 =	vadd.f32 v6, v4;
	v6 =	vsel vm14, v41, v39  }
0x119: {  	v28 =	vld.idx.msk [tilespmem:v20+s15+$0x0], $0xffff;
	v53 =	vor.u32 $0x10, v3;
	v31 =	vunpack.i.u.bf16.f32 v24;
	v43 =	vmul.f32 v8, v6  }
0x11a: {  	v11 =	vld.idx.msk [tilespmem:v30+s17+$0x0], $0xffff;
	v6 =	vunpack.i.l.bf16.f32 v44;
	v4 =	vadd.f32 v5, v4;
	v5 =	vsel vm14, v7, v47  }
0x11b: {  	v46 =	vld.idx.msk [tilespmem:v38+s15+$0x0], $0xffff;
	v6 =	vsel vm14, v6, v52;
	v7 =	vunpack.i.l.bf16.f32 v59;
	v32 =	vunpack.i.u.bf16.f32 v10  }
0x11c: {  	v10 =	vunpack.i.l.bf16.f32 v10;
	v47 =	vor.u32 $0xF, v2;
	v52 =	vor.u32 $0x10, v2  }
0x11d: {  	v5 =	vmul.f32 v50, v5;
	v57 =	vmul.f32 v55, v6;
	v6 =	vunpack.i.l.bf16.f32 v58  }
0x11e: {  	v7 =	vsel vm15, v7, v19;
	v26 =	vunpack.i.u.bf16.f32 v9;
	v9 =	vunpack.i.l.bf16.f32 v9  }
0x11f: {  	v8 =	vld.idx.msk [tilespmem:v45+s15+$0x0], $0xffff;
	v34 =	vsel vm15, v10, v32;
	v36 =	vunpack.i.u.bf16.f32 v28;
	v45 =	vunpack.i.u.bf16.f32 v11  }
0x120: {  	v42 =	vld.idx.msk [tilespmem:v33+s15+$0x0], $0xffff;
	v11 =	vunpack.i.l.bf16.f32 v11;
	v55 =	vunpack.i.u.bf16.f32 v46;
	v19 =	vor.u32 $0x12, v3  }
0x121: {  	v10 =	vld.idx.msk [tilespmem:v49+s17+$0x0], $0xffff;
	v33 =	vor.u32 $0x14, v3;
	v49 =	vor.u32 $0x17, v2;
	v4 =	vadd.f32 v43, v4  }
0x122: {  	v6 =	vsel vm14, v6, v18;
	v9 =	vsel vm15, v9, v26;
	v48 =	vsel vm15, v11, v45  }
0x123: {  	v45 =	vor.u32 $0x16, v2;
	v22 =	vmul.f32 v7, v6;
	v6 =	vsel vm14, v25, v23  }
0x124: {  	v43 =	vld.idx.msk [tilespmem:v35+s17+$0x0], $0xffff;
	v7 =	vunpack.i.l.bf16.f32 v24;
	v4 =	vadd.f32 v5, v4;
	v60 =	vunpack.i.u.bf16.f32 v8  }
0x125: {  	v11 =	vld.idx.msk [tilespmem:v62+s17+$0x0], $0xffff;
	v8 =	vunpack.i.l.bf16.f32 v8;
	v27 =	vmul.f32 v9, v6;
	v6 =	vunpack.i.l.bf16.f32 v28  }
0x126: {  	v24 =	vor.u32 $0x13, v3;
	v5 =	vsel vm14, v8, v60;
	v6 =	vsel vm14, v6, v36  }
0x127: {  	v26 =	vld.idx.msk [tilespmem:v17+s15+$0x0], $0xffff;
	v36 =	vor.u32 $0x15, v2;
	v4 =	vadd.f32 v57, v4;
	v5 =	vmul.f32 v16, v5  }
0x128: {  	v9 =	vld.idx.msk [tilespmem:v29+s15+$0x0], $0xffff;
	v50 =	vunpack.i.u.bf16.f32 v42;
	v57 =	vunpack.i.l.bf16.f32 v46;
	v16 =	vunpack.i.u.bf16.f32 v10  }
0x129: {  	v8 =	vld.idx.msk [tilespmem:v21+s17+$0x0], $0xffff;
	v10 =	vunpack.i.l.bf16.f32 v10;
	v46 =	vor.u32 $0x16, v3;
	v51 =	vunpack.i.u.bf16.f32 v43  }
0x12a: {  	v56 =	vld.idx.msk [tilespmem:v47+s15+$0x0], $0xffff;
	v18 =	vsel vm15, v10, v16;
	v29 =	vunpack.i.u.bf16.f32 v11;
	v11 =	vunpack.i.l.bf16.f32 v11  }
0x12b: {  	v60 =	vld.idx.msk [tilespmem:v52+s15+$0x0], $0xffff;
	v16 =	vor.u32 $0x19, v3;
	v4 =	vadd.f32 v5, v4;
	v5 =	vsel vm14, v7, v31  }
0x12c: {  	v7 =	vunpack.i.l.bf16.f32 v43;
	v31 =	vor.u32 $0x14, v2;
	v32 =	vsel vm15, v11, v29  }
0x12d: {  	v29 =	vor.u32 $0x1B, v3;
	v5 =	vmul.f32 v34, v5;
	v44 =	vunpack.i.u.bf16.f32 v9  }
0x12e: {  	v9 =	vunpack.i.l.bf16.f32 v9;
	v7 =	vsel vm15, v7, v51;
	v34 =	vunpack.i.u.bf16.f32 v26  }
0x12f: {  	v51 =	vor.u32 $0x17, v3;
	v4 =	vadd.f32 v22, v4;
	v37 =	vunpack.i.u.bf16.f32 v8  }
0x130: {  	v8 =	vunpack.i.l.bf16.f32 v8;
	v63 =	vunpack.i.u.bf16.f32 v56;
	v20 =	vunpack.i.u.bf16.f32 v60  }
0x131: {  	v10 =	vld.idx.msk [tilespmem:v33+s17+$0x0], $0xffff;
	v22 =	vor.u32 $0x13, v2;
	v39 =	vsel vm15, v8, v37;
	v4 =	vadd.f32 v27, v4  }
0x132: {  	v8 =	vld.idx.msk [tilespmem:v40+s17+$0x0], $0xffff;
	v37 =	vor.u32 $0x15, v3;
	v41 =	vmul.f32 v39, v6;
	v6 =	vunpack.i.l.bf16.f32 v42  }
0x133: {  	v27 =	vld.idx.msk [tilespmem:v19+s17+$0x0], $0xffff;
	v19 =	vor.u32 $0x1A, v2;
	v6 =	vsel vm14, v6, v50;
	v4 =	vadd.f32 v5, v4  }
0x134: {  	v11 =	vld.idx.msk [tilespmem:v46+s17+$0x0], $0xffff;
	v5 =	vsel vm14, v9, v44;
	v54 =	vmul.f32 v7, v6;
	v6 =	vsel vm14, v57, v55  }
0x135: {  	v40 =	vld.idx.msk [tilespmem:v31+s15+$0x0], $0xffff;
	v7 =	vunpack.i.l.bf16.f32 v56;
	v56 =	vor.u32 $0x18, v3;
	v5 =	vmul.f32 v48, v5  }
0x136: {  	v48 =	vunpack.i.u.bf16.f32 v10;
	v10 =	vunpack.i.l.bf16.f32 v10;
	v4 =	vadd.f32 v41, v4  }
0x137: {  	v9 =	vld.idx.msk [tilespmem:v53+s17+$0x0], $0xffff;
	v58 =	vunpack.i.u.bf16.f32 v8;
	v8 =	vunpack.i.l.bf16.f32 v8;
	v50 =	vsel vm15, v10, v48  }
0x138: {  	v44 =	vld.idx.msk [tilespmem:v36+s15+$0x0], $0xffff;
	v8 =	vsel vm15, v8, v58;
	v35 =	vunpack.i.u.bf16.f32 v27;
	v4 =	vadd.f32 v5, v4  }
0x139: {  	v30 =	vld.idx.msk [tilespmem:v22+s15+$0x0], $0xffff;
	v59 =	vmul.f32 v8, v6;
	v5 =	vsel vm14, v7, v63;
	v6 =	vunpack.i.l.bf16.f32 v60  }
0x13a: {  	v8 =	vld.idx.msk [tilespmem:v61+s15+$0x0], $0xffff;
	v7 =	vunpack.i.l.bf16.f32 v27;
	v47 =	vunpack.i.u.bf16.f32 v40;
	v61 =	vunpack.i.u.bf16.f32 v11  }
0x13b: {  	v10 =	vld.idx.msk [tilespmem:v16+s17+$0x0], $0xffff;
	v11 =	vunpack.i.l.bf16.f32 v11;
	v63 =	vor.u32 $0x19, v2;
	v5 =	vmul.f32 v18, v5  }
0x13c: {  	v21 =	vunpack.i.u.bf16.f32 v9;
	v9 =	vunpack.i.l.bf16.f32 v9;
	v6 =	vsel vm14, v6, v20  }
0x13d: {  	v58 =	vld.idx.msk [tilespmem:v49+s15+$0x0], $0xffff;
	v7 =	vsel vm15, v7, v35;
	v52 =	vunpack.i.u.bf16.f32 v44;
	v15 =	vsel vm15, v11, v61  }
0x13e: {  	v20 =	vor.u32 $0x1A, v3;
	v4 =	vadd.f32 v54, v4;
	v23 =	vsel vm15, v9, v21  }
0x13f: {  	v27 =	vld.idx.msk [tilespmem:v19+s15+$0x0], $0xffff;
	v39 =	vunpack.i.u.bf16.f32 v30;
	v41 =	vunpack.i.l.bf16.f32 v30;
	v54 =	vor.u32 $0x18, v2  }
0x140: {  	v25 =	vmul.f32 v23, v6;
	v6 =	vunpack.i.l.bf16.f32 v26;
	v31 =	vunpack.i.u.bf16.f32 v10  }
0x141: {  	v11 =	vld.idx.msk [tilespmem:v29+s17+$0x0], $0xffff;
	v10 =	vunpack.i.l.bf16.f32 v10;
	v4 =	vadd.f32 v59, v4;
	v6 =	vsel vm14, v6, v34  }
0x142: {  	v9 =	vld.idx.msk [tilespmem:v24+s17+$0x0], $0xffff;
	v17 =	vunpack.i.u.bf16.f32 v58;
	v33 =	vsel vm15, v10, v31;
	v34 =	vor.u32 $0x1C, v3  }
0x143: {  	v28 =	vunpack.i.u.bf16.f32 v8;
	v8 =	vunpack.i.l.bf16.f32 v8;
	v38 =	vmul.f32 v7, v6  }
0x144: {  	v6 =	vsel vm14, v41, v39;
	v7 =	vunpack.i.l.bf16.f32 v40;
	v35 =	vunpack.i.u.bf16.f32 v27  }
0x145: {  	v59 =	vld.idx.msk [tilespmem:v51+s17+$0x0], $0xffff;
	v39 =	vor.u32 $0x1D, v3;
	v4 =	vadd.f32 v5, v4;
	v5 =	vsel vm14, v8, v28  }
0x146: {  	v8 =	vld.idx.msk [tilespmem:v37+s17+$0x0], $0xffff;
	v28 =	vor.u32 $0x1B, v2;
	v37 =	vor.u32 $0x1D, v2;
	v46 =	vunpack.i.u.bf16.f32 v11  }
0x147: {  	v23 =	vld.idx.msk [tilespmem:v63+s15+$0x0], $0xffff;
	v11 =	vunpack.i.l.bf16.f32 v11;
	v42 =	vunpack.i.u.bf16.f32 v9;
	v9 =	vunpack.i.l.bf16.f32 v9  }
0x148: {  	v5 =	vmul.f32 v32, v5;
	v32 =	vor.u32 $0x1C, v2;
	v9 =	vsel vm15, v9, v42  }
0x149: {  	v62 =	vld.idx.msk [tilespmem:v54+s15+$0x0], $0xffff;
	v4 =	vadd.f32 v25, v4;
	v43 =	vmul.f32 v9, v6;
	v6 =	vunpack.i.l.bf16.f32 v44  }
0x14a: {  	v9 =	vld.idx.msk [tilespmem:v45+s15+$0x0], $0xffff;
	v18 =	vunpack.i.u.bf16.f32 v59;
	v45 =	vor.u32 $0x1E, v3;
	v3 =	vor.u32 $0x1F, v3  }
0x14b: {  	v4 =	vadd.f32 v5, v4;
	v5 =	vsel vm14, v7, v47;
	v6 =	vsel vm14, v6, v52  }
0x14c: {  	v7 =	vunpack.i.l.bf16.f32 v59;
	v30 =	vunpack.i.u.bf16.f32 v23;
	v47 =	vsel vm15, v11, v46  }
0x14d: {  	v42 =	vld.idx.msk [tilespmem:v34+s17+$0x0], $0xffff;
	v5 =	vmul.f32 v50, v5;
	v53 =	vunpack.i.u.bf16.f32 v8;
	v8 =	vunpack.i.l.bf16.f32 v8  }
0x14e: {  	v7 =	vsel vm15, v7, v18;
	v4 =	vadd.f32 v38, v4;
	v55 =	vsel vm15, v8, v53  }
0x14f: {  	v14 =	vld.idx.msk [tilespmem:v37+s15+$0x0], $0xffff;
	v22 =	vunpack.i.u.bf16.f32 v62;
	v24 =	vunpack.i.l.bf16.f32 v62;
	v57 =	vmul.f32 v55, v6  }
0x150: {  	v8 =	vld.idx.msk [tilespmem:v56+s17+$0x0], $0xffff;
	v6 =	vunpack.i.l.bf16.f32 v58;
	v4 =	vadd.f32 v43, v4;
	v60 =	vunpack.i.u.bf16.f32 v9  }
0x151: {  	v9 =	vunpack.i.l.bf16.f32 v9;
	v6 =	vsel vm14, v6, v17;
	v43 =	vor.u32 $0x1E, v2  }
0x152: {  	v41 =	vld.idx.msk [tilespmem:v32+s15+$0x0], $0xffff;
	v2 =	vor.u32 $0x1F, v2;
	v49 =	vunpack.i.u.bf16.f32 v42;
	v4 =	vadd.f32 v5, v4  }
0x153: {  	v50 =	vld.idx.msk [tilespmem:v45+s17+$0x0], $0xffff;
	v21 =	vmul.f32 v7, v6;
	v6 =	vsel vm14, v24, v22;
	v5 =	vsel vm14, v9, v60  }
0x154: {  	v7 =	vunpack.i.l.bf16.f32 v23;
	v9 =	vld.idx.msk [tilespmem:v20+s17+$0x0], $0xffff;
	v5 =	vmul.f32 v15, v5;
	v4 =	vadd.f32 v57, v4  }
0x155: {  	v52 =	vunpack.i.u.bf16.f32 v14;
	v25 =	vunpack.i.u.bf16.f32 v8;
	v8 =	vunpack.i.l.bf16.f32 v8  }
0x156: {  	v3 =	vld.idx.msk [tilespmem:v3+s17+$0x0], $0xffff;
	v53 =	vunpack.i.l.bf16.f32 v14;
	v8 =	vsel vm15, v8, v25;
	v4 =	vadd.f32 v5, v4  }
0x157: {  	v48 =	vunpack.i.u.bf16.f32 v41;
	v26 =	vmul.f32 v8, v6;
	v6 =	vunpack.i.l.bf16.f32 v27;
	v8 =	vld.idx.msk [tilespmem:v28+s15+$0x0], $0xffff  }
0x158: {  	v59 =	vunpack.i.u.bf16.f32 v50;
	v5 =	vsel vm14, v7, v30;
	v4 =	vadd.f32 v21, v4  }
0x159: {  	v6 =	vsel vm14, v6, v35;
	v36 =	vunpack.i.u.bf16.f32 v9;
	v9 =	vunpack.i.l.bf16.f32 v9  }
0x15a: {  	v10 =	vld.idx.msk [tilespmem:v43+s15+$0x0], $0xffff;
	v5 =	vmul.f32 v33, v5;
	v38 =	vsel vm15, v9, v36;
	v4 =	vadd.f32 v26, v4  }
0x15b: {  	v63 =	vunpack.i.u.bf16.f32 v3;
	v7 =	vunpack.i.l.bf16.f32 v42;
	v9 =	vld.idx.msk [tilespmem:v39+s17+$0x0], $0xffff;
	v40 =	vmul.f32 v38, v6  }
0x15c: {  	v44 =	vunpack.i.u.bf16.f32 v8;
	v8 =	vunpack.i.l.bf16.f32 v8;
	v4 =	vadd.f32 v5, v4  }
0x15d: {  	v7 =	vsel vm15, v7, v49;
	v6 =	vunpack.i.l.bf16.f32 v41;
	v5 =	vsel vm14, v8, v44  }
0x15e: {  	v2 =	vld.idx.msk [tilespmem:v2+s15+$0x0], $0xffff;
	v6 =	vsel vm14, v6, v48;
	v5 =	vmul.f32 v47, v5;
	v4 =	vadd.f32 v40, v4  }
0x15f: {  	v3 =	vunpack.i.l.bf16.f32 v3;
	v57 =	vunpack.i.u.bf16.f32 v10;
	v51 =	vmul.f32 v7, v6  }
0x160: {  	v54 =	vunpack.i.u.bf16.f32 v9;
	v9 =	vunpack.i.l.bf16.f32 v9;
	v4 =	vadd.f32 v5, v4  }
0x161: {  	v58 =	vunpack.i.l.bf16.f32 v10;
	v6 =	vsel vm14, v53, v52;
	v55 =	vsel vm15, v9, v54  }
0x162: {  	v8 =	vunpack.i.l.bf16.f32 v50;
	v56 =	vmul.f32 v55, v6;
	v4 =	vadd.f32 v51, v4  }
0x163: {  	v62 =	vunpack.i.u.bf16.f32 v2;
	v60 =	vsel vm15, v8, v59;
	v6 =	vsel vm14, v58, v57  }
0x164: {  	s30 =	sadd.s32 $0x2, s30;
	v2 =	vunpack.i.l.bf16.f32 v2;
	v61 =	vmul.f32 v60, v6;
	v4 =	vadd.f32 v56, v4  }
0x165: {  	p0 =	slt.u32 s30, $0xE;
	v3 =	vsel vm15, v3, v63;
	v2 =	vsel vm14, v2, v62  }
.Ltmp0:
0x166: {  	v2 =	vmul.f32 v3, v2;
	v4 =	vadd.f32 v61, v4;
	(pc) =	sbr.rel @p0 .LBB2_2-.Ltmp0, $4  }
0x167: {  	_ = 	snop  }
0x168: {  	v2 =	vadd.f32 v2, v4  }
0x169: {  	s31 =	sadd.s32 $0x20, s31  }
0x16a: {  	s11 =	sadd.s32 $0x20, s11;
	s0 =	sadd.s32 $0x20, s0;
	[tilespmem:s2+$0x0] =	vst v2;
	s2 =	sadd.s32 $0x20, s2  }
0x16b: {  	[tilespmem:s15], [sflag:$0x1] =	stream.indirect.gather [hbm4b:s3+s13], $0x80, s23, s13, $0xb8;
	[tilespmem:$0x10A80] =	vst v63  }
0x16c: {  	_ = 	snop  }
0x16d: {  	[tilespmem:s17], [sflag:$0x1] =	stream.indirect.gather [hbm4b:s4+s13], $0x80, s24, s13, $0xb8;
	[tilespmem:$0x10A80] =	vst v63  }
0x16e: {  	_ = 	snop  }
0x16f: {  	[tilespmem:s19], [sflag:$0x1] =	stream.indirect.gather [hbm4b:s3+s13], $0x80, s25, s13, $0xb8;
	[tilespmem:$0x10A80] =	vst v63  }
0x170: {  	_ = 	snop  }
0x171: {  	[tilespmem:s21], [sflag:$0x1] =	stream.indirect.gather [hbm4b:s4+s13], $0x80, s26, s13, $0xb8;
	[tilespmem:$0x10A80] =	vst v63  }
0x172: {  	_ =	swait.ge [sflag:s22], $0x4000  }
0x173: {  	[sflag:s22] =	ssyncset.done $0x0  }
0x174: {  	[sflag:s22] =	ssyncadd.s32 $0xFFFFC000  }
0x175: {  	_ =	swait.ge [sflag:s22], $0x4000  }
0x176: {  	[sflag:s22] =	ssyncset.done $0x0  }
0x177: {  	[sflag:s22] =	ssyncadd.s32 $0xFFFFC000  }
0x178: {  	_ =	swait.ge [sflag:s22], $0x4000  }
0x179: {  	[sflag:s22] =	ssyncset.done $0x0  }
0x17a: {  	[sflag:s22] =	ssyncadd.s32 $0xFFFFC000  }
0x17b: {  	s30 =	simm.s32 $0xFFFFFFFE;
	_ =	swait.ge [sflag:s22], $0x4000  }
0x17c: {  	s31 =	simm.s32 $0x10;
	s0 =	simm.s32 $0x310;
	[sflag:s22] =	ssyncset.done $0x0  }
0x17d: {  	s2 =	simm.s32 $0x110;
	s11 =	simm.s32 $0x10910;
	[sflag:s22] =	ssyncadd.s32 $0xFFFFC000  }
.LBB2_4:
0x17e: {  	v4 =	vld [tilespmem:s2+$0xFFFFFFF0];
	_ =	sdelay $0x2  }
0x17f: {  	s12 =	sadd.s32 $0xFFFFFFF0, s31  }
0x180: {  	v2 =	vmov s12  }
0x181: {  	v2 =	vshll.u32 v2, $0x7;
	v3 =	vshrl.u32 v4, $0xD  }
0x182: {  	v5 =	vld [tilespmem:s0+$0xFFFFFFF0];
	v6 =	vor.u32 v0, v2;
	v2 =	vand.u32 $0x7FF80, v3  }
0x183: {  	v3 =	vand.u32 $0x60, v3;
	v2 =	vadd.s32 v6, v2  }
0x184: {  	v2 =	vor.u32 v3, v2  }
0x185: {  	v55 =	vor.u32 $0x1, v2  }
0x186: {  	v11 =	vor.u32 $0x2, v2  }
0x187: {  	v7 =	vshrl.u32 v5, $0xA;
	v57 =	vor.u32 $0x3, v2  }
0x188: {  	v3 =	vand.u32 $0x3FFF80, v7;
	v13 =	vor.u32 $0x4, v2  }
0x189: {  	v7 =	vand.u32 $0x60, v7;
	v3 =	vadd.s32 v6, v3;
	v22 =	vor.u32 $0x5, v2;
	v54 =	vld.idx.msk [tilespmem:v2+s15+$0x0], $0xffff  }
0x18a: {  	v14 =	vor.u32 $0x6, v2;
	v3 =	vor.u32 v7, v3;
	v7 =	vld.idx.msk [tilespmem:v55+s15+$0x0], $0xffff  }
0x18b: {  	v5 =	vand.u32 $0x4000, v5;
	v38 =	vor.u32 $0x8, v2;
	v60 =	vld.idx.msk [tilespmem:v11+s15+$0x0], $0xffff  }
0x18c: {  	vm1 =	veq.s32 v5, $0x0;
	v43 =	vor.u32 $0x9, v2;
	v5 =	vld.idx.msk [tilespmem:v57+s15+$0x0], $0xffff  }
0x18d: {  	v4 =	vand.u32 $0x20000, v4;
	v21 =	vld.idx.msk [tilespmem:v13+s15+$0x0], $0xffff  }
0x18e: {  	vm0 =	veq.s32 v4, $0x0;
	v34 =	vor.u32 $0x7, v2;
	v58 =	vor.u32 $0x3, v3;
	v29 =	vld.idx.msk [tilespmem:v22+s15+$0x0], $0xffff  }
0x18f: {  	v52 =	vor.u32 $0xA, v2;
	v8 =	vor.u32 $0x1, v3;
	v12 =	vor.u32 $0x2, v3;
	v33 =	vld.idx.msk [tilespmem:v14+s15+$0x0], $0xffff  }
0x190: {  	v63 =	vor.u32 $0x4, v3;
	v24 =	vor.u32 $0x5, v3;
	v27 =	vor.u32 $0x6, v3;
	v47 =	vld.idx.msk [tilespmem:v38+s15+$0x0], $0xffff  }
0x191: {  	v35 =	vor.u32 $0x7, v3;
	v40 =	vor.u32 $0x8, v3;
	v45 =	vor.u32 $0x9, v3;
	v51 =	vld.idx.msk [tilespmem:v43+s15+$0x0], $0xffff  }
0x192: {  	v57 =	vor.u32 $0xB, v2;
	v22 =	vor.u32 $0xD, v2;
	v38 =	vor.u32 $0xF, v3;
	v9 =	vld.idx.msk [tilespmem:v3+s17+$0x0], $0xffff  }
0x193: {  	v16 =	vld.idx.msk [tilespmem:v58+s17+$0x0], $0xffff;
	v58 =	vor.u32 $0xB, v3;
	v10 =	vunpack.i.u.bf16.f32 v54;
	v6 =	vunpack.i.l.bf16.f32 v54  }
0x194: {  	v8 =	vld.idx.msk [tilespmem:v8+s17+$0x0], $0xffff;
	v54 =	vor.u32 $0xA, v3;
	v6 =	vsel vm0, v6, v10;
	v59 =	vunpack.i.u.bf16.f32 v7  }
0x195: {  	v12 =	vld.idx.msk [tilespmem:v12+s17+$0x0], $0xffff;
	v7 =	vunpack.i.l.bf16.f32 v7;
	v17 =	vunpack.i.u.bf16.f32 v60;
	v18 =	vunpack.i.l.bf16.f32 v60  }
0x196: {  	v11 =	vld.idx.msk [tilespmem:v35+s17+$0x0], $0xffff;
	v25 =	vunpack.i.u.bf16.f32 v5;
	v5 =	vunpack.i.l.bf16.f32 v5;
	v28 =	vunpack.i.u.bf16.f32 v21  }
0x197: {  	v48 =	vld.idx.msk [tilespmem:v40+s17+$0x0], $0xffff;
	v30 =	vunpack.i.l.bf16.f32 v21;
	v36 =	vunpack.i.u.bf16.f32 v29;
	v41 =	vunpack.i.u.bf16.f32 v33  }
0x198: {  	v10 =	vld.idx.msk [tilespmem:v24+s17+$0x0], $0xffff;
	v55 =	vunpack.i.u.bf16.f32 v47;
	v60 =	vunpack.i.u.bf16.f32 v51;
	v24 =	vor.u32 $0xD, v3  }
0x199: {  	v56 =	vunpack.i.u.bf16.f32 v9;
	v9 =	vunpack.i.l.bf16.f32 v9;
	v5 =	vsel vm0, v5, v25  }
0x19a: {  	v4 =	vsel vm1, v9, v56;
	v61 =	vunpack.i.u.bf16.f32 v8;
	v8 =	vunpack.i.l.bf16.f32 v8  }
0x19b: {  	v19 =	vunpack.i.u.bf16.f32 v12;
	v20 =	vunpack.i.l.bf16.f32 v12;
	v26 =	vunpack.i.u.bf16.f32 v16  }
0x19c: {  	v50 =	vunpack.i.u.bf16.f32 v11;
	v11 =	vunpack.i.l.bf16.f32 v11;
	v56 =	vunpack.i.u.bf16.f32 v48  }
0x19d: {  	v9 =	vld.idx.msk [tilespmem:v27+s17+$0x0], $0xffff;
	v27 =	vor.u32 $0xE, v2;
	v4 =	vmul.f32 v4, v6;
	v6 =	vsel vm0, v7, v59  }
0x19e: {  	v62 =	vsel vm1, v8, v61;
	v23 =	vsel vm1, v20, v19;
	v7 =	vunpack.i.l.bf16.f32 v16  }
0x19f: {  	v53 =	vsel vm1, v11, v50;
	v19 =	vor.u32 $0xC, v3;
	v50 =	vor.u32 $0x11, v2  }
0x1a0: {  	v6 =	vmul.f32 v62, v6;
	v7 =	vsel vm1, v7, v26;
	v62 =	vunpack.i.l.bf16.f32 v51  }
0x1a1: {  	v8 =	vld.idx.msk [tilespmem:v63+s17+$0x0], $0xffff;
	v51 =	vor.u32 $0x11, v3;
	v4 =	vadd.f32 v4, v1;
	v5 =	vmul.f32 v7, v5  }
0x1a2: {  	v61 =	vld.idx.msk [tilespmem:v52+s15+$0x0], $0xffff;
	v7 =	vunpack.i.l.bf16.f32 v29;
	v37 =	vunpack.i.u.bf16.f32 v10;
	v10 =	vunpack.i.l.bf16.f32 v10  }
0x1a3: {  	v29 =	vor.u32 $0xE, v3;
	v39 =	vsel vm1, v10, v37;
	v10 =	vld.idx.msk [tilespmem:v54+s17+$0x0], $0xffff;
	v54 =	vor.u32 $0x12, v2  }
0x1a4: {  	v4 =	vadd.f32 v6, v4;
	v6 =	vsel vm0, v18, v17;
	v42 =	vunpack.i.u.bf16.f32 v9  }
0x1a5: {  	v9 =	vunpack.i.l.bf16.f32 v9;
	v18 =	vor.u32 $0xC, v2;
	v6 =	vmul.f32 v23, v6  }
0x1a6: {  	v31 =	vunpack.i.u.bf16.f32 v8;
	v8 =	vunpack.i.l.bf16.f32 v8;
	v44 =	vsel vm1, v9, v42  }
0x1a7: {  	v17 =	vld.idx.msk [tilespmem:v57+s15+$0x0], $0xffff;
	v20 =	vunpack.i.u.bf16.f32 v61;
	v42 =	vor.u32 $0x10, v3;
	v8 =	vsel vm1, v8, v31  }
0x1a8: {  	v31 =	vld.idx.msk [tilespmem:v22+s15+$0x0], $0xffff;
	v22 =	vor.u32 $0x14, v3;
	v4 =	vadd.f32 v6, v4;
	v6 =	vsel vm0, v30, v28  }
0x1a9: {  	v9 =	vld.idx.msk [tilespmem:v45+s17+$0x0], $0xffff;
	v32 =	vmul.f32 v8, v6;
	v6 =	vunpack.i.l.bf16.f32 v33;
	v21 =	vunpack.i.u.bf16.f32 v10  }
0x1aa: {  	v11 =	vld.idx.msk [tilespmem:v19+s17+$0x0], $0xffff;
	v10 =	vunpack.i.l.bf16.f32 v10;
	v4 =	vadd.f32 v5, v4;
	v5 =	vsel vm0, v7, v36  }
0x1ab: {  	v35 =	vld.idx.msk [tilespmem:v27+s15+$0x0], $0xffff;
	v6 =	vsel vm0, v6, v41;
	v7 =	vunpack.i.l.bf16.f32 v48;
	v23 =	vsel vm1, v10, v21  }
0x1ac: {  	v25 =	vunpack.i.u.bf16.f32 v17;
	v36 =	vor.u32 $0xF, v2;
	v41 =	vor.u32 $0x10, v2  }
0x1ad: {  	v10 =	vld.idx.msk [tilespmem:v38+s17+$0x0], $0xffff;
	v38 =	vor.u32 $0x17, v2;
	v5 =	vmul.f32 v39, v5;
	v46 =	vmul.f32 v44, v6  }
0x1ae: {  	v6 =	vunpack.i.l.bf16.f32 v47;
	v7 =	vsel vm1, v7, v56;
	v63 =	vunpack.i.u.bf16.f32 v9  }
0x1af: {  	v8 =	vld.idx.msk [tilespmem:v34+s15+$0x0], $0xffff;
	v9 =	vunpack.i.l.bf16.f32 v9;
	v34 =	vunpack.i.u.bf16.f32 v11;
	v11 =	vunpack.i.l.bf16.f32 v11  }
0x1b0: {  	v44 =	vunpack.i.u.bf16.f32 v35;
	v56 =	vor.u32 $0x12, v3;
	v4 =	vadd.f32 v32, v4  }
0x1b1: {  	v6 =	vsel vm0, v6, v55;
	v9 =	vsel vm1, v9, v63;
	v37 =	vsel vm1, v11, v34  }
0x1b2: {  	v39 =	vunpack.i.u.bf16.f32 v31;
	v63 =	vld.idx.msk [tilespmem:v54+s15+$0x0], $0xffff;
	v34 =	vor.u32 $0x16, v2;
	v54 =	vor.u32 $0x19, v3  }
0x1b3: {  	v32 =	vld.idx.msk [tilespmem:v24+s17+$0x0], $0xffff;
	v59 =	vmul.f32 v7, v6;
	v6 =	vsel vm0, v62, v60;
	v7 =	vunpack.i.l.bf16.f32 v61  }
0x1b4: {  	v11 =	vld.idx.msk [tilespmem:v51+s17+$0x0], $0xffff;
	v61 =	vor.u32 $0x13, v3;
	v4 =	vadd.f32 v5, v4;
	v49 =	vunpack.i.u.bf16.f32 v8  }
0x1b5: {  	v8 =	vunpack.i.l.bf16.f32 v8;
	v16 =	vmul.f32 v9, v6;
	v6 =	vunpack.i.l.bf16.f32 v17  }
0x1b6: {  	v5 =	vsel vm0, v8, v49;
	v6 =	vsel vm0, v6, v25;
	v25 =	vor.u32 $0x15, v2  }
0x1b7: {  	v9 =	vld.idx.msk [tilespmem:v18+s15+$0x0], $0xffff;
	v4 =	vadd.f32 v46, v4;
	v5 =	vmul.f32 v53, v5;
	v46 =	vunpack.i.l.bf16.f32 v35  }
0x1b8: {  	v8 =	vld.idx.msk [tilespmem:v58+s17+$0x0], $0xffff;
	v53 =	vunpack.i.u.bf16.f32 v10;
	v10 =	vunpack.i.l.bf16.f32 v10;
	v35 =	vor.u32 $0x16, v3  }
0x1b9: {  	v45 =	vld.idx.msk [tilespmem:v36+s15+$0x0], $0xffff;
	v40 =	vunpack.i.u.bf16.f32 v32;
	v55 =	vsel vm1, v10, v53;
	v18 =	vunpack.i.u.bf16.f32 v11  }
0x1ba: {  	v11 =	vunpack.i.l.bf16.f32 v11;
	v10 =	vld.idx.msk [tilespmem:v22+s17+$0x0], $0xffff;
	v22 =	vor.u32 $0x1C, v2;
	v4 =	vadd.f32 v5, v4  }
0x1bb: {  	v49 =	vld.idx.msk [tilespmem:v41+s15+$0x0], $0xffff;
	v5 =	vsel vm0, v7, v20;
	v7 =	vunpack.i.l.bf16.f32 v32;
	v20 =	vor.u32 $0x14, v2  }
0x1bc: {  	v21 =	vsel vm1, v11, v18;
	v18 =	vor.u32 $0x1B, v2;
	v5 =	vmul.f32 v23, v5  }
0x1bd: {  	v33 =	vunpack.i.u.bf16.f32 v9;
	v9 =	vunpack.i.l.bf16.f32 v9;
	v7 =	vsel vm1, v7, v40  }
0x1be: {  	v23 =	vunpack.i.u.bf16.f32 v63;
	v40 =	vor.u32 $0x17, v3;
	v4 =	vadd.f32 v59, v4  }
0x1bf: {  	v26 =	vunpack.i.u.bf16.f32 v8;
	v8 =	vunpack.i.l.bf16.f32 v8;
	v52 =	vunpack.i.u.bf16.f32 v45  }
0x1c0: {  	v57 =	vunpack.i.u.bf16.f32 v49;
	v59 =	vor.u32 $0x13, v2;
	v28 =	vsel vm1, v8, v26;
	v8 =	vld.idx.msk [tilespmem:v29+s17+$0x0], $0xffff  }
0x1c1: {  	v11 =	vld.idx.msk [tilespmem:v35+s17+$0x0], $0xffff;
	v4 =	vadd.f32 v16, v4;
	v30 =	vmul.f32 v28, v6;
	v6 =	vunpack.i.l.bf16.f32 v31  }
0x1c2: {  	v26 =	vor.u32 $0x15, v3;
	v35 =	vor.u32 $0x1E, v3;
	v16 =	vld.idx.msk [tilespmem:v56+s17+$0x0], $0xffff;
	v6 =	vsel vm0, v6, v39  }
0x1c3: {  	v4 =	vadd.f32 v5, v4;
	v5 =	vsel vm0, v9, v33;
	v43 =	vmul.f32 v7, v6  }
0x1c4: {  	v29 =	vld.idx.msk [tilespmem:v20+s15+$0x0], $0xffff;
	v6 =	vsel vm0, v46, v44;
	v7 =	vunpack.i.l.bf16.f32 v45;
	v45 =	vor.u32 $0x18, v3  }
0x1c5: {  	v5 =	vmul.f32 v37, v5;
	v37 =	vunpack.i.u.bf16.f32 v10;
	v10 =	vunpack.i.l.bf16.f32 v10  }
0x1c6: {  	v9 =	vld.idx.msk [tilespmem:v42+s17+$0x0], $0xffff;
	v4 =	vadd.f32 v30, v4;
	v47 =	vunpack.i.u.bf16.f32 v8;
	v8 =	vunpack.i.l.bf16.f32 v8  }
0x1c7: {  	v33 =	vld.idx.msk [tilespmem:v25+s15+$0x0], $0xffff;
	v39 =	vsel vm1, v10, v37;
	v8 =	vsel vm1, v8, v47;
	v24 =	vunpack.i.u.bf16.f32 v16  }
0x1c8: {  	v4 =	vadd.f32 v5, v4;
	v48 =	vmul.f32 v8, v6;
	v5 =	vsel vm0, v7, v52  }
0x1c9: {  	v19 =	vld.idx.msk [tilespmem:v59+s15+$0x0], $0xffff;
	v6 =	vunpack.i.l.bf16.f32 v49;
	v7 =	vunpack.i.l.bf16.f32 v16;
	v36 =	vunpack.i.u.bf16.f32 v29  }
0x1ca: {  	v8 =	vld.idx.msk [tilespmem:v50+s15+$0x0], $0xffff;
	v50 =	vunpack.i.u.bf16.f32 v11;
	v11 =	vunpack.i.l.bf16.f32 v11;
	v52 =	vor.u32 $0x19, v2  }
0x1cb: {  	v5 =	vmul.f32 v55, v5;
	v58 =	vunpack.i.u.bf16.f32 v9;
	v9 =	vunpack.i.l.bf16.f32 v9  }
0x1cc: {  	v47 =	vld.idx.msk [tilespmem:v38+s15+$0x0], $0xffff;
	v6 =	vsel vm0, v6, v57;
	v7 =	vsel vm1, v7, v24;
	v41 =	vunpack.i.u.bf16.f32 v33  }
0x1cd: {  	v53 =	vsel vm1, v11, v50;
	v57 =	vor.u32 $0x1A, v2;
	v24 =	vor.u32 $0x1C, v3  }
0x1ce: {  	v4 =	vadd.f32 v43, v4;
	v60 =	vsel vm1, v9, v58;
	v28 =	vunpack.i.u.bf16.f32 v19  }
0x1cf: {  	v30 =	vunpack.i.l.bf16.f32 v19;
	v43 =	vor.u32 $0x18, v2;
	v58 =	vor.u32 $0x1A, v3  }
0x1d0: {  	v9 =	vld.idx.msk [tilespmem:v61+s17+$0x0], $0xffff;
	v19 =	vor.u32 $0x1B, v3;
	v62 =	vmul.f32 v60, v6;
	v6 =	vunpack.i.l.bf16.f32 v63  }
0x1d1: {  	v10 =	vld.idx.msk [tilespmem:v54+s17+$0x0], $0xffff;
	v4 =	vadd.f32 v48, v4;
	v6 =	vsel vm0, v6, v23;
	v55 =	vunpack.i.u.bf16.f32 v47  }
0x1d2: {  	v17 =	vunpack.i.u.bf16.f32 v8;
	v8 =	vunpack.i.l.bf16.f32 v8;
	v27 =	vmul.f32 v7, v6  }
0x1d3: {  	v48 =	vld.idx.msk [tilespmem:v40+s17+$0x0], $0xffff;
	v6 =	vsel vm0, v30, v28;
	v7 =	vunpack.i.l.bf16.f32 v29;
	v29 =	vor.u32 $0x1D, v3  }
0x1d4: {  	v3 =	vor.u32 $0x1F, v3;
	v4 =	vadd.f32 v5, v4;
	v5 =	vsel vm0, v8, v17  }
0x1d5: {  	v61 =	vld.idx.msk [tilespmem:v52+s15+$0x0], $0xffff;
	v5 =	vmul.f32 v21, v5;
	v31 =	vunpack.i.u.bf16.f32 v9;
	v9 =	vunpack.i.l.bf16.f32 v9  }
0x1d6: {  	v8 =	vld.idx.msk [tilespmem:v26+s17+$0x0], $0xffff;
	v21 =	vunpack.i.u.bf16.f32 v10;
	v10 =	vunpack.i.l.bf16.f32 v10;
	v9 =	vsel vm1, v9, v31  }
0x1d7: {  	v17 =	vld.idx.msk [tilespmem:v57+s15+$0x0], $0xffff;
	v4 =	vadd.f32 v62, v4;
	v23 =	vsel vm1, v10, v21;
	v32 =	vmul.f32 v9, v6  }
0x1d8: {  	v51 =	vld.idx.msk [tilespmem:v43+s15+$0x0], $0xffff;
	v6 =	vunpack.i.l.bf16.f32 v33;
	v56 =	vunpack.i.u.bf16.f32 v48;
	v33 =	vor.u32 $0x1E, v2  }
0x1d9: {  	v11 =	vld.idx.msk [tilespmem:v19+s17+$0x0], $0xffff;
	v4 =	vadd.f32 v5, v4;
	v5 =	vsel vm0, v7, v36;
	v6 =	vsel vm0, v6, v41  }
0x1da: {  	v31 =	vld.idx.msk [tilespmem:v22+s15+$0x0], $0xffff;
	v7 =	vunpack.i.l.bf16.f32 v48;
	v20 =	vunpack.i.u.bf16.f32 v61;
	v5 =	vmul.f32 v39, v5  }
0x1db: {  	v9 =	vld.idx.msk [tilespmem:v34+s15+$0x0], $0xffff;
	v42 =	vunpack.i.u.bf16.f32 v8;
	v8 =	vunpack.i.l.bf16.f32 v8;
	v7 =	vsel vm1, v7, v56  }
0x1dc: {  	v25 =	vunpack.i.u.bf16.f32 v17;
	v4 =	vadd.f32 v27, v4;
	v44 =	vsel vm1, v8, v42  }
0x1dd: {  	v60 =	vunpack.i.u.bf16.f32 v51;
	v62 =	vunpack.i.l.bf16.f32 v51;
	v27 =	vor.u32 $0x1D, v2  }
0x1de: {  	v40 =	vld.idx.msk [tilespmem:v35+s17+$0x0], $0xffff;
	v36 =	vunpack.i.u.bf16.f32 v11;
	v11 =	vunpack.i.l.bf16.f32 v11;
	v2 =	vor.u32 $0x1F, v2  }
0x1df: {  	v8 =	vld.idx.msk [tilespmem:v45+s17+$0x0], $0xffff;
	v46 =	vmul.f32 v44, v6;
	v6 =	vunpack.i.l.bf16.f32 v47;
	v4 =	vadd.f32 v32, v4  }
0x1e0: {  	v3 =	vld.idx.msk [tilespmem:v3+s17+$0x0], $0xffff;
	v37 =	vsel vm1, v11, v36;
	v38 =	vunpack.i.u.bf16.f32 v31;
	v49 =	vunpack.i.u.bf16.f32 v9  }
0x1e1: {  	v9 =	vunpack.i.l.bf16.f32 v9;
	v6 =	vsel vm0, v6, v55;
	v4 =	vadd.f32 v5, v4  }
0x1e2: {  	v32 =	vld.idx.msk [tilespmem:v24+s17+$0x0], $0xffff;
	v59 =	vmul.f32 v7, v6;
	v6 =	vsel vm0, v62, v60;
	v5 =	vsel vm0, v9, v49  }
0x1e3: {  	v7 =	vunpack.i.l.bf16.f32 v61;
	v9 =	vld.idx.msk [tilespmem:v58+s17+$0x0], $0xffff;
	v5 =	vmul.f32 v53, v5;
	v4 =	vadd.f32 v46, v4  }
0x1e4: {  	v49 =	vunpack.i.u.bf16.f32 v40;
	v63 =	vunpack.i.u.bf16.f32 v8;
	v8 =	vunpack.i.l.bf16.f32 v8  }
0x1e5: {  	v10 =	vld.idx.msk [tilespmem:v33+s15+$0x0], $0xffff;
	v53 =	vunpack.i.u.bf16.f32 v3;
	v8 =	vsel vm1, v8, v63;
	v4 =	vadd.f32 v5, v4  }
0x1e6: {  	v3 =	vunpack.i.l.bf16.f32 v3;
	v16 =	vmul.f32 v8, v6;
	v6 =	vunpack.i.l.bf16.f32 v17;
	v8 =	vld.idx.msk [tilespmem:v18+s15+$0x0], $0xffff  }
0x1e7: {  	v39 =	vunpack.i.u.bf16.f32 v32;
	v5 =	vsel vm0, v7, v20;
	v4 =	vadd.f32 v59, v4  }
0x1e8: {  	v6 =	vsel vm0, v6, v25;
	v26 =	vunpack.i.u.bf16.f32 v9;
	v9 =	vunpack.i.l.bf16.f32 v9  }
0x1e9: {  	v14 =	vld.idx.msk [tilespmem:v27+s15+$0x0], $0xffff;
	v5 =	vmul.f32 v23, v5;
	v28 =	vsel vm1, v9, v26;
	v4 =	vadd.f32 v16, v4  }
0x1ea: {  	v47 =	vunpack.i.u.bf16.f32 v10;
	v7 =	vunpack.i.l.bf16.f32 v32;
	v9 =	vld.idx.msk [tilespmem:v29+s17+$0x0], $0xffff;
	v30 =	vmul.f32 v28, v6  }
0x1eb: {  	v34 =	vunpack.i.u.bf16.f32 v8;
	v8 =	vunpack.i.l.bf16.f32 v8;
	v4 =	vadd.f32 v5, v4  }
0x1ec: {  	v7 =	vsel vm1, v7, v39;
	v6 =	vunpack.i.l.bf16.f32 v31;
	v5 =	vsel vm0, v8, v34  }
0x1ed: {  	v2 =	vld.idx.msk [tilespmem:v2+s15+$0x0], $0xffff;
	v6 =	vsel vm0, v6, v38;
	v5 =	vmul.f32 v37, v5;
	v4 =	vadd.f32 v30, v4  }
0x1ee: {  	v42 =	vunpack.i.u.bf16.f32 v14;
	v43 =	vunpack.i.l.bf16.f32 v14;
	v41 =	vmul.f32 v7, v6  }
0x1ef: {  	v44 =	vunpack.i.u.bf16.f32 v9;
	v9 =	vunpack.i.l.bf16.f32 v9;
	v4 =	vadd.f32 v5, v4  }
0x1f0: {  	v48 =	vunpack.i.l.bf16.f32 v10;
	v6 =	vsel vm0, v43, v42;
	v45 =	vsel vm1, v9, v44  }
0x1f1: {  	v8 =	vunpack.i.l.bf16.f32 v40;
	v46 =	vmul.f32 v45, v6;
	v4 =	vadd.f32 v41, v4  }
0x1f2: {  	v52 =	vunpack.i.u.bf16.f32 v2;
	v50 =	vsel vm1, v8, v49;
	v6 =	vsel vm0, v48, v47  }
0x1f3: {  	v2 =	vunpack.i.l.bf16.f32 v2;
	v51 =	vmul.f32 v50, v6;
	v4 =	vadd.f32 v46, v4  }
0x1f4: {  	v3 =	vsel vm1, v3, v53;
	v2 =	vsel vm0, v2, v52  }
0x1f5: {  	v2 =	vmul.f32 v3, v2;
	v4 =	vadd.f32 v51, v4;
	_ =	sdelay $0x1  }
0x1f6: {  	v2 =	vadd.f32 v2, v4;
	_ =	sdelay $0x1  }
0x1f7: {  	[tilespmem:s11+$0xFFFFFFF0] =	vst v2  }
0x1f8: {  	v54 =	vld [tilespmem:s2+$0x0];
	_ =	sdelay $0x3  }
0x1f9: {  	v2 =	vmov s31  }
0x1fa: {  	v2 =	vshll.u32 v2, $0x7;
	v3 =	vshrl.u32 v54, $0xD  }
0x1fb: {  	v55 =	vld [tilespmem:s0+$0x0];
	v56 =	vor.u32 v0, v2;
	v2 =	vand.u32 $0x7FF80, v3  }
0x1fc: {  	v3 =	vand.u32 $0x60, v3;
	v2 =	vadd.s32 v56, v2  }
0x1fd: {  	v2 =	vor.u32 v3, v2  }
0x1fe: {  	v59 =	vor.u32 $0x1, v2  }
0x1ff: {  	v63 =	vor.u32 $0x2, v2  }
0x200: {  	v57 =	vshrl.u32 v55, $0xA;
	v18 =	vor.u32 $0x3, v2  }
0x201: {  	v3 =	vand.u32 $0x3FFF80, v57;
	v23 =	vor.u32 $0x4, v2  }
0x202: {  	v7 =	vand.u32 $0x60, v57;
	v3 =	vadd.s32 v56, v3;
	v32 =	vor.u32 $0x5, v2;
	v58 =	vld.idx.msk [tilespmem:v2+s15+$0x0], $0xffff  }
0x203: {  	v37 =	vor.u32 $0x6, v2;
	v3 =	vor.u32 v7, v3;
	v7 =	vld.idx.msk [tilespmem:v59+s15+$0x0], $0xffff  }
0x204: {  	v5 =	vand.u32 $0x4000, v55;
	v21 =	vld.idx.msk [tilespmem:v63+s15+$0x0], $0xffff  }
0x205: {  	vm15 =	veq.s32 v5, $0x0;
	v60 =	vor.u32 $0x1, v3;
	v5 =	vld.idx.msk [tilespmem:v18+s15+$0x0], $0xffff  }
0x206: {  	v4 =	vand.u32 $0x20000, v54;
	v49 =	vor.u32 $0x8, v2;
	v31 =	vld.idx.msk [tilespmem:v23+s15+$0x0], $0xffff  }
0x207: {  	vm14 =	veq.s32 v4, $0x0;
	v45 =	vor.u32 $0x7, v2;
	v16 =	vor.u32 $0x2, v3;
	v40 =	vld.idx.msk [tilespmem:v32+s15+$0x0], $0xffff  }
0x208: {  	v54 =	vor.u32 $0x9, v2;
	v19 =	vor.u32 $0x3, v3;
	v25 =	vor.u32 $0x4, v3;
	v44 =	vld.idx.msk [tilespmem:v37+s15+$0x0], $0xffff  }
0x209: {  	v34 =	vor.u32 $0x5, v3;
	v38 =	vor.u32 $0x6, v3;
	v46 =	vor.u32 $0x7, v3;
	v61 =	vld.idx.msk [tilespmem:v3+s17+$0x0], $0xffff  }
0x20a: {  	v51 =	vor.u32 $0x8, v3;
	v56 =	vor.u32 $0x9, v3;
	v63 =	vor.u32 $0xA, v2;
	v8 =	vld.idx.msk [tilespmem:v60+s17+$0x0], $0xffff  }
0x20b: {  	v62 =	vunpack.i.u.bf16.f32 v58;
	v6 =	vunpack.i.l.bf16.f32 v58;
	v58 =	vld.idx.msk [tilespmem:v49+s15+$0x0], $0xffff;
	v49 =	vor.u32 $0xF, v3  }
0x20c: {  	v12 =	vld.idx.msk [tilespmem:v16+s17+$0x0], $0xffff;
	v6 =	vsel vm14, v6, v62;
	v20 =	vunpack.i.u.bf16.f32 v7;
	v7 =	vunpack.i.l.bf16.f32 v7  }
0x20d: {  	v26 =	vld.idx.msk [tilespmem:v19+s17+$0x0], $0xffff;
	v27 =	vunpack.i.u.bf16.f32 v21;
	v28 =	vunpack.i.l.bf16.f32 v21;
	v35 =	vunpack.i.u.bf16.f32 v5  }
0x20e: {  	v10 =	vld.idx.msk [tilespmem:v34+s17+$0x0], $0xffff;
	v5 =	vunpack.i.l.bf16.f32 v5;
	v39 =	vunpack.i.u.bf16.f32 v31;
	v41 =	vunpack.i.l.bf16.f32 v31  }
0x20f: {  	v11 =	vld.idx.msk [tilespmem:v46+s17+$0x0], $0xffff;
	v47 =	vunpack.i.u.bf16.f32 v40;
	v52 =	vunpack.i.u.bf16.f32 v44;
	v21 =	vor.u32 $0xB, v3  }
0x210: {  	v59 =	vld.idx.msk [tilespmem:v51+s17+$0x0], $0xffff;
	v17 =	vunpack.i.u.bf16.f32 v61;
	v9 =	vunpack.i.l.bf16.f32 v61;
	v5 =	vsel vm14, v5, v35  }
0x211: {  	v35 =	vor.u32 $0xD, v3;
	v4 =	vsel vm15, v9, v17;
	v22 =	vunpack.i.u.bf16.f32 v8  }
0x212: {  	v8 =	vunpack.i.l.bf16.f32 v8;
	v29 =	vunpack.i.u.bf16.f32 v12;
	v30 =	vunpack.i.l.bf16.f32 v12  }
0x213: {  	v36 =	vunpack.i.u.bf16.f32 v26;
	v48 =	vunpack.i.u.bf16.f32 v10;
	v10 =	vunpack.i.l.bf16.f32 v10  }
0x214: {  	v61 =	vunpack.i.u.bf16.f32 v11;
	v11 =	vunpack.i.l.bf16.f32 v11;
	v17 =	vor.u32 $0xA, v3  }
0x215: {  	v9 =	vld.idx.msk [tilespmem:v38+s17+$0x0], $0xffff;
	v19 =	vunpack.i.u.bf16.f32 v59;
	v38 =	vor.u32 $0xE, v2;
	v4 =	vmul.f32 v4, v6  }
0x216: {  	v62 =	vld.idx.msk [tilespmem:v54+s15+$0x0], $0xffff;
	v6 =	vsel vm14, v7, v20;
	v24 =	vsel vm15, v8, v22;
	v33 =	vsel vm15, v30, v29  }
0x217: {  	v7 =	vunpack.i.l.bf16.f32 v26;
	v50 =	vsel vm15, v10, v48;
	v16 =	vsel vm15, v11, v61  }
0x218: {  	v20 =	vor.u32 $0xB, v2;
	v29 =	vor.u32 $0xC, v2;
	v30 =	vor.u32 $0xC, v3  }
0x219: {  	v8 =	vld.idx.msk [tilespmem:v25+s17+$0x0], $0xffff;
	v61 =	vor.u32 $0x11, v2;
	v6 =	vmul.f32 v24, v6;
	v7 =	vsel vm15, v7, v36  }
0x21a: {  	v18 =	vunpack.i.u.bf16.f32 v58;
	v4 =	vadd.f32 v4, v1;
	v5 =	vmul.f32 v7, v5  }
0x21b: {  	v7 =	vunpack.i.l.bf16.f32 v40;
	v23 =	vunpack.i.u.bf16.f32 v62;
	v25 =	vunpack.i.l.bf16.f32 v62  }
0x21c: {  	v24 =	vld.idx.msk [tilespmem:v63+s15+$0x0], $0xffff;
	v40 =	vor.u32 $0xE, v3;
	v62 =	vor.u32 $0x11, v3;
	v4 =	vadd.f32 v6, v4  }
0x21d: {  	v6 =	vsel vm14, v28, v27;
	v53 =	vunpack.i.u.bf16.f32 v9;
	v9 =	vunpack.i.l.bf16.f32 v9  }
0x21e: {  	v10 =	vld.idx.msk [tilespmem:v17+s17+$0x0], $0xffff;
	v17 =	vor.u32 $0x12, v2;
	v6 =	vmul.f32 v33, v6;
	v42 =	vunpack.i.u.bf16.f32 v8  }
0x21f: {  	v8 =	vunpack.i.l.bf16.f32 v8;
	v55 =	vsel vm15, v9, v53;
	v33 =	vor.u32 $0xD, v2  }
0x220: {  	v9 =	vld.idx.msk [tilespmem:v56+s17+$0x0], $0xffff;
	v8 =	vsel vm15, v8, v42;
	v4 =	vadd.f32 v6, v4;
	v6 =	vsel vm14, v41, v39  }
0x221: {  	v28 =	vld.idx.msk [tilespmem:v20+s15+$0x0], $0xffff;
	v53 =	vor.u32 $0x10, v3;
	v31 =	vunpack.i.u.bf16.f32 v24;
	v43 =	vmul.f32 v8, v6  }
0x222: {  	v11 =	vld.idx.msk [tilespmem:v30+s17+$0x0], $0xffff;
	v6 =	vunpack.i.l.bf16.f32 v44;
	v4 =	vadd.f32 v5, v4;
	v5 =	vsel vm14, v7, v47  }
0x223: {  	v46 =	vld.idx.msk [tilespmem:v38+s15+$0x0], $0xffff;
	v6 =	vsel vm14, v6, v52;
	v7 =	vunpack.i.l.bf16.f32 v59;
	v32 =	vunpack.i.u.bf16.f32 v10  }
0x224: {  	v10 =	vunpack.i.l.bf16.f32 v10;
	v47 =	vor.u32 $0xF, v2;
	v52 =	vor.u32 $0x10, v2  }
0x225: {  	v5 =	vmul.f32 v50, v5;
	v57 =	vmul.f32 v55, v6;
	v6 =	vunpack.i.l.bf16.f32 v58  }
0x226: {  	v7 =	vsel vm15, v7, v19;
	v26 =	vunpack.i.u.bf16.f32 v9;
	v9 =	vunpack.i.l.bf16.f32 v9  }
0x227: {  	v8 =	vld.idx.msk [tilespmem:v45+s15+$0x0], $0xffff;
	v34 =	vsel vm15, v10, v32;
	v36 =	vunpack.i.u.bf16.f32 v28;
	v45 =	vunpack.i.u.bf16.f32 v11  }
0x228: {  	v42 =	vld.idx.msk [tilespmem:v33+s15+$0x0], $0xffff;
	v11 =	vunpack.i.l.bf16.f32 v11;
	v55 =	vunpack.i.u.bf16.f32 v46;
	v19 =	vor.u32 $0x12, v3  }
0x229: {  	v10 =	vld.idx.msk [tilespmem:v49+s17+$0x0], $0xffff;
	v33 =	vor.u32 $0x14, v3;
	v49 =	vor.u32 $0x17, v2;
	v4 =	vadd.f32 v43, v4  }
0x22a: {  	v6 =	vsel vm14, v6, v18;
	v9 =	vsel vm15, v9, v26;
	v48 =	vsel vm15, v11, v45  }
0x22b: {  	v45 =	vor.u32 $0x16, v2;
	v22 =	vmul.f32 v7, v6;
	v6 =	vsel vm14, v25, v23  }
0x22c: {  	v43 =	vld.idx.msk [tilespmem:v35+s17+$0x0], $0xffff;
	v7 =	vunpack.i.l.bf16.f32 v24;
	v4 =	vadd.f32 v5, v4;
	v60 =	vunpack.i.u.bf16.f32 v8  }
0x22d: {  	v11 =	vld.idx.msk [tilespmem:v62+s17+$0x0], $0xffff;
	v8 =	vunpack.i.l.bf16.f32 v8;
	v27 =	vmul.f32 v9, v6;
	v6 =	vunpack.i.l.bf16.f32 v28  }
0x22e: {  	v24 =	vor.u32 $0x13, v3;
	v5 =	vsel vm14, v8, v60;
	v6 =	vsel vm14, v6, v36  }
0x22f: {  	v26 =	vld.idx.msk [tilespmem:v17+s15+$0x0], $0xffff;
	v36 =	vor.u32 $0x15, v2;
	v4 =	vadd.f32 v57, v4;
	v5 =	vmul.f32 v16, v5  }
0x230: {  	v9 =	vld.idx.msk [tilespmem:v29+s15+$0x0], $0xffff;
	v50 =	vunpack.i.u.bf16.f32 v42;
	v57 =	vunpack.i.l.bf16.f32 v46;
	v16 =	vunpack.i.u.bf16.f32 v10  }
0x231: {  	v8 =	vld.idx.msk [tilespmem:v21+s17+$0x0], $0xffff;
	v10 =	vunpack.i.l.bf16.f32 v10;
	v46 =	vor.u32 $0x16, v3;
	v51 =	vunpack.i.u.bf16.f32 v43  }
0x232: {  	v56 =	vld.idx.msk [tilespmem:v47+s15+$0x0], $0xffff;
	v18 =	vsel vm15, v10, v16;
	v29 =	vunpack.i.u.bf16.f32 v11;
	v11 =	vunpack.i.l.bf16.f32 v11  }
0x233: {  	v60 =	vld.idx.msk [tilespmem:v52+s15+$0x0], $0xffff;
	v16 =	vor.u32 $0x19, v3;
	v4 =	vadd.f32 v5, v4;
	v5 =	vsel vm14, v7, v31  }
0x234: {  	v7 =	vunpack.i.l.bf16.f32 v43;
	v31 =	vor.u32 $0x14, v2;
	v32 =	vsel vm15, v11, v29  }
0x235: {  	v29 =	vor.u32 $0x1B, v3;
	v5 =	vmul.f32 v34, v5;
	v44 =	vunpack.i.u.bf16.f32 v9  }
0x236: {  	v9 =	vunpack.i.l.bf16.f32 v9;
	v7 =	vsel vm15, v7, v51;
	v34 =	vunpack.i.u.bf16.f32 v26  }
0x237: {  	v51 =	vor.u32 $0x17, v3;
	v4 =	vadd.f32 v22, v4;
	v37 =	vunpack.i.u.bf16.f32 v8  }
0x238: {  	v8 =	vunpack.i.l.bf16.f32 v8;
	v63 =	vunpack.i.u.bf16.f32 v56;
	v20 =	vunpack.i.u.bf16.f32 v60  }
0x239: {  	v10 =	vld.idx.msk [tilespmem:v33+s17+$0x0], $0xffff;
	v22 =	vor.u32 $0x13, v2;
	v39 =	vsel vm15, v8, v37;
	v4 =	vadd.f32 v27, v4  }
0x23a: {  	v8 =	vld.idx.msk [tilespmem:v40+s17+$0x0], $0xffff;
	v37 =	vor.u32 $0x15, v3;
	v41 =	vmul.f32 v39, v6;
	v6 =	vunpack.i.l.bf16.f32 v42  }
0x23b: {  	v27 =	vld.idx.msk [tilespmem:v19+s17+$0x0], $0xffff;
	v19 =	vor.u32 $0x1A, v2;
	v6 =	vsel vm14, v6, v50;
	v4 =	vadd.f32 v5, v4  }
0x23c: {  	v11 =	vld.idx.msk [tilespmem:v46+s17+$0x0], $0xffff;
	v5 =	vsel vm14, v9, v44;
	v54 =	vmul.f32 v7, v6;
	v6 =	vsel vm14, v57, v55  }
0x23d: {  	v40 =	vld.idx.msk [tilespmem:v31+s15+$0x0], $0xffff;
	v7 =	vunpack.i.l.bf16.f32 v56;
	v56 =	vor.u32 $0x18, v3;
	v5 =	vmul.f32 v48, v5  }
0x23e: {  	v48 =	vunpack.i.u.bf16.f32 v10;
	v10 =	vunpack.i.l.bf16.f32 v10;
	v4 =	vadd.f32 v41, v4  }
0x23f: {  	v9 =	vld.idx.msk [tilespmem:v53+s17+$0x0], $0xffff;
	v58 =	vunpack.i.u.bf16.f32 v8;
	v8 =	vunpack.i.l.bf16.f32 v8;
	v50 =	vsel vm15, v10, v48  }
0x240: {  	v44 =	vld.idx.msk [tilespmem:v36+s15+$0x0], $0xffff;
	v8 =	vsel vm15, v8, v58;
	v35 =	vunpack.i.u.bf16.f32 v27;
	v4 =	vadd.f32 v5, v4  }
0x241: {  	v30 =	vld.idx.msk [tilespmem:v22+s15+$0x0], $0xffff;
	v59 =	vmul.f32 v8, v6;
	v5 =	vsel vm14, v7, v63;
	v6 =	vunpack.i.l.bf16.f32 v60  }
0x242: {  	v8 =	vld.idx.msk [tilespmem:v61+s15+$0x0], $0xffff;
	v7 =	vunpack.i.l.bf16.f32 v27;
	v47 =	vunpack.i.u.bf16.f32 v40;
	v61 =	vunpack.i.u.bf16.f32 v11  }
0x243: {  	v10 =	vld.idx.msk [tilespmem:v16+s17+$0x0], $0xffff;
	v11 =	vunpack.i.l.bf16.f32 v11;
	v63 =	vor.u32 $0x19, v2;
	v5 =	vmul.f32 v18, v5  }
0x244: {  	v21 =	vunpack.i.u.bf16.f32 v9;
	v9 =	vunpack.i.l.bf16.f32 v9;
	v6 =	vsel vm14, v6, v20  }
0x245: {  	v58 =	vld.idx.msk [tilespmem:v49+s15+$0x0], $0xffff;
	v7 =	vsel vm15, v7, v35;
	v52 =	vunpack.i.u.bf16.f32 v44;
	v15 =	vsel vm15, v11, v61  }
0x246: {  	v20 =	vor.u32 $0x1A, v3;
	v4 =	vadd.f32 v54, v4;
	v23 =	vsel vm15, v9, v21  }
0x247: {  	v27 =	vld.idx.msk [tilespmem:v19+s15+$0x0], $0xffff;
	v39 =	vunpack.i.u.bf16.f32 v30;
	v41 =	vunpack.i.l.bf16.f32 v30;
	v54 =	vor.u32 $0x18, v2  }
0x248: {  	v25 =	vmul.f32 v23, v6;
	v6 =	vunpack.i.l.bf16.f32 v26;
	v31 =	vunpack.i.u.bf16.f32 v10  }
0x249: {  	v11 =	vld.idx.msk [tilespmem:v29+s17+$0x0], $0xffff;
	v10 =	vunpack.i.l.bf16.f32 v10;
	v4 =	vadd.f32 v59, v4;
	v6 =	vsel vm14, v6, v34  }
0x24a: {  	v9 =	vld.idx.msk [tilespmem:v24+s17+$0x0], $0xffff;
	v17 =	vunpack.i.u.bf16.f32 v58;
	v33 =	vsel vm15, v10, v31;
	v34 =	vor.u32 $0x1C, v3  }
0x24b: {  	v28 =	vunpack.i.u.bf16.f32 v8;
	v8 =	vunpack.i.l.bf16.f32 v8;
	v38 =	vmul.f32 v7, v6  }
0x24c: {  	v6 =	vsel vm14, v41, v39;
	v7 =	vunpack.i.l.bf16.f32 v40;
	v35 =	vunpack.i.u.bf16.f32 v27  }
0x24d: {  	v59 =	vld.idx.msk [tilespmem:v51+s17+$0x0], $0xffff;
	v39 =	vor.u32 $0x1D, v3;
	v4 =	vadd.f32 v5, v4;
	v5 =	vsel vm14, v8, v28  }
0x24e: {  	v8 =	vld.idx.msk [tilespmem:v37+s17+$0x0], $0xffff;
	v28 =	vor.u32 $0x1B, v2;
	v37 =	vor.u32 $0x1D, v2;
	v46 =	vunpack.i.u.bf16.f32 v11  }
0x24f: {  	v23 =	vld.idx.msk [tilespmem:v63+s15+$0x0], $0xffff;
	v11 =	vunpack.i.l.bf16.f32 v11;
	v42 =	vunpack.i.u.bf16.f32 v9;
	v9 =	vunpack.i.l.bf16.f32 v9  }
0x250: {  	v5 =	vmul.f32 v32, v5;
	v32 =	vor.u32 $0x1C, v2;
	v9 =	vsel vm15, v9, v42  }
0x251: {  	v62 =	vld.idx.msk [tilespmem:v54+s15+$0x0], $0xffff;
	v4 =	vadd.f32 v25, v4;
	v43 =	vmul.f32 v9, v6;
	v6 =	vunpack.i.l.bf16.f32 v44  }
0x252: {  	v9 =	vld.idx.msk [tilespmem:v45+s15+$0x0], $0xffff;
	v18 =	vunpack.i.u.bf16.f32 v59;
	v45 =	vor.u32 $0x1E, v3;
	v3 =	vor.u32 $0x1F, v3  }
0x253: {  	v4 =	vadd.f32 v5, v4;
	v5 =	vsel vm14, v7, v47;
	v6 =	vsel vm14, v6, v52  }
0x254: {  	v7 =	vunpack.i.l.bf16.f32 v59;
	v30 =	vunpack.i.u.bf16.f32 v23;
	v47 =	vsel vm15, v11, v46  }
0x255: {  	v42 =	vld.idx.msk [tilespmem:v34+s17+$0x0], $0xffff;
	v5 =	vmul.f32 v50, v5;
	v53 =	vunpack.i.u.bf16.f32 v8;
	v8 =	vunpack.i.l.bf16.f32 v8  }
0x256: {  	v7 =	vsel vm15, v7, v18;
	v4 =	vadd.f32 v38, v4;
	v55 =	vsel vm15, v8, v53  }
0x257: {  	v14 =	vld.idx.msk [tilespmem:v37+s15+$0x0], $0xffff;
	v22 =	vunpack.i.u.bf16.f32 v62;
	v24 =	vunpack.i.l.bf16.f32 v62;
	v57 =	vmul.f32 v55, v6  }
0x258: {  	v8 =	vld.idx.msk [tilespmem:v56+s17+$0x0], $0xffff;
	v6 =	vunpack.i.l.bf16.f32 v58;
	v4 =	vadd.f32 v43, v4;
	v60 =	vunpack.i.u.bf16.f32 v9  }
0x259: {  	v9 =	vunpack.i.l.bf16.f32 v9;
	v6 =	vsel vm14, v6, v17;
	v43 =	vor.u32 $0x1E, v2  }
0x25a: {  	v41 =	vld.idx.msk [tilespmem:v32+s15+$0x0], $0xffff;
	v2 =	vor.u32 $0x1F, v2;
	v49 =	vunpack.i.u.bf16.f32 v42;
	v4 =	vadd.f32 v5, v4  }
0x25b: {  	v50 =	vld.idx.msk [tilespmem:v45+s17+$0x0], $0xffff;
	v21 =	vmul.f32 v7, v6;
	v6 =	vsel vm14, v24, v22;
	v5 =	vsel vm14, v9, v60  }
0x25c: {  	v7 =	vunpack.i.l.bf16.f32 v23;
	v9 =	vld.idx.msk [tilespmem:v20+s17+$0x0], $0xffff;
	v5 =	vmul.f32 v15, v5;
	v4 =	vadd.f32 v57, v4  }
0x25d: {  	v52 =	vunpack.i.u.bf16.f32 v14;
	v25 =	vunpack.i.u.bf16.f32 v8;
	v8 =	vunpack.i.l.bf16.f32 v8  }
0x25e: {  	v3 =	vld.idx.msk [tilespmem:v3+s17+$0x0], $0xffff;
	v53 =	vunpack.i.l.bf16.f32 v14;
	v8 =	vsel vm15, v8, v25;
	v4 =	vadd.f32 v5, v4  }
0x25f: {  	v48 =	vunpack.i.u.bf16.f32 v41;
	v26 =	vmul.f32 v8, v6;
	v6 =	vunpack.i.l.bf16.f32 v27;
	v8 =	vld.idx.msk [tilespmem:v28+s15+$0x0], $0xffff  }
0x260: {  	v59 =	vunpack.i.u.bf16.f32 v50;
	v5 =	vsel vm14, v7, v30;
	v4 =	vadd.f32 v21, v4  }
0x261: {  	v6 =	vsel vm14, v6, v35;
	v36 =	vunpack.i.u.bf16.f32 v9;
	v9 =	vunpack.i.l.bf16.f32 v9  }
0x262: {  	v10 =	vld.idx.msk [tilespmem:v43+s15+$0x0], $0xffff;
	v5 =	vmul.f32 v33, v5;
	v38 =	vsel vm15, v9, v36;
	v4 =	vadd.f32 v26, v4  }
0x263: {  	v63 =	vunpack.i.u.bf16.f32 v3;
	v7 =	vunpack.i.l.bf16.f32 v42;
	v9 =	vld.idx.msk [tilespmem:v39+s17+$0x0], $0xffff;
	v40 =	vmul.f32 v38, v6  }
0x264: {  	v44 =	vunpack.i.u.bf16.f32 v8;
	v8 =	vunpack.i.l.bf16.f32 v8;
	v4 =	vadd.f32 v5, v4  }
0x265: {  	v7 =	vsel vm15, v7, v49;
	v6 =	vunpack.i.l.bf16.f32 v41;
	v5 =	vsel vm14, v8, v44  }
0x266: {  	v2 =	vld.idx.msk [tilespmem:v2+s15+$0x0], $0xffff;
	v6 =	vsel vm14, v6, v48;
	v5 =	vmul.f32 v47, v5;
	v4 =	vadd.f32 v40, v4  }
0x267: {  	v3 =	vunpack.i.l.bf16.f32 v3;
	v57 =	vunpack.i.u.bf16.f32 v10;
	v51 =	vmul.f32 v7, v6  }
0x268: {  	v54 =	vunpack.i.u.bf16.f32 v9;
	v9 =	vunpack.i.l.bf16.f32 v9;
	v4 =	vadd.f32 v5, v4  }
0x269: {  	v58 =	vunpack.i.l.bf16.f32 v10;
	v6 =	vsel vm14, v53, v52;
	v55 =	vsel vm15, v9, v54  }
0x26a: {  	v8 =	vunpack.i.l.bf16.f32 v50;
	v56 =	vmul.f32 v55, v6;
	v4 =	vadd.f32 v51, v4  }
0x26b: {  	v62 =	vunpack.i.u.bf16.f32 v2;
	v60 =	vsel vm15, v8, v59;
	v6 =	vsel vm14, v58, v57  }
0x26c: {  	s30 =	sadd.s32 $0x2, s30;
	v2 =	vunpack.i.l.bf16.f32 v2;
	v61 =	vmul.f32 v60, v6;
	v4 =	vadd.f32 v56, v4  }
0x26d: {  	p0 =	slt.u32 s30, $0xE;
	v3 =	vsel vm15, v3, v63;
	v2 =	vsel vm14, v2, v62  }
.Ltmp1:
0x26e: {  	v2 =	vmul.f32 v3, v2;
	v4 =	vadd.f32 v61, v4;
	(pc) =	sbr.rel @p0 .LBB2_4-.Ltmp1, $4  }
0x26f: {  	_ = 	snop  }
0x270: {  	v2 =	vadd.f32 v2, v4  }
0x271: {  	s31 =	sadd.s32 $0x20, s31  }
0x272: {  	s0 =	sadd.s32 $0x20, s0;
	s2 =	sadd.s32 $0x20, s2;
	[tilespmem:s11+$0x0] =	vst v2;
	s11 =	sadd.s32 $0x20, s11  }
0x273: {  	s29 =	sadd.s32 $0x1, s29  }
0x274: {  	p0 =	sne.s32 s29, s9  }
.Ltmp2:
0x275: {  	_ = 	snop;
	(pc) =	sbr.rel @p0 .LBB2_1-.Ltmp2, $4  }
0x276: {  	[hbm4b:s8+s1] =	stream.linear.scatter [tilespmem:s28], [sflag:$0x2], $0x200, $0x38;
	[tilespmem:$0x10A80] =	vst v63  }
0x277: {  	_ =	swait.ge [sflag:s10], $0x200  }
0x278: {  	[sflag:s10] =	ssyncset.done $0x0  }
0x279: {  	[sflag:s10] =	ssyncadd.s32 $0xFFFFFE00  }
0x27a: {  	_ =	sfence.sel $0x180000  }
0x27b: {  	[bflag:$0x0] =	sbarrier.arrive $0xFFFF  }
0x27c: {  	_ =	strace $0x90000047  }
0x27d: {  	s0 =	stileid.u32;
	[bflag:$0x2] =	sbarrier.arrive $0xFFFF  }
0x27e: {  	p0 =	sne.s32 s0, $0x0;
	s0 =	rddreg [dreg:$0x4]  }
0x27f: {  	s0 =	sadd.s32 @!p0 $0x100000, s0  }
0x280: {  	[sflag:s0] =	ssyncadd.tile.s32 @!p0 $0x1;
	_ =	shalt  }
.Lfunc_end2:
_tile_overlayer_lowered:
.L_overlay_start_2:
0x281: {  	(tag) =	ssettag $0x2  }
0x282: {  	s0 =	rddreg [dreg:$0x0];
	s2 =	stileid.u32  }
0x283: {  	s1 =	rddreg [dreg:$0x1];
	p0 =	sne.s32 s2, $0x0  }
0x284: {  	s3 =	rddreg [dreg:$0x2];
	[bflag:$0x3] =	sbarrier.arrive $0xFFFF;
	s2 =	simm.s32 @!p0 $0x1C02  }
0x285: {  	[timem:s3], [sflag:s2] =	dma.local @!p0 [hbm:s0], s1  }
0x286: {  	s0 =	simm.s32 @!p0 $0x2  }
0x287: {  	_ =	swait.ge @!p0 [sflag:s0], s1  }
0x288: {  	s1 =	ssub.s32 @!p0 $0x0, s1;
	[sflag:s0] =	ssyncset.done @!p0 $0x0  }
0x289: {  	[sflag:s0] =	ssyncadd.s32 @!p0 s1  }
0x28a: {  	[bflag:$0x3] =	sbarrier.arrive $0xFFFF  }
0x28b: {  	_ =	shalt  }

</sc_bundles>
